<compile_context>
chip_gen: v7x
topology: tpu7x:2x2x1
jax: 0.10.2.dev20260603
libtpu: 0.0.44.dev20260713+nightly
codegen_flags: <defaults>
</compile_context>

<pallas_src>
import functools

import jax
import jax.numpy as jnp
from jax import lax
from jax.experimental import pallas as pl
from jax.experimental.pallas import tpu as pltpu
from jax.experimental.pallas import tpu_sc as plsc

N_GENE = 50000
N_MECH = 128
E = 150000
HID = 256
OUT = 128
HEADS = 4
CH = HID // HEADS
TM = 2000
NW = 32
EPW = 4736
E_PAD = NW * EPW
GCH = 64
NCH = EPW // GCH
RNG = 1600
NRNG = 32
TPR = RNG // 16


def _lrelu(x):
    return jnp.maximum(x, 0.2 * x)


def _ln_gelu(x, g, b):
    mu = jnp.mean(x, axis=-1, keepdims=True)
    var = jnp.mean((x - mu) ** 2, axis=-1, keepdims=True)
    y = (x - mu) / jnp.sqrt(var + 1e-5) * g + b
    return y * 0.5 * (1.0 + lax.erf(y / jnp.sqrt(2.0).astype(y.dtype)))



def _proj_body(x_ref, w_ref, b_ref, g_ref, bn_ref, o_ref):
    h = jnp.dot(x_ref[...], w_ref[...], preferred_element_type=jnp.float32)
    h = h + b_ref[...]
    mu = jnp.mean(h, axis=-1, keepdims=True)
    var = jnp.mean((h - mu) ** 2, axis=-1, keepdims=True)
    o_ref[...] = (h - mu) / jnp.sqrt(var + 1e-5) * g_ref[...] + bn_ref[...]


def _proj(x, w, b, g, bn, tm):
    M, K = x.shape
    N = w.shape[1]
    return pl.pallas_call(
        _proj_body,
        grid=(M // tm,),
        in_specs=[
            pl.BlockSpec((tm, K), lambda i: (i, 0)),
            pl.BlockSpec((K, N), lambda i: (0, 0)),
            pl.BlockSpec((N,), lambda i: (0,)),
            pl.BlockSpec((N,), lambda i: (0,)),
            pl.BlockSpec((N,), lambda i: (0,)),
        ],
        out_specs=pl.BlockSpec((tm, N), lambda i: (i, 0)),
        out_shape=jax.ShapeDtypeStruct((M, N), jnp.float32),
    )(x, w, b, g, bn)


def _dense_g_body(x_ref, ws_ref, wd_ref, as_ref, ad_ref,
                  hs_ref, asg_ref, adg_ref, mx_ref):
    i = pl.program_id(0)
    hs = jnp.dot(x_ref[...], ws_ref[...], preferred_element_type=jnp.float32)
    hd = jnp.dot(x_ref[...], wd_ref[...], preferred_element_type=jnp.float32)
    hs_ref[...] = hs
    a_s = jnp.dot(hs, as_ref[...], preferred_element_type=jnp.float32)
    a_d = jnp.dot(hd, ad_ref[...], preferred_element_type=jnp.float32)
    asg_ref[...] = a_s
    adg_ref[...] = a_d
    bm = jnp.max(a_s, axis=0, keepdims=True)

    @pl.when(i == 0)
    def _():
        mx_ref[...] = bm

    @pl.when(i > 0)
    def _():
        mx_ref[...] = jnp.maximum(mx_ref[...], bm)


def _dense_g(hg, ws, wd, as_m, ad_m):
    M = hg.shape[0]
    return pl.pallas_call(
        _dense_g_body,
        grid=(M // TM,),
        in_specs=[
            pl.BlockSpec((TM, HID), lambda i: (i, 0)),
            pl.BlockSpec((HID, HID), lambda i: (0, 0)),
            pl.BlockSpec((HID, HID), lambda i: (0, 0)),
            pl.BlockSpec((HID, HEADS), lambda i: (0, 0)),
            pl.BlockSpec((HID, HEADS), lambda i: (0, 0)),
        ],
        out_specs=[
            pl.BlockSpec((TM, HID), lambda i: (i, 0)),
            pl.BlockSpec((TM, HEADS), lambda i: (i, 0)),
            pl.BlockSpec((TM, HEADS), lambda i: (i, 0)),
            pl.BlockSpec((1, HEADS), lambda i: (0, 0)),
        ],
        out_shape=[
            jax.ShapeDtypeStruct((M, HID), jnp.float32),
            jax.ShapeDtypeStruct((M, HEADS), jnp.float32),
            jax.ShapeDtypeStruct((M, HEADS), jnp.float32),
            jax.ShapeDtypeStruct((1, HEADS), jnp.float32),
        ],
    )(hg, ws, wd, as_m, ad_m)


def _dense_m_body(hm_ref, wsmg_ref, wdgm_ref, asmg_ref, adgm_ref, mxg_ref,
                  hsm_ref, tab_ref):
    hm = hm_ref[...]
    hsm = jnp.dot(hm, wsmg_ref[...], preferred_element_type=jnp.float32)
    hdm = jnp.dot(hm, wdgm_ref[...], preferred_element_type=jnp.float32)
    hsm_ref[...] = hsm
    asm = jnp.dot(hsm, asmg_ref[...], preferred_element_type=jnp.float32)
    adm = jnp.dot(hdm, adgm_ref[...], preferred_element_type=jnp.float32)
    mtab = _lrelu(mxg_ref[...] + adm)
    mm = jnp.max(asm, axis=0, keepdims=True) + jnp.zeros_like(asm)
    tab_ref[...] = jnp.concatenate([asm, adm, mtab, mm], axis=1)


def _dense_m(hm, ws_mg, wd_gm, as_mg, ad_gm, mx_g):
    return pl.pallas_call(
        _dense_m_body,
        out_shape=[
            jax.ShapeDtypeStruct((N_MECH, HID), jnp.float32),
            jax.ShapeDtypeStruct((N_MECH, 16), jnp.float32),
        ],
    )(hm, ws_mg, wd_gm, as_mg, ad_gm, mx_g)


def _epi_body(acc_ref, s_ref, rep_ref, b_ref, g_ref, bn_ref, prev_ref, o_ref):
    s_rep = jnp.dot(s_ref[...], rep_ref[...], preferred_element_type=jnp.float32)
    out = acc_ref[...] / (s_rep + 1e-16) + b_ref[...]
    o_ref[...] = _ln_gelu(out + prev_ref[...], g_ref[...], bn_ref[...])


def _epilogue(acc, s, rep, b, g, bn, prev, tm):
    M = prev.shape[0]
    return pl.pallas_call(
        _epi_body,
        grid=(M // tm,),
        in_specs=[
            pl.BlockSpec((tm, HID), lambda i: (i, 0)),
            pl.BlockSpec((tm, HEADS), lambda i: (i, 0)),
            pl.BlockSpec((HEADS, HID), lambda i: (0, 0)),
            pl.BlockSpec((HID,), lambda i: (0,)),
            pl.BlockSpec((HID,), lambda i: (0,)),
            pl.BlockSpec((HID,), lambda i: (0,)),
            pl.BlockSpec((tm, HID), lambda i: (i, 0)),
        ],
        out_specs=pl.BlockSpec((tm, HID), lambda i: (i, 0)),
        out_shape=jax.ShapeDtypeStruct((M, HID), jnp.float32),
    )(acc, s, rep, b, g, bn, prev)


def _epi_m_body(accp_ref, sp_ref, rep_ref, b_ref, g_ref, bn_ref, prev_ref, o_ref):
    acc = jnp.sum(accp_ref[...], axis=0)
    s = jnp.sum(sp_ref[...], axis=0)
    s_rep = jnp.dot(s, rep_ref[...], preferred_element_type=jnp.float32)
    out = acc / (s_rep + 1e-16) + b_ref[...]
    o_ref[...] = _ln_gelu(out + prev_ref[...], g_ref[...], bn_ref[...])


def _epilogue_m(accp, sp, rep, b, g, bn, prev):
    return pl.pallas_call(
        _epi_m_body,
        out_shape=jax.ShapeDtypeStruct((N_MECH, HID), jnp.float32),
    )(accp, sp, rep, b, g, bn, prev)


def _final_body(x_ref, w_ref, b_ref, o_ref):
    o_ref[...] = jnp.dot(x_ref[...], w_ref[...],
                         preferred_element_type=jnp.float32) + b_ref[...]


def _final_mm(x, w, b):
    M, K = x.shape
    N = w.shape[1]
    return pl.pallas_call(
        _final_body,
        grid=(M // TM,),
        in_specs=[
            pl.BlockSpec((TM, K), lambda i: (i, 0)),
            pl.BlockSpec((K, N), lambda i: (0, 0)),
            pl.BlockSpec((N,), lambda i: (0,)),
        ],
        out_specs=pl.BlockSpec((TM, N), lambda i: (i, 0)),
        out_shape=jax.ShapeDtypeStruct((M, N), jnp.float32),
    )(x, w, b)



_SC_MESH = plsc.VectorSubcoreMesh(core_axis_name="c", subcore_axis_name="s",
                                  num_cores=2, num_subcores=16)
_I16 = lambda: lax.iota(jnp.int32, 16)


def _splat(v, dtype=jnp.int32):
    return jnp.full((16,), v, dtype)


def _exp_neg(x):
    t = x * 1.4426950408889634
    n = t.astype(jnp.int32)
    f = t - n.astype(jnp.float32)
    n = jnp.maximum(n, -126)
    p2n = plsc.bitcast((n + 127) << 23, jnp.float32)
    g = f * 0.6931471805599453
    poly = 1.0 + g * (1.0 + g * (0.5 + g * (1.0 / 6.0 + g * (
        1.0 / 24.0 + g * (1.0 / 120.0 + g * (1.0 / 720.0))))))
    return p2n * poly


def _gm_body(srcp_h, dstp_h, asg_h, hsg_h, tab_h, accp_h, sp_h,
             srcv, dstv, asr, gbuf, acc, sacc, tabv, sem0, sem1):
    cid = lax.axis_index("c")
    sid = lax.axis_index("s")
    wid = sid * 2 + cid
    base = wid * EPW
    pltpu.sync_copy(srcp_h.at[pl.ds(base, EPW)], srcv)
    pltpu.sync_copy(dstp_h.at[pl.ds(base, EPW)], dstv)
    pltpu.sync_copy(tab_h, tabv)
    def _asch(i, _):
        pltpu.async_copy(asg_h.at[srcv.at[pl.ds(i * 128, 128)]],
                         asr.at[pl.ds(i * 128, 128)], sem1).wait()
        return 0
    lax.fori_loop(0, EPW // 128, _asch, 0)

    zf = jnp.zeros((16,), jnp.float32)
    def _zrow(r, _):
        for cg in range(16):
            plsc.store_scatter(acc, [_splat(r), cg * 16 + _I16()], zf)
        return 0
    lax.fori_loop(0, N_MECH, _zrow, 0)
    for j in range(32):
        fl = j * 16 + _I16()
        plsc.store_scatter(sacc, [fl // HEADS, fl % HEADS], zf)

    def _chunk(cidx, _):
        off = cidx * GCH
        pltpu.async_copy(hsg_h.at[srcv.at[pl.ds(off, GCH)]], gbuf, sem0).wait()
        for b in range(GCH // 16):
            eo = off + b * 16
            lidx = eo + _I16()
            gmask = (base + lidx) < E
            dst16 = plsc.load_gather(dstv, [lidx])
            ws = []
            for h in range(HEADS):
                a_s = plsc.load_gather(asr, [lidx, _splat(h)])
                a_d = plsc.load_gather(tabv, [dst16, _splat(4 + h)])
                mh = plsc.load_gather(tabv, [dst16, _splat(8 + h)])
                w_h = _exp_neg(_lrelu(a_s + a_d) - mh)
                ws.append(jnp.where(gmask, w_h, 0.0))
            lane0 = _I16() == 0
            for e in range(16):
                dste = dst16[e]
                for h in range(HEADS):
                    wse = ws[h][e]
                    plsc.addupdate_scatter(
                        sacc, [_splat(dste), _splat(h)],
                        jnp.full((16,), wse, jnp.float32), mask=lane0)
                    for cg in range(HEADS):
                        col = h * CH + cg * 16 + _I16()
                        row = plsc.load_gather(gbuf, [_splat(b * 16 + e), col])
                        plsc.addupdate_scatter(
                            acc, [_splat(dste), col], row * wse)
        return 0

    lax.fori_loop(0, NCH, _chunk, 0)

    pltpu.sync_copy(acc, accp_h.at[wid])
    pltpu.sync_copy(sacc, sp_h.at[wid])


def _gm_sc(srcp, dstp, as_g, hs_g, tab):
    return pl.kernel(
        _gm_body,
        out_type=[
            jax.ShapeDtypeStruct((NW, N_MECH, HID), jnp.float32),
            jax.ShapeDtypeStruct((NW, N_MECH, HEADS), jnp.float32),
        ],
        mesh=_SC_MESH,
        compiler_params=pltpu.CompilerParams(use_tc_tiling_on_sc=False, needs_layout_passes=False),
        scratch_types=[
            pltpu.VMEM((EPW,), jnp.int32),
            pltpu.VMEM((EPW,), jnp.int32),
            pltpu.VMEM((EPW, HEADS), jnp.float32),
            pltpu.VMEM((GCH, HID), jnp.float32),
            pltpu.VMEM((N_MECH, HID), jnp.float32),
            pltpu.VMEM((N_MECH, HEADS), jnp.float32),
            pltpu.VMEM((N_MECH, 16), jnp.float32),
            pltpu.SemaphoreType.DMA,
            pltpu.SemaphoreType.DMA,
        ],
    )(srcp, dstp, as_g, hs_g, tab)


def _mg_body(srcp_h, dstp_h, adg_h, hsm_h, tab_h, zh_h, zs_h, accg_h, sg_h,
             srcv, dstv, dsti, adr, hsmv, tabv, wl,
             msgb, wrow, dstb, sh_out, sh_s, sem1):
    cid = lax.axis_index("c")
    sid = lax.axis_index("s")
    wid = sid * 2 + cid
    base = wid * EPW
    pltpu.sync_copy(srcp_h.at[pl.ds(base, EPW)], srcv)
    pltpu.sync_copy(dstp_h.at[pl.ds(base, EPW)], dstv)
    pltpu.sync_copy(dstp_h.at[pl.ds(base, EPW)], dsti)
    pltpu.sync_copy(tab_h, tabv)
    pltpu.sync_copy(hsm_h, hsmv)
    def _adch(i, _):
        pltpu.async_copy(adg_h.at[dsti.at[pl.ds(i * 128, 128)]],
                         adr.at[pl.ds(i * 128, 128)], sem1).wait()
        return 0
    lax.fori_loop(0, EPW // 128, _adch, 0)

    mm16 = tabv[0]

    def _one_range(rng_i, _carry):
        k = rng_i * 2 + cid
        lo = k * RNG
        pltpu.sync_copy(zh_h.at[pl.ds(sid * TPR, TPR)],
                        sh_out.at[pl.ds(sid * TPR, TPR)])
        pltpu.sync_copy(zs_h.at[pl.ds(sid * TPR, TPR)],
                        sh_s.at[pl.ds(sid * TPR, TPR)])
        plsc.subcore_barrier()

        def _scan(j, wlc):
            lidx = j * 16 + _I16()
            dst16 = plsc.load_gather(dstv, [lidx])
            inr = ((dst16 >= lo) & (dst16 < lo + RNG)
                   & ((base + lidx) < E))
            cum = plsc.cumsum(inr.astype(jnp.int32))
            plsc.store_scatter(wl, [wlc + cum - 1], lidx, mask=inr)
            return wlc + jnp.sum(inr.astype(jnp.int32))
        wlcnt = lax.fori_loop(0, EPW // 16, _scan, 0)

        ng = (wlcnt + 15) // 16

        def _group(g, _):
            gl = g * 16 + _I16()
            valid = gl < wlcnt
            eid16 = wl[pl.ds(g * 16, 16)]
            eid16 = jnp.where(valid, eid16, 0)
            src16 = plsc.load_gather(srcv, [eid16])
            dst16 = plsc.load_gather(dstv, [eid16])
            dloc = jnp.where(valid, dst16 - lo, 0)
            plsc.store_scatter(dstb, [_splat(0), _I16()], dloc)
            wv = []
            for h in range(HEADS):
                a_s = plsc.load_gather(tabv, [src16, _splat(h)])
                a_d = plsc.load_gather(adr, [eid16, _splat(h)])
                mh = _lrelu(mm16[12 + h] + a_d)
                w_h = jnp.exp(_lrelu(a_s + a_d) - mh)
                w_h = jnp.where(valid, w_h, 0.0)
                wv.append(w_h)
                plsc.store_scatter(wrow, [_I16(), _splat(h)], w_h)
            for e in range(16):
                srce = src16[e]
                for h in range(HEADS):
                    wse = wv[h][e]
                    for cg in range(HEADS):
                        col = h * CH + cg * 16 + _I16()
                        row = plsc.load_gather(hsmv, [_splat(srce), col])
                        plsc.store_scatter(msgb, [_splat(e), col], row * wse)
            pltpu.sync_copy(msgb, sh_out.at[dstb.at[0]], add=True)
            pltpu.sync_copy(wrow, sh_s.at[dstb.at[0]], add=True)
            return 0
        lax.fori_loop(0, ng, _group, 0)
        plsc.subcore_barrier()

        pltpu.sync_copy(sh_out.at[pl.ds(sid * TPR, TPR)],
                        accg_h.at[pl.ds(lo + sid * TPR, TPR)])
        pltpu.sync_copy(sh_s.at[pl.ds(sid * TPR, TPR)],
                        sg_h.at[pl.ds(lo + sid * TPR, TPR)])
        plsc.subcore_barrier()
        return 0

    lax.fori_loop(0, NRNG // 2, _one_range, 0)


def _mg_sc(srcp, dstp, ad_g, hs_m, tab):
    zh = jnp.zeros((RNG, HID), jnp.float32)
    zs4 = jnp.zeros((RNG, HEADS), jnp.float32)
    return pl.kernel(
        _mg_body,
        out_type=[
            jax.ShapeDtypeStruct((NRNG * RNG, HID), jnp.float32),
            jax.ShapeDtypeStruct((NRNG * RNG, HEADS), jnp.float32),
        ],
        mesh=_SC_MESH,
        compiler_params=pltpu.CompilerParams(use_tc_tiling_on_sc=False, needs_layout_passes=False),
        scratch_types=[
            pltpu.VMEM((EPW,), jnp.int32),
            pltpu.VMEM((EPW,), jnp.int32),
            pltpu.VMEM((EPW,), jnp.int32),
            pltpu.VMEM((EPW, HEADS), jnp.float32),
            pltpu.VMEM((N_MECH, HID), jnp.float32),
            pltpu.VMEM((N_MECH, 16), jnp.float32),
            pltpu.VMEM((EPW,), jnp.int32),
            pltpu.VMEM((16, HID), jnp.float32),
            pltpu.VMEM((16, HEADS), jnp.float32),
            pltpu.VMEM((1, 16), jnp.int32),
            pltpu.VMEM_SHARED((RNG, HID), jnp.float32),
            pltpu.VMEM_SHARED((RNG, HEADS), jnp.float32),
            pltpu.SemaphoreType.DMA,
        ],
    )(srcp, dstp, ad_g, hs_m, tab, zh, zs4)


def kernel(x_gene, x_mechanism, params, edge_src_gm, edge_dst_gm,
           edge_src_mg, edge_dst_mg):
    f32 = jnp.float32
    gp = params['gene_proj']
    mp = params['mech_proj']
    hg = _proj(x_gene, gp['W'], gp['b'], gp['g'], gp['bn'], TM)
    hm = _proj(x_mechanism, mp['W'], mp['b'], mp['g'], mp['bn'], N_MECH)

    hh = jnp.arange(HID) // CH
    rep = (hh[None, :] == jnp.arange(HEADS)[:, None]).astype(f32)

    def mk_logit(a):
        return (rep * a.reshape(1, HID)).T.astype(f32)

    pad = jnp.zeros((E_PAD - E,), jnp.int32)
    src_gm_p = jnp.concatenate([edge_src_gm, pad])
    dst_gm_p = jnp.concatenate([edge_dst_gm, pad])
    src_mg_p = jnp.concatenate([edge_src_mg, pad])
    dst_mg_p = jnp.concatenate([edge_dst_mg, pad])

    for i in range(len(params['layers'])):
        p = params['layers'][i]
        pg, pm = p['gm'], p['mg']
        hs_g, as_g, ad_g, mx_g = _dense_g(
            hg, pg['Ws'], pm['Wd'], mk_logit(pg['as']), mk_logit(pm['ad']))
        hs_m, tab = _dense_m(
            hm, pm['Ws'], pg['Wd'], mk_logit(pm['as']), mk_logit(pg['ad']), mx_g)

        alpha_m = _lrelu(as_g[edge_src_gm] + tab[edge_dst_gm, 4:8])
        ee_m = jnp.exp(alpha_m - tab[edge_dst_gm, 8:12])
        s_m = jax.ops.segment_sum(ee_m, edge_dst_gm, num_segments=N_MECH)
        num_m = jax.ops.segment_sum(
            hs_g[edge_src_gm].reshape(-1, HEADS, CH) * ee_m[:, :, None],
            edge_dst_gm, num_segments=N_MECH).reshape(N_MECH, HID)
        if True:
            alpha = _lrelu(tab[:, 0:4][edge_src_mg] + ad_g[edge_dst_mg])
            mtabg = _lrelu(tab[0, 12:16][None, :] + ad_g)
            ee = jnp.exp(alpha - mtabg[edge_dst_mg])
            s_g = jax.ops.segment_sum(ee, edge_dst_mg, num_segments=N_GENE)
            num_g = jax.ops.segment_sum(
                hs_m[edge_src_mg].reshape(-1, HEADS, CH) * ee[:, :, None],
                edge_dst_mg, num_segments=N_GENE).reshape(N_GENE, HID)
        else:
            num_g, s_g = _mg_sc(src_mg_p, dst_mg_p, ad_g, hs_m, tab)

        hg = _epilogue(num_g, s_g, rep, pm['b'], p['ln_g_g'], p['ln_g_b'], hg, TM)
        hm = _epilogue(num_m, s_m, rep, pg['b'], p['ln_m_g'], p['ln_m_b'], hm, N_MECH)

    op = params['out']
    return _final_mm(hg, op['W'], op['b'])

# --- scband reference (transcript-rebuilt; emitter-appended) ---
"""Pipeline reference for scband-gene-encoder-90202903151265 (READ-ONLY COPY).

The authoritative reference and input builder live on the scoring server;
editing this copy changes nothing except your own understanding.
"""

import jax, jax.numpy as jnp
import numpy as np

N_GENE = 50000
N_MECH = 128
E = 150000
D_GENE = 480
D_MECH = 8
HID = 256
OUT = 128
HEADS = 4
LAYERS = 2


def _ln(x, g, b, eps=1e-5):
    mu = jnp.mean(x, axis=-1, keepdims=True)
    var = jnp.mean((x - mu) ** 2, axis=-1, keepdims=True)
    return (x - mu) / jnp.sqrt(var + eps) * g + b


def _gat(x_src, x_dst, src, dst, p, n_dst):
    H = HEADS
    C = HID // HEADS
    hs = (x_src @ p['Ws']).reshape(-1, H, C)
    hd = (x_dst @ p['Wd']).reshape(-1, H, C)
    a_s = jnp.sum(hs * p['as'], axis=-1)
    a_d = jnp.sum(hd * p['ad'], axis=-1)
    alpha = jax.nn.leaky_relu(a_s[src] + a_d[dst], negative_slope=0.2)
    m = jax.ops.segment_max(alpha, dst, num_segments=n_dst)
    m = jnp.where(jnp.isfinite(m), m, 0.0)
    e = jnp.exp(alpha - m[dst])
    s = jax.ops.segment_sum(e, dst, num_segments=n_dst)
    w = e / (s[dst] + 1e-16)
    out = jax.ops.segment_sum(hs[src] * w[:, :, None], dst, num_segments=n_dst)
    return out.reshape(n_dst, H * C) + p['b']


def _gat_params(k):
    ks = jax.random.split(k, 4)
    C = HID // HEADS
    return {
        'Ws': jax.random.normal(ks[0], (HID, HID), jnp.float32) * 0.05,
        'Wd': jax.random.normal(ks[1], (HID, HID), jnp.float32) * 0.05,
        'as': jax.random.normal(ks[2], (HEADS, C), jnp.float32) * 0.1,
        'ad': jax.random.normal(ks[3], (HEADS, C), jnp.float32) * 0.1,
        'b': jnp.zeros((HID,), jnp.float32),
    }


def setup_inputs(seed: int = 0) -> dict:
    key = jax.random.key(seed)
    ks = jax.random.split(key, 12)
    x_gene = jax.random.normal(ks[0], (N_GENE, D_GENE), jnp.float32)
    x_mechanism = jax.random.normal(ks[1], (N_MECH, D_MECH), jnp.float32)
    edge_src_gm = jax.random.randint(ks[2], (E,), 0, N_GENE, jnp.int32)
    edge_dst_gm = jax.random.randint(ks[3], (E,), 0, N_MECH, jnp.int32)
    edge_src_mg = jax.random.randint(ks[4], (E,), 0, N_MECH, jnp.int32)
    edge_dst_mg = jax.random.randint(ks[5], (E,), 0, N_GENE, jnp.int32)
    layers = []
    for i in range(LAYERS):
        lk = jax.random.fold_in(ks[6], i)
        lks = jax.random.split(lk, 2)
        layers.append({
            'gm': _gat_params(lks[0]),
            'mg': _gat_params(lks[1]),
            'ln_g_g': jnp.ones((HID,), jnp.float32),
            'ln_g_b': jnp.zeros((HID,), jnp.float32),
            'ln_m_g': jnp.ones((HID,), jnp.float32),
            'ln_m_b': jnp.zeros((HID,), jnp.float32),
        })
    params = {
        'gene_proj': {
            'W': jax.random.normal(ks[7], (D_GENE, HID), jnp.float32) * 0.02,
            'b': jnp.zeros((HID,), jnp.float32),
            'g': jnp.ones((HID,), jnp.float32),
            'bn': jnp.zeros((HID,), jnp.float32),
        },
        'mech_proj': {
            'W': jax.random.normal(ks[8], (D_MECH, HID), jnp.float32) * 0.1,
            'b': jnp.zeros((HID,), jnp.float32),
            'g': jnp.ones((HID,), jnp.float32),
            'bn': jnp.zeros((HID,), jnp.float32),
        },
        'layers': layers,
        'out': {
            'W': jax.random.normal(ks[9], (HID, OUT), jnp.float32) * 0.05,
            'b': jnp.zeros((OUT,), jnp.float32),
        },
    }
    return {
        'x_gene': x_gene,
        'x_mechanism': x_mechanism,
        'params': params,
        'edge_src_gm': edge_src_gm,
        'edge_dst_gm': edge_dst_gm,
        'edge_src_mg': edge_src_mg,
        'edge_dst_mg': edge_dst_mg,
    }


def reference(x_gene, x_mechanism, params, edge_src_gm, edge_dst_gm, edge_src_mg, edge_dst_mg):
    n_gene = x_gene.shape[0]
    n_mech = x_mechanism.shape[0]
    gp = params['gene_proj']
    mp = params['mech_proj']
    hg = _ln(x_gene @ gp['W'] + gp['b'], gp['g'], gp['bn'])
    hm = _ln(x_mechanism @ mp['W'] + mp['b'], mp['g'], mp['bn'])
    for i in range(LAYERS):
        p = params['layers'][i]
        new_m = _gat(hg, hm, edge_src_gm, edge_dst_gm, p['gm'], n_mech)
        new_g = _gat(hm, hg, edge_src_mg, edge_dst_mg, p['mg'], n_gene)
        hg = jax.nn.gelu(_ln(new_g + hg, p['ln_g_g'], p['ln_g_b']), approximate=False)
        hm = jax.nn.gelu(_ln(new_m + hm, p['ln_m_g'], p['ln_m_b']), approximate=False)
    op = params['out']
    return hg @ op['W'] + op['b']

if __name__ == "__main__":
    import jax
    _d = setup_inputs()
    print(jax.jit(kernel)(*tuple(_d.values())))

</pallas_src>

<mosaic_0001>
module attributes {stable_mosaic.version = 14 : i64} {
  func.func @_proj_body(%arg0: i32, %arg1: memref<2000x480xf32, #tpu.memory_space<vmem>>, %arg2: memref<480x256xf32, #tpu.memory_space<vmem>>, %arg3: memref<256xf32, #tpu.memory_space<vmem>>, %arg4: memref<256xf32, #tpu.memory_space<vmem>>, %arg5: memref<256xf32, #tpu.memory_space<vmem>>, %arg6: memref<2000x256xf32, #tpu.memory_space<vmem>>) attributes {dimension_semantics = [#tpu.dimension_semantics<arbitrary>], iteration_bounds = array<i64: 25>, scalar_prefetch = 0 : i64, scratch_operands = 0 : i64, tpu.core_type = #tpu.core_type<tc>, window_params = [{transform_indices = @transform_0, window_bounds = array<i64: 2000, 480>}, {pipeline_mode = #tpu.pipeline_mode<synchronous>, transform_indices = @transform_1, window_bounds = array<i64: 480, 256>}, {pipeline_mode = #tpu.pipeline_mode<synchronous>, transform_indices = @transform_2, window_bounds = array<i64: 256>}, {pipeline_mode = #tpu.pipeline_mode<synchronous>, transform_indices = @transform_3, window_bounds = array<i64: 256>}, {pipeline_mode = #tpu.pipeline_mode<synchronous>, transform_indices = @transform_4, window_bounds = array<i64: 256>}, {transform_indices = @transform_5, window_bounds = array<i64: 2000, 256>}]} {
    %get3A = arith.constant 0 : index
    %get3A_0 = arith.constant 0 : index
    %get3A_1 = vector.load %arg1[%get3A, %get3A_0] : memref<2000x480xf32, #tpu.memory_space<vmem>>, vector<2000x480xf32>
    %get3A_2 = arith.constant 0 : index
    %get3A_3 = arith.constant 0 : index
    %get3A_4 = vector.load %arg2[%get3A_2, %get3A_3] : memref<480x256xf32, #tpu.memory_space<vmem>>, vector<480x256xf32>
    %dot_general3A = arith.constant dense<0.000000e+00> : vector<2000x256xf32>
    %dot_general3A_5 = tpu.matmul %get3A_1, %get3A_4, %dot_general3A {dimension_numbers = #tpu.dot_dimension_numbers<[1], [0], [0], [1], [0, 0, 1, 1], [], []>, transpose_lhs_hint = false} : vector<2000x480xf32>, vector<480x256xf32>, vector<2000x256xf32> -> vector<2000x256xf32>
    %get3A_6 = arith.constant 0 : index
    %get3A_7 = vector.load %arg3[%get3A_6] : memref<256xf32, #tpu.memory_space<vmem>>, vector<256xf32>
    %broadcast_in_dim3A = vector.shape_cast %get3A_7 : vector<256xf32> to vector<1x256xf32>
    %add3A = vector.broadcast %broadcast_in_dim3A : vector<1x256xf32> to vector<2000x256xf32>
    %add3A_8 = arith.addf %dot_general3A_5, %add3A : vector<2000x256xf32>
    %reduce_sum3A = arith.constant dense<0.000000e+00> : vector<2000xf32>
    %reduce_sum3A_9 = vector.multi_reduction <add>, %add3A_8, %reduce_sum3A [1] : vector<2000x256xf32> to vector<2000xf32>
    %broadcast_in_dim3A_10 = vector.shape_cast %reduce_sum3A_9 : vector<2000xf32> to vector<2000x1xf32>
    %div3A = arith.constant 2.560000e+02 : f32
    %div3A_11 = vector.broadcast %div3A : f32 to vector<2000x1xf32>
    %div3A_12 = arith.divf %broadcast_in_dim3A_10, %div3A_11 : vector<2000x1xf32>
    %sub3A = vector.broadcast %div3A_12 : vector<2000x1xf32> to vector<2000x256xf32>
    %sub3A_13 = arith.subf %add3A_8, %sub3A : vector<2000x256xf32>
    %integer_pow3A = arith.mulf %sub3A_13, %sub3A_13 : vector<2000x256xf32>
    %reduce_sum3A_14 = arith.constant dense<0.000000e+00> : vector<2000xf32>
    %reduce_sum3A_15 = vector.multi_reduction <add>, %integer_pow3A, %reduce_sum3A_14 [1] : vector<2000x256xf32> to vector<2000xf32>
    %broadcast_in_dim3A_16 = vector.shape_cast %reduce_sum3A_15 : vector<2000xf32> to vector<2000x1xf32>
    %div3A_17 = arith.constant 2.560000e+02 : f32
    %div3A_18 = vector.broadcast %div3A_17 : f32 to vector<2000x1xf32>
    %div3A_19 = arith.divf %broadcast_in_dim3A_16, %div3A_18 : vector<2000x1xf32>
    %sub3A_20 = vector.broadcast %div3A_12 : vector<2000x1xf32> to vector<2000x256xf32>
    %sub3A_21 = arith.subf %add3A_8, %sub3A_20 : vector<2000x256xf32>
    %add3A_22 = arith.constant 9.99999974E-6 : f32
    %add3A_23 = vector.broadcast %add3A_22 : f32 to vector<2000x1xf32>
    %add3A_24 = arith.addf %div3A_19, %add3A_23 : vector<2000x1xf32>
    %sqrt3A = math.sqrt %add3A_24 : vector<2000x1xf32>
    %div3A_25 = vector.broadcast %sqrt3A : vector<2000x1xf32> to vector<2000x256xf32>
    %div3A_26 = arith.divf %sub3A_21, %div3A_25 : vector<2000x256xf32>
    %get3A_27 = arith.constant 0 : index
    %get3A_28 = vector.load %arg4[%get3A_27] : memref<256xf32, #tpu.memory_space<vmem>>, vector<256xf32>
    %broadcast_in_dim3A_29 = vector.shape_cast %get3A_28 : vector<256xf32> to vector<1x256xf32>
    %mul3A = vector.broadcast %broadcast_in_dim3A_29 : vector<1x256xf32> to vector<2000x256xf32>
    %mul3A_30 = arith.mulf %div3A_26, %mul3A : vector<2000x256xf32>
    %get3A_31 = arith.constant 0 : index
    %get3A_32 = vector.load %arg5[%get3A_31] : memref<256xf32, #tpu.memory_space<vmem>>, vector<256xf32>
    %broadcast_in_dim3A_33 = vector.shape_cast %get3A_32 : vector<256xf32> to vector<1x256xf32>
    %add3A_34 = vector.broadcast %broadcast_in_dim3A_33 : vector<1x256xf32> to vector<2000x256xf32>
    %add3A_35 = arith.addf %mul3A_30, %add3A_34 : vector<2000x256xf32>
    %swap3A = arith.constant 0 : index
    %swap3A_36 = arith.constant 0 : index
    %swap3A_37 = vector.load %arg6[%swap3A, %swap3A_36] : memref<2000x256xf32, #tpu.memory_space<vmem>>, vector<2000x256xf32>
    tpu.vector_store %arg6[%swap3A, %swap3A_36], %add3A_35 {strides = array<i32>} : memref<2000x256xf32, #tpu.memory_space<vmem>>, vector<2000x256xf32>,
    return
  }
  func.func @transform_0(%arg0: i32) -> (i32, i32) {
    %c0_i32 = arith.constant 0 : i32
    %c0_i32_0 = arith.constant 0 : i32
    return %arg0, %c0_i32 : i32, i32
  }
  func.func @transform_1(%arg0: i32) -> (i32, i32) {
    %c0_i32 = arith.constant 0 : i32
    %c0_i32_0 = arith.constant 0 : i32
    %c0_i32_1 = arith.constant 0 : i32
    return %c0_i32, %c0_i32_0 : i32, i32
  }
  func.func @transform_2(%arg0: i32) -> i32 {
    %c0_i32 = arith.constant 0 : i32
    %c0_i32_0 = arith.constant 0 : i32
    return %c0_i32 : i32
  }
  func.func @transform_3(%arg0: i32) -> i32 {
    %c0_i32 = arith.constant 0 : i32
    %c0_i32_0 = arith.constant 0 : i32
    return %c0_i32 : i32
  }
  func.func @transform_4(%arg0: i32) -> i32 {
    %c0_i32 = arith.constant 0 : i32
    %c0_i32_0 = arith.constant 0 : i32
    return %c0_i32 : i32
  }
  func.func @transform_5(%arg0: i32) -> (i32, i32) {
    %c0_i32 = arith.constant 0 : i32
    %c0_i32_0 = arith.constant 0 : i32
    return %arg0, %c0_i32 : i32, i32
  }
}

module attributes {stable_mosaic.version = 14 : i64} {
  func.func @_dense_g_body(%arg0: i32, %arg1: memref<2000x256xf32, #tpu.memory_space<vmem>>, %arg2: memref<256x256xf32, #tpu.memory_space<vmem>>, %arg3: memref<256x256xf32, #tpu.memory_space<vmem>>, %arg4: memref<256x4xf32, #tpu.memory_space<vmem>>, %arg5: memref<256x4xf32, #tpu.memory_space<vmem>>, %arg6: memref<2000x256xf32, #tpu.memory_space<vmem>>, %arg7: memref<2000x4xf32, #tpu.memory_space<vmem>>, %arg8: memref<2000x4xf32, #tpu.memory_space<vmem>>, %arg9: memref<1x4xf32, #tpu.memory_space<vmem>>) attributes {dimension_semantics = [#tpu.dimension_semantics<arbitrary>], iteration_bounds = array<i64: 25>, scalar_prefetch = 0 : i64, scratch_operands = 0 : i64, tpu.core_type = #tpu.core_type<tc>, window_params = [{transform_indices = @transform_0, window_bounds = array<i64: 2000, 256>}, {pipeline_mode = #tpu.pipeline_mode<synchronous>, transform_indices = @transform_1, window_bounds = array<i64: 256, 256>}, {pipeline_mode = #tpu.pipeline_mode<synchronous>, transform_indices = @transform_2, window_bounds = array<i64: 256, 256>}, {pipeline_mode = #tpu.pipeline_mode<synchronous>, transform_indices = @transform_3, window_bounds = array<i64: 256, 4>}, {pipeline_mode = #tpu.pipeline_mode<synchronous>, transform_indices = @transform_4, window_bounds = array<i64: 256, 4>}, {transform_indices = @transform_5, window_bounds = array<i64: 2000, 256>}, {transform_indices = @transform_6, window_bounds = array<i64: 2000, 4>}, {transform_indices = @transform_7, window_bounds = array<i64: 2000, 4>}, {pipeline_mode = #tpu.pipeline_mode<synchronous>, transform_indices = @transform_8, window_bounds = array<i64: 1, 4>}]} {
    %get3A = arith.constant 0 : index
    %get3A_0 = arith.constant 0 : index
    %get3A_1 = vector.load %arg1[%get3A, %get3A_0] : memref<2000x256xf32, #tpu.memory_space<vmem>>, vector<2000x256xf32>
    %get3A_2 = arith.constant 0 : index
    %get3A_3 = arith.constant 0 : index
    %get3A_4 = vector.load %arg2[%get3A_2, %get3A_3] : memref<256x256xf32, #tpu.memory_space<vmem>>, vector<256x256xf32>
    %dot_general3A = arith.constant dense<0.000000e+00> : vector<2000x256xf32>
    %dot_general3A_5 = tpu.matmul %get3A_1, %get3A_4, %dot_general3A {dimension_numbers = #tpu.dot_dimension_numbers<[1], [0], [0], [1], [0, 0, 1, 1], [], []>, transpose_lhs_hint = false} : vector<2000x256xf32>, vector<256x256xf32>, vector<2000x256xf32> -> vector<2000x256xf32>
    %get3A_6 = arith.constant 0 : index
    %get3A_7 = arith.constant 0 : index
    %get3A_8 = vector.load %arg1[%get3A_6, %get3A_7] : memref<2000x256xf32, #tpu.memory_space<vmem>>, vector<2000x256xf32>
    %get3A_9 = arith.constant 0 : index
    %get3A_10 = arith.constant 0 : index
    %get3A_11 = vector.load %arg3[%get3A_9, %get3A_10] : memref<256x256xf32, #tpu.memory_space<vmem>>, vector<256x256xf32>
    %dot_general3A_12 = arith.constant dense<0.000000e+00> : vector<2000x256xf32>
    %dot_general3A_13 = tpu.matmul %get3A_8, %get3A_11, %dot_general3A_12 {dimension_numbers = #tpu.dot_dimension_numbers<[1], [0], [0], [1], [0, 0, 1, 1], [], []>, transpose_lhs_hint = false} : vector<2000x256xf32>, vector<256x256xf32>, vector<2000x256xf32> -> vector<2000x256xf32>
    %swap3A = arith.constant 0 : index
    %swap3A_14 = arith.constant 0 : index
    %swap3A_15 = vector.load %arg6[%swap3A, %swap3A_14] : memref<2000x256xf32, #tpu.memory_space<vmem>>, vector<2000x256xf32>
    tpu.vector_store %arg6[%swap3A, %swap3A_14], %dot_general3A_5 {strides = array<i32>} : memref<2000x256xf32, #tpu.memory_space<vmem>>, vector<2000x256xf32>,
    %get3A_16 = arith.constant 0 : index
    %get3A_17 = arith.constant 0 : index
    %get3A_18 = vector.load %arg4[%get3A_16, %get3A_17] : memref<256x4xf32, #tpu.memory_space<vmem>>, vector<256x4xf32>
    %dot_general3A_19 = arith.constant dense<0.000000e+00> : vector<2000x4xf32>
    %dot_general3A_20 = tpu.matmul %dot_general3A_5, %get3A_18, %dot_general3A_19 {dimension_numbers = #tpu.dot_dimension_numbers<[1], [0], [0], [1], [0, 0, 1, 1], [], []>, transpose_lhs_hint = false} : vector<2000x256xf32>, vector<256x4xf32>, vector<2000x4xf32> -> vector<2000x4xf32>
    %get3A_21 = arith.constant 0 : index
    %get3A_22 = arith.constant 0 : index
    %get3A_23 = vector.load %arg5[%get3A_21, %get3A_22] : memref<256x4xf32, #tpu.memory_space<vmem>>, vector<256x4xf32>
    %dot_general3A_24 = arith.constant dense<0.000000e+00> : vector<2000x4xf32>
    %dot_general3A_25 = tpu.matmul %dot_general3A_13, %get3A_23, %dot_general3A_24 {dimension_numbers = #tpu.dot_dimension_numbers<[1], [0], [0], [1], [0, 0, 1, 1], [], []>, transpose_lhs_hint = false} : vector<2000x256xf32>, vector<256x4xf32>, vector<2000x4xf32> -> vector<2000x4xf32>
    %swap3A_26 = arith.constant 0 : index
    %swap3A_27 = arith.constant 0 : index
    %swap3A_28 = vector.load %arg7[%swap3A_26, %swap3A_27] : memref<2000x4xf32, #tpu.memory_space<vmem>>, vector<2000x4xf32>
    tpu.vector_store %arg7[%swap3A_26, %swap3A_27], %dot_general3A_20 {strides = array<i32>} : memref<2000x4xf32, #tpu.memory_space<vmem>>, vector<2000x4xf32>,
    %swap3A_29 = arith.constant 0 : index
    %swap3A_30 = arith.constant 0 : index
    %swap3A_31 = vector.load %arg8[%swap3A_29, %swap3A_30] : memref<2000x4xf32, #tpu.memory_space<vmem>>, vector<2000x4xf32>
    tpu.vector_store %arg8[%swap3A_29, %swap3A_30], %dot_general3A_25 {strides = array<i32>} : memref<2000x4xf32, #tpu.memory_space<vmem>>, vector<2000x4xf32>,
    %reduce_max3A = arith.constant dense<0xFF800000> : vector<4xf32>
    %reduce_max3A_32 = vector.multi_reduction <maximumf>, %dot_general3A_20, %reduce_max3A [0] : vector<2000x4xf32> to vector<4xf32>
    %broadcast_in_dim3A = vector.shape_cast %reduce_max3A_32 : vector<4xf32> to vector<1x4xf32>
    %eq3A = arith.constant 0 : i32
    %eq3A_33 = arith.cmpi eq, %arg0, %eq3A : i32
    %convert_element_type3A = arith.extui %eq3A_33 : i1 to i32
    %cond3A = arith.constant 0 : i32
    %cond3A_34 = arith.cmpi ne, %convert_element_type3A, %cond3A : i32
    scf.if %cond3A_34 {
      %swap3A_39 = arith.constant 0 : index
      %swap3A_40 = arith.constant 0 : index
      %swap3A_41 = vector.load %arg9[%swap3A_39, %swap3A_40] : memref<1x4xf32, #tpu.memory_space<vmem>>, vector<1x4xf32>
      tpu.vector_store %arg9[%swap3A_39, %swap3A_40], %broadcast_in_dim3A {strides = array<i32>} : memref<1x4xf32, #tpu.memory_space<vmem>>, vector<1x4xf32>,
    } else {
    }
    %gt3A = arith.constant 0 : i32
    %gt3A_35 = arith.cmpi sgt, %arg0, %gt3A : i32
    %convert_element_type3A_36 = arith.extui %gt3A_35 : i1 to i32
    %cond3A_37 = arith.constant 0 : i32
    %cond3A_38 = arith.cmpi ne, %convert_element_type3A_36, %cond3A_37 : i32
    scf.if %cond3A_38 {
      %get3A_39 = arith.constant 0 : index
      %get3A_40 = arith.constant 0 : index
      %get3A_41 = vector.load %arg9[%get3A_39, %get3A_40] : memref<1x4xf32, #tpu.memory_space<vmem>>, vector<1x4xf32>
      %max3A = arith.maximumf %get3A_41, %broadcast_in_dim3A : vector<1x4xf32>
      %swap3A_42 = arith.constant 0 : index
      %swap3A_43 = arith.constant 0 : index
      %swap3A_44 = vector.load %arg9[%swap3A_42, %swap3A_43] : memref<1x4xf32, #tpu.memory_space<vmem>>, vector<1x4xf32>
      tpu.vector_store %arg9[%swap3A_42, %swap3A_43], %max3A {strides = array<i32>} : memref<1x4xf32, #tpu.memory_space<vmem>>, vector<1x4xf32>,
    } else {
    }
    return
  }
  func.func @transform_0(%arg0: i32) -> (i32, i32) {
    %c0_i32 = arith.constant 0 : i32
    %c0_i32_0 = arith.constant 0 : i32
    return %arg0, %c0_i32 : i32, i32
  }
  func.func @transform_1(%arg0: i32) -> (i32, i32) {
    %c0_i32 = arith.constant 0 : i32
    %c0_i32_0 = arith.constant 0 : i32
    %c0_i32_1 = arith.constant 0 : i32
    return %c0_i32, %c0_i32_0 : i32, i32
  }
  func.func @transform_2(%arg0: i32) -> (i32, i32) {
    %c0_i32 = arith.constant 0 : i32
    %c0_i32_0 = arith.constant 0 : i32
    %c0_i32_1 = arith.constant 0 : i32
    return %c0_i32, %c0_i32_0 : i32, i32
  }
  func.func @transform_3(%arg0: i32) -> (i32, i32) {
    %c0_i32 = arith.constant 0 : i32
    %c0_i32_0 = arith.constant 0 : i32
    %c0_i32_1 = arith.constant 0 : i32
    return %c0_i32, %c0_i32_0 : i32, i32
  }
  func.func @transform_4(%arg0: i32) -> (i32, i32) {
    %c0_i32 = arith.constant 0 : i32
    %c0_i32_0 = arith.constant 0 : i32
    %c0_i32_1 = arith.constant 0 : i32
    return %c0_i32, %c0_i32_0 : i32, i32
  }
  func.func @transform_5(%arg0: i32) -> (i32, i32) {
    %c0_i32 = arith.constant 0 : i32
    %c0_i32_0 = arith.constant 0 : i32
    return %arg0, %c0_i32 : i32, i32
  }
  func.func @transform_6(%arg0: i32) -> (i32, i32) {
    %c0_i32 = arith.constant 0 : i32
    %c0_i32_0 = arith.constant 0 : i32
    return %arg0, %c0_i32 : i32, i32
  }
  func.func @transform_7(%arg0: i32) -> (i32, i32) {
    %c0_i32 = arith.constant 0 : i32
    %c0_i32_0 = arith.constant 0 : i32
    return %arg0, %c0_i32 : i32, i32
  }
  func.func @transform_8(%arg0: i32) -> (i32, i32) {
    %c0_i32 = arith.constant 0 : i32
    %c0_i32_0 = arith.constant 0 : i32
    %c0_i32_1 = arith.constant 0 : i32
    return %c0_i32, %c0_i32_0 : i32, i32
  }
}

module attributes {stable_mosaic.version = 14 : i64} {
  func.func @_proj_body(%arg0: i32, %arg1: memref<128x8xf32, #tpu.memory_space<vmem>>, %arg2: memref<8x256xf32, #tpu.memory_space<vmem>>, %arg3: memref<256xf32, #tpu.memory_space<vmem>>, %arg4: memref<256xf32, #tpu.memory_space<vmem>>, %arg5: memref<256xf32, #tpu.memory_space<vmem>>, %arg6: memref<128x256xf32, #tpu.memory_space<vmem>>) attributes {dimension_semantics = [#tpu.dimension_semantics<arbitrary>], iteration_bounds = array<i64: 1>, scalar_prefetch = 0 : i64, scratch_operands = 0 : i64, tpu.core_type = #tpu.core_type<tc>, window_params = [{transform_indices = @transform_0, window_bounds = array<i64: 128, 8>}, {pipeline_mode = #tpu.pipeline_mode<synchronous>, transform_indices = @transform_1, window_bounds = array<i64: 8, 256>}, {pipeline_mode = #tpu.pipeline_mode<synchronous>, transform_indices = @transform_2, window_bounds = array<i64: 256>}, {pipeline_mode = #tpu.pipeline_mode<synchronous>, transform_indices = @transform_3, window_bounds = array<i64: 256>}, {pipeline_mode = #tpu.pipeline_mode<synchronous>, transform_indices = @transform_4, window_bounds = array<i64: 256>}, {transform_indices = @transform_5, window_bounds = array<i64: 128, 256>}]} {
    %get3A = arith.constant 0 : index
    %get3A_0 = arith.constant 0 : index
    %get3A_1 = vector.load %arg1[%get3A, %get3A_0] : memref<128x8xf32, #tpu.memory_space<vmem>>, vector<128x8xf32>
    %get3A_2 = arith.constant 0 : index
    %get3A_3 = arith.constant 0 : index
    %get3A_4 = vector.load %arg2[%get3A_2, %get3A_3] : memref<8x256xf32, #tpu.memory_space<vmem>>, vector<8x256xf32>
    %dot_general3A = arith.constant dense<0.000000e+00> : vector<128x256xf32>
    %dot_general3A_5 = tpu.matmul %get3A_1, %get3A_4, %dot_general3A {dimension_numbers = #tpu.dot_dimension_numbers<[1], [0], [0], [1], [0, 0, 1, 1], [], []>, transpose_lhs_hint = false} : vector<128x8xf32>, vector<8x256xf32>, vector<128x256xf32> -> vector<128x256xf32>
    %get3A_6 = arith.constant 0 : index
    %get3A_7 = vector.load %arg3[%get3A_6] : memref<256xf32, #tpu.memory_space<vmem>>, vector<256xf32>
    %broadcast_in_dim3A = vector.shape_cast %get3A_7 : vector<256xf32> to vector<1x256xf32>
    %add3A = vector.broadcast %broadcast_in_dim3A : vector<1x256xf32> to vector<128x256xf32>
    %add3A_8 = arith.addf %dot_general3A_5, %add3A : vector<128x256xf32>
    %reduce_sum3A = arith.constant dense<0.000000e+00> : vector<128xf32>
    %reduce_sum3A_9 = vector.multi_reduction <add>, %add3A_8, %reduce_sum3A [1] : vector<128x256xf32> to vector<128xf32>
    %broadcast_in_dim3A_10 = vector.shape_cast %reduce_sum3A_9 : vector<128xf32> to vector<128x1xf32>
    %div3A = arith.constant 2.560000e+02 : f32
    %div3A_11 = vector.broadcast %div3A : f32 to vector<128x1xf32>
    %div3A_12 = arith.divf %broadcast_in_dim3A_10, %div3A_11 : vector<128x1xf32>
    %sub3A = vector.broadcast %div3A_12 : vector<128x1xf32> to vector<128x256xf32>
    %sub3A_13 = arith.subf %add3A_8, %sub3A : vector<128x256xf32>
    %integer_pow3A = arith.mulf %sub3A_13, %sub3A_13 : vector<128x256xf32>
    %reduce_sum3A_14 = arith.constant dense<0.000000e+00> : vector<128xf32>
    %reduce_sum3A_15 = vector.multi_reduction <add>, %integer_pow3A, %reduce_sum3A_14 [1] : vector<128x256xf32> to vector<128xf32>
    %broadcast_in_dim3A_16 = vector.shape_cast %reduce_sum3A_15 : vector<128xf32> to vector<128x1xf32>
    %div3A_17 = arith.constant 2.560000e+02 : f32
    %div3A_18 = vector.broadcast %div3A_17 : f32 to vector<128x1xf32>
    %div3A_19 = arith.divf %broadcast_in_dim3A_16, %div3A_18 : vector<128x1xf32>
    %sub3A_20 = vector.broadcast %div3A_12 : vector<128x1xf32> to vector<128x256xf32>
    %sub3A_21 = arith.subf %add3A_8, %sub3A_20 : vector<128x256xf32>
    %add3A_22 = arith.constant 9.99999974E-6 : f32
    %add3A_23 = vector.broadcast %add3A_22 : f32 to vector<128x1xf32>
    %add3A_24 = arith.addf %div3A_19, %add3A_23 : vector<128x1xf32>
    %sqrt3A = math.sqrt %add3A_24 : vector<128x1xf32>
    %div3A_25 = vector.broadcast %sqrt3A : vector<128x1xf32> to vector<128x256xf32>
    %div3A_26 = arith.divf %sub3A_21, %div3A_25 : vector<128x256xf32>
    %get3A_27 = arith.constant 0 : index
    %get3A_28 = vector.load %arg4[%get3A_27] : memref<256xf32, #tpu.memory_space<vmem>>, vector<256xf32>
    %broadcast_in_dim3A_29 = vector.shape_cast %get3A_28 : vector<256xf32> to vector<1x256xf32>
    %mul3A = vector.broadcast %broadcast_in_dim3A_29 : vector<1x256xf32> to vector<128x256xf32>
    %mul3A_30 = arith.mulf %div3A_26, %mul3A : vector<128x256xf32>
    %get3A_31 = arith.constant 0 : index
    %get3A_32 = vector.load %arg5[%get3A_31] : memref<256xf32, #tpu.memory_space<vmem>>, vector<256xf32>
    %broadcast_in_dim3A_33 = vector.shape_cast %get3A_32 : vector<256xf32> to vector<1x256xf32>
    %add3A_34 = vector.broadcast %broadcast_in_dim3A_33 : vector<1x256xf32> to vector<128x256xf32>
    %add3A_35 = arith.addf %mul3A_30, %add3A_34 : vector<128x256xf32>
    %swap3A = arith.constant 0 : index
    %swap3A_36 = arith.constant 0 : index
    %swap3A_37 = vector.load %arg6[%swap3A, %swap3A_36] : memref<128x256xf32, #tpu.memory_space<vmem>>, vector<128x256xf32>
    tpu.vector_store %arg6[%swap3A, %swap3A_36], %add3A_35 {strides = array<i32>} : memref<128x256xf32, #tpu.memory_space<vmem>>, vector<128x256xf32>,
    return
  }
  func.func @transform_0(%arg0: i32) -> (i32, i32) {
    %c0_i32 = arith.constant 0 : i32
    %c0_i32_0 = arith.constant 0 : i32
    return %arg0, %c0_i32 : i32, i32
  }
  func.func @transform_1(%arg0: i32) -> (i32, i32) {
    %c0_i32 = arith.constant 0 : i32
    %c0_i32_0 = arith.constant 0 : i32
    %c0_i32_1 = arith.constant 0 : i32
    return %c0_i32, %c0_i32_0 : i32, i32
  }
  func.func @transform_2(%arg0: i32) -> i32 {
    %c0_i32 = arith.constant 0 : i32
    %c0_i32_0 = arith.constant 0 : i32
    return %c0_i32 : i32
  }
  func.func @transform_3(%arg0: i32) -> i32 {
    %c0_i32 = arith.constant 0 : i32
    %c0_i32_0 = arith.constant 0 : i32
    return %c0_i32 : i32
  }
  func.func @transform_4(%arg0: i32) -> i32 {
    %c0_i32 = arith.constant 0 : i32
    %c0_i32_0 = arith.constant 0 : i32
    return %c0_i32 : i32
  }
  func.func @transform_5(%arg0: i32) -> (i32, i32) {
    %c0_i32 = arith.constant 0 : i32
    %c0_i32_0 = arith.constant 0 : i32
    return %arg0, %c0_i32 : i32, i32
  }
}

module attributes {stable_mosaic.version = 14 : i64} {
  func.func @_dense_m_body(%arg0: memref<128x256xf32, #tpu.memory_space<vmem>>, %arg1: memref<256x256xf32, #tpu.memory_space<vmem>>, %arg2: memref<256x256xf32, #tpu.memory_space<vmem>>, %arg3: memref<256x4xf32, #tpu.memory_space<vmem>>, %arg4: memref<256x4xf32, #tpu.memory_space<vmem>>, %arg5: memref<1x4xf32, #tpu.memory_space<vmem>>, %arg6: memref<128x256xf32, #tpu.memory_space<vmem>>, %arg7: memref<128x16xf32, #tpu.memory_space<vmem>>) attributes {dimension_semantics = [], scalar_prefetch = 0 : i64, scratch_operands = 0 : i64, tpu.core_type = #tpu.core_type<tc>} {
    %get3A = arith.constant 0 : index
    %get3A_0 = arith.constant 0 : index
    %get3A_1 = vector.load %arg0[%get3A, %get3A_0] : memref<128x256xf32, #tpu.memory_space<vmem>>, vector<128x256xf32>
    %get3A_2 = arith.constant 0 : index
    %get3A_3 = arith.constant 0 : index
    %get3A_4 = vector.load %arg1[%get3A_2, %get3A_3] : memref<256x256xf32, #tpu.memory_space<vmem>>, vector<256x256xf32>
    %dot_general3A = arith.constant dense<0.000000e+00> : vector<128x256xf32>
    %dot_general3A_5 = tpu.matmul %get3A_1, %get3A_4, %dot_general3A {dimension_numbers = #tpu.dot_dimension_numbers<[1], [0], [0], [1], [0, 0, 1, 1], [], []>, transpose_lhs_hint = false} : vector<128x256xf32>, vector<256x256xf32>, vector<128x256xf32> -> vector<128x256xf32>
    %get3A_6 = arith.constant 0 : index
    %get3A_7 = arith.constant 0 : index
    %get3A_8 = vector.load %arg2[%get3A_6, %get3A_7] : memref<256x256xf32, #tpu.memory_space<vmem>>, vector<256x256xf32>
    %dot_general3A_9 = arith.constant dense<0.000000e+00> : vector<128x256xf32>
    %dot_general3A_10 = tpu.matmul %get3A_1, %get3A_8, %dot_general3A_9 {dimension_numbers = #tpu.dot_dimension_numbers<[1], [0], [0], [1], [0, 0, 1, 1], [], []>, transpose_lhs_hint = false} : vector<128x256xf32>, vector<256x256xf32>, vector<128x256xf32> -> vector<128x256xf32>
    %swap3A = arith.constant 0 : index
    %swap3A_11 = arith.constant 0 : index
    %swap3A_12 = vector.load %arg6[%swap3A, %swap3A_11] : memref<128x256xf32, #tpu.memory_space<vmem>>, vector<128x256xf32>
    tpu.vector_store %arg6[%swap3A, %swap3A_11], %dot_general3A_5 {strides = array<i32>} : memref<128x256xf32, #tpu.memory_space<vmem>>, vector<128x256xf32>,
    %get3A_13 = arith.constant 0 : index
    %get3A_14 = arith.constant 0 : index
    %get3A_15 = vector.load %arg3[%get3A_13, %get3A_14] : memref<256x4xf32, #tpu.memory_space<vmem>>, vector<256x4xf32>
    %dot_general3A_16 = arith.constant dense<0.000000e+00> : vector<128x4xf32>
    %dot_general3A_17 = tpu.matmul %dot_general3A_5, %get3A_15, %dot_general3A_16 {dimension_numbers = #tpu.dot_dimension_numbers<[1], [0], [0], [1], [0, 0, 1, 1], [], []>, transpose_lhs_hint = false} : vector<128x256xf32>, vector<256x4xf32>, vector<128x4xf32> -> vector<128x4xf32>
    %get3A_18 = arith.constant 0 : index
    %get3A_19 = arith.constant 0 : index
    %get3A_20 = vector.load %arg4[%get3A_18, %get3A_19] : memref<256x4xf32, #tpu.memory_space<vmem>>, vector<256x4xf32>
    %dot_general3A_21 = arith.constant dense<0.000000e+00> : vector<128x4xf32>
    %dot_general3A_22 = tpu.matmul %dot_general3A_10, %get3A_20, %dot_general3A_21 {dimension_numbers = #tpu.dot_dimension_numbers<[1], [0], [0], [1], [0, 0, 1, 1], [], []>, transpose_lhs_hint = false} : vector<128x256xf32>, vector<256x4xf32>, vector<128x4xf32> -> vector<128x4xf32>
    %get3A_23 = arith.constant 0 : index
    %get3A_24 = arith.constant 0 : index
    %get3A_25 = vector.load %arg5[%get3A_23, %get3A_24] : memref<1x4xf32, #tpu.memory_space<vmem>>, vector<1x4xf32>
    %add3A = vector.broadcast %get3A_25 : vector<1x4xf32> to vector<128x4xf32>
    %add3A_26 = arith.addf %add3A, %dot_general3A_22 : vector<128x4xf32>
    %mul3A = arith.constant 2.000000e-01 : f32
    %mul3A_27 = vector.broadcast %mul3A : f32 to vector<128x4xf32>
    %mul3A_28 = arith.mulf %mul3A_27, %add3A_26 : vector<128x4xf32>
    %max3A = arith.maximumf %add3A_26, %mul3A_28 : vector<128x4xf32>
    %reduce_max3A = arith.constant dense<0xFF800000> : vector<4xf32>
    %reduce_max3A_29 = vector.multi_reduction <maximumf>, %dot_general3A_17, %reduce_max3A [0] : vector<128x4xf32> to vector<4xf32>
    %broadcast_in_dim3A = vector.shape_cast %reduce_max3A_29 : vector<4xf32> to vector<1x4xf32>
    %broadcast_in_dim3A_30 = arith.constant 0.000000e+00 : f32
    %broadcast_in_dim3A_31 = vector.broadcast %broadcast_in_dim3A_30 : f32 to vector<128x4xf32>
    %add3A_32 = vector.broadcast %broadcast_in_dim3A : vector<1x4xf32> to vector<128x4xf32>
    %add3A_33 = arith.addf %add3A_32, %broadcast_in_dim3A_31 : vector<128x4xf32>
    %concatenate3A = tpu.concatenate %dot_general3A_17, %dot_general3A_22, %max3A, %add3A_33 in 1 : vector<128x4xf32>, vector<128x4xf32>, vector<128x4xf32>, vector<128x4xf32> -> vector<128x16xf32>
    %swap3A_34 = arith.constant 0 : index
    %swap3A_35 = arith.constant 0 : index
    %swap3A_36 = vector.load %arg7[%swap3A_34, %swap3A_35] : memref<128x16xf32, #tpu.memory_space<vmem>>, vector<128x16xf32>
    tpu.vector_store %arg7[%swap3A_34, %swap3A_35], %concatenate3A {strides = array<i32>} : memref<128x16xf32, #tpu.memory_space<vmem>>, vector<128x16xf32>,
    return
  }
}

module attributes {stable_mosaic.version = 14 : i64} {
  func.func @_epi_body(%arg0: i32, %arg1: memref<2000x256xf32, #tpu.memory_space<vmem>>, %arg2: memref<2000x4xf32, #tpu.memory_space<vmem>>, %arg3: memref<4x256xf32, #tpu.memory_space<vmem>>, %arg4: memref<256xf32, #tpu.memory_space<vmem>>, %arg5: memref<256xf32, #tpu.memory_space<vmem>>, %arg6: memref<256xf32, #tpu.memory_space<vmem>>, %arg7: memref<2000x256xf32, #tpu.memory_space<vmem>>, %arg8: memref<2000x256xf32, #tpu.memory_space<vmem>>) attributes {dimension_semantics = [#tpu.dimension_semantics<arbitrary>], iteration_bounds = array<i64: 25>, scalar_prefetch = 0 : i64, scratch_operands = 0 : i64, tpu.core_type = #tpu.core_type<tc>, window_params = [{transform_indices = @transform_0, window_bounds = array<i64: 2000, 256>}, {transform_indices = @transform_1, window_bounds = array<i64: 2000, 4>}, {pipeline_mode = #tpu.pipeline_mode<synchronous>, transform_indices = @transform_2, window_bounds = array<i64: 4, 256>}, {pipeline_mode = #tpu.pipeline_mode<synchronous>, transform_indices = @transform_3, window_bounds = array<i64: 256>}, {pipeline_mode = #tpu.pipeline_mode<synchronous>, transform_indices = @transform_4, window_bounds = array<i64: 256>}, {pipeline_mode = #tpu.pipeline_mode<synchronous>, transform_indices = @transform_5, window_bounds = array<i64: 256>}, {transform_indices = @transform_6, window_bounds = array<i64: 2000, 256>}, {transform_indices = @transform_7, window_bounds = array<i64: 2000, 256>}]} {
    %get3A = arith.constant 0 : index
    %get3A_0 = arith.constant 0 : index
    %get3A_1 = vector.load %arg2[%get3A, %get3A_0] : memref<2000x4xf32, #tpu.memory_space<vmem>>, vector<2000x4xf32>
    %get3A_2 = arith.constant 0 : index
    %get3A_3 = arith.constant 0 : index
    %get3A_4 = vector.load %arg3[%get3A_2, %get3A_3] : memref<4x256xf32, #tpu.memory_space<vmem>>, vector<4x256xf32>
    %dot_general3A = arith.constant dense<0.000000e+00> : vector<2000x256xf32>
    %dot_general3A_5 = tpu.matmul %get3A_1, %get3A_4, %dot_general3A {dimension_numbers = #tpu.dot_dimension_numbers<[1], [0], [0], [1], [0, 0, 1, 1], [], []>, transpose_lhs_hint = false} : vector<2000x4xf32>, vector<4x256xf32>, vector<2000x256xf32> -> vector<2000x256xf32>
    %get3A_6 = arith.constant 0 : index
    %get3A_7 = arith.constant 0 : index
    %get3A_8 = vector.load %arg1[%get3A_6, %get3A_7] : memref<2000x256xf32, #tpu.memory_space<vmem>>, vector<2000x256xf32>
    %add3A = arith.constant 1.000000e-16 : f32
    %add3A_9 = vector.broadcast %add3A : f32 to vector<2000x256xf32>
    %add3A_10 = arith.addf %dot_general3A_5, %add3A_9 : vector<2000x256xf32>
    %div3A = arith.divf %get3A_8, %add3A_10 : vector<2000x256xf32>
    %get3A_11 = arith.constant 0 : index
    %get3A_12 = vector.load %arg4[%get3A_11] : memref<256xf32, #tpu.memory_space<vmem>>, vector<256xf32>
    %broadcast_in_dim3A = vector.shape_cast %get3A_12 : vector<256xf32> to vector<1x256xf32>
    %add3A_13 = vector.broadcast %broadcast_in_dim3A : vector<1x256xf32> to vector<2000x256xf32>
    %add3A_14 = arith.addf %div3A, %add3A_13 : vector<2000x256xf32>
    %get3A_15 = arith.constant 0 : index
    %get3A_16 = arith.constant 0 : index
    %get3A_17 = vector.load %arg7[%get3A_15, %get3A_16] : memref<2000x256xf32, #tpu.memory_space<vmem>>, vector<2000x256xf32>
    %add3A_18 = arith.addf %add3A_14, %get3A_17 : vector<2000x256xf32>
    %get3A_19 = arith.constant 0 : index
    %get3A_20 = vector.load %arg5[%get3A_19] : memref<256xf32, #tpu.memory_space<vmem>>, vector<256xf32>
    %get3A_21 = arith.constant 0 : index
    %get3A_22 = vector.load %arg6[%get3A_21] : memref<256xf32, #tpu.memory_space<vmem>>, vector<256xf32>
    %reduce_sum3A = arith.constant dense<0.000000e+00> : vector<2000xf32>
    %reduce_sum3A_23 = vector.multi_reduction <add>, %add3A_18, %reduce_sum3A [1] : vector<2000x256xf32> to vector<2000xf32>
    %broadcast_in_dim3A_24 = vector.shape_cast %reduce_sum3A_23 : vector<2000xf32> to vector<2000x1xf32>
    %div3A_25 = arith.constant 2.560000e+02 : f32
    %div3A_26 = vector.broadcast %div3A_25 : f32 to vector<2000x1xf32>
    %div3A_27 = arith.divf %broadcast_in_dim3A_24, %div3A_26 : vector<2000x1xf32>
    %sub3A = vector.broadcast %div3A_27 : vector<2000x1xf32> to vector<2000x256xf32>
    %sub3A_28 = arith.subf %add3A_18, %sub3A : vector<2000x256xf32>
    %integer_pow3A = arith.mulf %sub3A_28, %sub3A_28 : vector<2000x256xf32>
    %reduce_sum3A_29 = arith.constant dense<0.000000e+00> : vector<2000xf32>
    %reduce_sum3A_30 = vector.multi_reduction <add>, %integer_pow3A, %reduce_sum3A_29 [1] : vector<2000x256xf32> to vector<2000xf32>
    %broadcast_in_dim3A_31 = vector.shape_cast %reduce_sum3A_30 : vector<2000xf32> to vector<2000x1xf32>
    %div3A_32 = arith.constant 2.560000e+02 : f32
    %div3A_33 = vector.broadcast %div3A_32 : f32 to vector<2000x1xf32>
    %div3A_34 = arith.divf %broadcast_in_dim3A_31, %div3A_33 : vector<2000x1xf32>
    %sub3A_35 = vector.broadcast %div3A_27 : vector<2000x1xf32> to vector<2000x256xf32>
    %sub3A_36 = arith.subf %add3A_18, %sub3A_35 : vector<2000x256xf32>
    %add3A_37 = arith.constant 9.99999974E-6 : f32
    %add3A_38 = vector.broadcast %add3A_37 : f32 to vector<2000x1xf32>
    %add3A_39 = arith.addf %div3A_34, %add3A_38 : vector<2000x1xf32>
    %sqrt3A = math.sqrt %add3A_39 : vector<2000x1xf32>
    %div3A_40 = vector.broadcast %sqrt3A : vector<2000x1xf32> to vector<2000x256xf32>
    %div3A_41 = arith.divf %sub3A_36, %div3A_40 : vector<2000x256xf32>
    %broadcast_in_dim3A_42 = vector.shape_cast %get3A_20 : vector<256xf32> to vector<1x256xf32>
    %mul3A = vector.broadcast %broadcast_in_dim3A_42 : vector<1x256xf32> to vector<2000x256xf32>
    %mul3A_43 = arith.mulf %div3A_41, %mul3A : vector<2000x256xf32>
    %broadcast_in_dim3A_44 = vector.shape_cast %get3A_22 : vector<256xf32> to vector<1x256xf32>
    %add3A_45 = vector.broadcast %broadcast_in_dim3A_44 : vector<1x256xf32> to vector<2000x256xf32>
    %add3A_46 = arith.addf %mul3A_43, %add3A_45 : vector<2000x256xf32>
    %mul3A_47 = arith.constant 5.000000e-01 : f32
    %mul3A_48 = vector.broadcast %mul3A_47 : f32 to vector<2000x256xf32>
    %mul3A_49 = arith.mulf %add3A_46, %mul3A_48 : vector<2000x256xf32>
    %sqrt3A_50 = arith.constant 2.000000e+00 : f32
    %sqrt3A_51 = math.sqrt %sqrt3A_50 : f32
    %div3A_52 = vector.broadcast %sqrt3A_51 : f32 to vector<2000x256xf32>
    %div3A_53 = arith.divf %add3A_46, %div3A_52 : vector<2000x256xf32>
    %erf3A = math.erf %div3A_53 : vector<2000x256xf32>
    %add3A_54 = arith.constant 1.000000e+00 : f32
    %add3A_55 = vector.broadcast %add3A_54 : f32 to vector<2000x256xf32>
    %add3A_56 = arith.addf %add3A_55, %erf3A : vector<2000x256xf32>
    %mul3A_57 = arith.mulf %mul3A_49, %add3A_56 : vector<2000x256xf32>
    %swap3A = arith.constant 0 : index
    %swap3A_58 = arith.constant 0 : index
    %swap3A_59 = vector.load %arg8[%swap3A, %swap3A_58] : memref<2000x256xf32, #tpu.memory_space<vmem>>, vector<2000x256xf32>
    tpu.vector_store %arg8[%swap3A, %swap3A_58], %mul3A_57 {strides = array<i32>} : memref<2000x256xf32, #tpu.memory_space<vmem>>, vector<2000x256xf32>,
    return
  }
  func.func @transform_0(%arg0: i32) -> (i32, i32) {
    %c0_i32 = arith.constant 0 : i32
    %c0_i32_0 = arith.constant 0 : i32
    return %arg0, %c0_i32 : i32, i32
  }
  func.func @transform_1(%arg0: i32) -> (i32, i32) {
    %c0_i32 = arith.constant 0 : i32
    %c0_i32_0 = arith.constant 0 : i32
    return %arg0, %c0_i32 : i32, i32
  }
  func.func @transform_2(%arg0: i32) -> (i32, i32) {
    %c0_i32 = arith.constant 0 : i32
    %c0_i32_0 = arith.constant 0 : i32
    %c0_i32_1 = arith.constant 0 : i32
    return %c0_i32, %c0_i32_0 : i32, i32
  }
  func.func @transform_3(%arg0: i32) -> i32 {
    %c0_i32 = arith.constant 0 : i32
    %c0_i32_0 = arith.constant 0 : i32
    return %c0_i32 : i32
  }
  func.func @transform_4(%arg0: i32) -> i32 {
    %c0_i32 = arith.constant 0 : i32
    %c0_i32_0 = arith.constant 0 : i32
    return %c0_i32 : i32
  }
  func.func @transform_5(%arg0: i32) -> i32 {
    %c0_i32 = arith.constant 0 : i32
    %c0_i32_0 = arith.constant 0 : i32
    return %c0_i32 : i32
  }
  func.func @transform_6(%arg0: i32) -> (i32, i32) {
    %c0_i32 = arith.constant 0 : i32
    %c0_i32_0 = arith.constant 0 : i32
    return %arg0, %c0_i32 : i32, i32
  }
  func.func @transform_7(%arg0: i32) -> (i32, i32) {
    %c0_i32 = arith.constant 0 : i32
    %c0_i32_0 = arith.constant 0 : i32
    return %arg0, %c0_i32 : i32, i32
  }
}

module attributes {stable_mosaic.version = 14 : i64} {
  func.func @_epi_body(%arg0: i32, %arg1: memref<128x256xf32, #tpu.memory_space<vmem>>, %arg2: memref<128x4xf32, #tpu.memory_space<vmem>>, %arg3: memref<4x256xf32, #tpu.memory_space<vmem>>, %arg4: memref<256xf32, #tpu.memory_space<vmem>>, %arg5: memref<256xf32, #tpu.memory_space<vmem>>, %arg6: memref<256xf32, #tpu.memory_space<vmem>>, %arg7: memref<128x256xf32, #tpu.memory_space<vmem>>, %arg8: memref<128x256xf32, #tpu.memory_space<vmem>>) attributes {dimension_semantics = [#tpu.dimension_semantics<arbitrary>], iteration_bounds = array<i64: 1>, scalar_prefetch = 0 : i64, scratch_operands = 0 : i64, tpu.core_type = #tpu.core_type<tc>, window_params = [{transform_indices = @transform_0, window_bounds = array<i64: 128, 256>}, {transform_indices = @transform_1, window_bounds = array<i64: 128, 4>}, {pipeline_mode = #tpu.pipeline_mode<synchronous>, transform_indices = @transform_2, window_bounds = array<i64: 4, 256>}, {pipeline_mode = #tpu.pipeline_mode<synchronous>, transform_indices = @transform_3, window_bounds = array<i64: 256>}, {pipeline_mode = #tpu.pipeline_mode<synchronous>, transform_indices = @transform_4, window_bounds = array<i64: 256>}, {pipeline_mode = #tpu.pipeline_mode<synchronous>, transform_indices = @transform_5, window_bounds = array<i64: 256>}, {transform_indices = @transform_6, window_bounds = array<i64: 128, 256>}, {transform_indices = @transform_7, window_bounds = array<i64: 128, 256>}]} {
    %get3A = arith.constant 0 : index
    %get3A_0 = arith.constant 0 : index
    %get3A_1 = vector.load %arg2[%get3A, %get3A_0] : memref<128x4xf32, #tpu.memory_space<vmem>>, vector<128x4xf32>
    %get3A_2 = arith.constant 0 : index
    %get3A_3 = arith.constant 0 : index
    %get3A_4 = vector.load %arg3[%get3A_2, %get3A_3] : memref<4x256xf32, #tpu.memory_space<vmem>>, vector<4x256xf32>
    %dot_general3A = arith.constant dense<0.000000e+00> : vector<128x256xf32>
    %dot_general3A_5 = tpu.matmul %get3A_1, %get3A_4, %dot_general3A {dimension_numbers = #tpu.dot_dimension_numbers<[1], [0], [0], [1], [0, 0, 1, 1], [], []>, transpose_lhs_hint = false} : vector<128x4xf32>, vector<4x256xf32>, vector<128x256xf32> -> vector<128x256xf32>
    %get3A_6 = arith.constant 0 : index
    %get3A_7 = arith.constant 0 : index
    %get3A_8 = vector.load %arg1[%get3A_6, %get3A_7] : memref<128x256xf32, #tpu.memory_space<vmem>>, vector<128x256xf32>
    %add3A = arith.constant 1.000000e-16 : f32
    %add3A_9 = vector.broadcast %add3A : f32 to vector<128x256xf32>
    %add3A_10 = arith.addf %dot_general3A_5, %add3A_9 : vector<128x256xf32>
    %div3A = arith.divf %get3A_8, %add3A_10 : vector<128x256xf32>
    %get3A_11 = arith.constant 0 : index
    %get3A_12 = vector.load %arg4[%get3A_11] : memref<256xf32, #tpu.memory_space<vmem>>, vector<256xf32>
    %broadcast_in_dim3A = vector.shape_cast %get3A_12 : vector<256xf32> to vector<1x256xf32>
    %add3A_13 = vector.broadcast %broadcast_in_dim3A : vector<1x256xf32> to vector<128x256xf32>
    %add3A_14 = arith.addf %div3A, %add3A_13 : vector<128x256xf32>
    %get3A_15 = arith.constant 0 : index
    %get3A_16 = arith.constant 0 : index
    %get3A_17 = vector.load %arg7[%get3A_15, %get3A_16] : memref<128x256xf32, #tpu.memory_space<vmem>>, vector<128x256xf32>
    %add3A_18 = arith.addf %add3A_14, %get3A_17 : vector<128x256xf32>
    %get3A_19 = arith.constant 0 : index
    %get3A_20 = vector.load %arg5[%get3A_19] : memref<256xf32, #tpu.memory_space<vmem>>, vector<256xf32>
    %get3A_21 = arith.constant 0 : index
    %get3A_22 = vector.load %arg6[%get3A_21] : memref<256xf32, #tpu.memory_space<vmem>>, vector<256xf32>
    %reduce_sum3A = arith.constant dense<0.000000e+00> : vector<128xf32>
    %reduce_sum3A_23 = vector.multi_reduction <add>, %add3A_18, %reduce_sum3A [1] : vector<128x256xf32> to vector<128xf32>
    %broadcast_in_dim3A_24 = vector.shape_cast %reduce_sum3A_23 : vector<128xf32> to vector<128x1xf32>
    %div3A_25 = arith.constant 2.560000e+02 : f32
    %div3A_26 = vector.broadcast %div3A_25 : f32 to vector<128x1xf32>
    %div3A_27 = arith.divf %broadcast_in_dim3A_24, %div3A_26 : vector<128x1xf32>
    %sub3A = vector.broadcast %div3A_27 : vector<128x1xf32> to vector<128x256xf32>
    %sub3A_28 = arith.subf %add3A_18, %sub3A : vector<128x256xf32>
    %integer_pow3A = arith.mulf %sub3A_28, %sub3A_28 : vector<128x256xf32>
    %reduce_sum3A_29 = arith.constant dense<0.000000e+00> : vector<128xf32>
    %reduce_sum3A_30 = vector.multi_reduction <add>, %integer_pow3A, %reduce_sum3A_29 [1] : vector<128x256xf32> to vector<128xf32>
    %broadcast_in_dim3A_31 = vector.shape_cast %reduce_sum3A_30 : vector<128xf32> to vector<128x1xf32>
    %div3A_32 = arith.constant 2.560000e+02 : f32
    %div3A_33 = vector.broadcast %div3A_32 : f32 to vector<128x1xf32>
    %div3A_34 = arith.divf %broadcast_in_dim3A_31, %div3A_33 : vector<128x1xf32>
    %sub3A_35 = vector.broadcast %div3A_27 : vector<128x1xf32> to vector<128x256xf32>
    %sub3A_36 = arith.subf %add3A_18, %sub3A_35 : vector<128x256xf32>
    %add3A_37 = arith.constant 9.99999974E-6 : f32
    %add3A_38 = vector.broadcast %add3A_37 : f32 to vector<128x1xf32>
    %add3A_39 = arith.addf %div3A_34, %add3A_38 : vector<128x1xf32>
    %sqrt3A = math.sqrt %add3A_39 : vector<128x1xf32>
    %div3A_40 = vector.broadcast %sqrt3A : vector<128x1xf32> to vector<128x256xf32>
    %div3A_41 = arith.divf %sub3A_36, %div3A_40 : vector<128x256xf32>
    %broadcast_in_dim3A_42 = vector.shape_cast %get3A_20 : vector<256xf32> to vector<1x256xf32>
    %mul3A = vector.broadcast %broadcast_in_dim3A_42 : vector<1x256xf32> to vector<128x256xf32>
    %mul3A_43 = arith.mulf %div3A_41, %mul3A : vector<128x256xf32>
    %broadcast_in_dim3A_44 = vector.shape_cast %get3A_22 : vector<256xf32> to vector<1x256xf32>
    %add3A_45 = vector.broadcast %broadcast_in_dim3A_44 : vector<1x256xf32> to vector<128x256xf32>
    %add3A_46 = arith.addf %mul3A_43, %add3A_45 : vector<128x256xf32>
    %mul3A_47 = arith.constant 5.000000e-01 : f32
    %mul3A_48 = vector.broadcast %mul3A_47 : f32 to vector<128x256xf32>
    %mul3A_49 = arith.mulf %add3A_46, %mul3A_48 : vector<128x256xf32>
    %sqrt3A_50 = arith.constant 2.000000e+00 : f32
    %sqrt3A_51 = math.sqrt %sqrt3A_50 : f32
    %div3A_52 = vector.broadcast %sqrt3A_51 : f32 to vector<128x256xf32>
    %div3A_53 = arith.divf %add3A_46, %div3A_52 : vector<128x256xf32>
    %erf3A = math.erf %div3A_53 : vector<128x256xf32>
    %add3A_54 = arith.constant 1.000000e+00 : f32
    %add3A_55 = vector.broadcast %add3A_54 : f32 to vector<128x256xf32>
    %add3A_56 = arith.addf %add3A_55, %erf3A : vector<128x256xf32>
    %mul3A_57 = arith.mulf %mul3A_49, %add3A_56 : vector<128x256xf32>
    %swap3A = arith.constant 0 : index
    %swap3A_58 = arith.constant 0 : index
    %swap3A_59 = vector.load %arg8[%swap3A, %swap3A_58] : memref<128x256xf32, #tpu.memory_space<vmem>>, vector<128x256xf32>
    tpu.vector_store %arg8[%swap3A, %swap3A_58], %mul3A_57 {strides = array<i32>} : memref<128x256xf32, #tpu.memory_space<vmem>>, vector<128x256xf32>,
    return
  }
  func.func @transform_0(%arg0: i32) -> (i32, i32) {
    %c0_i32 = arith.constant 0 : i32
    %c0_i32_0 = arith.constant 0 : i32
    return %arg0, %c0_i32 : i32, i32
  }
  func.func @transform_1(%arg0: i32) -> (i32, i32) {
    %c0_i32 = arith.constant 0 : i32
    %c0_i32_0 = arith.constant 0 : i32
    return %arg0, %c0_i32 : i32, i32
  }
  func.func @transform_2(%arg0: i32) -> (i32, i32) {
    %c0_i32 = arith.constant 0 : i32
    %c0_i32_0 = arith.constant 0 : i32
    %c0_i32_1 = arith.constant 0 : i32
    return %c0_i32, %c0_i32_0 : i32, i32
  }
  func.func @transform_3(%arg0: i32) -> i32 {
    %c0_i32 = arith.constant 0 : i32
    %c0_i32_0 = arith.constant 0 : i32
    return %c0_i32 : i32
  }
  func.func @transform_4(%arg0: i32) -> i32 {
    %c0_i32 = arith.constant 0 : i32
    %c0_i32_0 = arith.constant 0 : i32
    return %c0_i32 : i32
  }
  func.func @transform_5(%arg0: i32) -> i32 {
    %c0_i32 = arith.constant 0 : i32
    %c0_i32_0 = arith.constant 0 : i32
    return %c0_i32 : i32
  }
  func.func @transform_6(%arg0: i32) -> (i32, i32) {
    %c0_i32 = arith.constant 0 : i32
    %c0_i32_0 = arith.constant 0 : i32
    return %arg0, %c0_i32 : i32, i32
  }
  func.func @transform_7(%arg0: i32) -> (i32, i32) {
    %c0_i32 = arith.constant 0 : i32
    %c0_i32_0 = arith.constant 0 : i32
    return %arg0, %c0_i32 : i32, i32
  }
}

module attributes {stable_mosaic.version = 14 : i64} {
  func.func @_final_body(%arg0: i32, %arg1: memref<2000x256xf32, #tpu.memory_space<vmem>>, %arg2: memref<256x128xf32, #tpu.memory_space<vmem>>, %arg3: memref<128xf32, #tpu.memory_space<vmem>>, %arg4: memref<2000x128xf32, #tpu.memory_space<vmem>>) attributes {dimension_semantics = [#tpu.dimension_semantics<arbitrary>], iteration_bounds = array<i64: 25>, scalar_prefetch = 0 : i64, scratch_operands = 0 : i64, tpu.core_type = #tpu.core_type<tc>, window_params = [{transform_indices = @transform_0, window_bounds = array<i64: 2000, 256>}, {pipeline_mode = #tpu.pipeline_mode<synchronous>, transform_indices = @transform_1, window_bounds = array<i64: 256, 128>}, {pipeline_mode = #tpu.pipeline_mode<synchronous>, transform_indices = @transform_2, window_bounds = array<i64: 128>}, {transform_indices = @transform_3, window_bounds = array<i64: 2000, 128>}]} {
    %get3A = arith.constant 0 : index
    %get3A_0 = arith.constant 0 : index
    %get3A_1 = vector.load %arg1[%get3A, %get3A_0] : memref<2000x256xf32, #tpu.memory_space<vmem>>, vector<2000x256xf32>
    %get3A_2 = arith.constant 0 : index
    %get3A_3 = arith.constant 0 : index
    %get3A_4 = vector.load %arg2[%get3A_2, %get3A_3] : memref<256x128xf32, #tpu.memory_space<vmem>>, vector<256x128xf32>
    %dot_general3A = arith.constant dense<0.000000e+00> : vector<2000x128xf32>
    %dot_general3A_5 = tpu.matmul %get3A_1, %get3A_4, %dot_general3A {dimension_numbers = #tpu.dot_dimension_numbers<[1], [0], [0], [1], [0, 0, 1, 1], [], []>, transpose_lhs_hint = false} : vector<2000x256xf32>, vector<256x128xf32>, vector<2000x128xf32> -> vector<2000x128xf32>
    %get3A_6 = arith.constant 0 : index
    %get3A_7 = vector.load %arg3[%get3A_6] : memref<128xf32, #tpu.memory_space<vmem>>, vector<128xf32>
    %broadcast_in_dim3A = vector.shape_cast %get3A_7 : vector<128xf32> to vector<1x128xf32>
    %add3A = vector.broadcast %broadcast_in_dim3A : vector<1x128xf32> to vector<2000x128xf32>
    %add3A_8 = arith.addf %dot_general3A_5, %add3A : vector<2000x128xf32>
    %swap3A = arith.constant 0 : index
    %swap3A_9 = arith.constant 0 : index
    %swap3A_10 = vector.load %arg4[%swap3A, %swap3A_9] : memref<2000x128xf32, #tpu.memory_space<vmem>>, vector<2000x128xf32>
    tpu.vector_store %arg4[%swap3A, %swap3A_9], %add3A_8 {strides = array<i32>} : memref<2000x128xf32, #tpu.memory_space<vmem>>, vector<2000x128xf32>,
    return
  }
  func.func @transform_0(%arg0: i32) -> (i32, i32) {
    %c0_i32 = arith.constant 0 : i32
    %c0_i32_0 = arith.constant 0 : i32
    return %arg0, %c0_i32 : i32, i32
  }
  func.func @transform_1(%arg0: i32) -> (i32, i32) {
    %c0_i32 = arith.constant 0 : i32
    %c0_i32_0 = arith.constant 0 : i32
    %c0_i32_1 = arith.constant 0 : i32
    return %c0_i32, %c0_i32_0 : i32, i32
  }
  func.func @transform_2(%arg0: i32) -> i32 {
    %c0_i32 = arith.constant 0 : i32
    %c0_i32_0 = arith.constant 0 : i32
    return %c0_i32 : i32
  }
  func.func @transform_3(%arg0: i32) -> (i32, i32) {
    %c0_i32 = arith.constant 0 : i32
    %c0_i32_0 = arith.constant 0 : i32
    return %arg0, %c0_i32 : i32, i32
  }
}

</mosaic_0001>

<sc_bundles>
// kernel: gather_offload_async_start
scs
__scs_entry_jumppad:
0x0: {  	(pc) =	sbr.rel $0x88, $3  }
0x1: {  	(tag) =	ssettag $0x0;
	lr =	simm.s32 $0x1  }
0x2: {  	[smem:$0x3F75] =	sst lr;
	_ =	strace $0xD0000000  }
0x3: {  	_ = 	snop  }
0x4: {  	_ = 	snop  }
0x5: {  	_ = 	snop  }
0x6: {  	_ = 	snop  }
0x7: {  	_ = 	snop  }
__scs_overlays_trampoline_lowered:
0x8: {  	[smem:$0x3F84] =	sst s0  }
0x9: {  	[smem:$0x3F85] =	sst s1  }
0xa: {  	[smem:$0x3F86] =	sst s2  }
0xb: {  	[smem:$0x3F87] =	sst s3  }
0xc: {  	[smem:$0x3F88] =	sst s4  }
0xd: {  	[smem:$0x3F89] =	sst s5  }
0xe: {  	[smem:$0x3F8A] =	sst s6  }
0xf: {  	[smem:$0x3F8B] =	sst s7  }
0x10: {  	[smem:$0x3F8C] =	sst s8  }
0x11: {  	[smem:$0x3F8D] =	sst s9;
	s0 =	simm.s32 @!p0 $0x0  }
0x12: {  	s1 =	sld [smem:$0x3F73];
	s0 =	simm.s32 @p0 $0x1  }
0x13: {  	[smem:$0x3F8E] =	sst s0;
	s0 =	simm.s32 @!p1 $0x0  }
0x14: {  	s2 =	sld [smem:$0x3F72];
	s0 =	simm.s32 @p1 $0x1  }
0x15: {  	[smem:$0x3F8F] =	sst s0;
	s0 =	simm.s32 @!p2 $0x0  }
0x16: {  	s3 =	sld [smem:$0x3FDB];
	s0 =	simm.s32 @p2 $0x1  }
0x17: {  	s4 =	simm.s32 $0x1BF5;
	[smem:$0x3F91] =	sst s0  }
0x18: {  	s0 =	sld [smem:$0x3F74];
	_ =	swait.ge [sflag:s4], $0x0  }
0x19: {  	s7 =	sld [smem:$0x3F75]  }
0x1a: {  	s8 =	sadd.s32 $0xFFFFE003, lr  }
0x1b: {  	s9 =	sadd.s32 $0xFFFFFEF7, lr;
	s5 =	simm.s32 $0xFFFFFFFF;
	p2 =	slt.u32 s8, $0xFFFFF086  }
0x1c: {  	p1 =	slt.u32 s9, $0xF7A;
	s5 =	simm.s32 @!p2 $0x0  }
0x1d: {  	s5 =	simm.s32 @p1 $0x1;
	p0 =	seq.s32 s7, s2  }
0x1e: {  	s7 =	smul.u32 @!p0 $0xF7A, s2;
	p2 =	seq.s32 @!p0 s5, $0x0  }
0x1f: {  	s9 =	smul.u32 $0xF7A, s1;
	s8 =	simm.s32 @!p0 $0x1BF5;
	p2 =	por !p2, p0  }
0x20: {  	[sflag:s8] =	ssyncset.s32 @!p0 $0xFFFFF086;
	s6 =	sadd.s32 @!p0 s3, s7;
	s7 =	simm.s32 @!p0 $0x108  }
0x21: {  	s3 =	sadd.s32 s3, s9;
	s6 =	sadd.s32 @!p0 $0x88, s6;
	s7 =	simm.s32 @p2 $0x1082  }
0x22: {  	[simem:s7], [sflag:s8] =	dma.local @!p0 [hbm:s6], $0xF7A  }
0x23: {  	s9 =	sor.u32 $0xD0000000, s2;
	s6 =	simm.s32 $0x108;
	_ =	swait.ge @!p0 [sflag:s8], $0x0  }
0x24: {  	s3 =	sadd.s32 $0x88, s3;
	s6 =	simm.s32 @!p1 $0x1082;
	[sflag:s4] =	ssyncset.s32 $0xFFFFF086  }
0x25: {  	[simem:s6], [sflag:s4] =	dma.local [hbm:s3], $0xF7A  }
0x26: {  	[smem:$0x3F75] =	sst s1;
	(tag) =	ssettag s2;
	_ =	strace s9  }
0x27: {  	s1 =	sld [smem:$0x3F85]  }
0x28: {  	s2 =	sld [smem:$0x3F86]  }
0x29: {  	s4 =	sld [smem:$0x3F88]  }
0x2a: {  	p0 =	seq.s32 s5, $0x0;
	s5 =	sld [smem:$0x3F89]  }
0x2b: {  	s6 =	sld [smem:$0x3F8A]  }
0x2c: {  	s7 =	sld [smem:$0x3F8B]  }
0x2d: {  	s3 =	simm.s32 $0x108;
	s8 =	sld [smem:$0x3F8C]  }
0x2e: {  	s3 =	simm.s32 @!p0 $0x1082;
	s9 =	sld [smem:$0x3F8D]  }
0x2f: {  	lr =	sadd.s32 s0, s3;
	s0 =	sld [smem:$0x3F84]  }
0x30: {  	s3 =	sld [smem:$0x3F87]  }
0x31: {  	[smem:$0x3F90] =	sst s10  }
0x32: {  	s10 =	sld [smem:$0x3F8E];
	_ =	sdelay $0x3  }
0x33: {  	p0 =	seq.s32 s10, $0x1;
	s10 =	sld [smem:$0x3F90];
	_ =	sdelay $0x3  }
0x34: {  	[smem:$0x3F90] =	sst s10  }
0x35: {  	s10 =	sld [smem:$0x3F8F];
	_ =	sdelay $0x3  }
0x36: {  	p1 =	seq.s32 s10, $0x1;
	s10 =	sld [smem:$0x3F90];
	_ =	sdelay $0x3  }
0x37: {  	[smem:$0x3F90] =	sst s10  }
0x38: {  	s10 =	sld [smem:$0x3F91]  }
0x39: {  	_ = 	snop;
	(pc) =	sbr.ind lr, $3  }
0x3a: {  	_ = 	snop  }
0x3b: {  	_ = 	snop  }
0x3c: {  	p2 =	seq.s32 s10, $0x1;
	s10 =	sld [smem:$0x3F90]  }
0x3d: {  	_ =	shalt  }
0x3e: {  	_ =	shalt  }
0x3f: {  	_ =	shalt  }
0x40: {  	_ =	shalt  }
0x41: {  	_ =	shalt  }
0x42: {  	_ =	shalt  }
0x43: {  	_ =	shalt  }
0x44: {  	_ =	shalt  }
0x45: {  	_ =	shalt  }
0x46: {  	_ =	shalt  }
0x47: {  	_ =	shalt  }
0x48: {  	_ =	shalt  }
0x49: {  	_ =	shalt  }
0x4a: {  	_ =	shalt  }
0x4b: {  	_ =	shalt  }
0x4c: {  	_ =	shalt  }
0x4d: {  	_ =	shalt  }
0x4e: {  	_ =	shalt  }
0x4f: {  	_ =	shalt  }
0x50: {  	_ =	shalt  }
0x51: {  	_ =	shalt  }
0x52: {  	_ =	shalt  }
0x53: {  	_ =	shalt  }
0x54: {  	_ =	shalt  }
0x55: {  	_ =	shalt  }
0x56: {  	_ =	shalt  }
0x57: {  	_ =	shalt  }
0x58: {  	_ =	shalt  }
0x59: {  	_ =	shalt  }
0x5a: {  	_ =	shalt  }
0x5b: {  	_ =	shalt  }
0x5c: {  	_ =	shalt  }
0x5d: {  	_ =	shalt  }
0x5e: {  	_ =	shalt  }
0x5f: {  	_ =	shalt  }
0x60: {  	_ =	shalt  }
0x61: {  	_ =	shalt  }
0x62: {  	_ =	shalt  }
0x63: {  	_ =	shalt  }
0x64: {  	_ =	shalt  }
0x65: {  	_ =	shalt  }
0x66: {  	_ =	shalt  }
0x67: {  	_ =	shalt  }
0x68: {  	_ =	shalt  }
0x69: {  	_ =	shalt  }
0x6a: {  	_ =	shalt  }
0x6b: {  	_ =	shalt  }
0x6c: {  	_ =	shalt  }
0x6d: {  	_ =	shalt  }
0x6e: {  	_ =	shalt  }
0x6f: {  	_ =	shalt  }
0x70: {  	_ =	shalt  }
0x71: {  	_ =	shalt  }
0x72: {  	_ =	shalt  }
0x73: {  	_ =	shalt  }
0x74: {  	_ =	shalt  }
0x75: {  	_ =	shalt  }
0x76: {  	_ =	shalt  }
0x77: {  	_ =	shalt  }
0x78: {  	_ =	shalt  }
0x79: {  	_ =	shalt  }
0x7a: {  	_ =	shalt  }
0x7b: {  	_ =	shalt  }
0x7c: {  	_ =	shalt  }
0x7d: {  	_ =	shalt  }
0x7e: {  	_ =	shalt  }
0x7f: {  	_ =	shalt  }
0x80: {  	_ =	shalt  }
0x81: {  	_ =	shalt  }
0x82: {  	_ =	shalt  }
0x83: {  	_ =	shalt  }
0x84: {  	_ =	shalt  }
0x85: {  	_ =	shalt  }
0x86: {  	_ =	shalt  }
0x87: {  	_ =	shalt  }
.Lfunc_end0:
.L_simem_size_0:
called_computation.11_lowered:
.L_overlay_start_0:
0x88: {  	s0 =	sld [smem:$0x3FD9]  }
0x89: {  	s1 =	sld [smem:$0x3FFE];
	_ =	sdelay $0x3  }
0x8a: {  	s0 =	sadd.s32 s1, s0  }
0x8b: {  	[smem:$0x3F9C] =	sst s0  }
0x8c: {  	_ = 	snop  }
0x8d: {  	(tm) =	ssettm $0x1  }
0x8e: {  	s15 =	sld [smem:$0x3FFB];
	_ =	sdelay $0x3  }
0x8f: {  	_ =	strace s15  }
0x90: {  	s0 =	sld [smem:$0x3FFC];
	_ =	sdelay $0x3  }
0x91: {  	_ =	strace s0  }
0x92: {  	s0 =	sld [smem:$0x3FFD];
	_ =	sdelay $0x3  }
0x93: {  	_ =	strace s0  }
0x94: {  	_ =	strace $0x8FFFFFFF  }
0x95: {  	s16 =	sld [smem:$0x3FDB];
	_ =	sdelay $0x1  }
0x96: {  	s17 =	simm.s32 $_scs_section_size  }
0x97: {  	s2 =	simm.s32 $_size__tile_overlayer_lowered;
	s3 =	simm.s32 $_tile_overlayer_lowered  }
0x98: {  	s20 =	simm.s32 $0x1BFF;
	s19 =	sshll.u32 s3, $0x1;
	s0 =	sadd.s32 s17, s16  }
0x99: {  	s4 =	simm.s32 $0x0;
	s18 =	sshll.u32 s2, $0x1;
	s2 =	sadd.s32 s19, s0  }
0x9a: {  	[timem:s4], [sflag:s20] =	dma.local [hbm:s2], s18  }
0x9b: {  	_ =	swait.ge [sflag:s20], s18  }
0x9c: {  	s1 =	ssub.s32 $0x0, s18;
	[sflag:s20] =	ssyncset.done $0x0  }
0x9d: {  	[sflag:s20] =	ssyncadd.s32 s1;
	_ =	sdelay $0x1  }
0x9e: {  	s21 =	simm.s32 $0x1B8B  }
0x9f: {  	_ =	swait.ge [sflag:s21], $0x1  }
0xa0: {  	[sflag:s21] =	ssyncset.done $0x0  }
0xa1: {  	s23 =	simm.s32 $0x1B8E;
	s22 =	sld [smem:$0x3FFE];
	[sflag:s21] =	ssyncadd.s32 $0xFFFFFFFF  }
0xa2: {  	s24 =	simm.s32 $execute0_lowered;
	[smem:$0x3FD2] =	sst s23  }
0xa3: {  	s2 =	sshll.u32 s24, $0x1;
	_ =	strace $0x80000049;
	[dreg:$0x1] =	wrdreg $0xFFFFFFFF  }
0xa4: {  	s25 =	simm.s32 $_size_execute0_lowered;
	s0 =	sadd.s32 s0, s2;
	[dreg:$0x0] =	wrdreg $0x0  }
0xa5: {  	s2 =	sshll.u32 s25, $0x1;
	[dreg:$0x2] =	wrdreg s0  }
0xa6: {  	[dreg:$0x3] =	wrdreg s2  }
0xa7: {  	[dreg:$0x4] =	wrdreg $0xC0  }
0xa8: {  	_ =	task [dreg:s4], $0x5FFFF  }
0xa9: {  	[dreg:$0x1] =	wrdreg $0xFFFFFFFF  }
0xaa: {  	[dreg:$0x0] =	wrdreg $0x60  }
0xab: {  	[dreg:$0x2] =	wrdreg s22  }
0xac: {  	[dreg:$0x3] =	wrdreg $0xA  }
0xad: {  	_ =	task.clear_ibuf [dreg:s4], $0x4FFFF;
	_ =	strace $0x90000049  }
0xae: {  	s26 =	simm.s32 $0xA;
	_ =	strace $0x8000004B  }
0xaf: {  	_ =	swait.ge [sflag:s26], $0x1  }
0xb0: {  	[sflag:s26] =	ssyncadd.s32 $0xFFFFFFFF  }
0xb1: {  	_ =	strace $0x9000004B  }
0xb2: {  	_ =	sfence  }
0xb3: {  	s28 =	sld [smem:$0x0];
	_ =	sdelay $0x1  }
0xb4: {  	s29 =	srdreg.scid  }
0xb5: {  	s30 =	sshll.u32 s29, $0xD;
	s31 =	sshrl.u32 s29, $0x2  }
0xb6: {  	s1 =	sand.u32 $0x1, s29;
	s2 =	sand.u32 $0x4000, s30;
	s0 =	sadd.s32 s31, s28  }
0xb7: {  	s1 =	sor.u32 s2, s1;
	s0 =	sshll.u32 s0, $0x11  }
0xb8: {  	s0 =	sor.u32 s0, s1  }
0xb9: {  	s0 =	sadd.s32 $0x8F2B, s0  }
0xba: {  	[sflag:s0] =	ssyncadd.remote.s32 $0x1  }
0xbb: {  	_ =	sfence.sel $0xFFFF  }
0xbc: {  	[dreg:$0x0] =	wrdreg $0xFFFFFFFF;
	(pc) =	sbr.abs _section_cstart, $3  }
0xbd: {  	[dreg:$0x1] =	wrdreg $0xFFFFFFFF  }
0xbe: {  	_ =	task.clear_ibuf [dreg:s4], $0x2FFFF;
	_ =	strace $0x9FFFFFFF  }
0xbf: {  	(tm) =	ssettm $0x7FFFFFFF  }
tec
execute0_lowered:
.L_overlay_start_1:
0x0: {  	(tag) =	ssettag $0x1  }
0x1: {  	s0 =	stileid.u32  }
0x2: {  	s1 =	smul.u32 $0x2E, s0  }
0x3: {  	s2 =	smin.u32 s0, $0xE  }
0x4: {  	s1 =	sadd.s32 s2, s1  }
0x5: {  	p0 =	slt.u32 s0, $0xE;
	s2 =	smul.u32 $0xC8, s1;
	s1 =	simm.s32 $0x24B8  }
0x6: {  	s1 =	simm.s32 @!p0 $0x23F0  }
0x7: {  	s1 =	sadd.s32 s1, s2  }
0x8: {  	s3 =	smin.u32 s1, $0x249F0  }
0x9: {  	s7 =	ssub.s32 s3, s2  }
0xa: {  	p0 =	sgt.s32 s7, $0x0  }
0xb: {  	s7 =	simm.s32 @!p0 $0x0  }
0xc: {  	s4 =	smulhi.u32 $0x51EB851F, s7  }
0xd: {  	s9 =	rddreg [dreg:$0x0];
	s6 =	simm.s32 $0x1;
	s11 =	simm.s32 $0x3  }
0xe: {  	s13 =	simm.s32 $0x0;
	s12 =	simm.s32 $0x0;
	s8 =	sshrl.u32 s4, $0x6  }
0xf: {  	s1 =	rddreg [dreg:$0x1];
	_ =	strace $0x8000004A;
	s10 =	smul.u32 $0xC8, s8  }
.Ltmp0:
0x10: {  	s5 =	sadd.s32 $0x296C00, s9;
	[sflag:s6] =	ssyncpa.u1 $0x0;
	(pc) =	sbr.rel .LBB2_1-.Ltmp0, $4  }
0x11: {  	s4 =	sadd.s32 $0xD2A00, s9;
	p0 =	sne.s32 s7, s10;
	s10 =	simm.s32 $0x1  }
0x12: {  	s9 =	sadd.s32 $0xDCBA00, s9;
	s7 =	simm.s32 $0x2;
	s10 =	simm.s32 @!p0 $0x0  }
0x13: {  	[sflag:s7] =	ssyncpa.u1 $0x0;
	p0 =	por $0x0, $0x0;
	s8 =	sadd.s32 s10, s8  }
0x14: {  	vm0 =	vmmov $0xff;
	vm1 =	vcmask $0x3F20;
	[sflag:s11] =	ssyncpa.u1 $0x0;
	s11 =	smov.u32 s2;
	s10 =	sadd.s32 $0x1, s8  }
.LBB2_10:
0x15: {  	[hbm:s17] =	stream.linear.scatter [tilespmem:s14], [sflag:$0x3], $0x800, $0x38;
	[tilespmem:$0x19190] =	vst v63  }
.LBB2_11:
0x16: {  	s13 =	sadd.s32 $0xC8, s11  }
0x17: {  	s15 =	smov.u32 s2;
	p2 =	slt.s32 s13, s3  }
0x18: {  	s15 =	smov.u32 @p2 s13;
	p2 =	sne.s32 s12, s10  }
.Ltmp1:
0x19: {  	p1 =	slt.u32 s12, $0x2;
	(pc) =	sbr.rel @!p2 .LBB2_12-.Ltmp1, $4  }
0x1a: {  	s14 =	simm.s32 @!p1 $0x3  }
0x1b: {  	s16 =	sadd.s32 $0x1, s12;
	_ =	swait.ge @!p1 [sflag:s14], $0xC800  }
0x1c: {  	p0 =	por !p0, !p0;
	s13 =	smov.u32 s11;
	[sflag:s14] =	ssyncset.done @!p1 $0x0  }
0x1d: {  	s12 =	smov.u32 s16;
	s11 =	smov.u32 s15;
	[sflag:s14] =	ssyncadd.s32 @!p1 $0xFFFF3800  }
.LBB2_1:
0x1e: {  	p1 =	sge.u32 s12, s8  }
0x1f: {  	s14 =	sxor.u32 @!p1 $0xFFFFFFFF, s12  }
0x20: {  	s14 =	sand.u32 @!p1 $0x1, s14  }
0x21: {  	s14 =	smul.u32 @!p1 $0x320, s14  }
0x22: {  	s31 =	sadd.s32 $0xFFFFFFFF, s12;
	s15 =	sshrl.u32 @!p1 s11, $0x3  }
0x23: {  	s16 =	sand.u32 @!p1 $0x7, s11;
	s15 =	sadd.s32 @!p1 s5, s15;
	s14 =	sshrl.u32 @!p1 s14, $0x2  }
0x24: {  	[tilespmem:s14], [sflag:$0x2] =	stream.linear.gather @!p1 [hbm4b:s15+s16], $0xC8, $0x38;
	[tilespmem:$0x19190] =	vst v63  }
0x25: {  	p1 =	sge.u32 s31, s8  }
.Ltmp2:
0x26: {  	_ = 	snop;
	(pc) =	sbr.rel @p1 .LBB2_11-.Ltmp2, $1  }
0x27: {  	_ =	sdelay $0x3  }
0x28: {  	s15 =	sand.u32 $0x1, s12  }
0x29: {  	s14 =	simm.s32 $0x1;
	s16 =	smul.u32 $0x32000, s15  }
0x2a: {  	_ =	swait.ge [sflag:s7], $0xC8;
	s14 =	simm.s32 @!p0 $0x0;
	s15 =	smul.u32 $0x320, s15  }
0x2b: {  	[sflag:s7] =	ssyncset.done $0x0;
	s14 =	smul.u32 $0x32000, s14  }
0x2c: {  	[sflag:s7] =	ssyncadd.s32 $0xFFFFFF38  }
0x2d: {  	s17 =	sshrl.u32 s16, $0x2;
	s16 =	sshrl.u32 s15, $0x2;
	s14 =	sshrl.u32 s14, $0x2  }
0x2e: {  	s15 =	sor.u32 $0x190, s17;
	s17 =	simm.s32 $0x0;
	s14 =	sor.u32 $0x190, s14  }
.LBB2_3:
0x2f: {  	s18 =	sshll.u32 s17, $0x4  }
0x30: {  	s18 =	sand.u32 $0x3FFFFFF0, s18  }
0x31: {  	s18 =	sadd.s32 s18, s16  }
0x32: {  	v0 =	vld.msk [tilespmem:s18+$0x0 ss:$0x1], $0xffff;
	_ =	sdelay $0x4  }
0x33: {  	vm2 =	vgt.s32 v0, $0x0  }
0x34: {  	v0 =	vnsel vm2, $0x0, v0  }
0x35: {  	v0 =	vmin.u32 v0, $0xC34F  }
0x36: {  	s31 =	sshll.u32 s17, $0xC;
	v1 =	vshll.u32 v0, $0x5;
	v0 =	vshll.u32 v0, $0x4  }
0x37: {  	s18 =	sand.u32 $0x3FFFF000, s31;
	v1 =	vand.u32 $0x1FFF00, v1;
	v0 =	vand.u32 $0x70, v0  }
0x38: {  	p1 =	por $0x1, $0x1;
	s19 =	simm.s32 $0x0;
	s18 =	sadd.s32 s18, s15;
	v0 =	vor.u32 v0, v1  }
.LBB2_4:
0x39: {  	_ =	sdelay $0x1  }
0x3a: {  	s19 =	sshra.s32 s19, $0x2;
	p2 =	por p1, p1  }
.Ltmp3:
0x3b: {  	s19 =	sadd.s32 s19, s18;
	(pc) =	sbr.rel @p2 .LBB2_4-.Ltmp3, $4  }
0x3c: {  	[tilespmem:s19], [sflag:$0x1] =	stream.indirect_vreg.gather [hbm:s4], $0x80, v0, vm0, $0x38;
	[tilespmem:$0x19190] =	vst v63  }
0x3d: {  	s19 =	sadd.s32 $0x800, s19  }
0x3e: {  	[tilespmem:s19], [sflag:$0x1] =	stream.indirect_vreg.gather [hbm:s4], $0x80, v0, vm1, $0x38;
	[tilespmem:$0x19190] =	vst v63  }
0x3f: {  	p1 =	por $0x0, $0x0;
	v0 =	vadd.s32 $0x80, v0;
	s19 =	simm.s32 $0x1000  }
0x40: {  	s17 =	sadd.s32 $0x1, s17  }
0x41: {  	p1 =	sne.s32 s17, $0xC  }
.Ltmp4:
0x42: {  	_ = 	snop;
	(pc) =	sbr.rel @p1 .LBB2_3-.Ltmp4, $1  }
0x43: {  	_ =	sdelay $0x3  }
0x44: {  	v0 =	vld.msk [tilespmem:s16+$0xC0 ss:$0x1], $0xff;
	_ =	sdelay $0x4  }
0x45: {  	vm2 =	vgt.s32 v0, $0x0  }
0x46: {  	v0 =	vnsel vm2, $0x0, v0  }
0x47: {  	v0 =	vmin.u32 v0, $0xC34F  }
0x48: {  	v1 =	vshll.u32 v0, $0x5;
	v0 =	vshll.u32 v0, $0x4  }
0x49: {  	v1 =	vand.u32 $0x1FFF00, v1;
	v0 =	vand.u32 $0x70, v0  }
0x4a: {  	s16 =	simm.s32 $0x0;
	p1 =	por $0x1, $0x1;
	v0 =	vor.u32 v0, v1  }
.LBB2_7:
0x4b: {  	p2 =	por p1, p1  }
.Ltmp5:
0x4c: {  	s16 =	sshra.s32 s16, $0x2;
	(pc) =	sbr.rel @p2 .LBB2_7-.Ltmp5, $4  }
0x4d: {  	s16 =	sadd.s32 s16, s15  }
0x4e: {  	s16 =	sadd.s32 $0xC000, s16  }
0x4f: {  	[tilespmem:s16], [sflag:$0x1] =	stream.indirect_vreg.gather [hbm:s4], $0x80, v0, vm0, $0x38;
	[tilespmem:$0x19190] =	vst v63  }
0x50: {  	p1 =	por $0x0, $0x0;
	v0 =	vadd.s32 $0x80, v0;
	s16 =	simm.s32 $0x1000  }
0x51: {  	s15 =	sshll.u32 s13, $0x5  }
0x52: {  	s31 =	sshll.u32 s13, $0x4;
	s15 =	sand.u32 $0xFFFFFF00, s15  }
0x53: {  	_ =	swait.ge [sflag:s6], $0xC800;
	s13 =	sand.u32 $0x70, s31;
	s15 =	sadd.s32 s15, s9  }
0x54: {  	s16 =	sadd.s32 $0x800, s14;
	[sflag:s6] =	ssyncset.done $0x0;
	s13 =	sadd.s32 s13, s15  }
0x55: {  	[sflag:s6] =	ssyncadd.s32 $0xFFFF3800;
	s15 =	simm.s32 $0x100;
	s17 =	sadd.s32 $0x0, s13  }
.LBB2_9:
0x56: {  	[hbm:s17] =	stream.linear.scatter [tilespmem:s14], [sflag:$0x3], $0x800, $0x38;
	[tilespmem:$0x19190] =	vst v63  }
0x57: {  	s17 =	smov.u32 s15;
	s14 =	smov.u32 s16;
	p1 =	sne.s32 s15, $0x1800  }
.Ltmp6:
0x58: {  	s15 =	sadd.s32 $0x100, s15;
	(pc) =	sbr.rel @p1 .LBB2_9-.Ltmp6, $2  }
0x59: {  	_ =	sdelay $0x2  }
0x5a: {  	s16 =	sadd.s32 $0x800, s16;
	s17 =	sadd.s32 s17, s13  }
.Ltmp7:
0x5b: {  	_ = 	snop;
	(pc) =	sbr.rel .LBB2_10-.Ltmp7, $1  }
0x5c: {  	_ =	sdelay $0x3  }
.LBB2_12:
0x5d: {  	_ =	sfence.sel $0x180000  }
0x5e: {  	s2 =	simm.s32 $0x2;
	[bflag:$0x0] =	sbarrier.arrive $0xFFFF  }
0x5f: {  	s30 =	simm.s32 $0x3;
	[sflag:s2] =	ssyncpa.u1 $0x1  }
0x60: {  	s31 =	simm.s32 $0x1;
	[sflag:s30] =	ssyncpa.u1 $0x1  }
0x61: {  	[sflag:s31] =	ssyncpa.u1 $0x1  }
0x62: {  	p0 =	sne.s32 s0, $0x0;
	_ =	strace $0x9000004A  }
0x63: {  	s0 =	sadd.s32 @!p0 $0x100000, s1;
	[bflag:$0x2] =	sbarrier.arrive $0xFFFF  }
0x64: {  	[sflag:s0] =	ssyncadd.tile.s32 @!p0 $0x1;
	_ =	shalt  }
.Lfunc_end2:
_tile_overlayer_lowered:
.L_overlay_start_2:
0x65: {  	(tag) =	ssettag $0x2  }
0x66: {  	s0 =	rddreg [dreg:$0x0];
	s2 =	stileid.u32  }
0x67: {  	s1 =	rddreg [dreg:$0x1];
	p0 =	sne.s32 s2, $0x0  }
0x68: {  	s3 =	rddreg [dreg:$0x2];
	[bflag:$0x3] =	sbarrier.arrive $0xFFFF;
	s2 =	simm.s32 @!p0 $0x1C01  }
0x69: {  	[timem:s3], [sflag:s2] =	dma.local @!p0 [hbm:s0], s1  }
0x6a: {  	s0 =	simm.s32 @!p0 $0x1  }
0x6b: {  	_ =	swait.ge @!p0 [sflag:s0], s1  }
0x6c: {  	s1 =	ssub.s32 @!p0 $0x0, s1;
	[sflag:s0] =	ssyncset.done @!p0 $0x0  }
0x6d: {  	[sflag:s0] =	ssyncadd.s32 @!p0 s1  }
0x6e: {  	[bflag:$0x3] =	sbarrier.arrive $0xFFFF  }
0x6f: {  	_ =	shalt  }

// kernel: scatter_offload_async_start.1
scs
__scs_entry_jumppad:
0x0: {  	(pc) =	sbr.rel $0x88, $3  }
0x1: {  	(tag) =	ssettag $0x0;
	lr =	simm.s32 $0x1  }
0x2: {  	[smem:$0x3F75] =	sst lr;
	_ =	strace $0xD0000000  }
0x3: {  	_ = 	snop  }
0x4: {  	_ = 	snop  }
0x5: {  	_ = 	snop  }
0x6: {  	_ = 	snop  }
0x7: {  	_ = 	snop  }
__scs_overlays_trampoline_lowered:
0x8: {  	[smem:$0x3F84] =	sst s0  }
0x9: {  	[smem:$0x3F85] =	sst s1  }
0xa: {  	[smem:$0x3F86] =	sst s2  }
0xb: {  	[smem:$0x3F87] =	sst s3  }
0xc: {  	[smem:$0x3F88] =	sst s4  }
0xd: {  	[smem:$0x3F89] =	sst s5  }
0xe: {  	[smem:$0x3F8A] =	sst s6  }
0xf: {  	[smem:$0x3F8B] =	sst s7  }
0x10: {  	[smem:$0x3F8C] =	sst s8  }
0x11: {  	[smem:$0x3F8D] =	sst s9;
	s0 =	simm.s32 @!p0 $0x0  }
0x12: {  	s1 =	sld [smem:$0x3F73];
	s0 =	simm.s32 @p0 $0x1  }
0x13: {  	[smem:$0x3F8E] =	sst s0;
	s0 =	simm.s32 @!p1 $0x0  }
0x14: {  	s2 =	sld [smem:$0x3F72];
	s0 =	simm.s32 @p1 $0x1  }
0x15: {  	[smem:$0x3F8F] =	sst s0;
	s0 =	simm.s32 @!p2 $0x0  }
0x16: {  	s3 =	sld [smem:$0x3FDB];
	s0 =	simm.s32 @p2 $0x1  }
0x17: {  	s4 =	simm.s32 $0x1BF5;
	[smem:$0x3F91] =	sst s0  }
0x18: {  	s0 =	sld [smem:$0x3F74];
	_ =	swait.ge [sflag:s4], $0x0  }
0x19: {  	s7 =	sld [smem:$0x3F75]  }
0x1a: {  	s8 =	sadd.s32 $0xFFFFE003, lr  }
0x1b: {  	s9 =	sadd.s32 $0xFFFFFEF7, lr;
	s5 =	simm.s32 $0xFFFFFFFF;
	p2 =	slt.u32 s8, $0xFFFFF086  }
0x1c: {  	p1 =	slt.u32 s9, $0xF7A;
	s5 =	simm.s32 @!p2 $0x0  }
0x1d: {  	s5 =	simm.s32 @p1 $0x1;
	p0 =	seq.s32 s7, s2  }
0x1e: {  	s7 =	smul.u32 @!p0 $0xF7A, s2;
	p2 =	seq.s32 @!p0 s5, $0x0  }
0x1f: {  	s9 =	smul.u32 $0xF7A, s1;
	s8 =	simm.s32 @!p0 $0x1BF5;
	p2 =	por !p2, p0  }
0x20: {  	[sflag:s8] =	ssyncset.s32 @!p0 $0xFFFFF086;
	s6 =	sadd.s32 @!p0 s3, s7;
	s7 =	simm.s32 @!p0 $0x108  }
0x21: {  	s3 =	sadd.s32 s3, s9;
	s6 =	sadd.s32 @!p0 $0x88, s6;
	s7 =	simm.s32 @p2 $0x1082  }
0x22: {  	[simem:s7], [sflag:s8] =	dma.local @!p0 [hbm:s6], $0xF7A  }
0x23: {  	s9 =	sor.u32 $0xD0000000, s2;
	s6 =	simm.s32 $0x108;
	_ =	swait.ge @!p0 [sflag:s8], $0x0  }
0x24: {  	s3 =	sadd.s32 $0x88, s3;
	s6 =	simm.s32 @!p1 $0x1082;
	[sflag:s4] =	ssyncset.s32 $0xFFFFF086  }
0x25: {  	[simem:s6], [sflag:s4] =	dma.local [hbm:s3], $0xF7A  }
0x26: {  	[smem:$0x3F75] =	sst s1;
	(tag) =	ssettag s2;
	_ =	strace s9  }
0x27: {  	s1 =	sld [smem:$0x3F85]  }
0x28: {  	s2 =	sld [smem:$0x3F86]  }
0x29: {  	s4 =	sld [smem:$0x3F88]  }
0x2a: {  	p0 =	seq.s32 s5, $0x0;
	s5 =	sld [smem:$0x3F89]  }
0x2b: {  	s6 =	sld [smem:$0x3F8A]  }
0x2c: {  	s7 =	sld [smem:$0x3F8B]  }
0x2d: {  	s3 =	simm.s32 $0x108;
	s8 =	sld [smem:$0x3F8C]  }
0x2e: {  	s3 =	simm.s32 @!p0 $0x1082;
	s9 =	sld [smem:$0x3F8D]  }
0x2f: {  	lr =	sadd.s32 s0, s3;
	s0 =	sld [smem:$0x3F84]  }
0x30: {  	s3 =	sld [smem:$0x3F87]  }
0x31: {  	[smem:$0x3F90] =	sst s10  }
0x32: {  	s10 =	sld [smem:$0x3F8E];
	_ =	sdelay $0x3  }
0x33: {  	p0 =	seq.s32 s10, $0x1;
	s10 =	sld [smem:$0x3F90];
	_ =	sdelay $0x3  }
0x34: {  	[smem:$0x3F90] =	sst s10  }
0x35: {  	s10 =	sld [smem:$0x3F8F];
	_ =	sdelay $0x3  }
0x36: {  	p1 =	seq.s32 s10, $0x1;
	s10 =	sld [smem:$0x3F90];
	_ =	sdelay $0x3  }
0x37: {  	[smem:$0x3F90] =	sst s10  }
0x38: {  	s10 =	sld [smem:$0x3F91]  }
0x39: {  	_ = 	snop;
	(pc) =	sbr.ind lr, $3  }
0x3a: {  	_ = 	snop  }
0x3b: {  	_ = 	snop  }
0x3c: {  	p2 =	seq.s32 s10, $0x1;
	s10 =	sld [smem:$0x3F90]  }
0x3d: {  	_ =	shalt  }
0x3e: {  	_ =	shalt  }
0x3f: {  	_ =	shalt  }
0x40: {  	_ =	shalt  }
0x41: {  	_ =	shalt  }
0x42: {  	_ =	shalt  }
0x43: {  	_ =	shalt  }
0x44: {  	_ =	shalt  }
0x45: {  	_ =	shalt  }
0x46: {  	_ =	shalt  }
0x47: {  	_ =	shalt  }
0x48: {  	_ =	shalt  }
0x49: {  	_ =	shalt  }
0x4a: {  	_ =	shalt  }
0x4b: {  	_ =	shalt  }
0x4c: {  	_ =	shalt  }
0x4d: {  	_ =	shalt  }
0x4e: {  	_ =	shalt  }
0x4f: {  	_ =	shalt  }
0x50: {  	_ =	shalt  }
0x51: {  	_ =	shalt  }
0x52: {  	_ =	shalt  }
0x53: {  	_ =	shalt  }
0x54: {  	_ =	shalt  }
0x55: {  	_ =	shalt  }
0x56: {  	_ =	shalt  }
0x57: {  	_ =	shalt  }
0x58: {  	_ =	shalt  }
0x59: {  	_ =	shalt  }
0x5a: {  	_ =	shalt  }
0x5b: {  	_ =	shalt  }
0x5c: {  	_ =	shalt  }
0x5d: {  	_ =	shalt  }
0x5e: {  	_ =	shalt  }
0x5f: {  	_ =	shalt  }
0x60: {  	_ =	shalt  }
0x61: {  	_ =	shalt  }
0x62: {  	_ =	shalt  }
0x63: {  	_ =	shalt  }
0x64: {  	_ =	shalt  }
0x65: {  	_ =	shalt  }
0x66: {  	_ =	shalt  }
0x67: {  	_ =	shalt  }
0x68: {  	_ =	shalt  }
0x69: {  	_ =	shalt  }
0x6a: {  	_ =	shalt  }
0x6b: {  	_ =	shalt  }
0x6c: {  	_ =	shalt  }
0x6d: {  	_ =	shalt  }
0x6e: {  	_ =	shalt  }
0x6f: {  	_ =	shalt  }
0x70: {  	_ =	shalt  }
0x71: {  	_ =	shalt  }
0x72: {  	_ =	shalt  }
0x73: {  	_ =	shalt  }
0x74: {  	_ =	shalt  }
0x75: {  	_ =	shalt  }
0x76: {  	_ =	shalt  }
0x77: {  	_ =	shalt  }
0x78: {  	_ =	shalt  }
0x79: {  	_ =	shalt  }
0x7a: {  	_ =	shalt  }
0x7b: {  	_ =	shalt  }
0x7c: {  	_ =	shalt  }
0x7d: {  	_ =	shalt  }
0x7e: {  	_ =	shalt  }
0x7f: {  	_ =	shalt  }
0x80: {  	_ =	shalt  }
0x81: {  	_ =	shalt  }
0x82: {  	_ =	shalt  }
0x83: {  	_ =	shalt  }
0x84: {  	_ =	shalt  }
0x85: {  	_ =	shalt  }
0x86: {  	_ =	shalt  }
0x87: {  	_ =	shalt  }
.Lfunc_end0:
.L_simem_size_0:
called_computation.1_lowered:
.L_overlay_start_0:
0x88: {  	s0 =	sld [smem:$0x3FD9]  }
0x89: {  	s1 =	sld [smem:$0x3FFE];
	_ =	sdelay $0x3  }
0x8a: {  	s0 =	sadd.s32 s1, s0  }
0x8b: {  	[smem:$0x3F9C] =	sst s0  }
0x8c: {  	_ = 	snop  }
0x8d: {  	s14 =	sld [smem:$0x3FD0];
	(tm) =	ssettm $0x1  }
0x8e: {  	s15 =	sld [smem:$0x3FFB];
	_ =	sdelay $0x3  }
0x8f: {  	_ =	strace s15  }
0x90: {  	s0 =	sld [smem:$0x3FFC];
	_ =	sdelay $0x3  }
0x91: {  	_ =	strace s0  }
0x92: {  	s0 =	sld [smem:$0x3FFD];
	_ =	sdelay $0x3  }
0x93: {  	_ =	strace s0  }
0x94: {  	_ =	strace $0x8FFFFFFF  }
0x95: {  	s16 =	sld [smem:$0x3FDB];
	_ =	sdelay $0x1  }
0x96: {  	s2 =	simm.s32 $_scs_section_size  }
0x97: {  	s3 =	simm.s32 $_size__tile_overlayer_lowered;
	s4 =	simm.s32 $_tile_overlayer_lowered  }
0x98: {  	s5 =	simm.s32 $0x1BFF;
	s17 =	sshll.u32 s4, $0x1;
	s2 =	sadd.s32 s2, s16  }
0x99: {  	s18 =	simm.s32 $0x0;
	s3 =	sshll.u32 s3, $0x1;
	s4 =	sadd.s32 s17, s2  }
0x9a: {  	[timem:s18], [sflag:s5] =	dma.local [hbm:s4], s3  }
0x9b: {  	_ =	swait.ge [sflag:s5], s3  }
0x9c: {  	s3 =	ssub.s32 $0x0, s3;
	[sflag:s5] =	ssyncset.done $0x0  }
0x9d: {  	[sflag:s5] =	ssyncadd.s32 s3;
	_ =	sdelay $0x1  }
0x9e: {  	s19 =	simm.s32 $0x1B8B  }
0x9f: {  	_ =	swait.ge [sflag:s19], $0x1  }
0xa0: {  	[sflag:s19] =	ssyncset.done $0x0  }
0xa1: {  	s21 =	simm.s32 $0x1B8E;
	s20 =	sld [smem:$0x3FFE];
	[sflag:s19] =	ssyncadd.s32 $0xFFFFFFFF  }
0xa2: {  	s22 =	simm.s32 $execute0_lowered;
	[smem:$0x3FD2] =	sst s21  }
0xa3: {  	s4 =	sshll.u32 s22, $0x1;
	_ =	strace $0x80000055;
	[dreg:$0x1] =	wrdreg $0xFFFFFFFF  }
0xa4: {  	s23 =	simm.s32 $_size_execute0_lowered;
	s4 =	sadd.s32 s2, s4;
	[dreg:$0x0] =	wrdreg $0x0  }
0xa5: {  	s5 =	sshll.u32 s23, $0x1;
	[dreg:$0x2] =	wrdreg s4  }
0xa6: {  	[dreg:$0x3] =	wrdreg s5  }
0xa7: {  	[dreg:$0x4] =	wrdreg $0xC0  }
0xa8: {  	s24 =	simm.s32 $execute1_lowered;
	_ =	task [dreg:s18], $0x5FFFF  }
0xa9: {  	s4 =	sshll.u32 s24, $0x1;
	[dreg:$0x1] =	wrdreg $0xFFFFFFFF  }
0xaa: {  	s2 =	sadd.s32 s2, s4;
	[dreg:$0x0] =	wrdreg $0x60  }
0xab: {  	[dreg:$0x2] =	wrdreg s2  }
0xac: {  	[dreg:$0x3] =	wrdreg s14  }
0xad: {  	[dreg:$0x4] =	wrdreg s20  }
0xae: {  	[dreg:$0x5] =	wrdreg $0x9  }
0xaf: {  	_ =	task.clear_ibuf [dreg:s18], $0x6FFFF;
	_ =	strace $0x90000055  }
0xb0: {  	s25 =	simm.s32 $0x9;
	_ =	strace $0x80000057  }
0xb1: {  	_ =	swait.ge [sflag:s25], $0x1  }
0xb2: {  	[sflag:s25] =	ssyncadd.s32 $0xFFFFFFFF  }
0xb3: {  	_ =	strace $0x90000057  }
0xb4: {  	_ =	strace $0x80000058;
	[dreg:$0x1] =	wrdreg $0xFFFFFFFF  }
0xb5: {  	[dreg:$0x0] =	wrdreg $0x2030  }
0xb6: {  	[dreg:$0x2] =	wrdreg s20  }
0xb7: {  	[dreg:$0x3] =	wrdreg $0xA  }
0xb8: {  	_ =	task.clear_ibuf [dreg:s18], $0x4FFFF;
	_ =	strace $0x90000058  }
0xb9: {  	s26 =	simm.s32 $0xA;
	_ =	strace $0x8000005A  }
0xba: {  	_ =	swait.ge [sflag:s26], $0x1  }
0xbb: {  	[sflag:s26] =	ssyncadd.s32 $0xFFFFFFFF  }
0xbc: {  	_ =	strace $0x9000005A  }
0xbd: {  	_ =	sfence  }
0xbe: {  	s28 =	sld [smem:$0x0];
	_ =	sdelay $0x1  }
0xbf: {  	s29 =	srdreg.scid  }
0xc0: {  	s30 =	sshll.u32 s29, $0xD;
	s31 =	sshrl.u32 s29, $0x2  }
0xc1: {  	s3 =	sand.u32 $0x4000, s30;
	s2 =	sand.u32 $0x1, s29;
	s1 =	sadd.s32 s31, s28  }
0xc2: {  	s2 =	sor.u32 s3, s2;
	s1 =	sshll.u32 s1, $0x11  }
0xc3: {  	s1 =	sor.u32 s1, s2  }
0xc4: {  	s1 =	sadd.s32 $0x8F2B, s1  }
0xc5: {  	[sflag:s1] =	ssyncadd.remote.s32 $0x1  }
0xc6: {  	_ =	sfence.sel $0xFFFF  }
0xc7: {  	[dreg:$0x0] =	wrdreg $0xFFFFFFFF;
	(pc) =	sbr.abs _section_cstart, $3  }
0xc8: {  	[dreg:$0x1] =	wrdreg $0xFFFFFFFF  }
0xc9: {  	_ =	task.clear_ibuf [dreg:s18], $0x2FFFF;
	_ =	strace $0x9FFFFFFF  }
0xca: {  	(tm) =	ssettm $0x7FFFFFFF  }
0xcb: {  	_ =	shalt  }
tec
execute0_lowered:
.L_overlay_start_1:
0x0: {  	(tag) =	ssettag $0x1  }
0x1: {  	s3 =	rddreg [dreg:$0x0]  }
0x2: {  	s2 =	rddreg [dreg:$0x1]  }
0x3: {  	s5 =	rddreg [dreg:$0x2]  }
0x4: {  	s0 =	rddreg [dreg:$0x3]  }
0x5: {  	s4 =	stileid.u32;
	[bflag:$0x3] =	sbarrier.arrive $0xFFFF;
	s1 =	simm.s32 $_size_execute1_lowered  }
0x6: {  	s30 =	simm.s32 $0x2;
	s13 =	simm.s32 $0x0;
	p0 =	sne.s32 s4, $0x0  }
0x7: {  	s1 =	sshll.u32 s1, $0x1;
	s6 =	simm.s32 @!p0 $0x1C3F;
	s7 =	simm.s32 @!p0 $0x4060  }
0x8: {  	[timem:s7], [sflag:s6] =	dma.local @!p0 [hbm:s3], s1  }
.Ltmp0:
0x9: {  	s8 =	simm.s32 $0x20;
	s9 =	simm.s32 $0x80;
	(pc) =	sbr.rel .LBB2_1-.Ltmp0, $4  }
0xa: {  	s11 =	simm.s32 $0x0;
	s12 =	simm.s32 $0x0;
	s3 =	sshll.u32 s4, $0x9  }
0xb: {  	s4 =	simm.s32 $0x1;
	_ =	strace $0x80000056;
	s31 =	ssub.s32 $0xC200, s3  }
0xc: {  	s5 =	sadd.s32 $0x17B6E00, s5;
	[sflag:s4] =	ssyncpa.u1 $0x0;
	s6 =	sshrl.u32 s31, $0xD  }
0xd: {  	s10 =	smov.u32 s3;
	[sflag:s30] =	ssyncpa.u1 $0x0;
	s7 =	sadd.s32 $0x2, s6  }
.LBB2_5:
0xe: {  	_ =	sdelay $0x3  }
0xf: {  	[tilespmem:v1+s16+$0x0 ss:$0x1] =	vst.idx.msk $0xffff, v2  }
.LBB2_6:
0x10: {  	s16 =	sand.u32 $0x1FFFFFF, s11  }
0x11: {  	s17 =	smulhi.u32 $0x14F8B59, s16;
	_ =	sdelay $0x1  }
0x12: {  	s17 =	sshrl.u32 s17, $0x8  }
0x13: {  	s17 =	smul.u32 $0xC350, s17;
	_ =	sdelay $0x1  }
0x14: {  	s16 =	ssub.s32 s16, s17  }
0x15: {  	s16 =	sshll.u32 s16, $0x4  }
0x16: {  	s16 =	sadd.s32 s5, s16  }
0x17: {  	[hbm4b:s16+s8] =	stream.strided.scatter [tilespmem:s15], [sflag:$0x2], s14, s9, s8, $0x38;
	[tilespmem:$0x10000] =	vst v63  }
.LBB2_7:
0x18: {  	p1 =	slt.u32 s12, $0x2  }
0x19: {  	p2 =	sgt.s32 @!p1 s13, $0xC150  }
0x1a: {  	s14 =	smov.u32 s13;
	s15 =	sshra.s32 @!p1 s13, $0x1F;
	p2 =	por !p2, p1  }
0x1b: {  	s13 =	sand.u32 @!p1 s15, s13;
	s14 =	simm.s32 @p2 $0xC150  }
0x1c: {  	s13 =	ssub.s32 @!p1 s14, s13  }
0x1d: {  	s13 =	sadd.s32 @!p1 $0xFFFF3EB0, s13  }
0x1e: {  	s14 =	sshll.u32 @!p1 s13, $0x7  }
0x1f: {  	p2 =	sgt.s32 @!p1 s13, $0x1FF;
	s13 =	ssub.s32 @!p1 $0x10000, s14  }
0x20: {  	s15 =	sadd.s32 $0x2000, s10;
	p2 =	por !p2, p1;
	s13 =	sshrl.u32 @!p1 s13, $0x2  }
0x21: {  	s13 =	simm.s32 @!p2 $0x0;
	p2 =	sgt.s32 s15, $0xC34F  }
0x22: {  	s15 =	smov.u32 @p2 s3;
	p2 =	sne.s32 s12, s7  }
.Ltmp1:
0x23: {  	_ = 	snop;
	(pc) =	sbr.rel @!p2 .LBB2_8-.Ltmp1, $4  }
0x24: {  	s14 =	simm.s32 @!p1 $0x2  }
0x25: {  	_ =	swait.ge @!p1 [sflag:s14], s13;
	s16 =	ssub.s32 @!p1 $0x0, s13  }
0x26: {  	s13 =	smov.u32 s11;
	s12 =	sadd.s32 $0x1, s12;
	[sflag:s14] =	ssyncset.done @!p1 $0x0  }
0x27: {  	s11 =	smov.u32 s10;
	s10 =	smov.u32 s15;
	[sflag:s14] =	ssyncadd.s32 @!p1 s16  }
.LBB2_1:
0x28: {  	p1 =	sgt.u32 s12, s6  }
0x29: {  	s15 =	smov.u32 s10;
	p2 =	sgt.s32 @!p1 s10, $0xC150  }
0x2a: {  	s14 =	sand.u32 @!p1 $0x1FFFFFF, s10;
	s16 =	sshra.s32 @!p1 s10, $0x1F;
	p2 =	por !p2, p1  }
0x2b: {  	s17 =	smulhi.u32 @!p1 $0x14F8B59, s14;
	s16 =	sand.u32 @!p1 s16, s10;
	s15 =	simm.s32 @p2 $0xC150  }
0x2c: {  	s15 =	ssub.s32 @!p1 s15, s16  }
0x2d: {  	s16 =	sshrl.u32 @!p1 s17, $0x8;
	s15 =	sadd.s32 @!p1 $0xFFFF3EB0, s15  }
0x2e: {  	s17 =	sxor.u32 @!p1 $0xFFFFFFFF, s12;
	s16 =	smul.u32 @!p1 $0xC350, s16;
	s18 =	sshll.u32 @!p1 s15, $0x7  }
0x2f: {  	s17 =	sshll.u32 @!p1 s17, $0xE;
	p2 =	sgt.s32 @!p1 s15, $0x1FF;
	s15 =	ssub.s32 @!p1 $0x10000, s18  }
0x30: {  	s14 =	ssub.s32 @!p1 s14, s16;
	p2 =	por !p2, p1;
	s16 =	sand.u32 @!p1 $0x4000, s17  }
0x31: {  	s17 =	simm.s32 @!p1 $0x20;
	s15 =	sshrl.u32 @!p1 s15, $0x2;
	s14 =	sshll.u32 @!p1 s14, $0x4  }
0x32: {  	s18 =	simm.s32 @!p1 $0x80;
	s15 =	simm.s32 @!p2 $0x0;
	s14 =	sadd.s32 @!p1 s2, s14  }
0x33: {  	[tilespmem:s16], [sflag:$0x1] =	stream.strided.gather @!p1 [hbm4b:s14+s17], s15, s18, s17, $0x38;
	[tilespmem:$0x10000] =	vst v63  }
0x34: {  	p1 =	seq.s32 s12, $0x0  }
0x35: {  	p2 =	sge.u32 @!p1 s12, s7  }
0x36: {  	p1 =	por p1, p2  }
.Ltmp2:
0x37: {  	_ = 	snop;
	(pc) =	sbr.rel @p1 .LBB2_7-.Ltmp2, $1  }
0x38: {  	_ =	sdelay $0x3  }
0x39: {  	p1 =	sgt.s32 s11, $0xC150;
	s14 =	smov.u32 s11;
	s15 =	sshra.s32 s11, $0x1F  }
0x3a: {  	s14 =	simm.s32 @!p1 $0xC150;
	s15 =	sand.u32 s15, s11  }
0x3b: {  	s14 =	ssub.s32 s14, s15  }
0x3c: {  	s14 =	sadd.s32 $0xFFFF3EB0, s14  }
0x3d: {  	s31 =	sshll.u32 s14, $0x7  }
0x3e: {  	s15 =	ssub.s32 $0x10000, s31  }
0x3f: {  	p1 =	sgt.s32 s14, $0x1FF;
	s14 =	sshrl.u32 s15, $0x2;
	s15 =	sadd.s32 $0x200, s11  }
0x40: {  	s14 =	simm.s32 @p1 $0x0;
	p1 =	slt.s32 s15, $0xC350  }
0x41: {  	s15 =	simm.s32 @!p1 $0xC350  }
0x42: {  	s17 =	ssub.s32 s15, s11  }
0x43: {  	p1 =	slt.s32 s17, $0x1  }
.Ltmp3:
0x44: {  	_ = 	snop;
	(pc) =	sbr.rel @p1 .LBB2_6-.Ltmp3, $4  }
0x45: {  	_ = 	snop  }
0x46: {  	s16 =	sshll.u32 s12, $0xE;
	_ =	swait.ge [sflag:s4], s14  }
0x47: {  	s16 =	sand.u32 $0x4000, s16;
	s18 =	ssub.s32 $0x0, s14;
	[sflag:s4] =	ssyncset.done $0x0  }
0x48: {  	s15 =	sor.u32 $0x8000, s16;
	[sflag:s4] =	ssyncadd.s32 s18  }
0x49: {  	v0 =	vmov s16;
	_ =	sdelay $0x2  }
0x4a: {  	s31 =	simm.s32 $0x0;
	p1 =	sne.s32 s17, $0x1  }
.Ltmp4:
0x4b: {  	s16 =	sand.u32 $0x3FE0, s31;
	(pc) =	sbr.rel @!p1 .LBB2_5-.Ltmp4, $2  }
0x4c: {  	v1 =	vmov s15;
	v2 =	vld.idx.msk [tilespmem:v0+s16+$0x0 ss:$0x1], $0xffff;
	_ =	sdelay $0x2  }
0x4d: {  	s17 =	sadd.s32 $0xFFFFFFFF, s17;
	s18 =	simm.s32 $0x20  }
.LBB2_4:
0x4e: {  	s19 =	sand.u32 $0x3FE0, s18;
	p1 =	sne.s32 s17, $0x1;
	s17 =	sadd.s32 $0xFFFFFFFF, s17  }
.Ltmp5:
0x4f: {  	[tilespmem:v1+s16+$0x0 ss:$0x1] =	vst.idx.msk $0xffff, v2;
	v2 =	vld.idx.msk [tilespmem:v0+s19+$0x0 ss:$0x1], $0xffff;
	s16 =	smov.u32 s19;
	(pc) =	sbr.rel @p1 .LBB2_4-.Ltmp5, $2  }
0x50: {  	_ =	sdelay $0x2  }
0x51: {  	s18 =	sadd.s32 $0x20, s18  }
.Ltmp6:
0x52: {  	_ = 	snop;
	(pc) =	sbr.rel .LBB2_5-.Ltmp6, $1  }
0x53: {  	_ =	sdelay $0x3  }
.LBB2_8:
0x54: {  	_ =	sfence.sel $0x180000  }
0x55: {  	s2 =	simm.s32 $0x1;
	[bflag:$0x0] =	sbarrier.arrive $0xFFFF  }
0x56: {  	s31 =	simm.s32 $0x2;
	[sflag:s2] =	ssyncpa.u1 $0x1  }
0x57: {  	[sflag:s31] =	ssyncpa.u1 $0x1  }
0x58: {  	_ =	strace $0x90000056  }
0x59: {  	s0 =	sadd.s32 @!p0 $0x100000, s0;
	[bflag:$0x2] =	sbarrier.arrive $0xFFFF  }
0x5a: {  	[sflag:s0] =	ssyncadd.tile.s32 @!p0 $0x1;
	s0 =	simm.s32 @!p0 $0x3F  }
0x5b: {  	_ =	swait.ge @!p0 [sflag:s0], s1  }
0x5c: {  	s1 =	ssub.s32 @!p0 $0x0, s1;
	[sflag:s0] =	ssyncset.done @!p0 $0x0  }
0x5d: {  	[sflag:s0] =	ssyncadd.s32 @!p0 s1  }
0x5e: {  	[bflag:$0x3] =	sbarrier.arrive $0xFFFF  }
0x5f: {  	_ =	shalt  }
.Lfunc_end2:
execute1_lowered:
.L_overlay_start_2:
0x60: {  	(tag) =	ssettag $0x2  }
0x61: {  	s8 =	rddreg [dreg:$0x0];
	_ =	strace $0x80000059;
	s11 =	simm.s32 $0x1  }
0x62: {  	v0 =	vimm.s32 $0x0;
	[sflag:s11] =	ssyncpa.u1 $0x0  }
0x63: {  	[tilespmem:$0x28] =	vst v0  }
0x64: {  	[tilespmem:$0x38] =	vst v0  }
0x65: {  	[tilespmem:$0x48] =	vst v0  }
0x66: {  	[tilespmem:$0x58] =	vst v0  }
0x67: {  	[tilespmem:$0x68] =	vst v0  }
0x68: {  	[tilespmem:$0x78] =	vst v0  }
0x69: {  	[tilespmem:$0x88] =	vst v0  }
0x6a: {  	[tilespmem:$0x98] =	vst v0  }
0x6b: {  	[tilespmem:$0xA8] =	vst v0  }
0x6c: {  	[tilespmem:$0xB8] =	vst v0  }
0x6d: {  	[tilespmem:$0xC8] =	vst v0  }
0x6e: {  	[tilespmem:$0xD8] =	vst v0  }
0x6f: {  	[tilespmem:$0xE8] =	vst v0  }
0x70: {  	[tilespmem:$0xF8] =	vst v0  }
0x71: {  	[tilespmem:$0x108] =	vst v0  }
0x72: {  	[tilespmem:$0x118] =	vst v0  }
0x73: {  	[tilespmem:$0x128] =	vst v0  }
0x74: {  	[tilespmem:$0x138] =	vst v0  }
0x75: {  	[tilespmem:$0x148] =	vst v0  }
0x76: {  	[tilespmem:$0x158] =	vst v0  }
0x77: {  	[tilespmem:$0x168] =	vst v0  }
0x78: {  	[tilespmem:$0x178] =	vst v0  }
0x79: {  	[tilespmem:$0x188] =	vst v0  }
0x7a: {  	[tilespmem:$0x198] =	vst v0  }
0x7b: {  	[tilespmem:$0x1A8] =	vst v0  }
0x7c: {  	[tilespmem:$0x1B8] =	vst v0  }
0x7d: {  	[tilespmem:$0x1C8] =	vst v0  }
0x7e: {  	[tilespmem:$0x1D8] =	vst v0  }
0x7f: {  	[tilespmem:$0x1E8] =	vst v0  }
0x80: {  	[tilespmem:$0x1F8] =	vst v0  }
0x81: {  	[tilespmem:$0x208] =	vst v0  }
0x82: {  	[tilespmem:$0x218] =	vst v0  }
0x83: {  	[tilespmem:$0x228] =	vst v0  }
0x84: {  	[tilespmem:$0x238] =	vst v0  }
0x85: {  	[tilespmem:$0x248] =	vst v0  }
0x86: {  	[tilespmem:$0x258] =	vst v0  }
0x87: {  	[tilespmem:$0x268] =	vst v0  }
0x88: {  	[tilespmem:$0x278] =	vst v0  }
0x89: {  	[tilespmem:$0x288] =	vst v0  }
0x8a: {  	[tilespmem:$0x298] =	vst v0  }
0x8b: {  	[tilespmem:$0x2A8] =	vst v0  }
0x8c: {  	[tilespmem:$0x2B8] =	vst v0  }
0x8d: {  	[tilespmem:$0x2C8] =	vst v0  }
0x8e: {  	[tilespmem:$0x2D8] =	vst v0  }
0x8f: {  	[tilespmem:$0x2E8] =	vst v0  }
0x90: {  	[tilespmem:$0x2F8] =	vst v0  }
0x91: {  	[tilespmem:$0x308] =	vst v0  }
0x92: {  	[tilespmem:$0x318] =	vst v0  }
0x93: {  	[tilespmem:$0x328] =	vst v0  }
0x94: {  	[tilespmem:$0x338] =	vst v0  }
0x95: {  	[tilespmem:$0x348] =	vst v0  }
0x96: {  	[tilespmem:$0x358] =	vst v0  }
0x97: {  	[tilespmem:$0x368] =	vst v0  }
0x98: {  	[tilespmem:$0x378] =	vst v0  }
0x99: {  	[tilespmem:$0x388] =	vst v0  }
0x9a: {  	[tilespmem:$0x398] =	vst v0  }
0x9b: {  	[tilespmem:$0x3A8] =	vst v0  }
0x9c: {  	[tilespmem:$0x3B8] =	vst v0  }
0x9d: {  	[tilespmem:$0x3C8] =	vst v0  }
0x9e: {  	[tilespmem:$0x3D8] =	vst v0  }
0x9f: {  	[tilespmem:$0x3E8] =	vst v0  }
0xa0: {  	[tilespmem:$0x3F8] =	vst v0  }
0xa1: {  	[tilespmem:$0x408] =	vst v0  }
0xa2: {  	[tilespmem:$0x418] =	vst v0  }
0xa3: {  	[tilespmem:$0x428] =	vst v0  }
0xa4: {  	[tilespmem:$0x438] =	vst v0  }
0xa5: {  	[tilespmem:$0x448] =	vst v0  }
0xa6: {  	[tilespmem:$0x458] =	vst v0  }
0xa7: {  	[tilespmem:$0x468] =	vst v0  }
0xa8: {  	[tilespmem:$0x478] =	vst v0  }
0xa9: {  	[tilespmem:$0x488] =	vst v0  }
0xaa: {  	[tilespmem:$0x498] =	vst v0  }
0xab: {  	[tilespmem:$0x4A8] =	vst v0  }
0xac: {  	[tilespmem:$0x4B8] =	vst v0  }
0xad: {  	[tilespmem:$0x4C8] =	vst v0  }
0xae: {  	[tilespmem:$0x4D8] =	vst v0  }
0xaf: {  	[tilespmem:$0x4E8] =	vst v0  }
0xb0: {  	[tilespmem:$0x4F8] =	vst v0  }
0xb1: {  	[tilespmem:$0x508] =	vst v0  }
0xb2: {  	[tilespmem:$0x518] =	vst v0  }
0xb3: {  	[tilespmem:$0x528] =	vst v0  }
0xb4: {  	[tilespmem:$0x538] =	vst v0  }
0xb5: {  	[tilespmem:$0x548] =	vst v0  }
0xb6: {  	[tilespmem:$0x558] =	vst v0  }
0xb7: {  	[tilespmem:$0x568] =	vst v0  }
0xb8: {  	[tilespmem:$0x578] =	vst v0  }
0xb9: {  	[tilespmem:$0x588] =	vst v0  }
0xba: {  	[tilespmem:$0x598] =	vst v0  }
0xbb: {  	[tilespmem:$0x5A8] =	vst v0  }
0xbc: {  	[tilespmem:$0x5B8] =	vst v0  }
0xbd: {  	[tilespmem:$0x5C8] =	vst v0  }
0xbe: {  	[tilespmem:$0x5D8] =	vst v0  }
0xbf: {  	[tilespmem:$0x5E8] =	vst v0  }
0xc0: {  	[tilespmem:$0x5F8] =	vst v0  }
0xc1: {  	[tilespmem:$0x608] =	vst v0  }
0xc2: {  	[tilespmem:$0x618] =	vst v0  }
0xc3: {  	[tilespmem:$0x628] =	vst v0  }
0xc4: {  	[tilespmem:$0x638] =	vst v0  }
0xc5: {  	[tilespmem:$0x648] =	vst v0  }
0xc6: {  	[tilespmem:$0x658] =	vst v0  }
0xc7: {  	[tilespmem:$0x668] =	vst v0  }
0xc8: {  	[tilespmem:$0x678] =	vst v0  }
0xc9: {  	[tilespmem:$0x688] =	vst v0  }
0xca: {  	[tilespmem:$0x698] =	vst v0  }
0xcb: {  	[tilespmem:$0x6A8] =	vst v0  }
0xcc: {  	[tilespmem:$0x6B8] =	vst v0  }
0xcd: {  	[tilespmem:$0x6C8] =	vst v0  }
0xce: {  	[tilespmem:$0x6D8] =	vst v0  }
0xcf: {  	[tilespmem:$0x6E8] =	vst v0  }
0xd0: {  	[tilespmem:$0x6F8] =	vst v0  }
0xd1: {  	[tilespmem:$0x708] =	vst v0  }
0xd2: {  	[tilespmem:$0x718] =	vst v0  }
0xd3: {  	[tilespmem:$0x728] =	vst v0  }
0xd4: {  	[tilespmem:$0x738] =	vst v0  }
0xd5: {  	[tilespmem:$0x748] =	vst v0  }
0xd6: {  	[tilespmem:$0x758] =	vst v0  }
0xd7: {  	[tilespmem:$0x768] =	vst v0  }
0xd8: {  	[tilespmem:$0x778] =	vst v0  }
0xd9: {  	[tilespmem:$0x788] =	vst v0  }
0xda: {  	[tilespmem:$0x798] =	vst v0  }
0xdb: {  	[tilespmem:$0x7A8] =	vst v0  }
0xdc: {  	[tilespmem:$0x7B8] =	vst v0  }
0xdd: {  	[tilespmem:$0x7C8] =	vst v0  }
0xde: {  	[tilespmem:$0x7D8] =	vst v0  }
0xdf: {  	[tilespmem:$0x7E8] =	vst v0  }
0xe0: {  	[tilespmem:$0x7F8] =	vst v0  }
0xe1: {  	[tilespmem:$0x808] =	vst v0  }
0xe2: {  	[tilespmem:$0x818] =	vst v0  }
0xe3: {  	[tilespmem:$0x828] =	vst v0  }
0xe4: {  	[tilespmem:$0x838] =	vst v0  }
0xe5: {  	[tilespmem:$0x848] =	vst v0  }
0xe6: {  	[tilespmem:$0x858] =	vst v0  }
0xe7: {  	[tilespmem:$0x868] =	vst v0  }
0xe8: {  	[tilespmem:$0x878] =	vst v0  }
0xe9: {  	[tilespmem:$0x888] =	vst v0  }
0xea: {  	[tilespmem:$0x898] =	vst v0  }
0xeb: {  	[tilespmem:$0x8A8] =	vst v0  }
0xec: {  	[tilespmem:$0x8B8] =	vst v0  }
0xed: {  	[tilespmem:$0x8C8] =	vst v0  }
0xee: {  	[tilespmem:$0x8D8] =	vst v0  }
0xef: {  	[tilespmem:$0x8E8] =	vst v0  }
0xf0: {  	[tilespmem:$0x8F8] =	vst v0  }
0xf1: {  	[tilespmem:$0x908] =	vst v0  }
0xf2: {  	[tilespmem:$0x918] =	vst v0  }
0xf3: {  	[tilespmem:$0x928] =	vst v0  }
0xf4: {  	[tilespmem:$0x938] =	vst v0  }
0xf5: {  	[tilespmem:$0x948] =	vst v0  }
0xf6: {  	[tilespmem:$0x958] =	vst v0  }
0xf7: {  	[tilespmem:$0x968] =	vst v0  }
0xf8: {  	[tilespmem:$0x978] =	vst v0  }
0xf9: {  	[tilespmem:$0x988] =	vst v0  }
0xfa: {  	[tilespmem:$0x998] =	vst v0  }
0xfb: {  	[tilespmem:$0x9A8] =	vst v0  }
0xfc: {  	[tilespmem:$0x9B8] =	vst v0  }
0xfd: {  	[tilespmem:$0x9C8] =	vst v0  }
0xfe: {  	[tilespmem:$0x9D8] =	vst v0  }
0xff: {  	[tilespmem:$0x9E8] =	vst v0  }
0x100: {  	[tilespmem:$0x9F8] =	vst v0  }
0x101: {  	[tilespmem:$0xA08] =	vst v0  }
0x102: {  	[tilespmem:$0xA18] =	vst v0  }
0x103: {  	[tilespmem:$0xA28] =	vst v0  }
0x104: {  	[tilespmem:$0xA38] =	vst v0  }
0x105: {  	[tilespmem:$0xA48] =	vst v0  }
0x106: {  	[tilespmem:$0xA58] =	vst v0  }
0x107: {  	[tilespmem:$0xA68] =	vst v0  }
0x108: {  	[tilespmem:$0xA78] =	vst v0  }
0x109: {  	[tilespmem:$0xA88] =	vst v0  }
0x10a: {  	[tilespmem:$0xA98] =	vst v0  }
0x10b: {  	[tilespmem:$0xAA8] =	vst v0  }
0x10c: {  	[tilespmem:$0xAB8] =	vst v0  }
0x10d: {  	[tilespmem:$0xAC8] =	vst v0  }
0x10e: {  	[tilespmem:$0xAD8] =	vst v0  }
0x10f: {  	[tilespmem:$0xAE8] =	vst v0  }
0x110: {  	[tilespmem:$0xAF8] =	vst v0  }
0x111: {  	[tilespmem:$0xB08] =	vst v0  }
0x112: {  	[tilespmem:$0xB18] =	vst v0  }
0x113: {  	[tilespmem:$0xB28] =	vst v0  }
0x114: {  	[tilespmem:$0xB38] =	vst v0  }
0x115: {  	[tilespmem:$0xB48] =	vst v0  }
0x116: {  	[tilespmem:$0xB58] =	vst v0  }
0x117: {  	[tilespmem:$0xB68] =	vst v0  }
0x118: {  	[tilespmem:$0xB78] =	vst v0  }
0x119: {  	[tilespmem:$0xB88] =	vst v0  }
0x11a: {  	[tilespmem:$0xB98] =	vst v0  }
0x11b: {  	[tilespmem:$0xBA8] =	vst v0  }
0x11c: {  	[tilespmem:$0xBB8] =	vst v0  }
0x11d: {  	[tilespmem:$0xBC8] =	vst v0  }
0x11e: {  	[tilespmem:$0xBD8] =	vst v0  }
0x11f: {  	[tilespmem:$0xBE8] =	vst v0  }
0x120: {  	[tilespmem:$0xBF8] =	vst v0  }
0x121: {  	[tilespmem:$0xC08] =	vst v0  }
0x122: {  	[tilespmem:$0xC18] =	vst v0  }
0x123: {  	[tilespmem:$0xC28] =	vst v0  }
0x124: {  	[tilespmem:$0xC38] =	vst v0  }
0x125: {  	[tilespmem:$0xC48] =	vst v0  }
0x126: {  	[tilespmem:$0xC58] =	vst v0  }
0x127: {  	[tilespmem:$0xC68] =	vst v0  }
0x128: {  	[tilespmem:$0xC78] =	vst v0  }
0x129: {  	[tilespmem:$0xC88] =	vst v0  }
0x12a: {  	[tilespmem:$0xC98] =	vst v0  }
0x12b: {  	[tilespmem:$0xCA8] =	vst v0  }
0x12c: {  	[tilespmem:$0xCB8] =	vst v0  }
0x12d: {  	[tilespmem:$0xCC8] =	vst v0  }
0x12e: {  	[tilespmem:$0xCD8] =	vst v0  }
0x12f: {  	[tilespmem:$0xCE8] =	vst v0  }
0x130: {  	[tilespmem:$0xCF8] =	vst v0  }
0x131: {  	[tilespmem:$0xD08] =	vst v0  }
0x132: {  	[tilespmem:$0xD18] =	vst v0  }
0x133: {  	[tilespmem:$0xD28] =	vst v0  }
0x134: {  	[tilespmem:$0xD38] =	vst v0  }
0x135: {  	[tilespmem:$0xD48] =	vst v0  }
0x136: {  	[tilespmem:$0xD58] =	vst v0  }
0x137: {  	[tilespmem:$0xD68] =	vst v0  }
0x138: {  	[tilespmem:$0xD78] =	vst v0  }
0x139: {  	[tilespmem:$0xD88] =	vst v0  }
0x13a: {  	[tilespmem:$0xD98] =	vst v0  }
0x13b: {  	[tilespmem:$0xDA8] =	vst v0  }
0x13c: {  	[tilespmem:$0xDB8] =	vst v0  }
0x13d: {  	[tilespmem:$0xDC8] =	vst v0  }
0x13e: {  	[tilespmem:$0xDD8] =	vst v0  }
0x13f: {  	[tilespmem:$0xDE8] =	vst v0  }
0x140: {  	[tilespmem:$0xDF8] =	vst v0  }
0x141: {  	[tilespmem:$0xE08] =	vst v0  }
0x142: {  	[tilespmem:$0xE18] =	vst v0  }
0x143: {  	[tilespmem:$0xE28] =	vst v0  }
0x144: {  	[tilespmem:$0xE38] =	vst v0  }
0x145: {  	[tilespmem:$0xE48] =	vst v0  }
0x146: {  	[tilespmem:$0xE58] =	vst v0  }
0x147: {  	[tilespmem:$0xE68] =	vst v0  }
0x148: {  	[tilespmem:$0xE78] =	vst v0  }
0x149: {  	[tilespmem:$0xE88] =	vst v0  }
0x14a: {  	[tilespmem:$0xE98] =	vst v0  }
0x14b: {  	[tilespmem:$0xEA8] =	vst v0  }
0x14c: {  	[tilespmem:$0xEB8] =	vst v0  }
0x14d: {  	[tilespmem:$0xEC8] =	vst v0  }
0x14e: {  	[tilespmem:$0xED8] =	vst v0  }
0x14f: {  	[tilespmem:$0xEE8] =	vst v0  }
0x150: {  	[tilespmem:$0xEF8] =	vst v0  }
0x151: {  	[tilespmem:$0xF08] =	vst v0  }
0x152: {  	[tilespmem:$0xF18] =	vst v0  }
0x153: {  	[tilespmem:$0xF28] =	vst v0  }
0x154: {  	[tilespmem:$0xF38] =	vst v0  }
0x155: {  	[tilespmem:$0xF48] =	vst v0  }
0x156: {  	[tilespmem:$0xF58] =	vst v0  }
0x157: {  	[tilespmem:$0xF68] =	vst v0  }
0x158: {  	[tilespmem:$0xF78] =	vst v0  }
0x159: {  	[tilespmem:$0xF88] =	vst v0  }
0x15a: {  	[tilespmem:$0xF98] =	vst v0  }
0x15b: {  	[tilespmem:$0xFA8] =	vst v0  }
0x15c: {  	[tilespmem:$0xFB8] =	vst v0  }
0x15d: {  	[tilespmem:$0xFC8] =	vst v0  }
0x15e: {  	[tilespmem:$0xFD8] =	vst v0  }
0x15f: {  	[tilespmem:$0xFE8] =	vst v0  }
0x160: {  	[tilespmem:$0xFF8] =	vst v0  }
0x161: {  	[tilespmem:$0x1018] =	vst v0  }
0x162: {  	[tilespmem:$0x10D8] =	vst v0  }
0x163: {  	[tilespmem:$0x1048] =	vst v0  }
0x164: {  	[tilespmem:$0x1B28] =	vst v0  }
0x165: {  	[tilespmem:$0x1B18] =	vst v0  }
0x166: {  	[tilespmem:$0x1B08] =	vst v0  }
0x167: {  	[tilespmem:$0x1AF8] =	vst v0  }
0x168: {  	[tilespmem:$0x1AE8] =	vst v0  }
0x169: {  	[tilespmem:$0x1AD8] =	vst v0  }
0x16a: {  	[tilespmem:$0x1AC8] =	vst v0  }
0x16b: {  	[tilespmem:$0x1AB8] =	vst v0  }
0x16c: {  	[tilespmem:$0x1AA8] =	vst v0  }
0x16d: {  	[tilespmem:$0x1A98] =	vst v0  }
0x16e: {  	[tilespmem:$0x1A88] =	vst v0  }
0x16f: {  	[tilespmem:$0x1A78] =	vst v0  }
0x170: {  	[tilespmem:$0x1A68] =	vst v0  }
0x171: {  	[tilespmem:$0x1A58] =	vst v0  }
0x172: {  	[tilespmem:$0x1A48] =	vst v0  }
0x173: {  	[tilespmem:$0x1A38] =	vst v0  }
0x174: {  	[tilespmem:$0x1A28] =	vst v0  }
0x175: {  	[tilespmem:$0x1A18] =	vst v0  }
0x176: {  	[tilespmem:$0x1A08] =	vst v0  }
0x177: {  	[tilespmem:$0x19F8] =	vst v0  }
0x178: {  	[tilespmem:$0x19E8] =	vst v0  }
0x179: {  	[tilespmem:$0x19D8] =	vst v0  }
0x17a: {  	[tilespmem:$0x19C8] =	vst v0  }
0x17b: {  	[tilespmem:$0x19B8] =	vst v0  }
0x17c: {  	[tilespmem:$0x19A8] =	vst v0  }
0x17d: {  	[tilespmem:$0x1998] =	vst v0  }
0x17e: {  	[tilespmem:$0x1988] =	vst v0  }
0x17f: {  	[tilespmem:$0x1978] =	vst v0  }
0x180: {  	[tilespmem:$0x1968] =	vst v0  }
0x181: {  	[tilespmem:$0x1958] =	vst v0  }
0x182: {  	[tilespmem:$0x1948] =	vst v0  }
0x183: {  	[tilespmem:$0x1938] =	vst v0  }
0x184: {  	[tilespmem:$0x1928] =	vst v0  }
0x185: {  	[tilespmem:$0x1918] =	vst v0  }
0x186: {  	[tilespmem:$0x1908] =	vst v0  }
0x187: {  	[tilespmem:$0x18F8] =	vst v0  }
0x188: {  	[tilespmem:$0x18E8] =	vst v0  }
0x189: {  	[tilespmem:$0x18D8] =	vst v0  }
0x18a: {  	[tilespmem:$0x18C8] =	vst v0  }
0x18b: {  	[tilespmem:$0x18B8] =	vst v0  }
0x18c: {  	[tilespmem:$0x18A8] =	vst v0  }
0x18d: {  	[tilespmem:$0x1898] =	vst v0  }
0x18e: {  	[tilespmem:$0x1888] =	vst v0  }
0x18f: {  	[tilespmem:$0x1878] =	vst v0  }
0x190: {  	[tilespmem:$0x1868] =	vst v0  }
0x191: {  	[tilespmem:$0x1858] =	vst v0  }
0x192: {  	[tilespmem:$0x1848] =	vst v0  }
0x193: {  	[tilespmem:$0x1838] =	vst v0  }
0x194: {  	[tilespmem:$0x1828] =	vst v0  }
0x195: {  	[tilespmem:$0x1818] =	vst v0  }
0x196: {  	[tilespmem:$0x1808] =	vst v0  }
0x197: {  	[tilespmem:$0x17F8] =	vst v0  }
0x198: {  	[tilespmem:$0x17E8] =	vst v0  }
0x199: {  	[tilespmem:$0x17D8] =	vst v0  }
0x19a: {  	[tilespmem:$0x17C8] =	vst v0  }
0x19b: {  	[tilespmem:$0x17B8] =	vst v0  }
0x19c: {  	[tilespmem:$0x17A8] =	vst v0  }
0x19d: {  	[tilespmem:$0x1798] =	vst v0  }
0x19e: {  	[tilespmem:$0x1788] =	vst v0  }
0x19f: {  	[tilespmem:$0x1778] =	vst v0  }
0x1a0: {  	[tilespmem:$0x1768] =	vst v0  }
0x1a1: {  	[tilespmem:$0x1758] =	vst v0  }
0x1a2: {  	[tilespmem:$0x1748] =	vst v0  }
0x1a3: {  	[tilespmem:$0x1738] =	vst v0  }
0x1a4: {  	[tilespmem:$0x1728] =	vst v0  }
0x1a5: {  	[tilespmem:$0x1718] =	vst v0  }
0x1a6: {  	[tilespmem:$0x1708] =	vst v0  }
0x1a7: {  	[tilespmem:$0x16F8] =	vst v0  }
0x1a8: {  	[tilespmem:$0x16E8] =	vst v0  }
0x1a9: {  	[tilespmem:$0x16D8] =	vst v0  }
0x1aa: {  	[tilespmem:$0x16C8] =	vst v0  }
0x1ab: {  	[tilespmem:$0x16B8] =	vst v0  }
0x1ac: {  	[tilespmem:$0x16A8] =	vst v0  }
0x1ad: {  	[tilespmem:$0x1698] =	vst v0  }
0x1ae: {  	[tilespmem:$0x1688] =	vst v0  }
0x1af: {  	[tilespmem:$0x1678] =	vst v0  }
0x1b0: {  	[tilespmem:$0x1668] =	vst v0  }
0x1b1: {  	[tilespmem:$0x1658] =	vst v0  }
0x1b2: {  	[tilespmem:$0x1648] =	vst v0  }
0x1b3: {  	[tilespmem:$0x1638] =	vst v0  }
0x1b4: {  	[tilespmem:$0x1628] =	vst v0  }
0x1b5: {  	[tilespmem:$0x1618] =	vst v0  }
0x1b6: {  	[tilespmem:$0x1608] =	vst v0  }
0x1b7: {  	[tilespmem:$0x15F8] =	vst v0  }
0x1b8: {  	[tilespmem:$0x15E8] =	vst v0  }
0x1b9: {  	[tilespmem:$0x15D8] =	vst v0  }
0x1ba: {  	[tilespmem:$0x15C8] =	vst v0  }
0x1bb: {  	[tilespmem:$0x15B8] =	vst v0  }
0x1bc: {  	[tilespmem:$0x15A8] =	vst v0  }
0x1bd: {  	[tilespmem:$0x1598] =	vst v0  }
0x1be: {  	[tilespmem:$0x1588] =	vst v0  }
0x1bf: {  	[tilespmem:$0x1578] =	vst v0  }
0x1c0: {  	[tilespmem:$0x1568] =	vst v0  }
0x1c1: {  	[tilespmem:$0x1558] =	vst v0  }
0x1c2: {  	[tilespmem:$0x1548] =	vst v0  }
0x1c3: {  	[tilespmem:$0x1538] =	vst v0  }
0x1c4: {  	[tilespmem:$0x1528] =	vst v0  }
0x1c5: {  	[tilespmem:$0x1518] =	vst v0  }
0x1c6: {  	[tilespmem:$0x1508] =	vst v0  }
0x1c7: {  	[tilespmem:$0x14F8] =	vst v0  }
0x1c8: {  	[tilespmem:$0x14E8] =	vst v0  }
0x1c9: {  	[tilespmem:$0x14D8] =	vst v0  }
0x1ca: {  	[tilespmem:$0x14C8] =	vst v0  }
0x1cb: {  	[tilespmem:$0x14B8] =	vst v0  }
0x1cc: {  	[tilespmem:$0x14A8] =	vst v0  }
0x1cd: {  	[tilespmem:$0x1498] =	vst v0  }
0x1ce: {  	[tilespmem:$0x1488] =	vst v0  }
0x1cf: {  	[tilespmem:$0x1478] =	vst v0  }
0x1d0: {  	[tilespmem:$0x1468] =	vst v0  }
0x1d1: {  	[tilespmem:$0x1458] =	vst v0  }
0x1d2: {  	[tilespmem:$0x1448] =	vst v0  }
0x1d3: {  	[tilespmem:$0x1438] =	vst v0  }
0x1d4: {  	[tilespmem:$0x1428] =	vst v0  }
0x1d5: {  	[tilespmem:$0x1418] =	vst v0  }
0x1d6: {  	[tilespmem:$0x1408] =	vst v0  }
0x1d7: {  	[tilespmem:$0x13F8] =	vst v0  }
0x1d8: {  	[tilespmem:$0x13E8] =	vst v0  }
0x1d9: {  	[tilespmem:$0x13D8] =	vst v0  }
0x1da: {  	[tilespmem:$0x13C8] =	vst v0  }
0x1db: {  	[tilespmem:$0x13B8] =	vst v0  }
0x1dc: {  	[tilespmem:$0x13A8] =	vst v0  }
0x1dd: {  	[tilespmem:$0x1398] =	vst v0  }
0x1de: {  	[tilespmem:$0x1388] =	vst v0  }
0x1df: {  	[tilespmem:$0x1378] =	vst v0  }
0x1e0: {  	[tilespmem:$0x1368] =	vst v0  }
0x1e1: {  	[tilespmem:$0x1358] =	vst v0  }
0x1e2: {  	[tilespmem:$0x1348] =	vst v0  }
0x1e3: {  	[tilespmem:$0x1338] =	vst v0  }
0x1e4: {  	[tilespmem:$0x1328] =	vst v0  }
0x1e5: {  	[tilespmem:$0x1318] =	vst v0  }
0x1e6: {  	[tilespmem:$0x1308] =	vst v0  }
0x1e7: {  	[tilespmem:$0x12F8] =	vst v0  }
0x1e8: {  	[tilespmem:$0x12E8] =	vst v0  }
0x1e9: {  	[tilespmem:$0x12D8] =	vst v0  }
0x1ea: {  	[tilespmem:$0x12C8] =	vst v0  }
0x1eb: {  	[tilespmem:$0x12B8] =	vst v0  }
0x1ec: {  	[tilespmem:$0x12A8] =	vst v0  }
0x1ed: {  	[tilespmem:$0x1298] =	vst v0  }
0x1ee: {  	[tilespmem:$0x1288] =	vst v0  }
0x1ef: {  	[tilespmem:$0x1278] =	vst v0  }
0x1f0: {  	[tilespmem:$0x1268] =	vst v0  }
0x1f1: {  	[tilespmem:$0x1258] =	vst v0  }
0x1f2: {  	[tilespmem:$0x1248] =	vst v0  }
0x1f3: {  	[tilespmem:$0x1238] =	vst v0  }
0x1f4: {  	[tilespmem:$0x1228] =	vst v0  }
0x1f5: {  	[tilespmem:$0x1218] =	vst v0  }
0x1f6: {  	[tilespmem:$0x1208] =	vst v0  }
0x1f7: {  	[tilespmem:$0x11F8] =	vst v0  }
0x1f8: {  	[tilespmem:$0x11E8] =	vst v0  }
0x1f9: {  	[tilespmem:$0x11D8] =	vst v0  }
0x1fa: {  	[tilespmem:$0x11C8] =	vst v0  }
0x1fb: {  	[tilespmem:$0x11B8] =	vst v0  }
0x1fc: {  	[tilespmem:$0x11A8] =	vst v0  }
0x1fd: {  	[tilespmem:$0x1198] =	vst v0  }
0x1fe: {  	[tilespmem:$0x1188] =	vst v0  }
0x1ff: {  	[tilespmem:$0x1178] =	vst v0  }
0x200: {  	[tilespmem:$0x1168] =	vst v0  }
0x201: {  	[tilespmem:$0x1158] =	vst v0  }
0x202: {  	[tilespmem:$0x1148] =	vst v0  }
0x203: {  	[tilespmem:$0x1138] =	vst v0  }
0x204: {  	[tilespmem:$0x1128] =	vst v0  }
0x205: {  	s2 =	stileid.u32;
	[tilespmem:$0x1118] =	vst v0  }
0x206: {  	s0 =	smul.u32 $0x15, s2;
	[tilespmem:$0x1108] =	vst v0  }
0x207: {  	s1 =	smin.u32 s2, $0xC;
	[tilespmem:$0x10F8] =	vst v0  }
0x208: {  	[tilespmem:$0x10E8] =	vst v0;
	s0 =	sadd.s32 s1, s0  }
0x209: {  	p0 =	slt.u32 s2, $0xC;
	[tilespmem:$0x10B8] =	vst v0;
	s1 =	simm.s32 $0x2520;
	s3 =	smul.u32 $0x1B0, s0  }
0x20a: {  	s1 =	simm.s32 @!p0 $0x2370;
	[tilespmem:$0x10C8] =	vst v0  }
0x20b: {  	[tilespmem:$0x10A8] =	vst v0;
	s0 =	sadd.s32 s1, s3  }
0x20c: {  	[tilespmem:$0x1038] =	vst v0;
	s4 =	smin.u32 s0, $0x249F0  }
0x20d: {  	[tilespmem:$0x1098] =	vst v0;
	s0 =	ssub.s32 s4, s3  }
0x20e: {  	s5 =	simm.s32 $0x2;
	s29 =	simm.s32 $0x7;
	[tilespmem:$0x1088] =	vst v0;
	p0 =	sgt.s32 s0, $0x0  }
0x20f: {  	s13 =	simm.s32 $0x8;
	s30 =	simm.s32 $0x9;
	[tilespmem:$0x1078] =	vst v0;
	s0 =	simm.s32 @!p0 $0x0  }
0x210: {  	p4 =	por $0x0, $0x0;
	s14 =	simm.s32 $0xA;
	[tilespmem:$0x1068] =	vst v0;
	s6 =	smulhi.u32 $0x4BDA12F7, s0  }
0x211: {  	s18 =	simm.s32 $0x0;
	s15 =	simm.s32 $0x0;
	s17 =	simm.s32 $0x0;
	[tilespmem:$0x1058] =	vst v0  }
0x212: {  	s7 =	sadd.s32 $0x125FA00, s8;
	s31 =	sshll.u32 s2, $0x5;
	[tilespmem:$0x1028] =	vst v0;
	s12 =	sshrl.u32 s6, $0x7  }
0x213: {  	[tilespmem:$0x1008] =	vst v0;
	[sflag:s5] =	ssyncpa.u1 $0x0;
	v0 =	vimm.s32 $0xFFFFFFFF;
	s5 =	sadd.s32 $0x25EE00, s8;
	s10 =	smul.u32 $0x1B0, s12  }
.Ltmp7:
0x214: {  	[dreg:$0x2] =	wrdreg s31;
	[tilespmem:$0x3648] =	vst v0;
	[sflag:s29] =	ssyncpa.u1 $0x0;
	(pc) =	sbr.rel .LBB3_1-.Ltmp7, $4  }
0x215: {  	[sflag:s13] =	ssyncpa.u1 $0x0;
	s13 =	simm.s32 $0x0;
	p0 =	sne.s32 s0, s10  }
0x216: {  	[sflag:s30] =	ssyncpa.u1 $0x0;
	s1 =	sadd.s32 $0x17B6E00, s8;
	s11 =	simm.s32 @!p0 $0x0  }
0x217: {  	s16 =	smov.u32 s3;
	[dreg:$0x3] =	wrdreg s3;
	s11 =	sadd.s32 s11, s12  }
0x218: {  	v0 =	vlaneseq.u32;
	s6 =	sadd.s32 $0x25A400, s8;
	p0 =	por $0x1, $0x1;
	s8 =	sadd.s32 $0x1, s11  }
.LBB3_18:
0x219: {  	s0 =	simm.s32 $0x2  }
0x21a: {  	_ =	swait.ge [sflag:s0], $0x0  }
0x21b: {  	[sflag:s0] =	ssyncset.done $0x0;
	s0 =	simm.s32 $0x0  }
.LBB3_19:
0x21c: {  	_ =	swait.ge [sflag:s14], s0  }
0x21d: {  	s31 =	ssub.s32 $0x0, s0;
	v1 =	vmov s20;
	vm0 =	veq.s32 v0, $0x0;
	[sflag:s14] =	ssyncset.done $0x0  }
0x21e: {  	vm15 =	veq.s32 v0, $0x2;
	v1 =	vsel vm0, s24, v1;
	[sflag:s14] =	ssyncadd.s32 s31  }
0x21f: {  	v1 =	vsel vm15, s18, v1;
	[sflag:s14] =	ssyncpa.u1 $0x1  }
0x220: {  	[tilespmem:$0x3648] =	vst v1  }
.LBB3_20:
0x221: {  	s0 =	sadd.s32 $0x1B0, s16  }
0x222: {  	s2 =	smov.u32 s3;
	p1 =	slt.s32 s0, s4  }
0x223: {  	s2 =	smov.u32 @p1 s0;
	p1 =	sne.s32 s17, s8  }
.Ltmp8:
0x224: {  	_ = 	snop;
	(pc) =	sbr.rel @!p1 .LBB3_21-.Ltmp8, $4  }
0x225: {  	_ = 	snop  }
0x226: {  	s18 =	smov.u32 s15  }
0x227: {  	s31 =	sadd.s32 $0x1, s17;
	s15 =	smov.u32 s16;
	p0 =	por !p0, !p0  }
0x228: {  	p4 =	por !p4, !p4;
	s17 =	smov.u32 s31;
	s16 =	smov.u32 s2  }
.LBB3_1:
0x229: {  	p2 =	sge.u32 s17, s11  }
0x22a: {  	s0 =	smulhi.u32 @!p2 $0xAAAAAAAB, s17  }
0x22b: {  	s19 =	smov.u32 s16;
	p3 =	sgt.s32 @!p2 s16, $0x24840  }
0x22c: {  	s20 =	sshra.s32 @!p2 s16, $0x1F;
	p3 =	por !p3, p2;
	s0 =	sshrl.u32 @!p2 s0, $0x1  }
0x22d: {  	s20 =	sand.u32 @!p2 s20, s16;
	s19 =	simm.s32 @p3 $0x24840;
	s0 =	smul.u32 @!p2 $0x3, s0  }
0x22e: {  	s19 =	ssub.s32 @!p2 s19, s20  }
0x22f: {  	s19 =	sadd.s32 @!p2 $0xFFFDB7C0, s19;
	s0 =	ssub.s32 @!p2 s17, s0  }
0x230: {  	s20 =	sshll.u32 @!p2 s19, $0x2;
	p3 =	sgt.s32 @!p2 s19, $0x1AF;
	s0 =	smul.u32 @!p2 $0x6C0, s0  }
0x231: {  	s21 =	sand.u32 @!p2 $0x7, s16;
	s19 =	ssub.s32 @!p2 $0x6C0, s20;
	p3 =	por !p3, p2  }
0x232: {  	s20 =	sshrl.u32 @!p2 s16, $0x3;
	s19 =	sshrl.u32 @!p2 s19, $0x2;
	s0 =	sshrl.u32 @!p2 s0, $0x2  }
0x233: {  	s20 =	sadd.s32 @!p2 s5, s20;
	s19 =	simm.s32 @!p3 $0x0;
	s0 =	sadd.s32 @!p2 $0x3878, s0  }
0x234: {  	[tilespmem:s0], [sflag:$0x8] =	stream.linear.gather @!p2 [hbm4b:s20+s21], s19, $0x38;
	[tilespmem:$0x1F0E8] =	vst v63  }
0x235: {  	s20 =	sadd.s32 $0xFFFFFFFF, s17  }
0x236: {  	p2 =	sge.u32 s20, s11  }
0x237: {  	p3 =	sgt.s32 @!p2 s15, $0x24840  }
0x238: {  	s0 =	smov.u32 s15;
	s19 =	sshra.s32 @!p2 s15, $0x1F;
	p3 =	por !p3, p2  }
0x239: {  	s19 =	sand.u32 @!p2 s19, s15;
	s0 =	simm.s32 @p3 $0x24840  }
0x23a: {  	s0 =	ssub.s32 @!p2 s0, s19  }
0x23b: {  	s0 =	sadd.s32 @!p2 $0xFFFDB7C0, s0  }
0x23c: {  	s19 =	sshll.u32 @!p2 s0, $0x2  }
0x23d: {  	p3 =	sgt.s32 @!p2 s0, $0x1AF;
	s0 =	ssub.s32 @!p2 $0x6C0, s19  }
0x23e: {  	p3 =	por !p3, p2;
	s0 =	sshrl.u32 @!p2 s0, $0x2  }
0x23f: {  	s21 =	simm.s32 @!p2 $0x8;
	s19 =	sand.u32 @!p2 $0x1, s20;
	s0 =	simm.s32 @!p3 $0x0  }
0x240: {  	s19 =	smul.u32 @!p2 $0x6C0, s19;
	_ =	swait.ge @!p2 [sflag:s21], s0  }
0x241: {  	s22 =	ssub.s32 @!p2 $0x0, s0;
	[sflag:s21] =	ssyncset.done @!p2 $0x0  }
0x242: {  	s19 =	sshrl.u32 @!p2 s19, $0x2;
	[sflag:s21] =	ssyncadd.s32 @!p2 s22;
	s21 =	sshrl.u32 @!p2 s15, $0x3  }
0x243: {  	s19 =	sadd.s32 @!p2 $0x3D88, s19;
	s22 =	sand.u32 @!p2 $0x7, s15;
	s21 =	sadd.s32 @!p2 s6, s21  }
0x244: {  	[tilespmem:s19], [sflag:$0x9] =	stream.linear.gather @!p2 [hbm4b:s21+s22], s0, $0x38;
	[tilespmem:$0x1F0E8] =	vst v63  }
0x245: {  	s19 =	ssub.s32 @!p2 $0x249F0, s15  }
0x246: {  	p3 =	slt.s32 @!p2 s19, $0x1  }
0x247: {  	p3 =	por p2, p3  }
.Ltmp9:
0x248: {  	_ = 	snop;
	(pc) =	sbr.rel @p3 .LBB3_7-.Ltmp9, $1  }
0x249: {  	_ =	sdelay $0x3  }
0x24a: {  	s0 =	smulhi.u32 $0xAAAAAAAB, s20;
	_ =	sdelay $0x1  }
0x24b: {  	s0 =	sshrl.u32 s0, $0x1  }
0x24c: {  	s0 =	smul.u32 $0x3, s0;
	_ =	sdelay $0x1  }
0x24d: {  	s0 =	ssub.s32 s20, s0  }
0x24e: {  	s21 =	simm.s32 $0x1;
	s0 =	smul.u32 $0x6C0, s0  }
.Ltmp10:
0x24f: {  	s21 =	simm.s32 @!p0 $0x0;
	(pc) =	sbr.rel .LBB3_4-.Ltmp10, $4  }
0x250: {  	s31 =	smul.u32 $0x36000, s21  }
0x251: {  	p3 =	slt.s32 @!p2 s19, $0x1B0;
	s0 =	sshrl.u32 s0, $0x2  }
0x252: {  	p2 =	por !p3, p2;
	s20 =	sshrl.u32 s31, $0x2;
	s0 =	sadd.s32 $0x3878, s0  }
0x253: {  	s19 =	simm.s32 @p2 $0x1B0;
	s21 =	simm.s32 $0x0;
	s20 =	sadd.s32 $0x40E8, s20;
	v1 =	vmov s0  }
.LBB3_3:
0x254: {  	p2 =	sge.s32 s21, s19  }
.Ltmp11:
0x255: {  	_ = 	snop;
	(pc) =	sbr.rel @p2 .LBB3_7-.Ltmp11, $2  }
0x256: {  	_ =	sdelay $0x2  }
0x257: {  	s20 =	sadd.s32 $0x800, s20  }
.LBB3_4:
0x258: {  	p2 =	sle.s32 s19, s21  }
.Ltmp12:
0x259: {  	_ = 	snop;
	(pc) =	sbr.rel @p2 .LBB3_3-.Ltmp12, $2  }
0x25a: {  	_ =	sdelay $0x2  }
0x25b: {  	s22 =	smov.u32 s21;
	s21 =	sadd.s32 $0x10, s21  }
0x25c: {  	s0 =	ssub.s32 s19, s22  }
0x25d: {  	p2 =	slt.s32 s0, $0x10  }
0x25e: {  	s0 =	simm.s32 @!p2 $0x10  }
0x25f: {  	v2 =	vmov s0  }
0x260: {  	vm0 =	vgt.s32 v2, v0;
	_ =	sdelay $0x5  }
0x261: {  	v2 =	vld.idx.msk [tilespmem:v1+s22+$0x0 ss:$0x1], vm0;
	_ =	sdelay $0x2  }
0x262: {  	s23 =	smov.u32 s19;
	p2 =	slt.s32 s21, s19  }
0x263: {  	s24 =	smov.u32 s20;
	s25 =	simm.s32 $0x0;
	s23 =	smov.u32 @p2 s21  }
.LBB3_6:
0x264: {  	(v2sf) =	vpush v2, s25;
	_ =	sdelay $0xc  }
0x265: {  	s25 =	sadd.s32 $0x1, s25  }
0x266: {  	s31 =	sadd.s32 s25, s22  }
0x267: {  	p2 =	slt.s32 s31, s23;
	s0 =	spop (v2sf)  }
.Ltmp13:
0x268: {  	s0 =	sshll.u32 s0, $0x4;
	(pc) =	sbr.rel @p2 .LBB3_6-.Ltmp13, $4  }
0x269: {  	s0 =	sand.u32 $0x1FFFFFF0, s0  }
0x26a: {  	s0 =	sadd.s32 s7, s0  }
0x26b: {  	[tilespmem:s24], [sflag:$0x7] =	stream.linear.gather [hbm4b:s0+s13], $0x4, $0x38;
	[tilespmem:$0x1F0E8] =	vst v63  }
0x26c: {  	s24 =	sadd.s32 $0x80, s24  }
.Ltmp14:
0x26d: {  	_ = 	snop;
	(pc) =	sbr.rel .LBB3_3-.Ltmp14, $1  }
0x26e: {  	_ =	sdelay $0x3  }
.LBB3_7:
0x26f: {  	p2 =	slt.u32 s17, $0x2  }
.Ltmp15:
0x270: {  	_ = 	snop;
	(pc) =	sbr.rel @p2 .LBB3_20-.Ltmp15, $1  }
0x271: {  	_ =	sdelay $0x3  }
0x272: {  	p2 =	sgt.s32 s18, $0x24840;
	s0 =	smov.u32 s18  }
0x273: {  	s19 =	sshra.s32 s18, $0x1F;
	s20 =	ssub.s32 $0x249F0, s18;
	s0 =	simm.s32 @!p2 $0x24840  }
0x274: {  	s19 =	sand.u32 s19, s18;
	p2 =	slt.s32 s20, $0x1B0;
	s21 =	smov.u32 s20  }
0x275: {  	s0 =	ssub.s32 s0, s19;
	s21 =	simm.s32 @!p2 $0x1B0  }
0x276: {  	s0 =	sadd.s32 $0xFFFDB7C0, s0;
	s26 =	sshll.u32 s21, $0x2  }
0x277: {  	s2 =	simm.s32 $0x7;
	s28 =	sshll.u32 s0, $0x2;
	s19 =	sand.u32 $0x3FFFFFFC, s26  }
0x278: {  	p2 =	sgt.s32 s0, $0x1AF;
	s29 =	ssub.s32 $0x6C0, s28;
	_ =	swait.ge [sflag:s2], s19  }
0x279: {  	s19 =	ssub.s32 $0x0, s19;
	[sflag:s2] =	ssyncset.done $0x0;
	s0 =	sshrl.u32 s29, $0x2  }
0x27a: {  	s30 =	simm.s32 $0x9;
	[sflag:s2] =	ssyncadd.s32 s19;
	s0 =	simm.s32 @p2 $0x0  }
0x27b: {  	_ =	swait.ge [sflag:s30], s0  }
0x27c: {  	s0 =	ssub.s32 $0x0, s0;
	[sflag:s30] =	ssyncset.done $0x0  }
0x27d: {  	[sflag:s30] =	ssyncadd.s32 s0  }
0x27e: {  	v1 =	vld [tilespmem:$0x3648];
	_ =	sdelay $0x4  }
0x27f: {  	(v2sf) =	vpush v1, $0x0  }
0x280: {  	(v2sf) =	vpush v1, $0x1  }
0x281: {  	(v2sf) =	vpush v1, $0x2;
	_ =	sdelay $0x3  }
0x282: {  	s0 =	sadd.s32 $0x1B0, s18  }
0x283: {  	p2 =	slt.s32 s4, s0  }
0x284: {  	s0 =	smov.u32 @p2 s4;
	p2 =	sgt.s32 s20, $0x0  }
0x285: {  	s22 =	ssub.s32 s0, s18;
	s20 =	simm.s32 @!p2 $0x0  }
0x286: {  	p2 =	slt.s32 s20, s22  }
0x287: {  	s22 =	smov.u32 @p2 s20  }
0x288: {  	s21 =	simm.s32 $0x1;
	p2 =	slt.s32 s22, $0x1  }
.Ltmp16:
0x289: {  	s21 =	simm.s32 @!p4 $0x0;
	(pc) =	sbr.rel @p2 .LBB3_12-.Ltmp16, $4  }
0x28a: {  	s31 =	smul.u32 $0x6C0, s21  }
0x28b: {  	s23 =	spop (v2sf)  }
0x28c: {  	s0 =	sshrl.u32 s31, $0x2;
	s25 =	spop (v2sf)  }
0x28d: {  	s19 =	sadd.s32 $0x3D88, s0;
	s18 =	spop (v2sf)  }
0x28e: {  	s0 =	smin.u32 s22, $0x10  }
0x28f: {  	v1 =	vmov s0  }
0x290: {  	p3 =	sgt.s32 s22, $0x10;
	vm1 =	vgt.u32 v1, v0  }
.Ltmp17:
0x291: {  	_ = 	snop;
	(pc) =	sbr.rel @!p3 .LBB3_11-.Ltmp17, $2  }
0x292: {  	_ =	sdelay $0x2  }
0x293: {  	s24 =	simm.s32 $0x10;
	s26 =	sadd.s32 $0xFFFFFFF0, s22;
	s20 =	smov.u32 s19;
	vm0 =	vmmov vm1  }
.LBB3_10:
0x294: {  	s0 =	smin.u32 s26, $0x10;
	s24 =	sadd.s32 $0x10, s24;
	v1 =	vld.msk [tilespmem:s20+$0x0 ss:$0x1], vm1  }
0x295: {  	v2 =	vmov s0;
	p3 =	slt.s32 s24, s22  }
0x296: {  	vm1 =	vgt.u32 v2, v0  }
.Ltmp18:
0x297: {  	(pc) =	sbr.rel @p3 .LBB3_10-.Ltmp18, $3  }
0x298: {  	_ =	sdelay $0x1  }
0x299: {  	v1 =	vshll.u32 v1, $0x4  }
0x29a: {  	s26 =	sadd.s32 $0xFFFFFFF0, s26;
	[tilespmem:s20+$0x0] =	vst.msk vm0, v1;
	s20 =	sadd.s32 $0x10, s20;
	vm0 =	vmmov vm1  }
.LBB3_11:
0x29b: {  	_ =	sdelay $0x4  }
0x29c: {  	v1 =	vld.msk [tilespmem:s20+$0x0 ss:$0x1], vm1;
	_ =	sdelay $0x4  }
0x29d: {  	v1 =	vshll.u32 v1, $0x4  }
0x29e: {  	[tilespmem:s20+$0x0] =	vst.msk vm0, v1  }
.LBB3_12:
0x29f: {  	s0 =	sand.u32 $0x1, s17  }
0x2a0: {  	s0 =	smul.u32 $0x1B0, s0  }
0x2a1: {  	p3 =	sne.s32 s25, $0xFFFFFFFF  }
0x2a2: {  	v1 =	vld.msk @!p3 [tilespmem:s0+$0x3D88], $0x1;
	_ =	sdelay $0x4  }
0x2a3: {  	(v2sf) =	vpush @!p3 v1, $0x0;
	_ =	sdelay $0xc  }
.Ltmp19:
0x2a4: {  	_ = 	snop;
	(pc) =	sbr.rel @p2 .LBB3_18-.Ltmp19, $4  }
0x2a5: {  	_ = 	snop  }
0x2a6: {  	s24 =	spop @!p3 (v2sf)  }
0x2a7: {  	s18 =	simm.s32 @!p3 $0x0;
	s20 =	smov.u32 s24  }
0x2a8: {  	[sflag:s14] =	ssyncpa.u1 $0x0;
	s24 =	smov.u32 @p3 s23;
	s20 =	smov.u32 @p3 s25  }
0x2a9: {  	v1 =	vld.msk [tilespmem:s19+$0x0], $0x1;
	_ =	sdelay $0x4  }
0x2aa: {  	(v2sf) =	vpush v1, $0x0;
	_ =	sdelay $0xd  }
0x2ab: {  	s0 =	simm.s32 @!p4 $0x0  }
0x2ac: {  	s26 =	smul.u32 $0x36000, s21;
	s25 =	ssub.s32 $0x0, s22;
	s28 =	spop (v2sf)  }
0x2ad: {  	s0 =	simm.s32 @p4 $0x1;
	s23 =	sadd.s32 $0x1, s25;
	p2 =	seq.s32 s24, s28  }
0x2ae: {  	[smem:$0x7FD] =	sst s0;
	s0 =	sshrl.u32 s26, $0x2;
	p3 =	sgt.s32 @!p2 s24, $0x0  }
0x2af: {  	s21 =	sadd.s32 $0x40E8, s0;
	s0 =	smov.u32 s24;
	p3 =	por !p3, p2  }
0x2b0: {  	s0 =	simm.s32 @p3 $0x0;
	p3 =	seq.s32 s23, $0x0  }
.Ltmp20:
0x2b1: {  	_ = 	snop;
	(pc) =	sbr.rel @p3 .LBB3_15-.Ltmp20, $4  }
0x2b2: {  	s3 =	smov.u32 s8;
	s12 =	smov.u32 s5;
	s8 =	smov.u32 s6  }
0x2b3: {  	s22 =	simm.s32 $0x0;
	s29 =	simm.s32 @!p2 $0x1;
	s0 =	smin.u32 @!p2 s0, $0xC34FF  }
0x2b4: {  	s30 =	simm.s32 @!p2 $0x1B38;
	s29 =	smov.u32 @p2 s22;
	s26 =	sand.u32 @!p2 $0xFFFF8, s0  }
0x2b5: {  	s31 =	sand.u32 @!p2 $0x7, s0;
	s0 =	sadd.s32 @!p2 s1, s26;
	s26 =	sadd.s32 $0x1, s19  }
.LBB3_14:
0x2b6: {  	s2 =	smov.u32 s29  }
0x2b7: {  	[tilespmem:s30], [sflag:$0x2] =	stream.linear.gather @!p2 [hbm4b:s0+s31], $0x4, $0x38;
	[tilespmem:$0x1F0E8] =	vst v63  }
0x2b8: {  	s23 =	sadd.s32 $0x1, s23;
	s0 =	smov.u32 s28;
	v1 =	vld.msk [tilespmem:s26+$0x0], $0x1  }
0x2b9: {  	p3 =	seq.s32 s23, $0x0;
	_ =	sdelay $0x3  }
0x2ba: {  	(v2sf) =	vpush v1, $0x0;
	_ =	sdelay $0xe  }
0x2bb: {  	s28 =	spop (v2sf)  }
0x2bc: {  	p2 =	seq.s32 s0, s28  }
0x2bd: {  	p4 =	sgt.s32 @!p2 s0, $0x0;
	s30 =	sshll.u32 @!p2 s29, $0x6;
	s29 =	sadd.s32 @!p2 $0x1, s29  }
.Ltmp21:
0x2be: {  	p4 =	por !p4, p2;
	s30 =	sshra.s32 @!p2 s30, $0x2;
	(pc) =	sbr.rel @!p3 .LBB3_14-.Ltmp21, $4  }
0x2bf: {  	s29 =	smov.u32 @p2 s2;
	s0 =	simm.s32 @p4 $0x0;
	s30 =	sadd.s32 @!p2 $0x1B38, s30  }
0x2c0: {  	s0 =	smin.u32 @!p2 s0, $0xC34FF  }
0x2c1: {  	s2 =	sand.u32 @!p2 $0xFFFF8, s0;
	s31 =	sand.u32 @!p2 $0x7, s0  }
0x2c2: {  	s26 =	sadd.s32 $0x1, s26;
	s0 =	sadd.s32 @!p2 s1, s2  }
.LBB3_15:
0x2c3: {  	[tilespmem:s30], [sflag:$0x2] =	stream.linear.gather @!p2 [hbm4b:s0+s31], $0x4, $0x38;
	[tilespmem:$0x1F0E8] =	vst v63  }
0x2c4: {  	s31 =	sshll.u32 s29, $0x2  }
0x2c5: {  	s2 =	simm.s32 $0x2;
	s0 =	sand.u32 $0x3FFFFFFC, s31  }
0x2c6: {  	_ =	swait.ge [sflag:s2], s0  }
0x2c7: {  	s0 =	ssub.s32 $0x0, s0;
	[sflag:s2] =	ssyncset.done $0x0  }
0x2c8: {  	[sflag:s2] =	ssyncadd.s32 s0  }
0x2c9: {  	v1 =	vld.msk [tilespmem:s19+$0x0], $0x1;
	_ =	sdelay $0x4  }
0x2ca: {  	(v2sf) =	vpush v1, $0x0;
	_ =	sdelay $0xe  }
0x2cb: {  	s23 =	spop (v2sf)  }
0x2cc: {  	p2 =	sne.s32 s24, s23  }
0x2cd: {  	p4 =	sne.s32 @p2 s24, s20  }
0x2ce: {  	p3 =	por !p4, !p2  }
0x2cf: {  	s0 =	simm.s32 @!p3 $0x0  }
0x2d0: {  	v1 =	vld.msk @!p3 [tilespmem:s0+$0x1B38], $0xf  }
0x2d1: {  	p5 =	sgt.u32 @!p3 s24, $0xC34FF  }
0x2d2: {  	s2 =	sshll.u32 @!p3 s18, $0x6;
	p6 =	por @p2 p5, !p4  }
0x2d3: {  	s2 =	sshra.s32 @!p3 s2, $0x2;
	p1 =	por p6, !p2;
	p6 =	por p4, !p2  }
0x2d4: {  	s26 =	sadd.s32 @!p3 $0x28, s2;
	s28 =	sand.u32 @!p1 $0xFFFF8, s24;
	s29 =	sshll.u32 @!p6 s18, $0x6  }
0x2d5: {  	s24 =	sand.u32 @!p1 $0x7, s24;
	[tilespmem:s2+$0x28] =	vst.add.f32.msk @!p3 $0xf, v1;
	s2 =	sadd.s32 @!p1 s1, s28;
	s28 =	sshra.s32 @!p6 s29, $0x2  }
0x2d6: {  	[hbm4b:s2+s24] =	stream.linear.scatter @!p1 [tilespmem:s26], [sflag:$0xA], $0x4, $0x38;
	[tilespmem:$0x1F0E8] =	vst v63  }
0x2d7: {  	s0 =	rddreg [dreg:$0x2];
	s2 =	sadd.s32 @!p6 $0x28, s28;
	s24 =	simm.s32 @!p6 $0x1  }
0x2d8: {  	[spmem:s0] =	stream.linear.scatter @!p6 [tilespmem:s2], [sflag:$0x1], $0x4, $0x38;
	[tilespmem:$0x1F0E8] =	vst v63  }
0x2d9: {  	s0 =	sadd.s32 @p2 $0x1, s18;
	_ =	swait.ge @!p6 [sflag:s24], $0x4  }
0x2da: {  	s2 =	sshrl.u32 @p2 s0, $0x4;
	[sflag:s24] =	ssyncset.done @!p6 $0x0  }
0x2db: {  	s2 =	smulhi.u32 @p2 $0x97B425F, s2;
	[sflag:s24] =	ssyncadd.s32 @!p6 $0xFFFFFFFC  }
0x2dc: {  	s24 =	sadd.s32 $0x1, s25;
	v1 =	vld.msk @p2 [tilespmem:s21+$0x0], $0xf  }
0x2dd: {  	p1 =	por @p2 !p5, !p4;
	s2 =	smul.u32 @p2 $0x1B0, s2;
	p4 =	seq.s32 s24, $0x0  }
.Ltmp22:
0x2de: {  	p1 =	por !p1, !p2;
	s25 =	simm.s32 @!p3 $0x0;
	(pc) =	sbr.rel @p4 .LBB3_17-.Ltmp22, $4  }
0x2df: {  	s26 =	sshll.u32 @!p2 s18, $0x6;
	s25 =	simm.s32 @!p1 $0x10;
	s0 =	ssub.s32 @p2 s0, s2  }
0x2e0: {  	s26 =	sshra.s32 @!p2 s26, $0x2;
	s28 =	sadd.s32 @!p3 $0x0, s25;
	s29 =	sshll.u32 @p2 s0, $0x4  }
0x2e1: {  	s25 =	simm.s32 $0x0;
	s2 =	simm.s32 @p2 $0x1;
	s28 =	smov.u32 @p3 s22;
	[tilespmem:s29+$0x28] =	vst.msk @p2 $0xf, v1  }
0x2e2: {  	s18 =	smov.u32 @p2 s0;
	s25 =	smov.u32 @p2 s28;
	s22 =	smov.u32 @p2 s2;
	v1 =	vld.msk @!p2 [tilespmem:s21+$0x0], $0xf  }
.LBB3_16:
0x2e3: {  	_ =	sdelay $0x3  }
0x2e4: {  	s19 =	sadd.s32 $0x1, s19;
	[tilespmem:s26+$0x28] =	vst.add.f32.msk @!p2 $0xf, v1  }
0x2e5: {  	v1 =	vld.msk [tilespmem:s19+$0x0], $0x1;
	_ =	sdelay $0x4  }
0x2e6: {  	(v2sf) =	vpush v1, $0x0;
	_ =	sdelay $0xe  }
0x2e7: {  	s0 =	smov.u32 s23;
	s23 =	spop (v2sf)  }
0x2e8: {  	p2 =	sne.s32 s0, s23  }
0x2e9: {  	p5 =	sne.s32 @p2 s0, s20  }
0x2ea: {  	p4 =	por !p5, !p2  }
0x2eb: {  	s30 =	sshll.u32 @!p4 s22, $0x6  }
0x2ec: {  	s30 =	sshra.s32 @!p4 s30, $0x2  }
0x2ed: {  	p1 =	sgt.u32 @!p4 s0, $0xC34FF;
	v1 =	vld.msk @!p4 [tilespmem:s30+$0x1B38], $0xf  }
0x2ee: {  	s31 =	sshll.u32 @!p4 s18, $0x6;
	p6 =	por @p2 p1, !p5;
	p1 =	por @p2 !p1, !p5  }
0x2ef: {  	s5 =	simm.s32 @!p4 $0x0;
	s31 =	sshra.s32 @!p4 s31, $0x2;
	p1 =	por !p1, !p2  }
0x2f0: {  	p5 =	por p5, !p2;
	s5 =	simm.s32 @!p1 $0x10;
	p1 =	por p6, !p2  }
0x2f1: {  	s30 =	sadd.s32 @!p4 $0x28, s31;
	s6 =	sshll.u32 @!p5 s18, $0x6;
	s10 =	sand.u32 @!p1 $0xFFFF8, s0  }
0x2f2: {  	s6 =	sshra.s32 @!p5 s6, $0x2;
	s0 =	sand.u32 @!p1 $0x7, s0;
	s10 =	sadd.s32 @!p1 s1, s10;
	[tilespmem:s31+$0x28] =	vst.add.f32.msk @!p4 $0xf, v1  }
0x2f3: {  	[hbm4b:s10+s0] =	stream.linear.scatter @!p1 [tilespmem:s30], [sflag:$0xA], $0x4, $0x38;
	[tilespmem:$0x1F0E8] =	vst v63  }
0x2f4: {  	s2 =	rddreg [dreg:$0x2];
	s0 =	sadd.s32 @!p5 $0x28, s6;
	s6 =	simm.s32 @!p5 $0x1  }
0x2f5: {  	[spmem:s2] =	stream.linear.scatter @!p5 [tilespmem:s0], [sflag:$0x1], $0x4, $0x38;
	[tilespmem:$0x1F0E8] =	vst v63  }
0x2f6: {  	s28 =	sadd.s32 @p2 $0x1, s18;
	_ =	swait.ge @!p5 [sflag:s6], $0x4  }
0x2f7: {  	s29 =	sshrl.u32 @p2 s28, $0x4;
	[sflag:s6] =	ssyncset.done @!p5 $0x0  }
0x2f8: {  	s21 =	sadd.s32 $0x80, s21;
	s29 =	smulhi.u32 @p2 $0x97B425F, s29;
	[sflag:s6] =	ssyncadd.s32 @!p5 $0xFFFFFFFC  }
0x2f9: {  	s24 =	sadd.s32 $0x1, s24;
	v1 =	vld.msk @p2 [tilespmem:s21+$0x0], $0xf  }
0x2fa: {  	p3 =	seq.s32 s24, $0x0;
	s29 =	smul.u32 @p2 $0x1B0, s29  }
.Ltmp23:
0x2fb: {  	_ = 	snop;
	(pc) =	sbr.rel @!p3 .LBB3_16-.Ltmp23, $4  }
0x2fc: {  	s28 =	ssub.s32 @p2 s28, s29  }
0x2fd: {  	s26 =	sshll.u32 @!p2 s18, $0x6;
	s5 =	sadd.s32 @!p4 s5, s25;
	s10 =	sshll.u32 @p2 s28, $0x4  }
0x2fe: {  	s9 =	sadd.s32 @p2 $0x1, s22;
	s26 =	sshra.s32 @!p2 s26, $0x2;
	s5 =	smov.u32 @p4 s25;
	[tilespmem:s10+$0x28] =	vst.msk @p2 $0xf, v1  }
0x2ff: {  	s22 =	smov.u32 @p2 s9;
	s18 =	smov.u32 @p2 s28;
	s25 =	smov.u32 @p2 s5;
	v1 =	vld.msk @!p2 [tilespmem:s21+$0x0], $0xf  }
.LBB3_17:
.Ltmp24:
0x300: {  	_ = 	snop;
	(pc) =	sbr.rel .LBB3_19-.Ltmp24, $4  }
0x301: {  	s2 =	sld [smem:$0x7FD]  }
0x302: {  	s0 =	sshrl.u32 s25, $0x2  }
0x303: {  	s24 =	smov.u32 s23;
	s6 =	smov.u32 s8;
	s5 =	smov.u32 s12  }
0x304: {  	s8 =	smov.u32 s3;
	s3 =	rddreg [dreg:$0x3];
	p4 =	seq.s32 s2, $0x1;
	[tilespmem:s26+$0x28] =	vst.add.f32.msk @!p2 $0xf, v1  }
.LBB3_21:
0x305: {  	_ =	sfence.sel $0x180000  }
0x306: {  	s0 =	simm.s32 $0x7;
	[bflag:$0x0] =	sbarrier.arrive $0xFFFF  }
0x307: {  	s25 =	simm.s32 $0x8;
	[sflag:s0] =	ssyncpa.u1 $0x1  }
0x308: {  	s26 =	simm.s32 $0x9;
	[sflag:s25] =	ssyncpa.u1 $0x1  }
0x309: {  	s28 =	simm.s32 $0x2;
	[sflag:s26] =	ssyncpa.u1 $0x1  }
0x30a: {  	[sflag:s28] =	ssyncpa.u1 $0x1  }
0x30b: {  	v0 =	vld [tilespmem:$0x3648];
	_ =	sdelay $0x4  }
0x30c: {  	(v2sf) =	vpush v0, $0x0  }
0x30d: {  	(v2sf) =	vpush v0, $0x1;
	_ =	sdelay $0x1  }
0x30e: {  	(v2sf) =	vpush v0, $0x2;
	_ =	sdelay $0xb  }
0x30f: {  	s0 =	spop (v2sf)  }
0x310: {  	s2 =	spop (v2sf)  }
0x311: {  	s3 =	smov.u32 s0;
	p0 =	sne.s32 s0, s2  }
0x312: {  	s4 =	spop (v2sf);
	s3 =	simm.s32 @!p0 $0xFFFFFFFF  }
0x313: {  	v2 =	vimm.s32 $0x1;
	v3 =	vlaneseq.u32;
	p0 =	seq.s32 s4, $0xFFFFFFFF;
	v1 =	vmov s3  }
0x314: {  	s7 =	stileid.u32;
	v0 =	vperm.xlane v0, v2;
	p1 =	sne.s32 @!p0 s0, s2;
	v1 =	vperm.xlane v1, v3  }
0x315: {  	vm0 =	vcmask $0x3F04;
	s6 =	simm.s32 $0x3648;
	s0 =	simm.s32 @!p0 $0x1;
	p1 =	por !p1, p0  }
0x316: {  	s3 =	sshll.u32 s7, $0x1;
	s2 =	sshll.u32 @!p0 s4, $0x6;
	s0 =	simm.s32 @p1 $0x0;
	v0 =	vsel vm0, v1, v0  }
0x317: {  	s5 =	sor.u32 $0x200, s3;
	s2 =	sshra.s32 @!p0 s2, $0x2;
	s0 =	sor.u32 @!p0 s0, s3;
	[tilespmem:$0x3648] =	vst v0  }
0x318: {  	[spmem:s5] =	stream.linear.scatter [tilespmem:s6], [sflag:$0x1], $0x2, $0x38;
	[tilespmem:$0x1F0E8] =	vst v63  }
0x319: {  	s2 =	sadd.s32 @!p0 $0x28, s2;
	s0 =	sshll.u32 @!p0 s0, $0x4  }
0x31a: {  	[spmem:s0] =	stream.linear.scatter @!p0 [tilespmem:s2], [sflag:$0x1], $0x10, $0x38;
	[tilespmem:$0x1F0E8] =	vst v63  }
0x31b: {  	s0 =	simm.s32 @!p0 $0x12  }
0x31c: {  	s3 =	simm.s32 $0x1;
	s0 =	simm.s32 @p0 $0x2  }
0x31d: {  	_ =	swait.ge [sflag:s3], s0  }
0x31e: {  	s0 =	ssub.s32 $0x0, s0;
	[sflag:s3] =	ssyncset.done $0x0  }
0x31f: {  	[sflag:s3] =	ssyncadd.s32 s0  }
0x320: {  	_ =	sfence.stream.spmem  }
0x321: {  	s29 =	simm.s32 $0x3;
	[bflag:$0x0] =	sbarrier.arrive $0xFFFF  }
0x322: {  	s30 =	simm.s32 $0x4;
	[sflag:s29] =	ssyncpa.u1 $0x1  }
0x323: {  	s31 =	simm.s32 $0x3C;
	[sflag:s30] =	ssyncpa.u1 $0x1  }
0x324: {  	p0 =	sne.s32 s7, $0x0;
	[sflag:s31] =	ssyncpa.u1 $0x1  }
0x325: {  	_ =	sfence @p0  }
0x326: {  	[sflag:s3] =	ssyncpa.u1 @p0 $0x1  }
0x327: {  	_ =	strace @p0 $0x90000059  }
0x328: {  	[bflag:$0x2] =	sbarrier.arrive @p0 $0xFFFF  }
0x329: {  	_ =	shalt @p0  }
.LBB3_22:
0x32a: {  	_ =	sfence.stream.spmem;
	s0 =	simm.s32 $0x5  }
0x32b: {  	s2 =	simm.s32 $0x200;
	s3 =	simm.s32 $0x3658;
	[sflag:s0] =	ssyncpa.u1 $0x0  }
0x32c: {  	[tilespmem:s3], [sflag:$0x5] =	stream.linear.gather [spmem:s2], $0x20, $0x38;
	[tilespmem:$0x1F0E8] =	vst v63  }
0x32d: {  	s30 =	simm.s32 $0x3678;
	s2 =	simm.s32 $0x0  }
0x32e: {  	[tilespmem:s30], [sflag:$0x5] =	stream.linear.gather [spmem:s2], $0x200, $0x38;
	[tilespmem:$0x1F0E8] =	vst v63  }
.Ltmp25:
0x32f: {  	_ = 	snop;
	(pc) =	sbr.rel .LBB3_23-.Ltmp25, $4  }
0x330: {  	_ =	swait.ge [sflag:s0], $0x220  }
0x331: {  	[sflag:s0] =	ssyncset.done $0x0  }
0x332: {  	s31 =	simm.s32 $0x6;
	[sflag:s0] =	ssyncadd.s32 $0xFFFFFDE0  }
0x333: {  	s3 =	simm.s32 $0x0;
	[sflag:s31] =	ssyncpa.u1 $0x0  }
.LBB3_28:
0x334: {  	p0 =	slt.u32 s4, $0xC3500  }
0x335: {  	s0 =	sand.u32 @p0 $0xFFFF8, s4  }
0x336: {  	s4 =	sand.u32 @p0 $0x7, s4;
	s5 =	simm.s32 @p0 $0x3638;
	s0 =	sadd.s32 @p0 s1, s0  }
0x337: {  	[tilespmem:s5], [sflag:$0x6] =	stream.linear.gather @p0 [hbm4b:s0+s4], $0x4, $0x38;
	[tilespmem:$0x1F0E8] =	vst v63  }
0x338: {  	s0 =	simm.s32 @p0 $0x6  }
0x339: {  	_ =	swait.ge @p0 [sflag:s0], $0x4  }
0x33a: {  	[sflag:s0] =	ssyncset.done @p0 $0x0  }
0x33b: {  	[sflag:s0] =	ssyncadd.s32 @p0 $0xFFFFFFFC  }
0x33c: {  	v1 =	vld @p0 [tilespmem:$0x3638];
	_ =	sdelay $0x2  }
0x33d: {  	s0 =	sshll.u32 @p0 s3, $0x6  }
0x33e: {  	s5 =	sshll.u32 @!p0 s3, $0x6;
	s4 =	sshrl.u32 @p0 s0, $0x2  }
0x33f: {  	s5 =	smov.u32 @p0 s0;
	[tilespmem:s4+$0x3678] =	vst.add.f32.msk @p0 $0xffff, v1  }
0x340: {  	s0 =	sshrl.u32 s5, $0x2;
	[tilespmem:s2+$0x3658] =	vst.msk $0x1, v0  }
0x341: {  	v0 =	vld [tilespmem:s0+$0x3678];
	_ =	sdelay $0x2  }
0x342: {  	s31 =	sshll.u32 s2, $0x6  }
0x343: {  	s0 =	sshra.s32 s31, $0x2  }
0x344: {  	s2 =	sadd.s32 $0x1, s2;
	[tilespmem:s0+$0x3678] =	vst v0  }
.LBB3_30:
0x345: {  	s3 =	sadd.s32 $0x1, s3  }
0x346: {  	p0 =	sne.s32 s3, $0x20  }
.Ltmp26:
0x347: {  	_ = 	snop;
	(pc) =	sbr.rel @!p0 .LBB3_31-.Ltmp26, $1  }
0x348: {  	_ =	sdelay $0x3  }
.LBB3_23:
0x349: {  	v0 =	vld.msk [tilespmem:s3+$0x3658], $0x1;
	_ =	sdelay $0x4  }
0x34a: {  	(v2sf) =	vpush v0, $0x0;
	_ =	sdelay $0xe  }
0x34b: {  	s4 =	spop (v2sf)  }
0x34c: {  	p0 =	seq.s32 s4, $0xFFFFFFFF  }
.Ltmp27:
0x34d: {  	_ = 	snop;
	(pc) =	sbr.rel @p0 .LBB3_30-.Ltmp27, $1  }
0x34e: {  	_ =	sdelay $0x3  }
0x34f: {  	p0 =	slt.s32 s2, $0x1  }
.Ltmp28:
0x350: {  	_ = 	snop;
	(pc) =	sbr.rel @p0 .LBB3_28-.Ltmp28, $1  }
0x351: {  	_ =	sdelay $0x3  }
0x352: {  	s5 =	simm.s32 $0x3658;
	p0 =	por $0x0, $0x0  }
0x353: {  	v1 =	vld.msk @!p0 [tilespmem:s5+$0x0], $0x1;
	_ =	sdelay $0x4  }
0x354: {  	(v2sf) =	vpush @!p0 v1, $0x0;
	_ =	sdelay $0xd  }
0x355: {  	p2 =	sne.s32 s2, $0x1  }
.Ltmp29:
0x356: {  	s0 =	spop @!p0 (v2sf);
	(pc) =	sbr.rel @!p2 .LBB3_27-.Ltmp29, $4  }
0x357: {  	p1 =	seq.s32 @!p0 s4, s0  }
0x358: {  	s6 =	simm.s32 $0x0;
	p1 =	por !p1, p0  }
0x359: {  	s0 =	simm.s32 $0xFFFFFFFF;
	s6 =	simm.s32 @p1 $0xFFFFFFFF  }
0x35a: {  	s7 =	simm.s32 $0x1;
	s6 =	smov.u32 @p0 s0  }
.LBB3_26:
0x35b: {  	s0 =	smov.u32 s6;
	p0 =	sne.s32 s6, $0xFFFFFFFF  }
0x35c: {  	s5 =	sadd.s32 $0x1, s5;
	s6 =	smov.u32 s7;
	s7 =	sadd.s32 $0x1, s7  }
0x35d: {  	p1 =	sne.s32 s2, s7;
	v1 =	vld.msk @!p0 [tilespmem:s5+$0x0], $0x1;
	_ =	sdelay $0x4  }
0x35e: {  	(v2sf) =	vpush @!p0 v1, $0x0;
	_ =	sdelay $0xe  }
.Ltmp30:
0x35f: {  	s8 =	spop @!p0 (v2sf);
	(pc) =	sbr.rel @p1 .LBB3_26-.Ltmp30, $4  }
0x360: {  	p2 =	seq.s32 @!p0 s4, s8  }
0x361: {  	p2 =	por !p2, p0  }
0x362: {  	s6 =	simm.s32 @p2 $0xFFFFFFFF  }
0x363: {  	s6 =	smov.u32 @p0 s0  }
.LBB3_27:
0x364: {  	p0 =	sne.s32 s6, $0xFFFFFFFF  }
.Ltmp31:
0x365: {  	_ = 	snop;
	(pc) =	sbr.rel @!p0 .LBB3_28-.Ltmp31, $1  }
0x366: {  	_ =	sdelay $0x3  }
0x367: {  	s0 =	sshll.u32 s3, $0x4  }
0x368: {  	s0 =	sand.u32 $0x3FFFFFF0, s0  }
0x369: {  	v0 =	vld [tilespmem:s0+$0x3678]  }
.Ltmp32:
0x36a: {  	_ = 	snop;
	(pc) =	sbr.rel .LBB3_30-.Ltmp32, $4  }
0x36b: {  	_ = 	snop  }
0x36c: {  	s31 =	sshll.u32 s6, $0x6  }
0x36d: {  	s0 =	sshra.s32 s31, $0x2  }
0x36e: {  	[tilespmem:s0+$0x3678] =	vst.add.f32.msk $0xffff, v0  }
.LBB3_31:
0x36f: {  	p0 =	slt.s32 s2, $0x1  }
.Ltmp33:
0x370: {  	_ = 	snop;
	(pc) =	sbr.rel @p0 .LBB3_35-.Ltmp33, $3  }
0x371: {  	_ =	sdelay $0x1  }
0x372: {  	s0 =	simm.s32 $0x6  }
0x373: {  	s3 =	simm.s32 $0x0;
	[sflag:s0] =	ssyncpa.u1 $0x1  }
0x374: {  	s0 =	simm.s32 $0x3658  }
0x375: {  	v0 =	vld.msk [tilespmem:s0+$0x0], $0x1;
	_ =	sdelay $0x4  }
0x376: {  	(v2sf) =	vpush v0, $0x0;
	_ =	sdelay $0xd  }
0x377: {  	s2 =	sadd.s32 $0xFFFFFFFF, s2  }
0x378: {  	p1 =	sne.s32 s2, $0x0;
	s0 =	spop (v2sf)  }
.Ltmp34:
0x379: {  	p0 =	sgt.u32 s0, $0xC34FF;
	(pc) =	sbr.rel @!p1 .LBB3_34-.Ltmp34, $4  }
0x37a: {  	s4 =	simm.s32 $0x3678;
	s5 =	sand.u32 @!p0 $0xFFFF8, s0  }
0x37b: {  	s6 =	simm.s32 $0x0;
	s0 =	sand.u32 @!p0 $0x7, s0;
	s5 =	sadd.s32 @!p0 s1, s5  }
0x37c: {  	[hbm4b:s5+s0] =	stream.linear.scatter @!p0 [tilespmem:s4], [sflag:$0x5], $0x4, $0x38;
	[tilespmem:$0x1F0E8] =	vst v63  }
0x37d: {  	s6 =	simm.s32 @!p0 $0x10;
	s5 =	simm.s32 $0x3659  }
.LBB3_33:
0x37e: {  	v0 =	vld.msk [tilespmem:s5+$0x0], $0x1;
	s2 =	sadd.s32 $0xFFFFFFFF, s2;
	s3 =	sadd.s32 s3, s6  }
0x37f: {  	p0 =	sne.s32 s2, $0x0;
	_ =	sdelay $0x3  }
0x380: {  	(v2sf) =	vpush v0, $0x0;
	_ =	sdelay $0xe  }
.Ltmp35:
0x381: {  	s0 =	spop (v2sf);
	(pc) =	sbr.rel @p0 .LBB3_33-.Ltmp35, $4  }
0x382: {  	s6 =	simm.s32 $0x0;
	p1 =	sgt.u32 s0, $0xC34FF  }
0x383: {  	s4 =	sadd.s32 $0x10, s4;
	s6 =	simm.s32 @!p1 $0x10;
	s7 =	sand.u32 @!p1 $0xFFFF8, s0  }
0x384: {  	s5 =	sadd.s32 $0x1, s5;
	s0 =	sand.u32 @!p1 $0x7, s0;
	s7 =	sadd.s32 @!p1 s1, s7  }
0x385: {  	[hbm4b:s7+s0] =	stream.linear.scatter @!p1 [tilespmem:s4], [sflag:$0x5], $0x4, $0x38;
	[tilespmem:$0x1F0E8] =	vst v63  }
.LBB3_34:
0x386: {  	s0 =	sadd.s32 s3, s6  }
0x387: {  	s3 =	sshrl.u32 s0, $0x2  }
.LBB3_35:
0x388: {  	s0 =	simm.s32 $0x5  }
0x389: {  	_ =	swait.ge [sflag:s0], s3  }
0x38a: {  	s1 =	ssub.s32 $0x0, s3;
	[sflag:s0] =	ssyncset.done $0x0  }
0x38b: {  	[sflag:s0] =	ssyncadd.s32 s1  }
0x38c: {  	[sflag:s0] =	ssyncpa.u1 $0x1  }
0x38d: {  	s30 =	simm.s32 $0x1;
	_ =	sfence  }
0x38e: {  	[sflag:s30] =	ssyncpa.u1 $0x1  }
0x38f: {  	_ =	strace $0x90000059  }
0x390: {  	[bflag:$0x2] =	sbarrier.arrive $0xFFFF  }
0x391: {  	s31 =	rddreg [dreg:$0x1]  }
0x392: {  	s0 =	sadd.s32 $0x100000, s31  }
0x393: {  	[sflag:s0] =	ssyncadd.tile.s32 $0x1;
	_ =	shalt  }
.Lfunc_end3:
_tile_overlayer_lowered:
.L_overlay_start_3:
0x394: {  	(tag) =	ssettag $0x3  }
0x395: {  	s0 =	rddreg [dreg:$0x0];
	s2 =	stileid.u32  }
0x396: {  	s1 =	rddreg [dreg:$0x1];
	p0 =	sne.s32 s2, $0x0  }
0x397: {  	s3 =	rddreg [dreg:$0x2];
	[bflag:$0x3] =	sbarrier.arrive $0xFFFF;
	s2 =	simm.s32 @!p0 $0x1C01  }
0x398: {  	[timem:s3], [sflag:s2] =	dma.local @!p0 [hbm:s0], s1  }
0x399: {  	s0 =	simm.s32 @!p0 $0x1  }
0x39a: {  	_ =	swait.ge @!p0 [sflag:s0], s1  }
0x39b: {  	s1 =	ssub.s32 @!p0 $0x0, s1;
	[sflag:s0] =	ssyncset.done @!p0 $0x0  }
0x39c: {  	[sflag:s0] =	ssyncadd.s32 @!p0 s1  }
0x39d: {  	[bflag:$0x3] =	sbarrier.arrive $0xFFFF  }
0x39e: {  	_ =	shalt  }

// kernel: scatter_offload_async_start.2
scs
__scs_entry_jumppad:
0x0: {  	(pc) =	sbr.rel $0x88, $3  }
0x1: {  	(tag) =	ssettag $0x0;
	lr =	simm.s32 $0x1  }
0x2: {  	[smem:$0x3F75] =	sst lr;
	_ =	strace $0xD0000000  }
0x3: {  	_ = 	snop  }
0x4: {  	_ = 	snop  }
0x5: {  	_ = 	snop  }
0x6: {  	_ = 	snop  }
0x7: {  	_ = 	snop  }
__scs_overlays_trampoline_lowered:
0x8: {  	[smem:$0x3F84] =	sst s0  }
0x9: {  	[smem:$0x3F85] =	sst s1  }
0xa: {  	[smem:$0x3F86] =	sst s2  }
0xb: {  	[smem:$0x3F87] =	sst s3  }
0xc: {  	[smem:$0x3F88] =	sst s4  }
0xd: {  	[smem:$0x3F89] =	sst s5  }
0xe: {  	[smem:$0x3F8A] =	sst s6  }
0xf: {  	[smem:$0x3F8B] =	sst s7  }
0x10: {  	[smem:$0x3F8C] =	sst s8  }
0x11: {  	[smem:$0x3F8D] =	sst s9;
	s0 =	simm.s32 @!p0 $0x0  }
0x12: {  	s1 =	sld [smem:$0x3F73];
	s0 =	simm.s32 @p0 $0x1  }
0x13: {  	[smem:$0x3F8E] =	sst s0;
	s0 =	simm.s32 @!p1 $0x0  }
0x14: {  	s2 =	sld [smem:$0x3F72];
	s0 =	simm.s32 @p1 $0x1  }
0x15: {  	[smem:$0x3F8F] =	sst s0;
	s0 =	simm.s32 @!p2 $0x0  }
0x16: {  	s3 =	sld [smem:$0x3FDB];
	s0 =	simm.s32 @p2 $0x1  }
0x17: {  	s4 =	simm.s32 $0x1BF5;
	[smem:$0x3F91] =	sst s0  }
0x18: {  	s0 =	sld [smem:$0x3F74];
	_ =	swait.ge [sflag:s4], $0x0  }
0x19: {  	s7 =	sld [smem:$0x3F75]  }
0x1a: {  	s8 =	sadd.s32 $0xFFFFE003, lr  }
0x1b: {  	s9 =	sadd.s32 $0xFFFFFEF7, lr;
	s5 =	simm.s32 $0xFFFFFFFF;
	p2 =	slt.u32 s8, $0xFFFFF086  }
0x1c: {  	p1 =	slt.u32 s9, $0xF7A;
	s5 =	simm.s32 @!p2 $0x0  }
0x1d: {  	s5 =	simm.s32 @p1 $0x1;
	p0 =	seq.s32 s7, s2  }
0x1e: {  	s7 =	smul.u32 @!p0 $0xF7A, s2;
	p2 =	seq.s32 @!p0 s5, $0x0  }
0x1f: {  	s9 =	smul.u32 $0xF7A, s1;
	s8 =	simm.s32 @!p0 $0x1BF5;
	p2 =	por !p2, p0  }
0x20: {  	[sflag:s8] =	ssyncset.s32 @!p0 $0xFFFFF086;
	s6 =	sadd.s32 @!p0 s3, s7;
	s7 =	simm.s32 @!p0 $0x108  }
0x21: {  	s3 =	sadd.s32 s3, s9;
	s6 =	sadd.s32 @!p0 $0x88, s6;
	s7 =	simm.s32 @p2 $0x1082  }
0x22: {  	[simem:s7], [sflag:s8] =	dma.local @!p0 [hbm:s6], $0xF7A  }
0x23: {  	s9 =	sor.u32 $0xD0000000, s2;
	s6 =	simm.s32 $0x108;
	_ =	swait.ge @!p0 [sflag:s8], $0x0  }
0x24: {  	s3 =	sadd.s32 $0x88, s3;
	s6 =	simm.s32 @!p1 $0x1082;
	[sflag:s4] =	ssyncset.s32 $0xFFFFF086  }
0x25: {  	[simem:s6], [sflag:s4] =	dma.local [hbm:s3], $0xF7A  }
0x26: {  	[smem:$0x3F75] =	sst s1;
	(tag) =	ssettag s2;
	_ =	strace s9  }
0x27: {  	s1 =	sld [smem:$0x3F85]  }
0x28: {  	s2 =	sld [smem:$0x3F86]  }
0x29: {  	s4 =	sld [smem:$0x3F88]  }
0x2a: {  	p0 =	seq.s32 s5, $0x0;
	s5 =	sld [smem:$0x3F89]  }
0x2b: {  	s6 =	sld [smem:$0x3F8A]  }
0x2c: {  	s7 =	sld [smem:$0x3F8B]  }
0x2d: {  	s3 =	simm.s32 $0x108;
	s8 =	sld [smem:$0x3F8C]  }
0x2e: {  	s3 =	simm.s32 @!p0 $0x1082;
	s9 =	sld [smem:$0x3F8D]  }
0x2f: {  	lr =	sadd.s32 s0, s3;
	s0 =	sld [smem:$0x3F84]  }
0x30: {  	s3 =	sld [smem:$0x3F87]  }
0x31: {  	[smem:$0x3F90] =	sst s10  }
0x32: {  	s10 =	sld [smem:$0x3F8E];
	_ =	sdelay $0x3  }
0x33: {  	p0 =	seq.s32 s10, $0x1;
	s10 =	sld [smem:$0x3F90];
	_ =	sdelay $0x3  }
0x34: {  	[smem:$0x3F90] =	sst s10  }
0x35: {  	s10 =	sld [smem:$0x3F8F];
	_ =	sdelay $0x3  }
0x36: {  	p1 =	seq.s32 s10, $0x1;
	s10 =	sld [smem:$0x3F90];
	_ =	sdelay $0x3  }
0x37: {  	[smem:$0x3F90] =	sst s10  }
0x38: {  	s10 =	sld [smem:$0x3F91]  }
0x39: {  	_ = 	snop;
	(pc) =	sbr.ind lr, $3  }
0x3a: {  	_ = 	snop  }
0x3b: {  	_ = 	snop  }
0x3c: {  	p2 =	seq.s32 s10, $0x1;
	s10 =	sld [smem:$0x3F90]  }
0x3d: {  	_ =	shalt  }
0x3e: {  	_ =	shalt  }
0x3f: {  	_ =	shalt  }
0x40: {  	_ =	shalt  }
0x41: {  	_ =	shalt  }
0x42: {  	_ =	shalt  }
0x43: {  	_ =	shalt  }
0x44: {  	_ =	shalt  }
0x45: {  	_ =	shalt  }
0x46: {  	_ =	shalt  }
0x47: {  	_ =	shalt  }
0x48: {  	_ =	shalt  }
0x49: {  	_ =	shalt  }
0x4a: {  	_ =	shalt  }
0x4b: {  	_ =	shalt  }
0x4c: {  	_ =	shalt  }
0x4d: {  	_ =	shalt  }
0x4e: {  	_ =	shalt  }
0x4f: {  	_ =	shalt  }
0x50: {  	_ =	shalt  }
0x51: {  	_ =	shalt  }
0x52: {  	_ =	shalt  }
0x53: {  	_ =	shalt  }
0x54: {  	_ =	shalt  }
0x55: {  	_ =	shalt  }
0x56: {  	_ =	shalt  }
0x57: {  	_ =	shalt  }
0x58: {  	_ =	shalt  }
0x59: {  	_ =	shalt  }
0x5a: {  	_ =	shalt  }
0x5b: {  	_ =	shalt  }
0x5c: {  	_ =	shalt  }
0x5d: {  	_ =	shalt  }
0x5e: {  	_ =	shalt  }
0x5f: {  	_ =	shalt  }
0x60: {  	_ =	shalt  }
0x61: {  	_ =	shalt  }
0x62: {  	_ =	shalt  }
0x63: {  	_ =	shalt  }
0x64: {  	_ =	shalt  }
0x65: {  	_ =	shalt  }
0x66: {  	_ =	shalt  }
0x67: {  	_ =	shalt  }
0x68: {  	_ =	shalt  }
0x69: {  	_ =	shalt  }
0x6a: {  	_ =	shalt  }
0x6b: {  	_ =	shalt  }
0x6c: {  	_ =	shalt  }
0x6d: {  	_ =	shalt  }
0x6e: {  	_ =	shalt  }
0x6f: {  	_ =	shalt  }
0x70: {  	_ =	shalt  }
0x71: {  	_ =	shalt  }
0x72: {  	_ =	shalt  }
0x73: {  	_ =	shalt  }
0x74: {  	_ =	shalt  }
0x75: {  	_ =	shalt  }
0x76: {  	_ =	shalt  }
0x77: {  	_ =	shalt  }
0x78: {  	_ =	shalt  }
0x79: {  	_ =	shalt  }
0x7a: {  	_ =	shalt  }
0x7b: {  	_ =	shalt  }
0x7c: {  	_ =	shalt  }
0x7d: {  	_ =	shalt  }
0x7e: {  	_ =	shalt  }
0x7f: {  	_ =	shalt  }
0x80: {  	_ =	shalt  }
0x81: {  	_ =	shalt  }
0x82: {  	_ =	shalt  }
0x83: {  	_ =	shalt  }
0x84: {  	_ =	shalt  }
0x85: {  	_ =	shalt  }
0x86: {  	_ =	shalt  }
0x87: {  	_ =	shalt  }
.Lfunc_end0:
.L_simem_size_0:
called_computation.2_lowered:
.L_overlay_start_0:
0x88: {  	s0 =	sld [smem:$0x3FD9]  }
0x89: {  	s1 =	sld [smem:$0x3FFE];
	_ =	sdelay $0x3  }
0x8a: {  	s0 =	sadd.s32 s1, s0  }
0x8b: {  	[smem:$0x3F9C] =	sst s0  }
0x8c: {  	_ = 	snop  }
0x8d: {  	s0 =	sld [smem:$0x3FD0];
	(tm) =	ssettm $0x1  }
0x8e: {  	s16 =	sld [smem:$0x3FFB];
	_ =	sdelay $0x3  }
0x8f: {  	_ =	strace s16  }
0x90: {  	s1 =	sld [smem:$0x3FFC];
	_ =	sdelay $0x3  }
0x91: {  	_ =	strace s1  }
0x92: {  	s1 =	sld [smem:$0x3FFD];
	_ =	sdelay $0x3  }
0x93: {  	_ =	strace s1  }
0x94: {  	_ =	strace $0x8FFFFFFF  }
0x95: {  	s17 =	sld [smem:$0x3FDB];
	_ =	sdelay $0x1  }
0x96: {  	s2 =	simm.s32 $_scs_section_size  }
0x97: {  	s3 =	simm.s32 $_size__tile_overlayer_lowered;
	s4 =	simm.s32 $_tile_overlayer_lowered  }
0x98: {  	s20 =	simm.s32 $0x1BFF;
	s19 =	sshll.u32 s4, $0x1;
	s1 =	sadd.s32 s2, s17  }
0x99: {  	s5 =	simm.s32 $0x0;
	s18 =	sshll.u32 s3, $0x1;
	s3 =	sadd.s32 s19, s1  }
0x9a: {  	[timem:s5], [sflag:s20] =	dma.local [hbm:s3], s18  }
0x9b: {  	_ =	swait.ge [sflag:s20], s18  }
0x9c: {  	s2 =	ssub.s32 $0x0, s18;
	[sflag:s20] =	ssyncset.done $0x0  }
0x9d: {  	[sflag:s20] =	ssyncadd.s32 s2;
	_ =	sdelay $0x1  }
0x9e: {  	s21 =	simm.s32 $0x1B8B  }
0x9f: {  	_ =	swait.ge [sflag:s21], $0x1  }
0xa0: {  	[sflag:s21] =	ssyncset.done $0x0  }
0xa1: {  	s23 =	simm.s32 $0x1B8E;
	s22 =	sld [smem:$0x3FFE];
	[sflag:s21] =	ssyncadd.s32 $0xFFFFFFFF  }
0xa2: {  	s24 =	simm.s32 $execute0_lowered;
	[smem:$0x3FD2] =	sst s23  }
0xa3: {  	s3 =	sshll.u32 s24, $0x1;
	_ =	strace $0x8000006A;
	[dreg:$0x1] =	wrdreg $0xFFFFFFFF  }
0xa4: {  	s25 =	simm.s32 $_size_execute0_lowered;
	s1 =	sadd.s32 s1, s3;
	[dreg:$0x0] =	wrdreg $0x0  }
0xa5: {  	s3 =	sshll.u32 s25, $0x1;
	[dreg:$0x2] =	wrdreg s1  }
0xa6: {  	[dreg:$0x3] =	wrdreg s3  }
0xa7: {  	[dreg:$0x4] =	wrdreg $0xC0  }
0xa8: {  	_ =	task [dreg:s5], $0x5FFFF  }
0xa9: {  	[dreg:$0x1] =	wrdreg $0xFFFFFFFF  }
0xaa: {  	[dreg:$0x0] =	wrdreg $0x60  }
0xab: {  	[dreg:$0x2] =	wrdreg s0  }
0xac: {  	[dreg:$0x3] =	wrdreg s22  }
0xad: {  	[dreg:$0x4] =	wrdreg $0x9  }
0xae: {  	_ =	task.clear_ibuf [dreg:s5], $0x5FFFF;
	_ =	strace $0x9000006A  }
0xaf: {  	s26 =	simm.s32 $0x9;
	_ =	strace $0x8000006C  }
0xb0: {  	_ =	swait.ge [sflag:s26], $0x1  }
0xb1: {  	[sflag:s26] =	ssyncadd.s32 $0xFFFFFFFF  }
0xb2: {  	_ =	strace $0x9000006C  }
0xb3: {  	_ =	sfence  }
0xb4: {  	s28 =	sld [smem:$0x0];
	_ =	sdelay $0x1  }
0xb5: {  	s29 =	srdreg.scid  }
0xb6: {  	s30 =	sshll.u32 s29, $0xD;
	s31 =	sshrl.u32 s29, $0x2  }
0xb7: {  	s2 =	sand.u32 $0x4000, s30;
	s1 =	sand.u32 $0x1, s29;
	s0 =	sadd.s32 s31, s28  }
0xb8: {  	s1 =	sor.u32 s2, s1;
	s0 =	sshll.u32 s0, $0x11  }
0xb9: {  	s0 =	sor.u32 s0, s1  }
0xba: {  	s0 =	sadd.s32 $0x8F2B, s0  }
0xbb: {  	[sflag:s0] =	ssyncadd.remote.s32 $0x1  }
0xbc: {  	_ =	sfence.sel $0xFFFF  }
0xbd: {  	[dreg:$0x0] =	wrdreg $0xFFFFFFFF;
	(pc) =	sbr.abs _section_cstart, $3  }
0xbe: {  	[dreg:$0x1] =	wrdreg $0xFFFFFFFF  }
0xbf: {  	_ =	task.clear_ibuf [dreg:s5], $0x2FFFF;
	_ =	strace $0x9FFFFFFF  }
0xc0: {  	(tm) =	ssettm $0x7FFFFFFF  }
0xc1: {  	_ =	shalt  }
tec
execute0_lowered:
.L_overlay_start_1:
0x0: {  	(tag) =	ssettag $0x1  }
0x1: {  	s1 =	rddreg [dreg:$0x0]  }
0x2: {  	s8 =	rddreg [dreg:$0x1];
	_ =	strace $0x8000006B;
	s11 =	simm.s32 $0x1  }
0x3: {  	v0 =	vimm.s32 $0x0;
	[sflag:s11] =	ssyncpa.u1 $0x0  }
0x4: {  	[tilespmem:$0x28] =	vst v0  }
0x5: {  	[tilespmem:$0x38] =	vst v0  }
0x6: {  	[tilespmem:$0x48] =	vst v0  }
0x7: {  	[tilespmem:$0x58] =	vst v0  }
0x8: {  	[tilespmem:$0x68] =	vst v0  }
0x9: {  	[tilespmem:$0x78] =	vst v0  }
0xa: {  	[tilespmem:$0x88] =	vst v0  }
0xb: {  	[tilespmem:$0x98] =	vst v0  }
0xc: {  	[tilespmem:$0xA8] =	vst v0  }
0xd: {  	[tilespmem:$0xB8] =	vst v0  }
0xe: {  	[tilespmem:$0xC8] =	vst v0  }
0xf: {  	[tilespmem:$0xD8] =	vst v0  }
0x10: {  	[tilespmem:$0xE8] =	vst v0  }
0x11: {  	[tilespmem:$0xF8] =	vst v0  }
0x12: {  	[tilespmem:$0x108] =	vst v0  }
0x13: {  	[tilespmem:$0x118] =	vst v0  }
0x14: {  	[tilespmem:$0x128] =	vst v0  }
0x15: {  	[tilespmem:$0x138] =	vst v0  }
0x16: {  	[tilespmem:$0x148] =	vst v0  }
0x17: {  	[tilespmem:$0x158] =	vst v0  }
0x18: {  	[tilespmem:$0x168] =	vst v0  }
0x19: {  	[tilespmem:$0x178] =	vst v0  }
0x1a: {  	[tilespmem:$0x188] =	vst v0  }
0x1b: {  	[tilespmem:$0x198] =	vst v0  }
0x1c: {  	[tilespmem:$0x1A8] =	vst v0  }
0x1d: {  	[tilespmem:$0x1B8] =	vst v0  }
0x1e: {  	[tilespmem:$0x1C8] =	vst v0  }
0x1f: {  	[tilespmem:$0x1D8] =	vst v0  }
0x20: {  	[tilespmem:$0x1E8] =	vst v0  }
0x21: {  	[tilespmem:$0x1F8] =	vst v0  }
0x22: {  	[tilespmem:$0x208] =	vst v0  }
0x23: {  	[tilespmem:$0x218] =	vst v0  }
0x24: {  	[tilespmem:$0x228] =	vst v0  }
0x25: {  	[tilespmem:$0x238] =	vst v0  }
0x26: {  	[tilespmem:$0x248] =	vst v0  }
0x27: {  	[tilespmem:$0x258] =	vst v0  }
0x28: {  	[tilespmem:$0x268] =	vst v0  }
0x29: {  	[tilespmem:$0x278] =	vst v0  }
0x2a: {  	[tilespmem:$0x288] =	vst v0  }
0x2b: {  	[tilespmem:$0x298] =	vst v0  }
0x2c: {  	[tilespmem:$0x2A8] =	vst v0  }
0x2d: {  	[tilespmem:$0x2B8] =	vst v0  }
0x2e: {  	[tilespmem:$0x2C8] =	vst v0  }
0x2f: {  	[tilespmem:$0x2D8] =	vst v0  }
0x30: {  	[tilespmem:$0x2E8] =	vst v0  }
0x31: {  	[tilespmem:$0x2F8] =	vst v0  }
0x32: {  	[tilespmem:$0x308] =	vst v0  }
0x33: {  	[tilespmem:$0x318] =	vst v0  }
0x34: {  	[tilespmem:$0x328] =	vst v0  }
0x35: {  	[tilespmem:$0x338] =	vst v0  }
0x36: {  	[tilespmem:$0x348] =	vst v0  }
0x37: {  	[tilespmem:$0x358] =	vst v0  }
0x38: {  	[tilespmem:$0x368] =	vst v0  }
0x39: {  	[tilespmem:$0x378] =	vst v0  }
0x3a: {  	[tilespmem:$0x388] =	vst v0  }
0x3b: {  	[tilespmem:$0x398] =	vst v0  }
0x3c: {  	[tilespmem:$0x3A8] =	vst v0  }
0x3d: {  	[tilespmem:$0x3B8] =	vst v0  }
0x3e: {  	[tilespmem:$0x3C8] =	vst v0  }
0x3f: {  	[tilespmem:$0x3D8] =	vst v0  }
0x40: {  	[tilespmem:$0x3E8] =	vst v0  }
0x41: {  	[tilespmem:$0x3F8] =	vst v0  }
0x42: {  	[tilespmem:$0x408] =	vst v0  }
0x43: {  	[tilespmem:$0x418] =	vst v0  }
0x44: {  	[tilespmem:$0x428] =	vst v0  }
0x45: {  	[tilespmem:$0x438] =	vst v0  }
0x46: {  	[tilespmem:$0x448] =	vst v0  }
0x47: {  	[tilespmem:$0x458] =	vst v0  }
0x48: {  	[tilespmem:$0x468] =	vst v0  }
0x49: {  	[tilespmem:$0x478] =	vst v0  }
0x4a: {  	[tilespmem:$0x488] =	vst v0  }
0x4b: {  	[tilespmem:$0x498] =	vst v0  }
0x4c: {  	[tilespmem:$0x4A8] =	vst v0  }
0x4d: {  	[tilespmem:$0x4B8] =	vst v0  }
0x4e: {  	[tilespmem:$0x4C8] =	vst v0  }
0x4f: {  	[tilespmem:$0x4D8] =	vst v0  }
0x50: {  	[tilespmem:$0x4E8] =	vst v0  }
0x51: {  	[tilespmem:$0x4F8] =	vst v0  }
0x52: {  	[tilespmem:$0x508] =	vst v0  }
0x53: {  	[tilespmem:$0x518] =	vst v0  }
0x54: {  	[tilespmem:$0x528] =	vst v0  }
0x55: {  	[tilespmem:$0x538] =	vst v0  }
0x56: {  	[tilespmem:$0x548] =	vst v0  }
0x57: {  	[tilespmem:$0x558] =	vst v0  }
0x58: {  	[tilespmem:$0x568] =	vst v0  }
0x59: {  	[tilespmem:$0x578] =	vst v0  }
0x5a: {  	[tilespmem:$0x588] =	vst v0  }
0x5b: {  	[tilespmem:$0x598] =	vst v0  }
0x5c: {  	[tilespmem:$0x5A8] =	vst v0  }
0x5d: {  	[tilespmem:$0x5B8] =	vst v0  }
0x5e: {  	[tilespmem:$0x5C8] =	vst v0  }
0x5f: {  	[tilespmem:$0x5D8] =	vst v0  }
0x60: {  	[tilespmem:$0x5E8] =	vst v0  }
0x61: {  	[tilespmem:$0x5F8] =	vst v0  }
0x62: {  	[tilespmem:$0x608] =	vst v0  }
0x63: {  	[tilespmem:$0x618] =	vst v0  }
0x64: {  	[tilespmem:$0x628] =	vst v0  }
0x65: {  	[tilespmem:$0x638] =	vst v0  }
0x66: {  	[tilespmem:$0x648] =	vst v0  }
0x67: {  	[tilespmem:$0x658] =	vst v0  }
0x68: {  	[tilespmem:$0x668] =	vst v0  }
0x69: {  	[tilespmem:$0x678] =	vst v0  }
0x6a: {  	[tilespmem:$0x688] =	vst v0  }
0x6b: {  	[tilespmem:$0x698] =	vst v0  }
0x6c: {  	[tilespmem:$0x6A8] =	vst v0  }
0x6d: {  	[tilespmem:$0x6B8] =	vst v0  }
0x6e: {  	[tilespmem:$0x6C8] =	vst v0  }
0x6f: {  	[tilespmem:$0x6D8] =	vst v0  }
0x70: {  	[tilespmem:$0x6E8] =	vst v0  }
0x71: {  	[tilespmem:$0x6F8] =	vst v0  }
0x72: {  	[tilespmem:$0x708] =	vst v0  }
0x73: {  	[tilespmem:$0x718] =	vst v0  }
0x74: {  	[tilespmem:$0x728] =	vst v0  }
0x75: {  	[tilespmem:$0x738] =	vst v0  }
0x76: {  	[tilespmem:$0x748] =	vst v0  }
0x77: {  	[tilespmem:$0x758] =	vst v0  }
0x78: {  	[tilespmem:$0x768] =	vst v0  }
0x79: {  	[tilespmem:$0x778] =	vst v0  }
0x7a: {  	[tilespmem:$0x788] =	vst v0  }
0x7b: {  	[tilespmem:$0x798] =	vst v0  }
0x7c: {  	[tilespmem:$0x7A8] =	vst v0  }
0x7d: {  	[tilespmem:$0x7B8] =	vst v0  }
0x7e: {  	[tilespmem:$0x7C8] =	vst v0  }
0x7f: {  	[tilespmem:$0x7D8] =	vst v0  }
0x80: {  	[tilespmem:$0x7E8] =	vst v0  }
0x81: {  	[tilespmem:$0x7F8] =	vst v0  }
0x82: {  	[tilespmem:$0x808] =	vst v0  }
0x83: {  	[tilespmem:$0x818] =	vst v0  }
0x84: {  	[tilespmem:$0x828] =	vst v0  }
0x85: {  	[tilespmem:$0x838] =	vst v0  }
0x86: {  	[tilespmem:$0x848] =	vst v0  }
0x87: {  	[tilespmem:$0x858] =	vst v0  }
0x88: {  	[tilespmem:$0x868] =	vst v0  }
0x89: {  	[tilespmem:$0x878] =	vst v0  }
0x8a: {  	[tilespmem:$0x888] =	vst v0  }
0x8b: {  	[tilespmem:$0x898] =	vst v0  }
0x8c: {  	[tilespmem:$0x8A8] =	vst v0  }
0x8d: {  	[tilespmem:$0x8B8] =	vst v0  }
0x8e: {  	[tilespmem:$0x8C8] =	vst v0  }
0x8f: {  	[tilespmem:$0x8D8] =	vst v0  }
0x90: {  	[tilespmem:$0x8E8] =	vst v0  }
0x91: {  	[tilespmem:$0x8F8] =	vst v0  }
0x92: {  	[tilespmem:$0x908] =	vst v0  }
0x93: {  	[tilespmem:$0x918] =	vst v0  }
0x94: {  	[tilespmem:$0x928] =	vst v0  }
0x95: {  	[tilespmem:$0x938] =	vst v0  }
0x96: {  	[tilespmem:$0x948] =	vst v0  }
0x97: {  	[tilespmem:$0x958] =	vst v0  }
0x98: {  	[tilespmem:$0x968] =	vst v0  }
0x99: {  	[tilespmem:$0x978] =	vst v0  }
0x9a: {  	[tilespmem:$0x988] =	vst v0  }
0x9b: {  	[tilespmem:$0x998] =	vst v0  }
0x9c: {  	[tilespmem:$0x9A8] =	vst v0  }
0x9d: {  	[tilespmem:$0x9B8] =	vst v0  }
0x9e: {  	[tilespmem:$0x9C8] =	vst v0  }
0x9f: {  	[tilespmem:$0x9D8] =	vst v0  }
0xa0: {  	[tilespmem:$0x9E8] =	vst v0  }
0xa1: {  	[tilespmem:$0x9F8] =	vst v0  }
0xa2: {  	[tilespmem:$0xA08] =	vst v0  }
0xa3: {  	[tilespmem:$0xA18] =	vst v0  }
0xa4: {  	[tilespmem:$0xA28] =	vst v0  }
0xa5: {  	[tilespmem:$0xA38] =	vst v0  }
0xa6: {  	[tilespmem:$0xA48] =	vst v0  }
0xa7: {  	[tilespmem:$0xA58] =	vst v0  }
0xa8: {  	[tilespmem:$0xA68] =	vst v0  }
0xa9: {  	[tilespmem:$0xA78] =	vst v0  }
0xaa: {  	[tilespmem:$0xA88] =	vst v0  }
0xab: {  	[tilespmem:$0xA98] =	vst v0  }
0xac: {  	[tilespmem:$0xAA8] =	vst v0  }
0xad: {  	[tilespmem:$0xAB8] =	vst v0  }
0xae: {  	[tilespmem:$0xAC8] =	vst v0  }
0xaf: {  	[tilespmem:$0xAD8] =	vst v0  }
0xb0: {  	[tilespmem:$0xAE8] =	vst v0  }
0xb1: {  	[tilespmem:$0xAF8] =	vst v0  }
0xb2: {  	[tilespmem:$0xB08] =	vst v0  }
0xb3: {  	[tilespmem:$0xB18] =	vst v0  }
0xb4: {  	[tilespmem:$0xB28] =	vst v0  }
0xb5: {  	[tilespmem:$0xB38] =	vst v0  }
0xb6: {  	[tilespmem:$0xB48] =	vst v0  }
0xb7: {  	[tilespmem:$0xB58] =	vst v0  }
0xb8: {  	[tilespmem:$0xB68] =	vst v0  }
0xb9: {  	[tilespmem:$0xB78] =	vst v0  }
0xba: {  	[tilespmem:$0xB88] =	vst v0  }
0xbb: {  	[tilespmem:$0xB98] =	vst v0  }
0xbc: {  	[tilespmem:$0xBA8] =	vst v0  }
0xbd: {  	[tilespmem:$0xBB8] =	vst v0  }
0xbe: {  	[tilespmem:$0xBC8] =	vst v0  }
0xbf: {  	[tilespmem:$0xBD8] =	vst v0  }
0xc0: {  	[tilespmem:$0xBE8] =	vst v0  }
0xc1: {  	[tilespmem:$0xBF8] =	vst v0  }
0xc2: {  	[tilespmem:$0xC08] =	vst v0  }
0xc3: {  	[tilespmem:$0xC18] =	vst v0  }
0xc4: {  	[tilespmem:$0xC28] =	vst v0  }
0xc5: {  	[tilespmem:$0xC38] =	vst v0  }
0xc6: {  	[tilespmem:$0xC48] =	vst v0  }
0xc7: {  	[tilespmem:$0xC58] =	vst v0  }
0xc8: {  	[tilespmem:$0xC68] =	vst v0  }
0xc9: {  	[tilespmem:$0xC78] =	vst v0  }
0xca: {  	[tilespmem:$0xC88] =	vst v0  }
0xcb: {  	[tilespmem:$0xC98] =	vst v0  }
0xcc: {  	[tilespmem:$0xCA8] =	vst v0  }
0xcd: {  	[tilespmem:$0xCB8] =	vst v0  }
0xce: {  	[tilespmem:$0xCC8] =	vst v0  }
0xcf: {  	[tilespmem:$0xCD8] =	vst v0  }
0xd0: {  	[tilespmem:$0xCE8] =	vst v0  }
0xd1: {  	[tilespmem:$0xCF8] =	vst v0  }
0xd2: {  	[tilespmem:$0xD08] =	vst v0  }
0xd3: {  	[tilespmem:$0xD18] =	vst v0  }
0xd4: {  	[tilespmem:$0xD28] =	vst v0  }
0xd5: {  	[tilespmem:$0xD38] =	vst v0  }
0xd6: {  	[tilespmem:$0xD48] =	vst v0  }
0xd7: {  	[tilespmem:$0xD58] =	vst v0  }
0xd8: {  	[tilespmem:$0xD68] =	vst v0  }
0xd9: {  	[tilespmem:$0xD78] =	vst v0  }
0xda: {  	[tilespmem:$0xD88] =	vst v0  }
0xdb: {  	[tilespmem:$0xD98] =	vst v0  }
0xdc: {  	[tilespmem:$0xDA8] =	vst v0  }
0xdd: {  	[tilespmem:$0xDB8] =	vst v0  }
0xde: {  	[tilespmem:$0xDC8] =	vst v0  }
0xdf: {  	[tilespmem:$0xDD8] =	vst v0  }
0xe0: {  	[tilespmem:$0xDE8] =	vst v0  }
0xe1: {  	[tilespmem:$0xDF8] =	vst v0  }
0xe2: {  	[tilespmem:$0xE08] =	vst v0  }
0xe3: {  	[tilespmem:$0xE18] =	vst v0  }
0xe4: {  	[tilespmem:$0xE28] =	vst v0  }
0xe5: {  	[tilespmem:$0xE38] =	vst v0  }
0xe6: {  	[tilespmem:$0xE48] =	vst v0  }
0xe7: {  	[tilespmem:$0xE58] =	vst v0  }
0xe8: {  	[tilespmem:$0xE68] =	vst v0  }
0xe9: {  	[tilespmem:$0xE78] =	vst v0  }
0xea: {  	[tilespmem:$0xE88] =	vst v0  }
0xeb: {  	[tilespmem:$0xE98] =	vst v0  }
0xec: {  	[tilespmem:$0xEA8] =	vst v0  }
0xed: {  	[tilespmem:$0xEB8] =	vst v0  }
0xee: {  	[tilespmem:$0xEC8] =	vst v0  }
0xef: {  	[tilespmem:$0xED8] =	vst v0  }
0xf0: {  	[tilespmem:$0xEE8] =	vst v0  }
0xf1: {  	[tilespmem:$0xEF8] =	vst v0  }
0xf2: {  	[tilespmem:$0xF08] =	vst v0  }
0xf3: {  	[tilespmem:$0xF18] =	vst v0  }
0xf4: {  	[tilespmem:$0xF28] =	vst v0  }
0xf5: {  	[tilespmem:$0xF38] =	vst v0  }
0xf6: {  	[tilespmem:$0xF48] =	vst v0  }
0xf7: {  	[tilespmem:$0xF58] =	vst v0  }
0xf8: {  	[tilespmem:$0xF68] =	vst v0  }
0xf9: {  	[tilespmem:$0xF78] =	vst v0  }
0xfa: {  	[tilespmem:$0xF88] =	vst v0  }
0xfb: {  	[tilespmem:$0xF98] =	vst v0  }
0xfc: {  	[tilespmem:$0xFA8] =	vst v0  }
0xfd: {  	[tilespmem:$0xFB8] =	vst v0  }
0xfe: {  	[tilespmem:$0xFC8] =	vst v0  }
0xff: {  	[tilespmem:$0xFD8] =	vst v0  }
0x100: {  	[tilespmem:$0xFE8] =	vst v0  }
0x101: {  	[tilespmem:$0xFF8] =	vst v0  }
0x102: {  	[tilespmem:$0x1008] =	vst v0  }
0x103: {  	[tilespmem:$0x10D8] =	vst v0  }
0x104: {  	[tilespmem:$0x1B28] =	vst v0  }
0x105: {  	[tilespmem:$0x1B18] =	vst v0  }
0x106: {  	[tilespmem:$0x1B08] =	vst v0  }
0x107: {  	[tilespmem:$0x1AF8] =	vst v0  }
0x108: {  	[tilespmem:$0x1AE8] =	vst v0  }
0x109: {  	[tilespmem:$0x1AD8] =	vst v0  }
0x10a: {  	[tilespmem:$0x1AC8] =	vst v0  }
0x10b: {  	[tilespmem:$0x1AB8] =	vst v0  }
0x10c: {  	[tilespmem:$0x1AA8] =	vst v0  }
0x10d: {  	[tilespmem:$0x1A98] =	vst v0  }
0x10e: {  	[tilespmem:$0x1A88] =	vst v0  }
0x10f: {  	[tilespmem:$0x1A78] =	vst v0  }
0x110: {  	[tilespmem:$0x1A68] =	vst v0  }
0x111: {  	[tilespmem:$0x1A58] =	vst v0  }
0x112: {  	[tilespmem:$0x1A48] =	vst v0  }
0x113: {  	[tilespmem:$0x1A38] =	vst v0  }
0x114: {  	[tilespmem:$0x1A28] =	vst v0  }
0x115: {  	[tilespmem:$0x1A18] =	vst v0  }
0x116: {  	[tilespmem:$0x1A08] =	vst v0  }
0x117: {  	[tilespmem:$0x19F8] =	vst v0  }
0x118: {  	[tilespmem:$0x19E8] =	vst v0  }
0x119: {  	[tilespmem:$0x19D8] =	vst v0  }
0x11a: {  	[tilespmem:$0x19C8] =	vst v0  }
0x11b: {  	[tilespmem:$0x19B8] =	vst v0  }
0x11c: {  	[tilespmem:$0x19A8] =	vst v0  }
0x11d: {  	[tilespmem:$0x1998] =	vst v0  }
0x11e: {  	[tilespmem:$0x1988] =	vst v0  }
0x11f: {  	[tilespmem:$0x1978] =	vst v0  }
0x120: {  	[tilespmem:$0x1968] =	vst v0  }
0x121: {  	[tilespmem:$0x1958] =	vst v0  }
0x122: {  	[tilespmem:$0x1948] =	vst v0  }
0x123: {  	[tilespmem:$0x1938] =	vst v0  }
0x124: {  	[tilespmem:$0x1928] =	vst v0  }
0x125: {  	[tilespmem:$0x1918] =	vst v0  }
0x126: {  	[tilespmem:$0x1908] =	vst v0  }
0x127: {  	[tilespmem:$0x18F8] =	vst v0  }
0x128: {  	[tilespmem:$0x18E8] =	vst v0  }
0x129: {  	[tilespmem:$0x18D8] =	vst v0  }
0x12a: {  	[tilespmem:$0x18C8] =	vst v0  }
0x12b: {  	[tilespmem:$0x18B8] =	vst v0  }
0x12c: {  	[tilespmem:$0x18A8] =	vst v0  }
0x12d: {  	[tilespmem:$0x1898] =	vst v0  }
0x12e: {  	[tilespmem:$0x1888] =	vst v0  }
0x12f: {  	[tilespmem:$0x1878] =	vst v0  }
0x130: {  	[tilespmem:$0x1868] =	vst v0  }
0x131: {  	[tilespmem:$0x1858] =	vst v0  }
0x132: {  	[tilespmem:$0x1848] =	vst v0  }
0x133: {  	[tilespmem:$0x1838] =	vst v0  }
0x134: {  	[tilespmem:$0x1828] =	vst v0  }
0x135: {  	[tilespmem:$0x1818] =	vst v0  }
0x136: {  	[tilespmem:$0x1808] =	vst v0  }
0x137: {  	[tilespmem:$0x17F8] =	vst v0  }
0x138: {  	[tilespmem:$0x17E8] =	vst v0  }
0x139: {  	[tilespmem:$0x17D8] =	vst v0  }
0x13a: {  	[tilespmem:$0x17C8] =	vst v0  }
0x13b: {  	[tilespmem:$0x17B8] =	vst v0  }
0x13c: {  	[tilespmem:$0x17A8] =	vst v0  }
0x13d: {  	[tilespmem:$0x1798] =	vst v0  }
0x13e: {  	[tilespmem:$0x1788] =	vst v0  }
0x13f: {  	[tilespmem:$0x1778] =	vst v0  }
0x140: {  	[tilespmem:$0x1768] =	vst v0  }
0x141: {  	[tilespmem:$0x1758] =	vst v0  }
0x142: {  	[tilespmem:$0x1748] =	vst v0  }
0x143: {  	[tilespmem:$0x1738] =	vst v0  }
0x144: {  	[tilespmem:$0x1728] =	vst v0  }
0x145: {  	[tilespmem:$0x1718] =	vst v0  }
0x146: {  	[tilespmem:$0x1708] =	vst v0  }
0x147: {  	[tilespmem:$0x16F8] =	vst v0  }
0x148: {  	[tilespmem:$0x16E8] =	vst v0  }
0x149: {  	[tilespmem:$0x16D8] =	vst v0  }
0x14a: {  	[tilespmem:$0x16C8] =	vst v0  }
0x14b: {  	[tilespmem:$0x16B8] =	vst v0  }
0x14c: {  	[tilespmem:$0x16A8] =	vst v0  }
0x14d: {  	[tilespmem:$0x1698] =	vst v0  }
0x14e: {  	[tilespmem:$0x1688] =	vst v0  }
0x14f: {  	[tilespmem:$0x1678] =	vst v0  }
0x150: {  	[tilespmem:$0x1668] =	vst v0  }
0x151: {  	[tilespmem:$0x1658] =	vst v0  }
0x152: {  	[tilespmem:$0x1648] =	vst v0  }
0x153: {  	[tilespmem:$0x1638] =	vst v0  }
0x154: {  	[tilespmem:$0x1628] =	vst v0  }
0x155: {  	[tilespmem:$0x1618] =	vst v0  }
0x156: {  	[tilespmem:$0x1608] =	vst v0  }
0x157: {  	[tilespmem:$0x15F8] =	vst v0  }
0x158: {  	[tilespmem:$0x15E8] =	vst v0  }
0x159: {  	[tilespmem:$0x15D8] =	vst v0  }
0x15a: {  	[tilespmem:$0x15C8] =	vst v0  }
0x15b: {  	[tilespmem:$0x15B8] =	vst v0  }
0x15c: {  	[tilespmem:$0x15A8] =	vst v0  }
0x15d: {  	[tilespmem:$0x1598] =	vst v0  }
0x15e: {  	[tilespmem:$0x1588] =	vst v0  }
0x15f: {  	[tilespmem:$0x1578] =	vst v0  }
0x160: {  	[tilespmem:$0x1568] =	vst v0  }
0x161: {  	[tilespmem:$0x1558] =	vst v0  }
0x162: {  	[tilespmem:$0x1548] =	vst v0  }
0x163: {  	[tilespmem:$0x1538] =	vst v0  }
0x164: {  	[tilespmem:$0x1528] =	vst v0  }
0x165: {  	[tilespmem:$0x1518] =	vst v0  }
0x166: {  	[tilespmem:$0x1508] =	vst v0  }
0x167: {  	[tilespmem:$0x14F8] =	vst v0  }
0x168: {  	[tilespmem:$0x14E8] =	vst v0  }
0x169: {  	[tilespmem:$0x14D8] =	vst v0  }
0x16a: {  	[tilespmem:$0x14C8] =	vst v0  }
0x16b: {  	[tilespmem:$0x14B8] =	vst v0  }
0x16c: {  	[tilespmem:$0x14A8] =	vst v0  }
0x16d: {  	[tilespmem:$0x1498] =	vst v0  }
0x16e: {  	[tilespmem:$0x1488] =	vst v0  }
0x16f: {  	[tilespmem:$0x1478] =	vst v0  }
0x170: {  	[tilespmem:$0x1468] =	vst v0  }
0x171: {  	[tilespmem:$0x1458] =	vst v0  }
0x172: {  	[tilespmem:$0x1448] =	vst v0  }
0x173: {  	[tilespmem:$0x1438] =	vst v0  }
0x174: {  	[tilespmem:$0x1428] =	vst v0  }
0x175: {  	[tilespmem:$0x1418] =	vst v0  }
0x176: {  	[tilespmem:$0x1408] =	vst v0  }
0x177: {  	[tilespmem:$0x13F8] =	vst v0  }
0x178: {  	[tilespmem:$0x13E8] =	vst v0  }
0x179: {  	[tilespmem:$0x13D8] =	vst v0  }
0x17a: {  	[tilespmem:$0x13C8] =	vst v0  }
0x17b: {  	[tilespmem:$0x13B8] =	vst v0  }
0x17c: {  	[tilespmem:$0x13A8] =	vst v0  }
0x17d: {  	[tilespmem:$0x1398] =	vst v0  }
0x17e: {  	[tilespmem:$0x1388] =	vst v0  }
0x17f: {  	[tilespmem:$0x1378] =	vst v0  }
0x180: {  	[tilespmem:$0x1368] =	vst v0  }
0x181: {  	[tilespmem:$0x1358] =	vst v0  }
0x182: {  	[tilespmem:$0x1348] =	vst v0  }
0x183: {  	[tilespmem:$0x1338] =	vst v0  }
0x184: {  	[tilespmem:$0x1328] =	vst v0  }
0x185: {  	[tilespmem:$0x1318] =	vst v0  }
0x186: {  	[tilespmem:$0x1308] =	vst v0  }
0x187: {  	[tilespmem:$0x12F8] =	vst v0  }
0x188: {  	[tilespmem:$0x12E8] =	vst v0  }
0x189: {  	[tilespmem:$0x12D8] =	vst v0  }
0x18a: {  	[tilespmem:$0x12C8] =	vst v0  }
0x18b: {  	[tilespmem:$0x12B8] =	vst v0  }
0x18c: {  	[tilespmem:$0x12A8] =	vst v0  }
0x18d: {  	[tilespmem:$0x1298] =	vst v0  }
0x18e: {  	[tilespmem:$0x1288] =	vst v0  }
0x18f: {  	[tilespmem:$0x1278] =	vst v0  }
0x190: {  	[tilespmem:$0x1268] =	vst v0  }
0x191: {  	[tilespmem:$0x1258] =	vst v0  }
0x192: {  	[tilespmem:$0x1248] =	vst v0  }
0x193: {  	[tilespmem:$0x1238] =	vst v0  }
0x194: {  	[tilespmem:$0x1228] =	vst v0  }
0x195: {  	[tilespmem:$0x1218] =	vst v0  }
0x196: {  	[tilespmem:$0x1208] =	vst v0  }
0x197: {  	[tilespmem:$0x11F8] =	vst v0  }
0x198: {  	[tilespmem:$0x11E8] =	vst v0  }
0x199: {  	[tilespmem:$0x11D8] =	vst v0  }
0x19a: {  	[tilespmem:$0x11C8] =	vst v0  }
0x19b: {  	[tilespmem:$0x11B8] =	vst v0  }
0x19c: {  	[tilespmem:$0x11A8] =	vst v0  }
0x19d: {  	[tilespmem:$0x1198] =	vst v0  }
0x19e: {  	[tilespmem:$0x1188] =	vst v0  }
0x19f: {  	[tilespmem:$0x1178] =	vst v0  }
0x1a0: {  	[tilespmem:$0x1168] =	vst v0  }
0x1a1: {  	[tilespmem:$0x1158] =	vst v0  }
0x1a2: {  	[tilespmem:$0x1148] =	vst v0  }
0x1a3: {  	[tilespmem:$0x1138] =	vst v0  }
0x1a4: {  	[tilespmem:$0x1128] =	vst v0  }
0x1a5: {  	[tilespmem:$0x1118] =	vst v0  }
0x1a6: {  	s2 =	stileid.u32;
	[tilespmem:$0x1108] =	vst v0  }
0x1a7: {  	s0 =	smul.u32 $0x15, s2;
	[tilespmem:$0x10F8] =	vst v0  }
0x1a8: {  	s3 =	smin.u32 s2, $0xC;
	[tilespmem:$0x10E8] =	vst v0  }
0x1a9: {  	[tilespmem:$0x10B8] =	vst v0;
	s0 =	sadd.s32 s3, s0  }
0x1aa: {  	s4 =	simm.s32 $0x2520;
	p0 =	slt.u32 s2, $0xC;
	[tilespmem:$0x10C8] =	vst v0;
	s3 =	smul.u32 $0x1B0, s0  }
0x1ab: {  	s4 =	simm.s32 @!p0 $0x2370;
	[tilespmem:$0x10A8] =	vst v0  }
0x1ac: {  	[tilespmem:$0x1038] =	vst v0;
	s0 =	sadd.s32 s4, s3  }
0x1ad: {  	[tilespmem:$0x1098] =	vst v0;
	s4 =	smin.u32 s0, $0x249F0  }
0x1ae: {  	[tilespmem:$0x1088] =	vst v0;
	s0 =	ssub.s32 s4, s3  }
0x1af: {  	s5 =	simm.s32 $0x2;
	[tilespmem:$0x1078] =	vst v0;
	p0 =	sgt.s32 s0, $0x0  }
0x1b0: {  	s29 =	simm.s32 $0x7;
	s13 =	simm.s32 $0x8;
	[tilespmem:$0x1068] =	vst v0;
	s0 =	simm.s32 @!p0 $0x0  }
0x1b1: {  	s30 =	simm.s32 $0x9;
	p4 =	por $0x0, $0x0;
	[tilespmem:$0x1058] =	vst v0;
	s6 =	smulhi.u32 $0x4BDA12F7, s0  }
0x1b2: {  	s14 =	simm.s32 $0xA;
	s18 =	simm.s32 $0x0;
	s15 =	simm.s32 $0x0;
	[tilespmem:$0x1048] =	vst v0  }
0x1b3: {  	s17 =	simm.s32 $0x0;
	s7 =	sadd.s32 $0xB200, s8;
	[tilespmem:$0x1028] =	vst v0;
	s12 =	sshrl.u32 s6, $0x7  }
0x1b4: {  	s31 =	sshll.u32 s2, $0x5;
	[tilespmem:$0x1018] =	vst v0;
	[sflag:s5] =	ssyncpa.u1 $0x0;
	v0 =	vimm.s32 $0xFFFFFFFF;
	s10 =	smul.u32 $0x1B0, s12  }
.Ltmp0:
0x1b5: {  	s5 =	sadd.s32 $0x25EE00, s8;
	[tilespmem:$0x3648] =	vst v0;
	[sflag:s29] =	ssyncpa.u1 $0x0;
	(pc) =	sbr.rel .LBB2_1-.Ltmp0, $4  }
0x1b6: {  	[dreg:$0x3] =	wrdreg s31;
	[sflag:s13] =	ssyncpa.u1 $0x0;
	p0 =	sne.s32 s0, s10  }
0x1b7: {  	s13 =	simm.s32 $0x0;
	[sflag:s30] =	ssyncpa.u1 $0x0;
	s11 =	simm.s32 @!p0 $0x0  }
0x1b8: {  	s16 =	smov.u32 s3;
	[dreg:$0x4] =	wrdreg s3;
	s11 =	sadd.s32 s11, s12  }
0x1b9: {  	v0 =	vlaneseq.u32;
	s6 =	sadd.s32 $0x25A400, s8;
	p0 =	por $0x1, $0x1;
	s8 =	sadd.s32 $0x1, s11  }
.LBB2_18:
0x1ba: {  	s0 =	simm.s32 $0x2  }
0x1bb: {  	_ =	swait.ge [sflag:s0], $0x0  }
0x1bc: {  	[sflag:s0] =	ssyncset.done $0x0;
	s0 =	simm.s32 $0x0  }
.LBB2_19:
0x1bd: {  	_ =	swait.ge [sflag:s14], s0  }
0x1be: {  	s31 =	ssub.s32 $0x0, s0;
	v1 =	vmov s20;
	vm0 =	veq.s32 v0, $0x0;
	[sflag:s14] =	ssyncset.done $0x0  }
0x1bf: {  	vm15 =	veq.s32 v0, $0x2;
	v1 =	vsel vm0, s24, v1;
	[sflag:s14] =	ssyncadd.s32 s31  }
0x1c0: {  	v1 =	vsel vm15, s18, v1;
	[sflag:s14] =	ssyncpa.u1 $0x1  }
0x1c1: {  	[tilespmem:$0x3648] =	vst v1  }
.LBB2_20:
0x1c2: {  	s0 =	sadd.s32 $0x1B0, s16  }
0x1c3: {  	s2 =	smov.u32 s3;
	p1 =	slt.s32 s0, s4  }
0x1c4: {  	s2 =	smov.u32 @p1 s0;
	p1 =	sne.s32 s17, s8  }
.Ltmp1:
0x1c5: {  	_ = 	snop;
	(pc) =	sbr.rel @!p1 .LBB2_21-.Ltmp1, $4  }
0x1c6: {  	_ = 	snop  }
0x1c7: {  	s18 =	smov.u32 s15  }
0x1c8: {  	s31 =	sadd.s32 $0x1, s17;
	s15 =	smov.u32 s16;
	p0 =	por !p0, !p0  }
0x1c9: {  	p4 =	por !p4, !p4;
	s17 =	smov.u32 s31;
	s16 =	smov.u32 s2  }
.LBB2_1:
0x1ca: {  	p2 =	sge.u32 s17, s11  }
0x1cb: {  	s0 =	smulhi.u32 @!p2 $0xAAAAAAAB, s17  }
0x1cc: {  	s19 =	smov.u32 s16;
	p3 =	sgt.s32 @!p2 s16, $0x24840  }
0x1cd: {  	s20 =	sshra.s32 @!p2 s16, $0x1F;
	p3 =	por !p3, p2;
	s0 =	sshrl.u32 @!p2 s0, $0x1  }
0x1ce: {  	s20 =	sand.u32 @!p2 s20, s16;
	s19 =	simm.s32 @p3 $0x24840;
	s0 =	smul.u32 @!p2 $0x3, s0  }
0x1cf: {  	s19 =	ssub.s32 @!p2 s19, s20  }
0x1d0: {  	s19 =	sadd.s32 @!p2 $0xFFFDB7C0, s19;
	s0 =	ssub.s32 @!p2 s17, s0  }
0x1d1: {  	s20 =	sshll.u32 @!p2 s19, $0x2;
	p3 =	sgt.s32 @!p2 s19, $0x1AF;
	s0 =	smul.u32 @!p2 $0x6C0, s0  }
0x1d2: {  	s21 =	sand.u32 @!p2 $0x7, s16;
	s19 =	ssub.s32 @!p2 $0x6C0, s20;
	p3 =	por !p3, p2  }
0x1d3: {  	s20 =	sshrl.u32 @!p2 s16, $0x3;
	s19 =	sshrl.u32 @!p2 s19, $0x2;
	s0 =	sshrl.u32 @!p2 s0, $0x2  }
0x1d4: {  	s20 =	sadd.s32 @!p2 s5, s20;
	s19 =	simm.s32 @!p3 $0x0;
	s0 =	sadd.s32 @!p2 $0x3878, s0  }
0x1d5: {  	[tilespmem:s0], [sflag:$0x8] =	stream.linear.gather @!p2 [hbm4b:s20+s21], s19, $0x38;
	[tilespmem:$0x1F0E8] =	vst v63  }
0x1d6: {  	s20 =	sadd.s32 $0xFFFFFFFF, s17  }
0x1d7: {  	p2 =	sge.u32 s20, s11  }
0x1d8: {  	p3 =	sgt.s32 @!p2 s15, $0x24840  }
0x1d9: {  	s0 =	smov.u32 s15;
	s19 =	sshra.s32 @!p2 s15, $0x1F;
	p3 =	por !p3, p2  }
0x1da: {  	s19 =	sand.u32 @!p2 s19, s15;
	s0 =	simm.s32 @p3 $0x24840  }
0x1db: {  	s0 =	ssub.s32 @!p2 s0, s19  }
0x1dc: {  	s0 =	sadd.s32 @!p2 $0xFFFDB7C0, s0  }
0x1dd: {  	s19 =	sshll.u32 @!p2 s0, $0x2  }
0x1de: {  	p3 =	sgt.s32 @!p2 s0, $0x1AF;
	s0 =	ssub.s32 @!p2 $0x6C0, s19  }
0x1df: {  	p3 =	por !p3, p2;
	s0 =	sshrl.u32 @!p2 s0, $0x2  }
0x1e0: {  	s21 =	simm.s32 @!p2 $0x8;
	s19 =	sand.u32 @!p2 $0x1, s20;
	s0 =	simm.s32 @!p3 $0x0  }
0x1e1: {  	s19 =	smul.u32 @!p2 $0x6C0, s19;
	_ =	swait.ge @!p2 [sflag:s21], s0  }
0x1e2: {  	s22 =	ssub.s32 @!p2 $0x0, s0;
	[sflag:s21] =	ssyncset.done @!p2 $0x0  }
0x1e3: {  	s19 =	sshrl.u32 @!p2 s19, $0x2;
	[sflag:s21] =	ssyncadd.s32 @!p2 s22;
	s21 =	sshrl.u32 @!p2 s15, $0x3  }
0x1e4: {  	s19 =	sadd.s32 @!p2 $0x3D88, s19;
	s22 =	sand.u32 @!p2 $0x7, s15;
	s21 =	sadd.s32 @!p2 s6, s21  }
0x1e5: {  	[tilespmem:s19], [sflag:$0x9] =	stream.linear.gather @!p2 [hbm4b:s21+s22], s0, $0x38;
	[tilespmem:$0x1F0E8] =	vst v63  }
0x1e6: {  	s19 =	ssub.s32 @!p2 $0x249F0, s15  }
0x1e7: {  	p3 =	slt.s32 @!p2 s19, $0x1  }
0x1e8: {  	p3 =	por p2, p3  }
.Ltmp2:
0x1e9: {  	_ = 	snop;
	(pc) =	sbr.rel @p3 .LBB2_7-.Ltmp2, $1  }
0x1ea: {  	_ =	sdelay $0x3  }
0x1eb: {  	s0 =	smulhi.u32 $0xAAAAAAAB, s20;
	_ =	sdelay $0x1  }
0x1ec: {  	s0 =	sshrl.u32 s0, $0x1  }
0x1ed: {  	s0 =	smul.u32 $0x3, s0;
	_ =	sdelay $0x1  }
0x1ee: {  	s0 =	ssub.s32 s20, s0  }
0x1ef: {  	s21 =	simm.s32 $0x1;
	s0 =	smul.u32 $0x6C0, s0  }
.Ltmp3:
0x1f0: {  	s21 =	simm.s32 @!p0 $0x0;
	(pc) =	sbr.rel .LBB2_4-.Ltmp3, $4  }
0x1f1: {  	s31 =	smul.u32 $0x36000, s21  }
0x1f2: {  	p3 =	slt.s32 @!p2 s19, $0x1B0;
	s0 =	sshrl.u32 s0, $0x2  }
0x1f3: {  	p2 =	por !p3, p2;
	s20 =	sshrl.u32 s31, $0x2;
	s0 =	sadd.s32 $0x3878, s0  }
0x1f4: {  	s19 =	simm.s32 @p2 $0x1B0;
	s21 =	simm.s32 $0x0;
	s20 =	sadd.s32 $0x40E8, s20;
	v1 =	vmov s0  }
.LBB2_3:
0x1f5: {  	p2 =	sge.s32 s21, s19  }
.Ltmp4:
0x1f6: {  	_ = 	snop;
	(pc) =	sbr.rel @p2 .LBB2_7-.Ltmp4, $2  }
0x1f7: {  	_ =	sdelay $0x2  }
0x1f8: {  	s20 =	sadd.s32 $0x800, s20  }
.LBB2_4:
0x1f9: {  	p2 =	sle.s32 s19, s21  }
.Ltmp5:
0x1fa: {  	_ = 	snop;
	(pc) =	sbr.rel @p2 .LBB2_3-.Ltmp5, $2  }
0x1fb: {  	_ =	sdelay $0x2  }
0x1fc: {  	s22 =	smov.u32 s21;
	s21 =	sadd.s32 $0x10, s21  }
0x1fd: {  	s0 =	ssub.s32 s19, s22  }
0x1fe: {  	p2 =	slt.s32 s0, $0x10  }
0x1ff: {  	s0 =	simm.s32 @!p2 $0x10  }
0x200: {  	v2 =	vmov s0  }
0x201: {  	vm0 =	vgt.s32 v2, v0;
	_ =	sdelay $0x5  }
0x202: {  	v2 =	vld.idx.msk [tilespmem:v1+s22+$0x0 ss:$0x1], vm0;
	_ =	sdelay $0x2  }
0x203: {  	s23 =	smov.u32 s19;
	p2 =	slt.s32 s21, s19  }
0x204: {  	s24 =	smov.u32 s20;
	s25 =	simm.s32 $0x0;
	s23 =	smov.u32 @p2 s21  }
.LBB2_6:
0x205: {  	(v2sf) =	vpush v2, s25;
	_ =	sdelay $0xc  }
0x206: {  	s25 =	sadd.s32 $0x1, s25  }
0x207: {  	s31 =	sadd.s32 s25, s22  }
0x208: {  	p2 =	slt.s32 s31, s23;
	s0 =	spop (v2sf)  }
.Ltmp6:
0x209: {  	s0 =	sshll.u32 s0, $0x4;
	(pc) =	sbr.rel @p2 .LBB2_6-.Ltmp6, $4  }
0x20a: {  	s0 =	sand.u32 $0x1FFFFFF0, s0  }
0x20b: {  	s0 =	sadd.s32 s7, s0  }
0x20c: {  	[tilespmem:s24], [sflag:$0x7] =	stream.linear.gather [hbm4b:s0+s13], $0x4, $0x38;
	[tilespmem:$0x1F0E8] =	vst v63  }
0x20d: {  	s24 =	sadd.s32 $0x80, s24  }
.Ltmp7:
0x20e: {  	_ = 	snop;
	(pc) =	sbr.rel .LBB2_3-.Ltmp7, $1  }
0x20f: {  	_ =	sdelay $0x3  }
.LBB2_7:
0x210: {  	p2 =	slt.u32 s17, $0x2  }
.Ltmp8:
0x211: {  	_ = 	snop;
	(pc) =	sbr.rel @p2 .LBB2_20-.Ltmp8, $1  }
0x212: {  	_ =	sdelay $0x3  }
0x213: {  	p2 =	sgt.s32 s18, $0x24840;
	s0 =	smov.u32 s18  }
0x214: {  	s19 =	sshra.s32 s18, $0x1F;
	s20 =	ssub.s32 $0x249F0, s18;
	s0 =	simm.s32 @!p2 $0x24840  }
0x215: {  	s19 =	sand.u32 s19, s18;
	p2 =	slt.s32 s20, $0x1B0;
	s21 =	smov.u32 s20  }
0x216: {  	s0 =	ssub.s32 s0, s19;
	s21 =	simm.s32 @!p2 $0x1B0  }
0x217: {  	s0 =	sadd.s32 $0xFFFDB7C0, s0;
	s26 =	sshll.u32 s21, $0x2  }
0x218: {  	s2 =	simm.s32 $0x7;
	s28 =	sshll.u32 s0, $0x2;
	s19 =	sand.u32 $0x3FFFFFFC, s26  }
0x219: {  	p2 =	sgt.s32 s0, $0x1AF;
	s29 =	ssub.s32 $0x6C0, s28;
	_ =	swait.ge [sflag:s2], s19  }
0x21a: {  	s19 =	ssub.s32 $0x0, s19;
	[sflag:s2] =	ssyncset.done $0x0;
	s0 =	sshrl.u32 s29, $0x2  }
0x21b: {  	s30 =	simm.s32 $0x9;
	[sflag:s2] =	ssyncadd.s32 s19;
	s0 =	simm.s32 @p2 $0x0  }
0x21c: {  	_ =	swait.ge [sflag:s30], s0  }
0x21d: {  	s0 =	ssub.s32 $0x0, s0;
	[sflag:s30] =	ssyncset.done $0x0  }
0x21e: {  	[sflag:s30] =	ssyncadd.s32 s0  }
0x21f: {  	v1 =	vld [tilespmem:$0x3648];
	_ =	sdelay $0x4  }
0x220: {  	(v2sf) =	vpush v1, $0x0  }
0x221: {  	(v2sf) =	vpush v1, $0x1  }
0x222: {  	(v2sf) =	vpush v1, $0x2;
	_ =	sdelay $0x3  }
0x223: {  	s0 =	sadd.s32 $0x1B0, s18  }
0x224: {  	p2 =	slt.s32 s4, s0  }
0x225: {  	s0 =	smov.u32 @p2 s4;
	p2 =	sgt.s32 s20, $0x0  }
0x226: {  	s22 =	ssub.s32 s0, s18;
	s20 =	simm.s32 @!p2 $0x0  }
0x227: {  	p2 =	slt.s32 s20, s22  }
0x228: {  	s22 =	smov.u32 @p2 s20  }
0x229: {  	s21 =	simm.s32 $0x1;
	p2 =	slt.s32 s22, $0x1  }
.Ltmp9:
0x22a: {  	s21 =	simm.s32 @!p4 $0x0;
	(pc) =	sbr.rel @p2 .LBB2_12-.Ltmp9, $4  }
0x22b: {  	s31 =	smul.u32 $0x6C0, s21  }
0x22c: {  	s23 =	spop (v2sf)  }
0x22d: {  	s0 =	sshrl.u32 s31, $0x2;
	s25 =	spop (v2sf)  }
0x22e: {  	s19 =	sadd.s32 $0x3D88, s0;
	s18 =	spop (v2sf)  }
0x22f: {  	s0 =	smin.u32 s22, $0x10  }
0x230: {  	v1 =	vmov s0  }
0x231: {  	p3 =	sgt.s32 s22, $0x10;
	vm1 =	vgt.u32 v1, v0  }
.Ltmp10:
0x232: {  	_ = 	snop;
	(pc) =	sbr.rel @!p3 .LBB2_11-.Ltmp10, $2  }
0x233: {  	_ =	sdelay $0x2  }
0x234: {  	s24 =	simm.s32 $0x10;
	s26 =	sadd.s32 $0xFFFFFFF0, s22;
	s20 =	smov.u32 s19;
	vm0 =	vmmov vm1  }
.LBB2_10:
0x235: {  	s0 =	smin.u32 s26, $0x10;
	s24 =	sadd.s32 $0x10, s24;
	v1 =	vld.msk [tilespmem:s20+$0x0 ss:$0x1], vm1  }
0x236: {  	v2 =	vmov s0;
	p3 =	slt.s32 s24, s22  }
0x237: {  	vm1 =	vgt.u32 v2, v0  }
.Ltmp11:
0x238: {  	(pc) =	sbr.rel @p3 .LBB2_10-.Ltmp11, $3  }
0x239: {  	_ =	sdelay $0x1  }
0x23a: {  	v1 =	vshll.u32 v1, $0x4  }
0x23b: {  	s26 =	sadd.s32 $0xFFFFFFF0, s26;
	[tilespmem:s20+$0x0] =	vst.msk vm0, v1;
	s20 =	sadd.s32 $0x10, s20;
	vm0 =	vmmov vm1  }
.LBB2_11:
0x23c: {  	_ =	sdelay $0x4  }
0x23d: {  	v1 =	vld.msk [tilespmem:s20+$0x0 ss:$0x1], vm1;
	_ =	sdelay $0x4  }
0x23e: {  	v1 =	vshll.u32 v1, $0x4  }
0x23f: {  	[tilespmem:s20+$0x0] =	vst.msk vm0, v1  }
.LBB2_12:
0x240: {  	s0 =	sand.u32 $0x1, s17  }
0x241: {  	s0 =	smul.u32 $0x1B0, s0  }
0x242: {  	p3 =	sne.s32 s25, $0xFFFFFFFF  }
0x243: {  	v1 =	vld.msk @!p3 [tilespmem:s0+$0x3D88], $0x1;
	_ =	sdelay $0x4  }
0x244: {  	(v2sf) =	vpush @!p3 v1, $0x0;
	_ =	sdelay $0xc  }
.Ltmp12:
0x245: {  	_ = 	snop;
	(pc) =	sbr.rel @p2 .LBB2_18-.Ltmp12, $4  }
0x246: {  	_ = 	snop  }
0x247: {  	s24 =	spop @!p3 (v2sf)  }
0x248: {  	s18 =	simm.s32 @!p3 $0x0;
	s20 =	smov.u32 s24  }
0x249: {  	[sflag:s14] =	ssyncpa.u1 $0x0;
	s24 =	smov.u32 @p3 s23;
	s20 =	smov.u32 @p3 s25  }
0x24a: {  	v1 =	vld.msk [tilespmem:s19+$0x0], $0x1;
	_ =	sdelay $0x4  }
0x24b: {  	(v2sf) =	vpush v1, $0x0;
	_ =	sdelay $0xd  }
0x24c: {  	s0 =	simm.s32 @!p4 $0x0  }
0x24d: {  	s26 =	smul.u32 $0x36000, s21;
	s25 =	ssub.s32 $0x0, s22;
	s28 =	spop (v2sf)  }
0x24e: {  	s0 =	simm.s32 @p4 $0x1;
	s23 =	sadd.s32 $0x1, s25;
	p2 =	seq.s32 s24, s28  }
0x24f: {  	[smem:$0x7FD] =	sst s0;
	s0 =	sshrl.u32 s26, $0x2;
	p3 =	sgt.s32 @!p2 s24, $0x0  }
0x250: {  	s21 =	sadd.s32 $0x40E8, s0;
	s0 =	smov.u32 s24;
	p3 =	por !p3, p2  }
0x251: {  	s0 =	simm.s32 @p3 $0x0;
	p3 =	seq.s32 s23, $0x0  }
.Ltmp13:
0x252: {  	_ = 	snop;
	(pc) =	sbr.rel @p3 .LBB2_15-.Ltmp13, $4  }
0x253: {  	s3 =	smov.u32 s8;
	s12 =	smov.u32 s5;
	s8 =	smov.u32 s6  }
0x254: {  	s22 =	simm.s32 $0x0;
	s29 =	simm.s32 @!p2 $0x1;
	s0 =	smin.u32 @!p2 s0, $0xC34FF  }
0x255: {  	s30 =	simm.s32 @!p2 $0x1B38;
	s29 =	smov.u32 @p2 s22;
	s26 =	sand.u32 @!p2 $0xFFFF8, s0  }
0x256: {  	s31 =	sand.u32 @!p2 $0x7, s0;
	s0 =	sadd.s32 @!p2 s1, s26;
	s26 =	sadd.s32 $0x1, s19  }
.LBB2_14:
0x257: {  	s2 =	smov.u32 s29  }
0x258: {  	[tilespmem:s30], [sflag:$0x2] =	stream.linear.gather @!p2 [hbm4b:s0+s31], $0x4, $0x38;
	[tilespmem:$0x1F0E8] =	vst v63  }
0x259: {  	s23 =	sadd.s32 $0x1, s23;
	s0 =	smov.u32 s28;
	v1 =	vld.msk [tilespmem:s26+$0x0], $0x1  }
0x25a: {  	p3 =	seq.s32 s23, $0x0;
	_ =	sdelay $0x3  }
0x25b: {  	(v2sf) =	vpush v1, $0x0;
	_ =	sdelay $0xe  }
0x25c: {  	s28 =	spop (v2sf)  }
0x25d: {  	p2 =	seq.s32 s0, s28  }
0x25e: {  	p4 =	sgt.s32 @!p2 s0, $0x0;
	s30 =	sshll.u32 @!p2 s29, $0x6;
	s29 =	sadd.s32 @!p2 $0x1, s29  }
.Ltmp14:
0x25f: {  	p4 =	por !p4, p2;
	s30 =	sshra.s32 @!p2 s30, $0x2;
	(pc) =	sbr.rel @!p3 .LBB2_14-.Ltmp14, $4  }
0x260: {  	s29 =	smov.u32 @p2 s2;
	s0 =	simm.s32 @p4 $0x0;
	s30 =	sadd.s32 @!p2 $0x1B38, s30  }
0x261: {  	s0 =	smin.u32 @!p2 s0, $0xC34FF  }
0x262: {  	s2 =	sand.u32 @!p2 $0xFFFF8, s0;
	s31 =	sand.u32 @!p2 $0x7, s0  }
0x263: {  	s26 =	sadd.s32 $0x1, s26;
	s0 =	sadd.s32 @!p2 s1, s2  }
.LBB2_15:
0x264: {  	[tilespmem:s30], [sflag:$0x2] =	stream.linear.gather @!p2 [hbm4b:s0+s31], $0x4, $0x38;
	[tilespmem:$0x1F0E8] =	vst v63  }
0x265: {  	s31 =	sshll.u32 s29, $0x2  }
0x266: {  	s2 =	simm.s32 $0x2;
	s0 =	sand.u32 $0x3FFFFFFC, s31  }
0x267: {  	_ =	swait.ge [sflag:s2], s0  }
0x268: {  	s0 =	ssub.s32 $0x0, s0;
	[sflag:s2] =	ssyncset.done $0x0  }
0x269: {  	[sflag:s2] =	ssyncadd.s32 s0  }
0x26a: {  	v1 =	vld.msk [tilespmem:s19+$0x0], $0x1;
	_ =	sdelay $0x4  }
0x26b: {  	(v2sf) =	vpush v1, $0x0;
	_ =	sdelay $0xe  }
0x26c: {  	s23 =	spop (v2sf)  }
0x26d: {  	p2 =	sne.s32 s24, s23  }
0x26e: {  	p4 =	sne.s32 @p2 s24, s20  }
0x26f: {  	p3 =	por !p4, !p2  }
0x270: {  	s0 =	simm.s32 @!p3 $0x0  }
0x271: {  	v1 =	vld.msk @!p3 [tilespmem:s0+$0x1B38], $0xf  }
0x272: {  	p5 =	sgt.u32 @!p3 s24, $0xC34FF  }
0x273: {  	s2 =	sshll.u32 @!p3 s18, $0x6;
	p6 =	por @p2 p5, !p4  }
0x274: {  	s2 =	sshra.s32 @!p3 s2, $0x2;
	p1 =	por p6, !p2;
	p6 =	por p4, !p2  }
0x275: {  	s26 =	sadd.s32 @!p3 $0x28, s2;
	s28 =	sand.u32 @!p1 $0xFFFF8, s24;
	s29 =	sshll.u32 @!p6 s18, $0x6  }
0x276: {  	s24 =	sand.u32 @!p1 $0x7, s24;
	[tilespmem:s2+$0x28] =	vst.add.f32.msk @!p3 $0xf, v1;
	s2 =	sadd.s32 @!p1 s1, s28;
	s28 =	sshra.s32 @!p6 s29, $0x2  }
0x277: {  	[hbm4b:s2+s24] =	stream.linear.scatter @!p1 [tilespmem:s26], [sflag:$0xA], $0x4, $0x38;
	[tilespmem:$0x1F0E8] =	vst v63  }
0x278: {  	s0 =	rddreg [dreg:$0x3];
	s2 =	sadd.s32 @!p6 $0x28, s28;
	s24 =	simm.s32 @!p6 $0x1  }
0x279: {  	[spmem:s0] =	stream.linear.scatter @!p6 [tilespmem:s2], [sflag:$0x1], $0x4, $0x38;
	[tilespmem:$0x1F0E8] =	vst v63  }
0x27a: {  	s0 =	sadd.s32 @p2 $0x1, s18;
	_ =	swait.ge @!p6 [sflag:s24], $0x4  }
0x27b: {  	s2 =	sshrl.u32 @p2 s0, $0x4;
	[sflag:s24] =	ssyncset.done @!p6 $0x0  }
0x27c: {  	s2 =	smulhi.u32 @p2 $0x97B425F, s2;
	[sflag:s24] =	ssyncadd.s32 @!p6 $0xFFFFFFFC  }
0x27d: {  	s24 =	sadd.s32 $0x1, s25;
	v1 =	vld.msk @p2 [tilespmem:s21+$0x0], $0xf  }
0x27e: {  	p1 =	por @p2 !p5, !p4;
	s2 =	smul.u32 @p2 $0x1B0, s2;
	p4 =	seq.s32 s24, $0x0  }
.Ltmp15:
0x27f: {  	p1 =	por !p1, !p2;
	s25 =	simm.s32 @!p3 $0x0;
	(pc) =	sbr.rel @p4 .LBB2_17-.Ltmp15, $4  }
0x280: {  	s26 =	sshll.u32 @!p2 s18, $0x6;
	s25 =	simm.s32 @!p1 $0x10;
	s0 =	ssub.s32 @p2 s0, s2  }
0x281: {  	s26 =	sshra.s32 @!p2 s26, $0x2;
	s28 =	sadd.s32 @!p3 $0x0, s25;
	s29 =	sshll.u32 @p2 s0, $0x4  }
0x282: {  	s25 =	simm.s32 $0x0;
	s2 =	simm.s32 @p2 $0x1;
	s28 =	smov.u32 @p3 s22;
	[tilespmem:s29+$0x28] =	vst.msk @p2 $0xf, v1  }
0x283: {  	s18 =	smov.u32 @p2 s0;
	s25 =	smov.u32 @p2 s28;
	s22 =	smov.u32 @p2 s2;
	v1 =	vld.msk @!p2 [tilespmem:s21+$0x0], $0xf  }
.LBB2_16:
0x284: {  	_ =	sdelay $0x3  }
0x285: {  	s19 =	sadd.s32 $0x1, s19;
	[tilespmem:s26+$0x28] =	vst.add.f32.msk @!p2 $0xf, v1  }
0x286: {  	v1 =	vld.msk [tilespmem:s19+$0x0], $0x1;
	_ =	sdelay $0x4  }
0x287: {  	(v2sf) =	vpush v1, $0x0;
	_ =	sdelay $0xe  }
0x288: {  	s0 =	smov.u32 s23;
	s23 =	spop (v2sf)  }
0x289: {  	p2 =	sne.s32 s0, s23  }
0x28a: {  	p5 =	sne.s32 @p2 s0, s20  }
0x28b: {  	p4 =	por !p5, !p2  }
0x28c: {  	s30 =	sshll.u32 @!p4 s22, $0x6  }
0x28d: {  	s30 =	sshra.s32 @!p4 s30, $0x2  }
0x28e: {  	p1 =	sgt.u32 @!p4 s0, $0xC34FF;
	v1 =	vld.msk @!p4 [tilespmem:s30+$0x1B38], $0xf  }
0x28f: {  	s31 =	sshll.u32 @!p4 s18, $0x6;
	p6 =	por @p2 p1, !p5;
	p1 =	por @p2 !p1, !p5  }
0x290: {  	s5 =	simm.s32 @!p4 $0x0;
	s31 =	sshra.s32 @!p4 s31, $0x2;
	p1 =	por !p1, !p2  }
0x291: {  	p5 =	por p5, !p2;
	s5 =	simm.s32 @!p1 $0x10;
	p1 =	por p6, !p2  }
0x292: {  	s30 =	sadd.s32 @!p4 $0x28, s31;
	s6 =	sshll.u32 @!p5 s18, $0x6;
	s10 =	sand.u32 @!p1 $0xFFFF8, s0  }
0x293: {  	s6 =	sshra.s32 @!p5 s6, $0x2;
	s0 =	sand.u32 @!p1 $0x7, s0;
	s10 =	sadd.s32 @!p1 s1, s10;
	[tilespmem:s31+$0x28] =	vst.add.f32.msk @!p4 $0xf, v1  }
0x294: {  	[hbm4b:s10+s0] =	stream.linear.scatter @!p1 [tilespmem:s30], [sflag:$0xA], $0x4, $0x38;
	[tilespmem:$0x1F0E8] =	vst v63  }
0x295: {  	s2 =	rddreg [dreg:$0x3];
	s0 =	sadd.s32 @!p5 $0x28, s6;
	s6 =	simm.s32 @!p5 $0x1  }
0x296: {  	[spmem:s2] =	stream.linear.scatter @!p5 [tilespmem:s0], [sflag:$0x1], $0x4, $0x38;
	[tilespmem:$0x1F0E8] =	vst v63  }
0x297: {  	s28 =	sadd.s32 @p2 $0x1, s18;
	_ =	swait.ge @!p5 [sflag:s6], $0x4  }
0x298: {  	s29 =	sshrl.u32 @p2 s28, $0x4;
	[sflag:s6] =	ssyncset.done @!p5 $0x0  }
0x299: {  	s21 =	sadd.s32 $0x80, s21;
	s29 =	smulhi.u32 @p2 $0x97B425F, s29;
	[sflag:s6] =	ssyncadd.s32 @!p5 $0xFFFFFFFC  }
0x29a: {  	s24 =	sadd.s32 $0x1, s24;
	v1 =	vld.msk @p2 [tilespmem:s21+$0x0], $0xf  }
0x29b: {  	p3 =	seq.s32 s24, $0x0;
	s29 =	smul.u32 @p2 $0x1B0, s29  }
.Ltmp16:
0x29c: {  	_ = 	snop;
	(pc) =	sbr.rel @!p3 .LBB2_16-.Ltmp16, $4  }
0x29d: {  	s28 =	ssub.s32 @p2 s28, s29  }
0x29e: {  	s26 =	sshll.u32 @!p2 s18, $0x6;
	s5 =	sadd.s32 @!p4 s5, s25;
	s10 =	sshll.u32 @p2 s28, $0x4  }
0x29f: {  	s9 =	sadd.s32 @p2 $0x1, s22;
	s26 =	sshra.s32 @!p2 s26, $0x2;
	s5 =	smov.u32 @p4 s25;
	[tilespmem:s10+$0x28] =	vst.msk @p2 $0xf, v1  }
0x2a0: {  	s22 =	smov.u32 @p2 s9;
	s18 =	smov.u32 @p2 s28;
	s25 =	smov.u32 @p2 s5;
	v1 =	vld.msk @!p2 [tilespmem:s21+$0x0], $0xf  }
.LBB2_17:
.Ltmp17:
0x2a1: {  	_ = 	snop;
	(pc) =	sbr.rel .LBB2_19-.Ltmp17, $4  }
0x2a2: {  	s2 =	sld [smem:$0x7FD]  }
0x2a3: {  	s0 =	sshrl.u32 s25, $0x2  }
0x2a4: {  	s24 =	smov.u32 s23;
	s6 =	smov.u32 s8;
	s5 =	smov.u32 s12  }
0x2a5: {  	s8 =	smov.u32 s3;
	s3 =	rddreg [dreg:$0x4];
	p4 =	seq.s32 s2, $0x1;
	[tilespmem:s26+$0x28] =	vst.add.f32.msk @!p2 $0xf, v1  }
.LBB2_21:
0x2a6: {  	_ =	sfence.sel $0x180000  }
0x2a7: {  	s0 =	simm.s32 $0x7;
	[bflag:$0x0] =	sbarrier.arrive $0xFFFF  }
0x2a8: {  	s25 =	simm.s32 $0x8;
	[sflag:s0] =	ssyncpa.u1 $0x1  }
0x2a9: {  	s26 =	simm.s32 $0x9;
	[sflag:s25] =	ssyncpa.u1 $0x1  }
0x2aa: {  	s28 =	simm.s32 $0x2;
	[sflag:s26] =	ssyncpa.u1 $0x1  }
0x2ab: {  	[sflag:s28] =	ssyncpa.u1 $0x1  }
0x2ac: {  	v0 =	vld [tilespmem:$0x3648];
	_ =	sdelay $0x4  }
0x2ad: {  	(v2sf) =	vpush v0, $0x0  }
0x2ae: {  	(v2sf) =	vpush v0, $0x1;
	_ =	sdelay $0x1  }
0x2af: {  	(v2sf) =	vpush v0, $0x2;
	_ =	sdelay $0xb  }
0x2b0: {  	s0 =	spop (v2sf)  }
0x2b1: {  	s2 =	spop (v2sf)  }
0x2b2: {  	s3 =	smov.u32 s0;
	p0 =	sne.s32 s0, s2  }
0x2b3: {  	s4 =	spop (v2sf);
	s3 =	simm.s32 @!p0 $0xFFFFFFFF  }
0x2b4: {  	v2 =	vimm.s32 $0x1;
	v3 =	vlaneseq.u32;
	p0 =	seq.s32 s4, $0xFFFFFFFF;
	v1 =	vmov s3  }
0x2b5: {  	s7 =	stileid.u32;
	v0 =	vperm.xlane v0, v2;
	p1 =	sne.s32 @!p0 s0, s2;
	v1 =	vperm.xlane v1, v3  }
0x2b6: {  	vm0 =	vcmask $0x3F04;
	s6 =	simm.s32 $0x3648;
	s0 =	simm.s32 @!p0 $0x1;
	p1 =	por !p1, p0  }
0x2b7: {  	s3 =	sshll.u32 s7, $0x1;
	s2 =	sshll.u32 @!p0 s4, $0x6;
	s0 =	simm.s32 @p1 $0x0;
	v0 =	vsel vm0, v1, v0  }
0x2b8: {  	s5 =	sor.u32 $0x200, s3;
	s2 =	sshra.s32 @!p0 s2, $0x2;
	s0 =	sor.u32 @!p0 s0, s3;
	[tilespmem:$0x3648] =	vst v0  }
0x2b9: {  	[spmem:s5] =	stream.linear.scatter [tilespmem:s6], [sflag:$0x1], $0x2, $0x38;
	[tilespmem:$0x1F0E8] =	vst v63  }
0x2ba: {  	s2 =	sadd.s32 @!p0 $0x28, s2;
	s0 =	sshll.u32 @!p0 s0, $0x4  }
0x2bb: {  	[spmem:s0] =	stream.linear.scatter @!p0 [tilespmem:s2], [sflag:$0x1], $0x10, $0x38;
	[tilespmem:$0x1F0E8] =	vst v63  }
0x2bc: {  	s0 =	simm.s32 @!p0 $0x12  }
0x2bd: {  	s3 =	simm.s32 $0x1;
	s0 =	simm.s32 @p0 $0x2  }
0x2be: {  	_ =	swait.ge [sflag:s3], s0  }
0x2bf: {  	s0 =	ssub.s32 $0x0, s0;
	[sflag:s3] =	ssyncset.done $0x0  }
0x2c0: {  	[sflag:s3] =	ssyncadd.s32 s0  }
0x2c1: {  	_ =	sfence.stream.spmem  }
0x2c2: {  	s29 =	simm.s32 $0x3;
	[bflag:$0x0] =	sbarrier.arrive $0xFFFF  }
0x2c3: {  	s30 =	simm.s32 $0x4;
	[sflag:s29] =	ssyncpa.u1 $0x1  }
0x2c4: {  	s31 =	simm.s32 $0x3C;
	[sflag:s30] =	ssyncpa.u1 $0x1  }
0x2c5: {  	p0 =	sne.s32 s7, $0x0;
	[sflag:s31] =	ssyncpa.u1 $0x1  }
0x2c6: {  	_ =	sfence @p0  }
0x2c7: {  	[sflag:s3] =	ssyncpa.u1 @p0 $0x1  }
0x2c8: {  	_ =	strace @p0 $0x9000006B  }
0x2c9: {  	[bflag:$0x2] =	sbarrier.arrive @p0 $0xFFFF  }
0x2ca: {  	_ =	shalt @p0  }
.LBB2_22:
0x2cb: {  	_ =	sfence.stream.spmem;
	s0 =	simm.s32 $0x5  }
0x2cc: {  	s2 =	simm.s32 $0x200;
	s3 =	simm.s32 $0x3658;
	[sflag:s0] =	ssyncpa.u1 $0x0  }
0x2cd: {  	[tilespmem:s3], [sflag:$0x5] =	stream.linear.gather [spmem:s2], $0x20, $0x38;
	[tilespmem:$0x1F0E8] =	vst v63  }
0x2ce: {  	s30 =	simm.s32 $0x3678;
	s2 =	simm.s32 $0x0  }
0x2cf: {  	[tilespmem:s30], [sflag:$0x5] =	stream.linear.gather [spmem:s2], $0x200, $0x38;
	[tilespmem:$0x1F0E8] =	vst v63  }
.Ltmp18:
0x2d0: {  	_ = 	snop;
	(pc) =	sbr.rel .LBB2_23-.Ltmp18, $4  }
0x2d1: {  	_ =	swait.ge [sflag:s0], $0x220  }
0x2d2: {  	[sflag:s0] =	ssyncset.done $0x0  }
0x2d3: {  	s31 =	simm.s32 $0x6;
	[sflag:s0] =	ssyncadd.s32 $0xFFFFFDE0  }
0x2d4: {  	s3 =	simm.s32 $0x0;
	[sflag:s31] =	ssyncpa.u1 $0x0  }
.LBB2_28:
0x2d5: {  	p0 =	slt.u32 s4, $0xC3500  }
0x2d6: {  	s0 =	sand.u32 @p0 $0xFFFF8, s4  }
0x2d7: {  	s4 =	sand.u32 @p0 $0x7, s4;
	s5 =	simm.s32 @p0 $0x3638;
	s0 =	sadd.s32 @p0 s1, s0  }
0x2d8: {  	[tilespmem:s5], [sflag:$0x6] =	stream.linear.gather @p0 [hbm4b:s0+s4], $0x4, $0x38;
	[tilespmem:$0x1F0E8] =	vst v63  }
0x2d9: {  	s0 =	simm.s32 @p0 $0x6  }
0x2da: {  	_ =	swait.ge @p0 [sflag:s0], $0x4  }
0x2db: {  	[sflag:s0] =	ssyncset.done @p0 $0x0  }
0x2dc: {  	[sflag:s0] =	ssyncadd.s32 @p0 $0xFFFFFFFC  }
0x2dd: {  	v1 =	vld @p0 [tilespmem:$0x3638];
	_ =	sdelay $0x2  }
0x2de: {  	s0 =	sshll.u32 @p0 s3, $0x6  }
0x2df: {  	s5 =	sshll.u32 @!p0 s3, $0x6;
	s4 =	sshrl.u32 @p0 s0, $0x2  }
0x2e0: {  	s5 =	smov.u32 @p0 s0;
	[tilespmem:s4+$0x3678] =	vst.add.f32.msk @p0 $0xffff, v1  }
0x2e1: {  	s0 =	sshrl.u32 s5, $0x2;
	[tilespmem:s2+$0x3658] =	vst.msk $0x1, v0  }
0x2e2: {  	v0 =	vld [tilespmem:s0+$0x3678];
	_ =	sdelay $0x2  }
0x2e3: {  	s31 =	sshll.u32 s2, $0x6  }
0x2e4: {  	s0 =	sshra.s32 s31, $0x2  }
0x2e5: {  	s2 =	sadd.s32 $0x1, s2;
	[tilespmem:s0+$0x3678] =	vst v0  }
.LBB2_30:
0x2e6: {  	s3 =	sadd.s32 $0x1, s3  }
0x2e7: {  	p0 =	sne.s32 s3, $0x20  }
.Ltmp19:
0x2e8: {  	_ = 	snop;
	(pc) =	sbr.rel @!p0 .LBB2_31-.Ltmp19, $1  }
0x2e9: {  	_ =	sdelay $0x3  }
.LBB2_23:
0x2ea: {  	v0 =	vld.msk [tilespmem:s3+$0x3658], $0x1;
	_ =	sdelay $0x4  }
0x2eb: {  	(v2sf) =	vpush v0, $0x0;
	_ =	sdelay $0xe  }
0x2ec: {  	s4 =	spop (v2sf)  }
0x2ed: {  	p0 =	seq.s32 s4, $0xFFFFFFFF  }
.Ltmp20:
0x2ee: {  	_ = 	snop;
	(pc) =	sbr.rel @p0 .LBB2_30-.Ltmp20, $1  }
0x2ef: {  	_ =	sdelay $0x3  }
0x2f0: {  	p0 =	slt.s32 s2, $0x1  }
.Ltmp21:
0x2f1: {  	_ = 	snop;
	(pc) =	sbr.rel @p0 .LBB2_28-.Ltmp21, $1  }
0x2f2: {  	_ =	sdelay $0x3  }
0x2f3: {  	s5 =	simm.s32 $0x3658;
	p0 =	por $0x0, $0x0  }
0x2f4: {  	v1 =	vld.msk @!p0 [tilespmem:s5+$0x0], $0x1;
	_ =	sdelay $0x4  }
0x2f5: {  	(v2sf) =	vpush @!p0 v1, $0x0;
	_ =	sdelay $0xd  }
0x2f6: {  	p2 =	sne.s32 s2, $0x1  }
.Ltmp22:
0x2f7: {  	s0 =	spop @!p0 (v2sf);
	(pc) =	sbr.rel @!p2 .LBB2_27-.Ltmp22, $4  }
0x2f8: {  	p1 =	seq.s32 @!p0 s4, s0  }
0x2f9: {  	s6 =	simm.s32 $0x0;
	p1 =	por !p1, p0  }
0x2fa: {  	s0 =	simm.s32 $0xFFFFFFFF;
	s6 =	simm.s32 @p1 $0xFFFFFFFF  }
0x2fb: {  	s7 =	simm.s32 $0x1;
	s6 =	smov.u32 @p0 s0  }
.LBB2_26:
0x2fc: {  	s0 =	smov.u32 s6;
	p0 =	sne.s32 s6, $0xFFFFFFFF  }
0x2fd: {  	s5 =	sadd.s32 $0x1, s5;
	s6 =	smov.u32 s7;
	s7 =	sadd.s32 $0x1, s7  }
0x2fe: {  	p1 =	sne.s32 s2, s7;
	v1 =	vld.msk @!p0 [tilespmem:s5+$0x0], $0x1;
	_ =	sdelay $0x4  }
0x2ff: {  	(v2sf) =	vpush @!p0 v1, $0x0;
	_ =	sdelay $0xe  }
.Ltmp23:
0x300: {  	s8 =	spop @!p0 (v2sf);
	(pc) =	sbr.rel @p1 .LBB2_26-.Ltmp23, $4  }
0x301: {  	p2 =	seq.s32 @!p0 s4, s8  }
0x302: {  	p2 =	por !p2, p0  }
0x303: {  	s6 =	simm.s32 @p2 $0xFFFFFFFF  }
0x304: {  	s6 =	smov.u32 @p0 s0  }
.LBB2_27:
0x305: {  	p0 =	sne.s32 s6, $0xFFFFFFFF  }
.Ltmp24:
0x306: {  	_ = 	snop;
	(pc) =	sbr.rel @!p0 .LBB2_28-.Ltmp24, $1  }
0x307: {  	_ =	sdelay $0x3  }
0x308: {  	s0 =	sshll.u32 s3, $0x4  }
0x309: {  	s0 =	sand.u32 $0x3FFFFFF0, s0  }
0x30a: {  	v0 =	vld [tilespmem:s0+$0x3678]  }
.Ltmp25:
0x30b: {  	_ = 	snop;
	(pc) =	sbr.rel .LBB2_30-.Ltmp25, $4  }
0x30c: {  	_ = 	snop  }
0x30d: {  	s31 =	sshll.u32 s6, $0x6  }
0x30e: {  	s0 =	sshra.s32 s31, $0x2  }
0x30f: {  	[tilespmem:s0+$0x3678] =	vst.add.f32.msk $0xffff, v0  }
.LBB2_31:
0x310: {  	p0 =	slt.s32 s2, $0x1  }
.Ltmp26:
0x311: {  	_ = 	snop;
	(pc) =	sbr.rel @p0 .LBB2_35-.Ltmp26, $3  }
0x312: {  	_ =	sdelay $0x1  }
0x313: {  	s0 =	simm.s32 $0x6  }
0x314: {  	s3 =	simm.s32 $0x0;
	[sflag:s0] =	ssyncpa.u1 $0x1  }
0x315: {  	s0 =	simm.s32 $0x3658  }
0x316: {  	v0 =	vld.msk [tilespmem:s0+$0x0], $0x1;
	_ =	sdelay $0x4  }
0x317: {  	(v2sf) =	vpush v0, $0x0;
	_ =	sdelay $0xd  }
0x318: {  	s2 =	sadd.s32 $0xFFFFFFFF, s2  }
0x319: {  	p1 =	sne.s32 s2, $0x0;
	s0 =	spop (v2sf)  }
.Ltmp27:
0x31a: {  	p0 =	sgt.u32 s0, $0xC34FF;
	(pc) =	sbr.rel @!p1 .LBB2_34-.Ltmp27, $4  }
0x31b: {  	s4 =	simm.s32 $0x3678;
	s5 =	sand.u32 @!p0 $0xFFFF8, s0  }
0x31c: {  	s6 =	simm.s32 $0x0;
	s0 =	sand.u32 @!p0 $0x7, s0;
	s5 =	sadd.s32 @!p0 s1, s5  }
0x31d: {  	[hbm4b:s5+s0] =	stream.linear.scatter @!p0 [tilespmem:s4], [sflag:$0x5], $0x4, $0x38;
	[tilespmem:$0x1F0E8] =	vst v63  }
0x31e: {  	s6 =	simm.s32 @!p0 $0x10;
	s5 =	simm.s32 $0x3659  }
.LBB2_33:
0x31f: {  	v0 =	vld.msk [tilespmem:s5+$0x0], $0x1;
	s2 =	sadd.s32 $0xFFFFFFFF, s2;
	s3 =	sadd.s32 s3, s6  }
0x320: {  	p0 =	sne.s32 s2, $0x0;
	_ =	sdelay $0x3  }
0x321: {  	(v2sf) =	vpush v0, $0x0;
	_ =	sdelay $0xe  }
.Ltmp28:
0x322: {  	s0 =	spop (v2sf);
	(pc) =	sbr.rel @p0 .LBB2_33-.Ltmp28, $4  }
0x323: {  	s6 =	simm.s32 $0x0;
	p1 =	sgt.u32 s0, $0xC34FF  }
0x324: {  	s4 =	sadd.s32 $0x10, s4;
	s6 =	simm.s32 @!p1 $0x10;
	s7 =	sand.u32 @!p1 $0xFFFF8, s0  }
0x325: {  	s5 =	sadd.s32 $0x1, s5;
	s0 =	sand.u32 @!p1 $0x7, s0;
	s7 =	sadd.s32 @!p1 s1, s7  }
0x326: {  	[hbm4b:s7+s0] =	stream.linear.scatter @!p1 [tilespmem:s4], [sflag:$0x5], $0x4, $0x38;
	[tilespmem:$0x1F0E8] =	vst v63  }
.LBB2_34:
0x327: {  	s0 =	sadd.s32 s3, s6  }
0x328: {  	s3 =	sshrl.u32 s0, $0x2  }
.LBB2_35:
0x329: {  	s0 =	simm.s32 $0x5  }
0x32a: {  	_ =	swait.ge [sflag:s0], s3  }
0x32b: {  	s1 =	ssub.s32 $0x0, s3;
	[sflag:s0] =	ssyncset.done $0x0  }
0x32c: {  	[sflag:s0] =	ssyncadd.s32 s1  }
0x32d: {  	[sflag:s0] =	ssyncpa.u1 $0x1  }
0x32e: {  	s30 =	simm.s32 $0x1;
	_ =	sfence  }
0x32f: {  	[sflag:s30] =	ssyncpa.u1 $0x1  }
0x330: {  	_ =	strace $0x9000006B  }
0x331: {  	[bflag:$0x2] =	sbarrier.arrive $0xFFFF  }
0x332: {  	s31 =	rddreg [dreg:$0x2]  }
0x333: {  	s0 =	sadd.s32 $0x100000, s31  }
0x334: {  	[sflag:s0] =	ssyncadd.tile.s32 $0x1;
	_ =	shalt  }
.Lfunc_end2:
_tile_overlayer_lowered:
.L_overlay_start_2:
0x335: {  	(tag) =	ssettag $0x2  }
0x336: {  	s0 =	rddreg [dreg:$0x0];
	s2 =	stileid.u32  }
0x337: {  	s1 =	rddreg [dreg:$0x1];
	p0 =	sne.s32 s2, $0x0  }
0x338: {  	s3 =	rddreg [dreg:$0x2];
	[bflag:$0x3] =	sbarrier.arrive $0xFFFF;
	s2 =	simm.s32 @!p0 $0x1C01  }
0x339: {  	[timem:s3], [sflag:s2] =	dma.local @!p0 [hbm:s0], s1  }
0x33a: {  	s0 =	simm.s32 @!p0 $0x1  }
0x33b: {  	_ =	swait.ge @!p0 [sflag:s0], s1  }
0x33c: {  	s1 =	ssub.s32 @!p0 $0x0, s1;
	[sflag:s0] =	ssyncset.done @!p0 $0x0  }
0x33d: {  	[sflag:s0] =	ssyncadd.s32 @!p0 s1  }
0x33e: {  	[bflag:$0x3] =	sbarrier.arrive $0xFFFF  }
0x33f: {  	_ =	shalt  }

// kernel: scatter_offload_async_start
scs
__scs_entry_jumppad:
0x0: {  	(pc) =	sbr.rel $0x88, $3  }
0x1: {  	(tag) =	ssettag $0x0;
	lr =	simm.s32 $0x1  }
0x2: {  	[smem:$0x3F75] =	sst lr;
	_ =	strace $0xD0000000  }
0x3: {  	_ = 	snop  }
0x4: {  	_ = 	snop  }
0x5: {  	_ = 	snop  }
0x6: {  	_ = 	snop  }
0x7: {  	_ = 	snop  }
__scs_overlays_trampoline_lowered:
0x8: {  	[smem:$0x3F84] =	sst s0  }
0x9: {  	[smem:$0x3F85] =	sst s1  }
0xa: {  	[smem:$0x3F86] =	sst s2  }
0xb: {  	[smem:$0x3F87] =	sst s3  }
0xc: {  	[smem:$0x3F88] =	sst s4  }
0xd: {  	[smem:$0x3F89] =	sst s5  }
0xe: {  	[smem:$0x3F8A] =	sst s6  }
0xf: {  	[smem:$0x3F8B] =	sst s7  }
0x10: {  	[smem:$0x3F8C] =	sst s8  }
0x11: {  	[smem:$0x3F8D] =	sst s9;
	s0 =	simm.s32 @!p0 $0x0  }
0x12: {  	s1 =	sld [smem:$0x3F73];
	s0 =	simm.s32 @p0 $0x1  }
0x13: {  	[smem:$0x3F8E] =	sst s0;
	s0 =	simm.s32 @!p1 $0x0  }
0x14: {  	s2 =	sld [smem:$0x3F72];
	s0 =	simm.s32 @p1 $0x1  }
0x15: {  	[smem:$0x3F8F] =	sst s0;
	s0 =	simm.s32 @!p2 $0x0  }
0x16: {  	s3 =	sld [smem:$0x3FDB];
	s0 =	simm.s32 @p2 $0x1  }
0x17: {  	s4 =	simm.s32 $0x1BF5;
	[smem:$0x3F91] =	sst s0  }
0x18: {  	s0 =	sld [smem:$0x3F74];
	_ =	swait.ge [sflag:s4], $0x0  }
0x19: {  	s7 =	sld [smem:$0x3F75]  }
0x1a: {  	s8 =	sadd.s32 $0xFFFFE003, lr  }
0x1b: {  	s9 =	sadd.s32 $0xFFFFFEF7, lr;
	s5 =	simm.s32 $0xFFFFFFFF;
	p2 =	slt.u32 s8, $0xFFFFF086  }
0x1c: {  	p1 =	slt.u32 s9, $0xF7A;
	s5 =	simm.s32 @!p2 $0x0  }
0x1d: {  	s5 =	simm.s32 @p1 $0x1;
	p0 =	seq.s32 s7, s2  }
0x1e: {  	s7 =	smul.u32 @!p0 $0xF7A, s2;
	p2 =	seq.s32 @!p0 s5, $0x0  }
0x1f: {  	s9 =	smul.u32 $0xF7A, s1;
	s8 =	simm.s32 @!p0 $0x1BF5;
	p2 =	por !p2, p0  }
0x20: {  	[sflag:s8] =	ssyncset.s32 @!p0 $0xFFFFF086;
	s6 =	sadd.s32 @!p0 s3, s7;
	s7 =	simm.s32 @!p0 $0x108  }
0x21: {  	s3 =	sadd.s32 s3, s9;
	s6 =	sadd.s32 @!p0 $0x88, s6;
	s7 =	simm.s32 @p2 $0x1082  }
0x22: {  	[simem:s7], [sflag:s8] =	dma.local @!p0 [hbm:s6], $0xF7A  }
0x23: {  	s9 =	sor.u32 $0xD0000000, s2;
	s6 =	simm.s32 $0x108;
	_ =	swait.ge @!p0 [sflag:s8], $0x0  }
0x24: {  	s3 =	sadd.s32 $0x88, s3;
	s6 =	simm.s32 @!p1 $0x1082;
	[sflag:s4] =	ssyncset.s32 $0xFFFFF086  }
0x25: {  	[simem:s6], [sflag:s4] =	dma.local [hbm:s3], $0xF7A  }
0x26: {  	[smem:$0x3F75] =	sst s1;
	(tag) =	ssettag s2;
	_ =	strace s9  }
0x27: {  	s1 =	sld [smem:$0x3F85]  }
0x28: {  	s2 =	sld [smem:$0x3F86]  }
0x29: {  	s4 =	sld [smem:$0x3F88]  }
0x2a: {  	p0 =	seq.s32 s5, $0x0;
	s5 =	sld [smem:$0x3F89]  }
0x2b: {  	s6 =	sld [smem:$0x3F8A]  }
0x2c: {  	s7 =	sld [smem:$0x3F8B]  }
0x2d: {  	s3 =	simm.s32 $0x108;
	s8 =	sld [smem:$0x3F8C]  }
0x2e: {  	s3 =	simm.s32 @!p0 $0x1082;
	s9 =	sld [smem:$0x3F8D]  }
0x2f: {  	lr =	sadd.s32 s0, s3;
	s0 =	sld [smem:$0x3F84]  }
0x30: {  	s3 =	sld [smem:$0x3F87]  }
0x31: {  	[smem:$0x3F90] =	sst s10  }
0x32: {  	s10 =	sld [smem:$0x3F8E];
	_ =	sdelay $0x3  }
0x33: {  	p0 =	seq.s32 s10, $0x1;
	s10 =	sld [smem:$0x3F90];
	_ =	sdelay $0x3  }
0x34: {  	[smem:$0x3F90] =	sst s10  }
0x35: {  	s10 =	sld [smem:$0x3F8F];
	_ =	sdelay $0x3  }
0x36: {  	p1 =	seq.s32 s10, $0x1;
	s10 =	sld [smem:$0x3F90];
	_ =	sdelay $0x3  }
0x37: {  	[smem:$0x3F90] =	sst s10  }
0x38: {  	s10 =	sld [smem:$0x3F91]  }
0x39: {  	_ = 	snop;
	(pc) =	sbr.ind lr, $3  }
0x3a: {  	_ = 	snop  }
0x3b: {  	_ = 	snop  }
0x3c: {  	p2 =	seq.s32 s10, $0x1;
	s10 =	sld [smem:$0x3F90]  }
0x3d: {  	_ =	shalt  }
0x3e: {  	_ =	shalt  }
0x3f: {  	_ =	shalt  }
0x40: {  	_ =	shalt  }
0x41: {  	_ =	shalt  }
0x42: {  	_ =	shalt  }
0x43: {  	_ =	shalt  }
0x44: {  	_ =	shalt  }
0x45: {  	_ =	shalt  }
0x46: {  	_ =	shalt  }
0x47: {  	_ =	shalt  }
0x48: {  	_ =	shalt  }
0x49: {  	_ =	shalt  }
0x4a: {  	_ =	shalt  }
0x4b: {  	_ =	shalt  }
0x4c: {  	_ =	shalt  }
0x4d: {  	_ =	shalt  }
0x4e: {  	_ =	shalt  }
0x4f: {  	_ =	shalt  }
0x50: {  	_ =	shalt  }
0x51: {  	_ =	shalt  }
0x52: {  	_ =	shalt  }
0x53: {  	_ =	shalt  }
0x54: {  	_ =	shalt  }
0x55: {  	_ =	shalt  }
0x56: {  	_ =	shalt  }
0x57: {  	_ =	shalt  }
0x58: {  	_ =	shalt  }
0x59: {  	_ =	shalt  }
0x5a: {  	_ =	shalt  }
0x5b: {  	_ =	shalt  }
0x5c: {  	_ =	shalt  }
0x5d: {  	_ =	shalt  }
0x5e: {  	_ =	shalt  }
0x5f: {  	_ =	shalt  }
0x60: {  	_ =	shalt  }
0x61: {  	_ =	shalt  }
0x62: {  	_ =	shalt  }
0x63: {  	_ =	shalt  }
0x64: {  	_ =	shalt  }
0x65: {  	_ =	shalt  }
0x66: {  	_ =	shalt  }
0x67: {  	_ =	shalt  }
0x68: {  	_ =	shalt  }
0x69: {  	_ =	shalt  }
0x6a: {  	_ =	shalt  }
0x6b: {  	_ =	shalt  }
0x6c: {  	_ =	shalt  }
0x6d: {  	_ =	shalt  }
0x6e: {  	_ =	shalt  }
0x6f: {  	_ =	shalt  }
0x70: {  	_ =	shalt  }
0x71: {  	_ =	shalt  }
0x72: {  	_ =	shalt  }
0x73: {  	_ =	shalt  }
0x74: {  	_ =	shalt  }
0x75: {  	_ =	shalt  }
0x76: {  	_ =	shalt  }
0x77: {  	_ =	shalt  }
0x78: {  	_ =	shalt  }
0x79: {  	_ =	shalt  }
0x7a: {  	_ =	shalt  }
0x7b: {  	_ =	shalt  }
0x7c: {  	_ =	shalt  }
0x7d: {  	_ =	shalt  }
0x7e: {  	_ =	shalt  }
0x7f: {  	_ =	shalt  }
0x80: {  	_ =	shalt  }
0x81: {  	_ =	shalt  }
0x82: {  	_ =	shalt  }
0x83: {  	_ =	shalt  }
0x84: {  	_ =	shalt  }
0x85: {  	_ =	shalt  }
0x86: {  	_ =	shalt  }
0x87: {  	_ =	shalt  }
.Lfunc_end0:
.L_simem_size_0:
called_computation_lowered:
.L_overlay_start_0:
0x88: {  	s0 =	sld [smem:$0x3FD9]  }
0x89: {  	s1 =	sld [smem:$0x3FFE];
	_ =	sdelay $0x3  }
0x8a: {  	s0 =	sadd.s32 s1, s0  }
0x8b: {  	[smem:$0x3F9C] =	sst s0  }
0x8c: {  	_ = 	snop  }
0x8d: {  	(tm) =	ssettm $0x1  }
0x8e: {  	s15 =	sld [smem:$0x3FFB];
	_ =	sdelay $0x3  }
0x8f: {  	_ =	strace s15  }
0x90: {  	s0 =	sld [smem:$0x3FFC];
	_ =	sdelay $0x3  }
0x91: {  	_ =	strace s0  }
0x92: {  	s0 =	sld [smem:$0x3FFD];
	_ =	sdelay $0x3  }
0x93: {  	_ =	strace s0  }
0x94: {  	_ =	strace $0x8FFFFFFF  }
0x95: {  	s16 =	sld [smem:$0x3FDB];
	_ =	sdelay $0x1  }
0x96: {  	s17 =	simm.s32 $_scs_section_size  }
0x97: {  	s2 =	simm.s32 $_size__tile_overlayer_lowered;
	s3 =	simm.s32 $_tile_overlayer_lowered  }
0x98: {  	s20 =	simm.s32 $0x1BFF;
	s19 =	sshll.u32 s3, $0x1;
	s0 =	sadd.s32 s17, s16  }
0x99: {  	s4 =	simm.s32 $0x0;
	s18 =	sshll.u32 s2, $0x1;
	s2 =	sadd.s32 s19, s0  }
0x9a: {  	[timem:s4], [sflag:s20] =	dma.local [hbm:s2], s18  }
0x9b: {  	_ =	swait.ge [sflag:s20], s18  }
0x9c: {  	s1 =	ssub.s32 $0x0, s18;
	[sflag:s20] =	ssyncset.done $0x0  }
0x9d: {  	[sflag:s20] =	ssyncadd.s32 s1;
	_ =	sdelay $0x1  }
0x9e: {  	s21 =	simm.s32 $0x1B8B  }
0x9f: {  	_ =	swait.ge [sflag:s21], $0x1  }
0xa0: {  	[sflag:s21] =	ssyncset.done $0x0  }
0xa1: {  	s23 =	simm.s32 $0x1B8E;
	s22 =	sld [smem:$0x3FFE];
	[sflag:s21] =	ssyncadd.s32 $0xFFFFFFFF  }
0xa2: {  	s24 =	simm.s32 $execute0_lowered;
	[smem:$0x3FD2] =	sst s23  }
0xa3: {  	s2 =	sshll.u32 s24, $0x1;
	_ =	strace $0x8000005E;
	[dreg:$0x1] =	wrdreg $0xFFFFFFFF  }
0xa4: {  	s25 =	simm.s32 $_size_execute0_lowered;
	s0 =	sadd.s32 s0, s2;
	[dreg:$0x0] =	wrdreg $0x0  }
0xa5: {  	s2 =	sshll.u32 s25, $0x1;
	[dreg:$0x2] =	wrdreg s0  }
0xa6: {  	[dreg:$0x3] =	wrdreg s2  }
0xa7: {  	[dreg:$0x4] =	wrdreg $0xC0  }
0xa8: {  	_ =	task [dreg:s4], $0x5FFFF  }
0xa9: {  	[dreg:$0x1] =	wrdreg $0xFFFFFFFF  }
0xaa: {  	[dreg:$0x0] =	wrdreg $0x60  }
0xab: {  	[dreg:$0x2] =	wrdreg s22  }
0xac: {  	[dreg:$0x3] =	wrdreg $0xC  }
0xad: {  	_ =	task.clear_ibuf [dreg:s4], $0x4FFFF;
	_ =	strace $0x9000005E  }
0xae: {  	s26 =	simm.s32 $0xC;
	_ =	strace $0x80000060  }
0xaf: {  	_ =	swait.ge [sflag:s26], $0x1  }
0xb0: {  	[sflag:s26] =	ssyncadd.s32 $0xFFFFFFFF  }
0xb1: {  	_ =	strace $0x90000060  }
0xb2: {  	_ =	sfence  }
0xb3: {  	s28 =	sld [smem:$0x0];
	_ =	sdelay $0x1  }
0xb4: {  	s29 =	srdreg.scid  }
0xb5: {  	s30 =	sshll.u32 s29, $0xD;
	s31 =	sshrl.u32 s29, $0x2  }
0xb6: {  	s1 =	sand.u32 $0x1, s29;
	s2 =	sand.u32 $0x4000, s30;
	s0 =	sadd.s32 s31, s28  }
0xb7: {  	s1 =	sor.u32 s2, s1;
	s0 =	sshll.u32 s0, $0x11  }
0xb8: {  	s0 =	sor.u32 s0, s1  }
0xb9: {  	s0 =	sadd.s32 $0x8F2B, s0  }
0xba: {  	[sflag:s0] =	ssyncadd.remote.s32 $0x1  }
0xbb: {  	_ =	sfence.sel $0xFFFF  }
0xbc: {  	[dreg:$0x0] =	wrdreg $0xFFFFFFFF;
	(pc) =	sbr.abs _section_cstart, $3  }
0xbd: {  	[dreg:$0x1] =	wrdreg $0xFFFFFFFF  }
0xbe: {  	_ =	task.clear_ibuf [dreg:s4], $0x2FFFF;
	_ =	strace $0x9FFFFFFF  }
0xbf: {  	(tm) =	ssettm $0x7FFFFFFF  }
tec
execute0_lowered:
.L_overlay_start_1:
0x0: {  	(tag) =	ssettag $0x1  }
0x1: {  	s8 =	rddreg [dreg:$0x0];
	_ =	strace $0x8000005F;
	s11 =	simm.s32 $0x1  }
0x2: {  	v0 =	vimm.s32 $0x0;
	[sflag:s11] =	ssyncpa.u1 $0x0  }
0x3: {  	[tilespmem:$0x28] =	vst v0  }
0x4: {  	[tilespmem:$0x38] =	vst v0  }
0x5: {  	[tilespmem:$0x48] =	vst v0  }
0x6: {  	[tilespmem:$0x58] =	vst v0  }
0x7: {  	[tilespmem:$0x68] =	vst v0  }
0x8: {  	[tilespmem:$0x78] =	vst v0  }
0x9: {  	[tilespmem:$0x88] =	vst v0  }
0xa: {  	[tilespmem:$0x98] =	vst v0  }
0xb: {  	[tilespmem:$0xA8] =	vst v0  }
0xc: {  	[tilespmem:$0xB8] =	vst v0  }
0xd: {  	[tilespmem:$0xC8] =	vst v0  }
0xe: {  	[tilespmem:$0xD8] =	vst v0  }
0xf: {  	[tilespmem:$0xE8] =	vst v0  }
0x10: {  	[tilespmem:$0xF8] =	vst v0  }
0x11: {  	[tilespmem:$0x108] =	vst v0  }
0x12: {  	[tilespmem:$0x118] =	vst v0  }
0x13: {  	[tilespmem:$0x128] =	vst v0  }
0x14: {  	[tilespmem:$0x138] =	vst v0  }
0x15: {  	[tilespmem:$0x148] =	vst v0  }
0x16: {  	[tilespmem:$0x158] =	vst v0  }
0x17: {  	[tilespmem:$0x168] =	vst v0  }
0x18: {  	[tilespmem:$0x178] =	vst v0  }
0x19: {  	[tilespmem:$0x188] =	vst v0  }
0x1a: {  	[tilespmem:$0x198] =	vst v0  }
0x1b: {  	[tilespmem:$0x1A8] =	vst v0  }
0x1c: {  	[tilespmem:$0x1B8] =	vst v0  }
0x1d: {  	[tilespmem:$0x1C8] =	vst v0  }
0x1e: {  	[tilespmem:$0x1D8] =	vst v0  }
0x1f: {  	[tilespmem:$0x1E8] =	vst v0  }
0x20: {  	[tilespmem:$0x1F8] =	vst v0  }
0x21: {  	[tilespmem:$0x208] =	vst v0  }
0x22: {  	[tilespmem:$0x218] =	vst v0  }
0x23: {  	[tilespmem:$0x228] =	vst v0  }
0x24: {  	[tilespmem:$0x238] =	vst v0  }
0x25: {  	[tilespmem:$0x248] =	vst v0  }
0x26: {  	[tilespmem:$0x258] =	vst v0  }
0x27: {  	[tilespmem:$0x268] =	vst v0  }
0x28: {  	[tilespmem:$0x278] =	vst v0  }
0x29: {  	[tilespmem:$0x288] =	vst v0  }
0x2a: {  	[tilespmem:$0x298] =	vst v0  }
0x2b: {  	[tilespmem:$0x2A8] =	vst v0  }
0x2c: {  	[tilespmem:$0x2B8] =	vst v0  }
0x2d: {  	[tilespmem:$0x2C8] =	vst v0  }
0x2e: {  	[tilespmem:$0x2D8] =	vst v0  }
0x2f: {  	[tilespmem:$0x2E8] =	vst v0  }
0x30: {  	[tilespmem:$0x2F8] =	vst v0  }
0x31: {  	[tilespmem:$0x308] =	vst v0  }
0x32: {  	[tilespmem:$0x318] =	vst v0  }
0x33: {  	[tilespmem:$0x328] =	vst v0  }
0x34: {  	[tilespmem:$0x338] =	vst v0  }
0x35: {  	[tilespmem:$0x348] =	vst v0  }
0x36: {  	[tilespmem:$0x358] =	vst v0  }
0x37: {  	[tilespmem:$0x368] =	vst v0  }
0x38: {  	[tilespmem:$0x378] =	vst v0  }
0x39: {  	[tilespmem:$0x388] =	vst v0  }
0x3a: {  	[tilespmem:$0x398] =	vst v0  }
0x3b: {  	[tilespmem:$0x3A8] =	vst v0  }
0x3c: {  	[tilespmem:$0x3B8] =	vst v0  }
0x3d: {  	[tilespmem:$0x3C8] =	vst v0  }
0x3e: {  	[tilespmem:$0x3D8] =	vst v0  }
0x3f: {  	[tilespmem:$0x3E8] =	vst v0  }
0x40: {  	[tilespmem:$0x3F8] =	vst v0  }
0x41: {  	[tilespmem:$0x408] =	vst v0  }
0x42: {  	[tilespmem:$0x418] =	vst v0  }
0x43: {  	[tilespmem:$0x428] =	vst v0  }
0x44: {  	[tilespmem:$0x438] =	vst v0  }
0x45: {  	[tilespmem:$0x448] =	vst v0  }
0x46: {  	[tilespmem:$0x458] =	vst v0  }
0x47: {  	[tilespmem:$0x468] =	vst v0  }
0x48: {  	[tilespmem:$0x478] =	vst v0  }
0x49: {  	[tilespmem:$0x488] =	vst v0  }
0x4a: {  	[tilespmem:$0x498] =	vst v0  }
0x4b: {  	[tilespmem:$0x4A8] =	vst v0  }
0x4c: {  	[tilespmem:$0x4B8] =	vst v0  }
0x4d: {  	[tilespmem:$0x4C8] =	vst v0  }
0x4e: {  	[tilespmem:$0x4D8] =	vst v0  }
0x4f: {  	[tilespmem:$0x4E8] =	vst v0  }
0x50: {  	[tilespmem:$0x4F8] =	vst v0  }
0x51: {  	[tilespmem:$0x508] =	vst v0  }
0x52: {  	[tilespmem:$0x518] =	vst v0  }
0x53: {  	[tilespmem:$0x528] =	vst v0  }
0x54: {  	[tilespmem:$0x538] =	vst v0  }
0x55: {  	[tilespmem:$0x548] =	vst v0  }
0x56: {  	[tilespmem:$0x558] =	vst v0  }
0x57: {  	[tilespmem:$0x568] =	vst v0  }
0x58: {  	[tilespmem:$0x578] =	vst v0  }
0x59: {  	[tilespmem:$0x588] =	vst v0  }
0x5a: {  	[tilespmem:$0x598] =	vst v0  }
0x5b: {  	[tilespmem:$0x5A8] =	vst v0  }
0x5c: {  	[tilespmem:$0x5B8] =	vst v0  }
0x5d: {  	[tilespmem:$0x5C8] =	vst v0  }
0x5e: {  	[tilespmem:$0x5D8] =	vst v0  }
0x5f: {  	[tilespmem:$0x5E8] =	vst v0  }
0x60: {  	[tilespmem:$0x5F8] =	vst v0  }
0x61: {  	[tilespmem:$0x608] =	vst v0  }
0x62: {  	[tilespmem:$0x618] =	vst v0  }
0x63: {  	[tilespmem:$0x628] =	vst v0  }
0x64: {  	[tilespmem:$0x638] =	vst v0  }
0x65: {  	[tilespmem:$0x648] =	vst v0  }
0x66: {  	[tilespmem:$0x658] =	vst v0  }
0x67: {  	[tilespmem:$0x668] =	vst v0  }
0x68: {  	[tilespmem:$0x678] =	vst v0  }
0x69: {  	[tilespmem:$0x688] =	vst v0  }
0x6a: {  	[tilespmem:$0x698] =	vst v0  }
0x6b: {  	[tilespmem:$0x6A8] =	vst v0  }
0x6c: {  	[tilespmem:$0x6B8] =	vst v0  }
0x6d: {  	[tilespmem:$0x6C8] =	vst v0  }
0x6e: {  	[tilespmem:$0x6D8] =	vst v0  }
0x6f: {  	[tilespmem:$0x6E8] =	vst v0  }
0x70: {  	[tilespmem:$0x6F8] =	vst v0  }
0x71: {  	[tilespmem:$0x708] =	vst v0  }
0x72: {  	[tilespmem:$0x718] =	vst v0  }
0x73: {  	[tilespmem:$0x728] =	vst v0  }
0x74: {  	[tilespmem:$0x738] =	vst v0  }
0x75: {  	[tilespmem:$0x748] =	vst v0  }
0x76: {  	[tilespmem:$0x758] =	vst v0  }
0x77: {  	[tilespmem:$0x768] =	vst v0  }
0x78: {  	[tilespmem:$0x778] =	vst v0  }
0x79: {  	[tilespmem:$0x788] =	vst v0  }
0x7a: {  	[tilespmem:$0x798] =	vst v0  }
0x7b: {  	[tilespmem:$0x7A8] =	vst v0  }
0x7c: {  	[tilespmem:$0x7B8] =	vst v0  }
0x7d: {  	[tilespmem:$0x7C8] =	vst v0  }
0x7e: {  	[tilespmem:$0x7D8] =	vst v0  }
0x7f: {  	[tilespmem:$0x7E8] =	vst v0  }
0x80: {  	[tilespmem:$0x7F8] =	vst v0  }
0x81: {  	[tilespmem:$0x808] =	vst v0  }
0x82: {  	[tilespmem:$0x818] =	vst v0  }
0x83: {  	[tilespmem:$0x828] =	vst v0  }
0x84: {  	[tilespmem:$0x838] =	vst v0  }
0x85: {  	[tilespmem:$0x848] =	vst v0  }
0x86: {  	[tilespmem:$0x858] =	vst v0  }
0x87: {  	[tilespmem:$0x868] =	vst v0  }
0x88: {  	[tilespmem:$0x878] =	vst v0  }
0x89: {  	[tilespmem:$0x888] =	vst v0  }
0x8a: {  	[tilespmem:$0x898] =	vst v0  }
0x8b: {  	[tilespmem:$0x8A8] =	vst v0  }
0x8c: {  	[tilespmem:$0x8B8] =	vst v0  }
0x8d: {  	[tilespmem:$0x8C8] =	vst v0  }
0x8e: {  	[tilespmem:$0x8D8] =	vst v0  }
0x8f: {  	[tilespmem:$0x8E8] =	vst v0  }
0x90: {  	[tilespmem:$0x8F8] =	vst v0  }
0x91: {  	[tilespmem:$0x908] =	vst v0  }
0x92: {  	[tilespmem:$0x918] =	vst v0  }
0x93: {  	[tilespmem:$0x928] =	vst v0  }
0x94: {  	[tilespmem:$0x938] =	vst v0  }
0x95: {  	[tilespmem:$0x948] =	vst v0  }
0x96: {  	[tilespmem:$0x958] =	vst v0  }
0x97: {  	[tilespmem:$0x968] =	vst v0  }
0x98: {  	[tilespmem:$0x978] =	vst v0  }
0x99: {  	[tilespmem:$0x988] =	vst v0  }
0x9a: {  	[tilespmem:$0x998] =	vst v0  }
0x9b: {  	[tilespmem:$0x9A8] =	vst v0  }
0x9c: {  	[tilespmem:$0x9B8] =	vst v0  }
0x9d: {  	[tilespmem:$0x9C8] =	vst v0  }
0x9e: {  	[tilespmem:$0x9D8] =	vst v0  }
0x9f: {  	[tilespmem:$0x9E8] =	vst v0  }
0xa0: {  	[tilespmem:$0x9F8] =	vst v0  }
0xa1: {  	[tilespmem:$0xA08] =	vst v0  }
0xa2: {  	[tilespmem:$0xA18] =	vst v0  }
0xa3: {  	[tilespmem:$0xA28] =	vst v0  }
0xa4: {  	[tilespmem:$0xA38] =	vst v0  }
0xa5: {  	[tilespmem:$0xA48] =	vst v0  }
0xa6: {  	[tilespmem:$0xA58] =	vst v0  }
0xa7: {  	[tilespmem:$0xA68] =	vst v0  }
0xa8: {  	[tilespmem:$0xA78] =	vst v0  }
0xa9: {  	[tilespmem:$0xA88] =	vst v0  }
0xaa: {  	[tilespmem:$0xA98] =	vst v0  }
0xab: {  	[tilespmem:$0xAA8] =	vst v0  }
0xac: {  	[tilespmem:$0xAB8] =	vst v0  }
0xad: {  	[tilespmem:$0xAC8] =	vst v0  }
0xae: {  	[tilespmem:$0xAD8] =	vst v0  }
0xaf: {  	[tilespmem:$0xAE8] =	vst v0  }
0xb0: {  	[tilespmem:$0xAF8] =	vst v0  }
0xb1: {  	[tilespmem:$0xB08] =	vst v0  }
0xb2: {  	[tilespmem:$0xB18] =	vst v0  }
0xb3: {  	[tilespmem:$0xB28] =	vst v0  }
0xb4: {  	[tilespmem:$0xB38] =	vst v0  }
0xb5: {  	[tilespmem:$0xB48] =	vst v0  }
0xb6: {  	[tilespmem:$0xB58] =	vst v0  }
0xb7: {  	[tilespmem:$0xB68] =	vst v0  }
0xb8: {  	[tilespmem:$0xB78] =	vst v0  }
0xb9: {  	[tilespmem:$0xB88] =	vst v0  }
0xba: {  	[tilespmem:$0xB98] =	vst v0  }
0xbb: {  	[tilespmem:$0xBA8] =	vst v0  }
0xbc: {  	[tilespmem:$0xBB8] =	vst v0  }
0xbd: {  	[tilespmem:$0xBC8] =	vst v0  }
0xbe: {  	[tilespmem:$0xBD8] =	vst v0  }
0xbf: {  	[tilespmem:$0xBE8] =	vst v0  }
0xc0: {  	[tilespmem:$0xBF8] =	vst v0  }
0xc1: {  	[tilespmem:$0xC08] =	vst v0  }
0xc2: {  	[tilespmem:$0xC18] =	vst v0  }
0xc3: {  	[tilespmem:$0xC28] =	vst v0  }
0xc4: {  	[tilespmem:$0xC38] =	vst v0  }
0xc5: {  	[tilespmem:$0xC48] =	vst v0  }
0xc6: {  	[tilespmem:$0xC58] =	vst v0  }
0xc7: {  	[tilespmem:$0xC68] =	vst v0  }
0xc8: {  	[tilespmem:$0xC78] =	vst v0  }
0xc9: {  	[tilespmem:$0xC88] =	vst v0  }
0xca: {  	[tilespmem:$0xC98] =	vst v0  }
0xcb: {  	[tilespmem:$0xCA8] =	vst v0  }
0xcc: {  	[tilespmem:$0xCB8] =	vst v0  }
0xcd: {  	[tilespmem:$0xCC8] =	vst v0  }
0xce: {  	[tilespmem:$0xCD8] =	vst v0  }
0xcf: {  	[tilespmem:$0xCE8] =	vst v0  }
0xd0: {  	[tilespmem:$0xCF8] =	vst v0  }
0xd1: {  	[tilespmem:$0xD08] =	vst v0  }
0xd2: {  	[tilespmem:$0xD18] =	vst v0  }
0xd3: {  	[tilespmem:$0xD28] =	vst v0  }
0xd4: {  	[tilespmem:$0xD38] =	vst v0  }
0xd5: {  	[tilespmem:$0xD48] =	vst v0  }
0xd6: {  	[tilespmem:$0xD58] =	vst v0  }
0xd7: {  	[tilespmem:$0xD68] =	vst v0  }
0xd8: {  	[tilespmem:$0xD78] =	vst v0  }
0xd9: {  	[tilespmem:$0xD88] =	vst v0  }
0xda: {  	[tilespmem:$0xD98] =	vst v0  }
0xdb: {  	[tilespmem:$0xDA8] =	vst v0  }
0xdc: {  	[tilespmem:$0xDB8] =	vst v0  }
0xdd: {  	[tilespmem:$0xDC8] =	vst v0  }
0xde: {  	[tilespmem:$0xDD8] =	vst v0  }
0xdf: {  	[tilespmem:$0xDE8] =	vst v0  }
0xe0: {  	[tilespmem:$0xDF8] =	vst v0  }
0xe1: {  	[tilespmem:$0xE08] =	vst v0  }
0xe2: {  	[tilespmem:$0xE18] =	vst v0  }
0xe3: {  	[tilespmem:$0xE28] =	vst v0  }
0xe4: {  	[tilespmem:$0xE38] =	vst v0  }
0xe5: {  	[tilespmem:$0xE48] =	vst v0  }
0xe6: {  	[tilespmem:$0xE58] =	vst v0  }
0xe7: {  	[tilespmem:$0xE68] =	vst v0  }
0xe8: {  	[tilespmem:$0xE78] =	vst v0  }
0xe9: {  	[tilespmem:$0xE88] =	vst v0  }
0xea: {  	[tilespmem:$0xE98] =	vst v0  }
0xeb: {  	[tilespmem:$0xEA8] =	vst v0  }
0xec: {  	[tilespmem:$0xEB8] =	vst v0  }
0xed: {  	[tilespmem:$0xEC8] =	vst v0  }
0xee: {  	[tilespmem:$0xED8] =	vst v0  }
0xef: {  	[tilespmem:$0xEE8] =	vst v0  }
0xf0: {  	[tilespmem:$0xEF8] =	vst v0  }
0xf1: {  	[tilespmem:$0xF08] =	vst v0  }
0xf2: {  	[tilespmem:$0xF18] =	vst v0  }
0xf3: {  	[tilespmem:$0xF28] =	vst v0  }
0xf4: {  	[tilespmem:$0xF38] =	vst v0  }
0xf5: {  	[tilespmem:$0xF48] =	vst v0  }
0xf6: {  	[tilespmem:$0xF58] =	vst v0  }
0xf7: {  	[tilespmem:$0xF68] =	vst v0  }
0xf8: {  	[tilespmem:$0xF78] =	vst v0  }
0xf9: {  	[tilespmem:$0xF88] =	vst v0  }
0xfa: {  	[tilespmem:$0xF98] =	vst v0  }
0xfb: {  	[tilespmem:$0xFA8] =	vst v0  }
0xfc: {  	[tilespmem:$0xFB8] =	vst v0  }
0xfd: {  	[tilespmem:$0xFC8] =	vst v0  }
0xfe: {  	[tilespmem:$0xFD8] =	vst v0  }
0xff: {  	[tilespmem:$0xFE8] =	vst v0  }
0x100: {  	[tilespmem:$0xFF8] =	vst v0  }
0x101: {  	[tilespmem:$0x1018] =	vst v0  }
0x102: {  	[tilespmem:$0x10D8] =	vst v0  }
0x103: {  	[tilespmem:$0x1048] =	vst v0  }
0x104: {  	[tilespmem:$0x1B28] =	vst v0  }
0x105: {  	[tilespmem:$0x1B18] =	vst v0  }
0x106: {  	[tilespmem:$0x1B08] =	vst v0  }
0x107: {  	[tilespmem:$0x1AF8] =	vst v0  }
0x108: {  	[tilespmem:$0x1AE8] =	vst v0  }
0x109: {  	[tilespmem:$0x1AD8] =	vst v0  }
0x10a: {  	[tilespmem:$0x1AC8] =	vst v0  }
0x10b: {  	[tilespmem:$0x1AB8] =	vst v0  }
0x10c: {  	[tilespmem:$0x1AA8] =	vst v0  }
0x10d: {  	[tilespmem:$0x1A98] =	vst v0  }
0x10e: {  	[tilespmem:$0x1A88] =	vst v0  }
0x10f: {  	[tilespmem:$0x1A78] =	vst v0  }
0x110: {  	[tilespmem:$0x1A68] =	vst v0  }
0x111: {  	[tilespmem:$0x1A58] =	vst v0  }
0x112: {  	[tilespmem:$0x1A48] =	vst v0  }
0x113: {  	[tilespmem:$0x1A38] =	vst v0  }
0x114: {  	[tilespmem:$0x1A28] =	vst v0  }
0x115: {  	[tilespmem:$0x1A18] =	vst v0  }
0x116: {  	[tilespmem:$0x1A08] =	vst v0  }
0x117: {  	[tilespmem:$0x19F8] =	vst v0  }
0x118: {  	[tilespmem:$0x19E8] =	vst v0  }
0x119: {  	[tilespmem:$0x19D8] =	vst v0  }
0x11a: {  	[tilespmem:$0x19C8] =	vst v0  }
0x11b: {  	[tilespmem:$0x19B8] =	vst v0  }
0x11c: {  	[tilespmem:$0x19A8] =	vst v0  }
0x11d: {  	[tilespmem:$0x1998] =	vst v0  }
0x11e: {  	[tilespmem:$0x1988] =	vst v0  }
0x11f: {  	[tilespmem:$0x1978] =	vst v0  }
0x120: {  	[tilespmem:$0x1968] =	vst v0  }
0x121: {  	[tilespmem:$0x1958] =	vst v0  }
0x122: {  	[tilespmem:$0x1948] =	vst v0  }
0x123: {  	[tilespmem:$0x1938] =	vst v0  }
0x124: {  	[tilespmem:$0x1928] =	vst v0  }
0x125: {  	[tilespmem:$0x1918] =	vst v0  }
0x126: {  	[tilespmem:$0x1908] =	vst v0  }
0x127: {  	[tilespmem:$0x18F8] =	vst v0  }
0x128: {  	[tilespmem:$0x18E8] =	vst v0  }
0x129: {  	[tilespmem:$0x18D8] =	vst v0  }
0x12a: {  	[tilespmem:$0x18C8] =	vst v0  }
0x12b: {  	[tilespmem:$0x18B8] =	vst v0  }
0x12c: {  	[tilespmem:$0x18A8] =	vst v0  }
0x12d: {  	[tilespmem:$0x1898] =	vst v0  }
0x12e: {  	[tilespmem:$0x1888] =	vst v0  }
0x12f: {  	[tilespmem:$0x1878] =	vst v0  }
0x130: {  	[tilespmem:$0x1868] =	vst v0  }
0x131: {  	[tilespmem:$0x1858] =	vst v0  }
0x132: {  	[tilespmem:$0x1848] =	vst v0  }
0x133: {  	[tilespmem:$0x1838] =	vst v0  }
0x134: {  	[tilespmem:$0x1828] =	vst v0  }
0x135: {  	[tilespmem:$0x1818] =	vst v0  }
0x136: {  	[tilespmem:$0x1808] =	vst v0  }
0x137: {  	[tilespmem:$0x17F8] =	vst v0  }
0x138: {  	[tilespmem:$0x17E8] =	vst v0  }
0x139: {  	[tilespmem:$0x17D8] =	vst v0  }
0x13a: {  	[tilespmem:$0x17C8] =	vst v0  }
0x13b: {  	[tilespmem:$0x17B8] =	vst v0  }
0x13c: {  	[tilespmem:$0x17A8] =	vst v0  }
0x13d: {  	[tilespmem:$0x1798] =	vst v0  }
0x13e: {  	[tilespmem:$0x1788] =	vst v0  }
0x13f: {  	[tilespmem:$0x1778] =	vst v0  }
0x140: {  	[tilespmem:$0x1768] =	vst v0  }
0x141: {  	[tilespmem:$0x1758] =	vst v0  }
0x142: {  	[tilespmem:$0x1748] =	vst v0  }
0x143: {  	[tilespmem:$0x1738] =	vst v0  }
0x144: {  	[tilespmem:$0x1728] =	vst v0  }
0x145: {  	[tilespmem:$0x1718] =	vst v0  }
0x146: {  	[tilespmem:$0x1708] =	vst v0  }
0x147: {  	[tilespmem:$0x16F8] =	vst v0  }
0x148: {  	[tilespmem:$0x16E8] =	vst v0  }
0x149: {  	[tilespmem:$0x16D8] =	vst v0  }
0x14a: {  	[tilespmem:$0x16C8] =	vst v0  }
0x14b: {  	[tilespmem:$0x16B8] =	vst v0  }
0x14c: {  	[tilespmem:$0x16A8] =	vst v0  }
0x14d: {  	[tilespmem:$0x1698] =	vst v0  }
0x14e: {  	[tilespmem:$0x1688] =	vst v0  }
0x14f: {  	[tilespmem:$0x1678] =	vst v0  }
0x150: {  	[tilespmem:$0x1668] =	vst v0  }
0x151: {  	[tilespmem:$0x1658] =	vst v0  }
0x152: {  	[tilespmem:$0x1648] =	vst v0  }
0x153: {  	[tilespmem:$0x1638] =	vst v0  }
0x154: {  	[tilespmem:$0x1628] =	vst v0  }
0x155: {  	[tilespmem:$0x1618] =	vst v0  }
0x156: {  	[tilespmem:$0x1608] =	vst v0  }
0x157: {  	[tilespmem:$0x15F8] =	vst v0  }
0x158: {  	[tilespmem:$0x15E8] =	vst v0  }
0x159: {  	[tilespmem:$0x15D8] =	vst v0  }
0x15a: {  	[tilespmem:$0x15C8] =	vst v0  }
0x15b: {  	[tilespmem:$0x15B8] =	vst v0  }
0x15c: {  	[tilespmem:$0x15A8] =	vst v0  }
0x15d: {  	[tilespmem:$0x1598] =	vst v0  }
0x15e: {  	[tilespmem:$0x1588] =	vst v0  }
0x15f: {  	[tilespmem:$0x1578] =	vst v0  }
0x160: {  	[tilespmem:$0x1568] =	vst v0  }
0x161: {  	[tilespmem:$0x1558] =	vst v0  }
0x162: {  	[tilespmem:$0x1548] =	vst v0  }
0x163: {  	[tilespmem:$0x1538] =	vst v0  }
0x164: {  	[tilespmem:$0x1528] =	vst v0  }
0x165: {  	[tilespmem:$0x1518] =	vst v0  }
0x166: {  	[tilespmem:$0x1508] =	vst v0  }
0x167: {  	[tilespmem:$0x14F8] =	vst v0  }
0x168: {  	[tilespmem:$0x14E8] =	vst v0  }
0x169: {  	[tilespmem:$0x14D8] =	vst v0  }
0x16a: {  	[tilespmem:$0x14C8] =	vst v0  }
0x16b: {  	[tilespmem:$0x14B8] =	vst v0  }
0x16c: {  	[tilespmem:$0x14A8] =	vst v0  }
0x16d: {  	[tilespmem:$0x1498] =	vst v0  }
0x16e: {  	[tilespmem:$0x1488] =	vst v0  }
0x16f: {  	[tilespmem:$0x1478] =	vst v0  }
0x170: {  	[tilespmem:$0x1468] =	vst v0  }
0x171: {  	[tilespmem:$0x1458] =	vst v0  }
0x172: {  	[tilespmem:$0x1448] =	vst v0  }
0x173: {  	[tilespmem:$0x1438] =	vst v0  }
0x174: {  	[tilespmem:$0x1428] =	vst v0  }
0x175: {  	[tilespmem:$0x1418] =	vst v0  }
0x176: {  	[tilespmem:$0x1408] =	vst v0  }
0x177: {  	[tilespmem:$0x13F8] =	vst v0  }
0x178: {  	[tilespmem:$0x13E8] =	vst v0  }
0x179: {  	[tilespmem:$0x13D8] =	vst v0  }
0x17a: {  	[tilespmem:$0x13C8] =	vst v0  }
0x17b: {  	[tilespmem:$0x13B8] =	vst v0  }
0x17c: {  	[tilespmem:$0x13A8] =	vst v0  }
0x17d: {  	[tilespmem:$0x1398] =	vst v0  }
0x17e: {  	[tilespmem:$0x1388] =	vst v0  }
0x17f: {  	[tilespmem:$0x1378] =	vst v0  }
0x180: {  	[tilespmem:$0x1368] =	vst v0  }
0x181: {  	[tilespmem:$0x1358] =	vst v0  }
0x182: {  	[tilespmem:$0x1348] =	vst v0  }
0x183: {  	[tilespmem:$0x1338] =	vst v0  }
0x184: {  	[tilespmem:$0x1328] =	vst v0  }
0x185: {  	[tilespmem:$0x1318] =	vst v0  }
0x186: {  	[tilespmem:$0x1308] =	vst v0  }
0x187: {  	[tilespmem:$0x12F8] =	vst v0  }
0x188: {  	[tilespmem:$0x12E8] =	vst v0  }
0x189: {  	[tilespmem:$0x12D8] =	vst v0  }
0x18a: {  	[tilespmem:$0x12C8] =	vst v0  }
0x18b: {  	[tilespmem:$0x12B8] =	vst v0  }
0x18c: {  	[tilespmem:$0x12A8] =	vst v0  }
0x18d: {  	[tilespmem:$0x1298] =	vst v0  }
0x18e: {  	[tilespmem:$0x1288] =	vst v0  }
0x18f: {  	[tilespmem:$0x1278] =	vst v0  }
0x190: {  	[tilespmem:$0x1268] =	vst v0  }
0x191: {  	[tilespmem:$0x1258] =	vst v0  }
0x192: {  	[tilespmem:$0x1248] =	vst v0  }
0x193: {  	[tilespmem:$0x1238] =	vst v0  }
0x194: {  	[tilespmem:$0x1228] =	vst v0  }
0x195: {  	[tilespmem:$0x1218] =	vst v0  }
0x196: {  	[tilespmem:$0x1208] =	vst v0  }
0x197: {  	[tilespmem:$0x11F8] =	vst v0  }
0x198: {  	[tilespmem:$0x11E8] =	vst v0  }
0x199: {  	[tilespmem:$0x11D8] =	vst v0  }
0x19a: {  	[tilespmem:$0x11C8] =	vst v0  }
0x19b: {  	[tilespmem:$0x11B8] =	vst v0  }
0x19c: {  	[tilespmem:$0x11A8] =	vst v0  }
0x19d: {  	[tilespmem:$0x1198] =	vst v0  }
0x19e: {  	[tilespmem:$0x1188] =	vst v0  }
0x19f: {  	[tilespmem:$0x1178] =	vst v0  }
0x1a0: {  	[tilespmem:$0x1168] =	vst v0  }
0x1a1: {  	[tilespmem:$0x1158] =	vst v0  }
0x1a2: {  	[tilespmem:$0x1148] =	vst v0  }
0x1a3: {  	[tilespmem:$0x1138] =	vst v0  }
0x1a4: {  	[tilespmem:$0x1128] =	vst v0  }
0x1a5: {  	s2 =	stileid.u32;
	[tilespmem:$0x1118] =	vst v0  }
0x1a6: {  	s0 =	smul.u32 $0x15, s2;
	[tilespmem:$0x1108] =	vst v0  }
0x1a7: {  	s1 =	smin.u32 s2, $0xC;
	[tilespmem:$0x10F8] =	vst v0  }
0x1a8: {  	[tilespmem:$0x10E8] =	vst v0;
	s0 =	sadd.s32 s1, s0  }
0x1a9: {  	p0 =	slt.u32 s2, $0xC;
	[tilespmem:$0x10B8] =	vst v0;
	s1 =	simm.s32 $0x2520;
	s3 =	smul.u32 $0x1B0, s0  }
0x1aa: {  	s1 =	simm.s32 @!p0 $0x2370;
	[tilespmem:$0x10C8] =	vst v0  }
0x1ab: {  	[tilespmem:$0x10A8] =	vst v0;
	s0 =	sadd.s32 s1, s3  }
0x1ac: {  	[tilespmem:$0x1038] =	vst v0;
	s4 =	smin.u32 s0, $0x249F0  }
0x1ad: {  	[tilespmem:$0x1098] =	vst v0;
	s0 =	ssub.s32 s4, s3  }
0x1ae: {  	s5 =	simm.s32 $0x2;
	s29 =	simm.s32 $0x7;
	[tilespmem:$0x1088] =	vst v0;
	p0 =	sgt.s32 s0, $0x0  }
0x1af: {  	s13 =	simm.s32 $0x8;
	s30 =	simm.s32 $0x9;
	[tilespmem:$0x1078] =	vst v0;
	s0 =	simm.s32 @!p0 $0x0  }
0x1b0: {  	p4 =	por $0x0, $0x0;
	s14 =	simm.s32 $0xA;
	[tilespmem:$0x1068] =	vst v0;
	s6 =	smulhi.u32 $0x4BDA12F7, s0  }
0x1b1: {  	s18 =	simm.s32 $0x0;
	s15 =	simm.s32 $0x0;
	s17 =	simm.s32 $0x0;
	[tilespmem:$0x1058] =	vst v0  }
0x1b2: {  	s7 =	sadd.s32 $0x201BA00, s8;
	s31 =	sshll.u32 s2, $0x5;
	[tilespmem:$0x1028] =	vst v0;
	s12 =	sshrl.u32 s6, $0x7  }
0x1b3: {  	[tilespmem:$0x1008] =	vst v0;
	[sflag:s5] =	ssyncpa.u1 $0x0;
	v0 =	vimm.s32 $0xFFFFFFFF;
	s5 =	sadd.s32 $0x268200, s8;
	s10 =	smul.u32 $0x1B0, s12  }
.Ltmp0:
0x1b4: {  	[dreg:$0x2] =	wrdreg s31;
	[tilespmem:$0x3648] =	vst v0;
	[sflag:s29] =	ssyncpa.u1 $0x0;
	(pc) =	sbr.rel .LBB2_1-.Ltmp0, $4  }
0x1b5: {  	[sflag:s13] =	ssyncpa.u1 $0x0;
	s13 =	simm.s32 $0x0;
	p0 =	sne.s32 s0, s10  }
0x1b6: {  	[sflag:s30] =	ssyncpa.u1 $0x0;
	s1 =	sadd.s32 $0x271E00, s8;
	s11 =	simm.s32 @!p0 $0x0  }
0x1b7: {  	s16 =	smov.u32 s3;
	[dreg:$0x3] =	wrdreg s3;
	s11 =	sadd.s32 s11, s12  }
0x1b8: {  	v0 =	vlaneseq.u32;
	s6 =	sadd.s32 $0x263800, s8;
	p0 =	por $0x1, $0x1;
	s8 =	sadd.s32 $0x1, s11  }
.LBB2_18:
0x1b9: {  	s0 =	simm.s32 $0x2  }
0x1ba: {  	_ =	swait.ge [sflag:s0], $0x0  }
0x1bb: {  	[sflag:s0] =	ssyncset.done $0x0;
	s0 =	simm.s32 $0x0  }
.LBB2_19:
0x1bc: {  	_ =	swait.ge [sflag:s14], s0  }
0x1bd: {  	s31 =	ssub.s32 $0x0, s0;
	v1 =	vmov s20;
	vm0 =	veq.s32 v0, $0x0;
	[sflag:s14] =	ssyncset.done $0x0  }
0x1be: {  	vm15 =	veq.s32 v0, $0x2;
	v1 =	vsel vm0, s24, v1;
	[sflag:s14] =	ssyncadd.s32 s31  }
0x1bf: {  	v1 =	vsel vm15, s18, v1;
	[sflag:s14] =	ssyncpa.u1 $0x1  }
0x1c0: {  	[tilespmem:$0x3648] =	vst v1  }
.LBB2_20:
0x1c1: {  	s0 =	sadd.s32 $0x1B0, s16  }
0x1c2: {  	s2 =	smov.u32 s3;
	p1 =	slt.s32 s0, s4  }
0x1c3: {  	s2 =	smov.u32 @p1 s0;
	p1 =	sne.s32 s17, s8  }
.Ltmp1:
0x1c4: {  	_ = 	snop;
	(pc) =	sbr.rel @!p1 .LBB2_21-.Ltmp1, $4  }
0x1c5: {  	_ = 	snop  }
0x1c6: {  	s18 =	smov.u32 s15  }
0x1c7: {  	s31 =	sadd.s32 $0x1, s17;
	s15 =	smov.u32 s16;
	p0 =	por !p0, !p0  }
0x1c8: {  	p4 =	por !p4, !p4;
	s17 =	smov.u32 s31;
	s16 =	smov.u32 s2  }
.LBB2_1:
0x1c9: {  	p2 =	sge.u32 s17, s11  }
0x1ca: {  	s0 =	smulhi.u32 @!p2 $0xAAAAAAAB, s17  }
0x1cb: {  	s19 =	smov.u32 s16;
	p3 =	sgt.s32 @!p2 s16, $0x24840  }
0x1cc: {  	s20 =	sshra.s32 @!p2 s16, $0x1F;
	p3 =	por !p3, p2;
	s0 =	sshrl.u32 @!p2 s0, $0x1  }
0x1cd: {  	s20 =	sand.u32 @!p2 s20, s16;
	s19 =	simm.s32 @p3 $0x24840;
	s0 =	smul.u32 @!p2 $0x3, s0  }
0x1ce: {  	s19 =	ssub.s32 @!p2 s19, s20  }
0x1cf: {  	s19 =	sadd.s32 @!p2 $0xFFFDB7C0, s19;
	s0 =	ssub.s32 @!p2 s17, s0  }
0x1d0: {  	s20 =	sshll.u32 @!p2 s19, $0x2;
	p3 =	sgt.s32 @!p2 s19, $0x1AF;
	s0 =	smul.u32 @!p2 $0x6C0, s0  }
0x1d1: {  	s21 =	sand.u32 @!p2 $0x7, s16;
	s19 =	ssub.s32 @!p2 $0x6C0, s20;
	p3 =	por !p3, p2  }
0x1d2: {  	s20 =	sshrl.u32 @!p2 s16, $0x3;
	s19 =	sshrl.u32 @!p2 s19, $0x2;
	s0 =	sshrl.u32 @!p2 s0, $0x2  }
0x1d3: {  	s20 =	sadd.s32 @!p2 s5, s20;
	s19 =	simm.s32 @!p3 $0x0;
	s0 =	sadd.s32 @!p2 $0x3878, s0  }
0x1d4: {  	[tilespmem:s0], [sflag:$0x8] =	stream.linear.gather @!p2 [hbm4b:s20+s21], s19, $0x38;
	[tilespmem:$0x1F0E8] =	vst v63  }
0x1d5: {  	s20 =	sadd.s32 $0xFFFFFFFF, s17  }
0x1d6: {  	p2 =	sge.u32 s20, s11  }
0x1d7: {  	p3 =	sgt.s32 @!p2 s15, $0x24840  }
0x1d8: {  	s0 =	smov.u32 s15;
	s19 =	sshra.s32 @!p2 s15, $0x1F;
	p3 =	por !p3, p2  }
0x1d9: {  	s19 =	sand.u32 @!p2 s19, s15;
	s0 =	simm.s32 @p3 $0x24840  }
0x1da: {  	s0 =	ssub.s32 @!p2 s0, s19  }
0x1db: {  	s0 =	sadd.s32 @!p2 $0xFFFDB7C0, s0  }
0x1dc: {  	s19 =	sshll.u32 @!p2 s0, $0x2  }
0x1dd: {  	p3 =	sgt.s32 @!p2 s0, $0x1AF;
	s0 =	ssub.s32 @!p2 $0x6C0, s19  }
0x1de: {  	p3 =	por !p3, p2;
	s0 =	sshrl.u32 @!p2 s0, $0x2  }
0x1df: {  	s21 =	simm.s32 @!p2 $0x8;
	s19 =	sand.u32 @!p2 $0x1, s20;
	s0 =	simm.s32 @!p3 $0x0  }
0x1e0: {  	s19 =	smul.u32 @!p2 $0x6C0, s19;
	_ =	swait.ge @!p2 [sflag:s21], s0  }
0x1e1: {  	s22 =	ssub.s32 @!p2 $0x0, s0;
	[sflag:s21] =	ssyncset.done @!p2 $0x0  }
0x1e2: {  	s19 =	sshrl.u32 @!p2 s19, $0x2;
	[sflag:s21] =	ssyncadd.s32 @!p2 s22;
	s21 =	sshrl.u32 @!p2 s15, $0x3  }
0x1e3: {  	s19 =	sadd.s32 @!p2 $0x3D88, s19;
	s22 =	sand.u32 @!p2 $0x7, s15;
	s21 =	sadd.s32 @!p2 s6, s21  }
0x1e4: {  	[tilespmem:s19], [sflag:$0x9] =	stream.linear.gather @!p2 [hbm4b:s21+s22], s0, $0x38;
	[tilespmem:$0x1F0E8] =	vst v63  }
0x1e5: {  	s19 =	ssub.s32 @!p2 $0x249F0, s15  }
0x1e6: {  	p3 =	slt.s32 @!p2 s19, $0x1  }
0x1e7: {  	p3 =	por p2, p3  }
.Ltmp2:
0x1e8: {  	_ = 	snop;
	(pc) =	sbr.rel @p3 .LBB2_7-.Ltmp2, $1  }
0x1e9: {  	_ =	sdelay $0x3  }
0x1ea: {  	s0 =	smulhi.u32 $0xAAAAAAAB, s20;
	_ =	sdelay $0x1  }
0x1eb: {  	s0 =	sshrl.u32 s0, $0x1  }
0x1ec: {  	s0 =	smul.u32 $0x3, s0;
	_ =	sdelay $0x1  }
0x1ed: {  	s0 =	ssub.s32 s20, s0  }
0x1ee: {  	s21 =	simm.s32 $0x1;
	s0 =	smul.u32 $0x6C0, s0  }
.Ltmp3:
0x1ef: {  	s21 =	simm.s32 @!p0 $0x0;
	(pc) =	sbr.rel .LBB2_4-.Ltmp3, $4  }
0x1f0: {  	s31 =	smul.u32 $0x36000, s21  }
0x1f1: {  	p3 =	slt.s32 @!p2 s19, $0x1B0;
	s0 =	sshrl.u32 s0, $0x2  }
0x1f2: {  	p2 =	por !p3, p2;
	s20 =	sshrl.u32 s31, $0x2;
	s0 =	sadd.s32 $0x3878, s0  }
0x1f3: {  	s19 =	simm.s32 @p2 $0x1B0;
	s21 =	simm.s32 $0x0;
	s20 =	sadd.s32 $0x40E8, s20;
	v1 =	vmov s0  }
.LBB2_3:
0x1f4: {  	p2 =	sge.s32 s21, s19  }
.Ltmp4:
0x1f5: {  	_ = 	snop;
	(pc) =	sbr.rel @p2 .LBB2_7-.Ltmp4, $2  }
0x1f6: {  	_ =	sdelay $0x2  }
0x1f7: {  	s20 =	sadd.s32 $0x800, s20  }
.LBB2_4:
0x1f8: {  	p2 =	sle.s32 s19, s21  }
.Ltmp5:
0x1f9: {  	_ = 	snop;
	(pc) =	sbr.rel @p2 .LBB2_3-.Ltmp5, $2  }
0x1fa: {  	_ =	sdelay $0x2  }
0x1fb: {  	s22 =	smov.u32 s21;
	s21 =	sadd.s32 $0x10, s21  }
0x1fc: {  	s0 =	ssub.s32 s19, s22  }
0x1fd: {  	p2 =	slt.s32 s0, $0x10  }
0x1fe: {  	s0 =	simm.s32 @!p2 $0x10  }
0x1ff: {  	v2 =	vmov s0  }
0x200: {  	vm0 =	vgt.s32 v2, v0;
	_ =	sdelay $0x5  }
0x201: {  	v2 =	vld.idx.msk [tilespmem:v1+s22+$0x0 ss:$0x1], vm0;
	_ =	sdelay $0x2  }
0x202: {  	s23 =	smov.u32 s19;
	p2 =	slt.s32 s21, s19  }
0x203: {  	s24 =	smov.u32 s20;
	s25 =	simm.s32 $0x0;
	s23 =	smov.u32 @p2 s21  }
.LBB2_6:
0x204: {  	(v2sf) =	vpush v2, s25;
	_ =	sdelay $0xc  }
0x205: {  	s25 =	sadd.s32 $0x1, s25  }
0x206: {  	s31 =	sadd.s32 s25, s22  }
0x207: {  	p2 =	slt.s32 s31, s23;
	s0 =	spop (v2sf)  }
.Ltmp6:
0x208: {  	s0 =	sshll.u32 s0, $0x4;
	(pc) =	sbr.rel @p2 .LBB2_6-.Ltmp6, $4  }
0x209: {  	s0 =	sand.u32 $0x1FFFFFF0, s0  }
0x20a: {  	s0 =	sadd.s32 s7, s0  }
0x20b: {  	[tilespmem:s24], [sflag:$0x7] =	stream.linear.gather [hbm4b:s0+s13], $0x4, $0x38;
	[tilespmem:$0x1F0E8] =	vst v63  }
0x20c: {  	s24 =	sadd.s32 $0x80, s24  }
.Ltmp7:
0x20d: {  	_ = 	snop;
	(pc) =	sbr.rel .LBB2_3-.Ltmp7, $1  }
0x20e: {  	_ =	sdelay $0x3  }
.LBB2_7:
0x20f: {  	p2 =	slt.u32 s17, $0x2  }
.Ltmp8:
0x210: {  	_ = 	snop;
	(pc) =	sbr.rel @p2 .LBB2_20-.Ltmp8, $1  }
0x211: {  	_ =	sdelay $0x3  }
0x212: {  	p2 =	sgt.s32 s18, $0x24840;
	s0 =	smov.u32 s18  }
0x213: {  	s19 =	sshra.s32 s18, $0x1F;
	s20 =	ssub.s32 $0x249F0, s18;
	s0 =	simm.s32 @!p2 $0x24840  }
0x214: {  	s19 =	sand.u32 s19, s18;
	p2 =	slt.s32 s20, $0x1B0;
	s21 =	smov.u32 s20  }
0x215: {  	s0 =	ssub.s32 s0, s19;
	s21 =	simm.s32 @!p2 $0x1B0  }
0x216: {  	s0 =	sadd.s32 $0xFFFDB7C0, s0;
	s26 =	sshll.u32 s21, $0x2  }
0x217: {  	s2 =	simm.s32 $0x7;
	s28 =	sshll.u32 s0, $0x2;
	s19 =	sand.u32 $0x3FFFFFFC, s26  }
0x218: {  	p2 =	sgt.s32 s0, $0x1AF;
	s29 =	ssub.s32 $0x6C0, s28;
	_ =	swait.ge [sflag:s2], s19  }
0x219: {  	s19 =	ssub.s32 $0x0, s19;
	[sflag:s2] =	ssyncset.done $0x0;
	s0 =	sshrl.u32 s29, $0x2  }
0x21a: {  	s30 =	simm.s32 $0x9;
	[sflag:s2] =	ssyncadd.s32 s19;
	s0 =	simm.s32 @p2 $0x0  }
0x21b: {  	_ =	swait.ge [sflag:s30], s0  }
0x21c: {  	s0 =	ssub.s32 $0x0, s0;
	[sflag:s30] =	ssyncset.done $0x0  }
0x21d: {  	[sflag:s30] =	ssyncadd.s32 s0  }
0x21e: {  	v1 =	vld [tilespmem:$0x3648];
	_ =	sdelay $0x4  }
0x21f: {  	(v2sf) =	vpush v1, $0x0  }
0x220: {  	(v2sf) =	vpush v1, $0x1  }
0x221: {  	(v2sf) =	vpush v1, $0x2;
	_ =	sdelay $0x3  }
0x222: {  	s0 =	sadd.s32 $0x1B0, s18  }
0x223: {  	p2 =	slt.s32 s4, s0  }
0x224: {  	s0 =	smov.u32 @p2 s4;
	p2 =	sgt.s32 s20, $0x0  }
0x225: {  	s22 =	ssub.s32 s0, s18;
	s20 =	simm.s32 @!p2 $0x0  }
0x226: {  	p2 =	slt.s32 s20, s22  }
0x227: {  	s22 =	smov.u32 @p2 s20  }
0x228: {  	s21 =	simm.s32 $0x1;
	p2 =	slt.s32 s22, $0x1  }
.Ltmp9:
0x229: {  	s21 =	simm.s32 @!p4 $0x0;
	(pc) =	sbr.rel @p2 .LBB2_12-.Ltmp9, $4  }
0x22a: {  	s31 =	smul.u32 $0x6C0, s21  }
0x22b: {  	s23 =	spop (v2sf)  }
0x22c: {  	s0 =	sshrl.u32 s31, $0x2;
	s25 =	spop (v2sf)  }
0x22d: {  	s19 =	sadd.s32 $0x3D88, s0;
	s18 =	spop (v2sf)  }
0x22e: {  	s0 =	smin.u32 s22, $0x10  }
0x22f: {  	v1 =	vmov s0  }
0x230: {  	p3 =	sgt.s32 s22, $0x10;
	vm1 =	vgt.u32 v1, v0  }
.Ltmp10:
0x231: {  	_ = 	snop;
	(pc) =	sbr.rel @!p3 .LBB2_11-.Ltmp10, $2  }
0x232: {  	_ =	sdelay $0x2  }
0x233: {  	s24 =	simm.s32 $0x10;
	s26 =	sadd.s32 $0xFFFFFFF0, s22;
	s20 =	smov.u32 s19;
	vm0 =	vmmov vm1  }
.LBB2_10:
0x234: {  	s0 =	smin.u32 s26, $0x10;
	s24 =	sadd.s32 $0x10, s24;
	v1 =	vld.msk [tilespmem:s20+$0x0 ss:$0x1], vm1  }
0x235: {  	v2 =	vmov s0;
	p3 =	slt.s32 s24, s22  }
0x236: {  	vm1 =	vgt.u32 v2, v0  }
.Ltmp11:
0x237: {  	(pc) =	sbr.rel @p3 .LBB2_10-.Ltmp11, $3  }
0x238: {  	_ =	sdelay $0x1  }
0x239: {  	v1 =	vshll.u32 v1, $0x4  }
0x23a: {  	s26 =	sadd.s32 $0xFFFFFFF0, s26;
	[tilespmem:s20+$0x0] =	vst.msk vm0, v1;
	s20 =	sadd.s32 $0x10, s20;
	vm0 =	vmmov vm1  }
.LBB2_11:
0x23b: {  	_ =	sdelay $0x4  }
0x23c: {  	v1 =	vld.msk [tilespmem:s20+$0x0 ss:$0x1], vm1;
	_ =	sdelay $0x4  }
0x23d: {  	v1 =	vshll.u32 v1, $0x4  }
0x23e: {  	[tilespmem:s20+$0x0] =	vst.msk vm0, v1  }
.LBB2_12:
0x23f: {  	s0 =	sand.u32 $0x1, s17  }
0x240: {  	s0 =	smul.u32 $0x1B0, s0  }
0x241: {  	p3 =	sne.s32 s25, $0xFFFFFFFF  }
0x242: {  	v1 =	vld.msk @!p3 [tilespmem:s0+$0x3D88], $0x1;
	_ =	sdelay $0x4  }
0x243: {  	(v2sf) =	vpush @!p3 v1, $0x0;
	_ =	sdelay $0xc  }
.Ltmp12:
0x244: {  	_ = 	snop;
	(pc) =	sbr.rel @p2 .LBB2_18-.Ltmp12, $4  }
0x245: {  	_ = 	snop  }
0x246: {  	s24 =	spop @!p3 (v2sf)  }
0x247: {  	s18 =	simm.s32 @!p3 $0x0;
	s20 =	smov.u32 s24  }
0x248: {  	[sflag:s14] =	ssyncpa.u1 $0x0;
	s24 =	smov.u32 @p3 s23;
	s20 =	smov.u32 @p3 s25  }
0x249: {  	v1 =	vld.msk [tilespmem:s19+$0x0], $0x1;
	_ =	sdelay $0x4  }
0x24a: {  	(v2sf) =	vpush v1, $0x0;
	_ =	sdelay $0xd  }
0x24b: {  	s0 =	simm.s32 @!p4 $0x0  }
0x24c: {  	s26 =	smul.u32 $0x36000, s21;
	s25 =	ssub.s32 $0x0, s22;
	s28 =	spop (v2sf)  }
0x24d: {  	s0 =	simm.s32 @p4 $0x1;
	s23 =	sadd.s32 $0x1, s25;
	p2 =	seq.s32 s24, s28  }
0x24e: {  	[smem:$0x7FD] =	sst s0;
	s0 =	sshrl.u32 s26, $0x2;
	p3 =	sgt.s32 @!p2 s24, $0x0  }
0x24f: {  	s21 =	sadd.s32 $0x40E8, s0;
	s0 =	smov.u32 s24;
	p3 =	por !p3, p2  }
0x250: {  	s0 =	simm.s32 @p3 $0x0;
	p3 =	seq.s32 s23, $0x0  }
.Ltmp13:
0x251: {  	_ = 	snop;
	(pc) =	sbr.rel @p3 .LBB2_15-.Ltmp13, $4  }
0x252: {  	s3 =	smov.u32 s8;
	s12 =	smov.u32 s5;
	s8 =	smov.u32 s6  }
0x253: {  	s22 =	simm.s32 $0x0;
	s29 =	simm.s32 @!p2 $0x1;
	s0 =	smin.u32 @!p2 s0, $0x7FF  }
0x254: {  	s30 =	simm.s32 @!p2 $0x1B38;
	s29 =	smov.u32 @p2 s22;
	s26 =	sand.u32 @!p2 $0x7F8, s0  }
0x255: {  	s31 =	sand.u32 @!p2 $0x7, s0;
	s0 =	sadd.s32 @!p2 s1, s26;
	s26 =	sadd.s32 $0x1, s19  }
.LBB2_14:
0x256: {  	s2 =	smov.u32 s29  }
0x257: {  	[tilespmem:s30], [sflag:$0x2] =	stream.linear.gather @!p2 [hbm4b:s0+s31], $0x4, $0x38;
	[tilespmem:$0x1F0E8] =	vst v63  }
0x258: {  	s23 =	sadd.s32 $0x1, s23;
	s0 =	smov.u32 s28;
	v1 =	vld.msk [tilespmem:s26+$0x0], $0x1  }
0x259: {  	p3 =	seq.s32 s23, $0x0;
	_ =	sdelay $0x3  }
0x25a: {  	(v2sf) =	vpush v1, $0x0;
	_ =	sdelay $0xe  }
0x25b: {  	s28 =	spop (v2sf)  }
0x25c: {  	p2 =	seq.s32 s0, s28  }
0x25d: {  	p4 =	sgt.s32 @!p2 s0, $0x0;
	s30 =	sshll.u32 @!p2 s29, $0x6;
	s29 =	sadd.s32 @!p2 $0x1, s29  }
.Ltmp14:
0x25e: {  	p4 =	por !p4, p2;
	s30 =	sshra.s32 @!p2 s30, $0x2;
	(pc) =	sbr.rel @!p3 .LBB2_14-.Ltmp14, $4  }
0x25f: {  	s29 =	smov.u32 @p2 s2;
	s0 =	simm.s32 @p4 $0x0;
	s30 =	sadd.s32 @!p2 $0x1B38, s30  }
0x260: {  	s0 =	smin.u32 @!p2 s0, $0x7FF  }
0x261: {  	s2 =	sand.u32 @!p2 $0x7F8, s0;
	s31 =	sand.u32 @!p2 $0x7, s0  }
0x262: {  	s26 =	sadd.s32 $0x1, s26;
	s0 =	sadd.s32 @!p2 s1, s2  }
.LBB2_15:
0x263: {  	[tilespmem:s30], [sflag:$0x2] =	stream.linear.gather @!p2 [hbm4b:s0+s31], $0x4, $0x38;
	[tilespmem:$0x1F0E8] =	vst v63  }
0x264: {  	s31 =	sshll.u32 s29, $0x2  }
0x265: {  	s2 =	simm.s32 $0x2;
	s0 =	sand.u32 $0x3FFFFFFC, s31  }
0x266: {  	_ =	swait.ge [sflag:s2], s0  }
0x267: {  	s0 =	ssub.s32 $0x0, s0;
	[sflag:s2] =	ssyncset.done $0x0  }
0x268: {  	[sflag:s2] =	ssyncadd.s32 s0  }
0x269: {  	v1 =	vld.msk [tilespmem:s19+$0x0], $0x1;
	_ =	sdelay $0x4  }
0x26a: {  	(v2sf) =	vpush v1, $0x0;
	_ =	sdelay $0xe  }
0x26b: {  	s23 =	spop (v2sf)  }
0x26c: {  	p2 =	sne.s32 s24, s23  }
0x26d: {  	p4 =	sne.s32 @p2 s24, s20  }
0x26e: {  	p3 =	por !p4, !p2  }
0x26f: {  	s0 =	simm.s32 @!p3 $0x0  }
0x270: {  	v1 =	vld.msk @!p3 [tilespmem:s0+$0x1B38], $0xf  }
0x271: {  	p5 =	sgt.u32 @!p3 s24, $0x7FF  }
0x272: {  	s2 =	sshll.u32 @!p3 s18, $0x6;
	p6 =	por @p2 p5, !p4  }
0x273: {  	s2 =	sshra.s32 @!p3 s2, $0x2;
	p1 =	por p6, !p2;
	p6 =	por p4, !p2  }
0x274: {  	s26 =	sadd.s32 @!p3 $0x28, s2;
	s28 =	sand.u32 @!p1 $0x7F8, s24;
	s29 =	sshll.u32 @!p6 s18, $0x6  }
0x275: {  	s24 =	sand.u32 @!p1 $0x7, s24;
	[tilespmem:s2+$0x28] =	vst.add.f32.msk @!p3 $0xf, v1;
	s2 =	sadd.s32 @!p1 s1, s28;
	s28 =	sshra.s32 @!p6 s29, $0x2  }
0x276: {  	[hbm4b:s2+s24] =	stream.linear.scatter @!p1 [tilespmem:s26], [sflag:$0xA], $0x4, $0x38;
	[tilespmem:$0x1F0E8] =	vst v63  }
0x277: {  	s0 =	rddreg [dreg:$0x2];
	s2 =	sadd.s32 @!p6 $0x28, s28;
	s24 =	simm.s32 @!p6 $0x1  }
0x278: {  	[spmem:s0] =	stream.linear.scatter @!p6 [tilespmem:s2], [sflag:$0x1], $0x4, $0x38;
	[tilespmem:$0x1F0E8] =	vst v63  }
0x279: {  	s0 =	sadd.s32 @p2 $0x1, s18;
	_ =	swait.ge @!p6 [sflag:s24], $0x4  }
0x27a: {  	s2 =	sshrl.u32 @p2 s0, $0x4;
	[sflag:s24] =	ssyncset.done @!p6 $0x0  }
0x27b: {  	s2 =	smulhi.u32 @p2 $0x97B425F, s2;
	[sflag:s24] =	ssyncadd.s32 @!p6 $0xFFFFFFFC  }
0x27c: {  	s24 =	sadd.s32 $0x1, s25;
	v1 =	vld.msk @p2 [tilespmem:s21+$0x0], $0xf  }
0x27d: {  	p1 =	por @p2 !p5, !p4;
	s2 =	smul.u32 @p2 $0x1B0, s2;
	p4 =	seq.s32 s24, $0x0  }
.Ltmp15:
0x27e: {  	p1 =	por !p1, !p2;
	s25 =	simm.s32 @!p3 $0x0;
	(pc) =	sbr.rel @p4 .LBB2_17-.Ltmp15, $4  }
0x27f: {  	s26 =	sshll.u32 @!p2 s18, $0x6;
	s25 =	simm.s32 @!p1 $0x10;
	s0 =	ssub.s32 @p2 s0, s2  }
0x280: {  	s26 =	sshra.s32 @!p2 s26, $0x2;
	s28 =	sadd.s32 @!p3 $0x0, s25;
	s29 =	sshll.u32 @p2 s0, $0x4  }
0x281: {  	s25 =	simm.s32 $0x0;
	s2 =	simm.s32 @p2 $0x1;
	s28 =	smov.u32 @p3 s22;
	[tilespmem:s29+$0x28] =	vst.msk @p2 $0xf, v1  }
0x282: {  	s18 =	smov.u32 @p2 s0;
	s25 =	smov.u32 @p2 s28;
	s22 =	smov.u32 @p2 s2;
	v1 =	vld.msk @!p2 [tilespmem:s21+$0x0], $0xf  }
.LBB2_16:
0x283: {  	_ =	sdelay $0x3  }
0x284: {  	s19 =	sadd.s32 $0x1, s19;
	[tilespmem:s26+$0x28] =	vst.add.f32.msk @!p2 $0xf, v1  }
0x285: {  	v1 =	vld.msk [tilespmem:s19+$0x0], $0x1;
	_ =	sdelay $0x4  }
0x286: {  	(v2sf) =	vpush v1, $0x0;
	_ =	sdelay $0xe  }
0x287: {  	s0 =	smov.u32 s23;
	s23 =	spop (v2sf)  }
0x288: {  	p2 =	sne.s32 s0, s23  }
0x289: {  	p5 =	sne.s32 @p2 s0, s20  }
0x28a: {  	p4 =	por !p5, !p2  }
0x28b: {  	s30 =	sshll.u32 @!p4 s22, $0x6  }
0x28c: {  	s30 =	sshra.s32 @!p4 s30, $0x2  }
0x28d: {  	p1 =	sgt.u32 @!p4 s0, $0x7FF;
	v1 =	vld.msk @!p4 [tilespmem:s30+$0x1B38], $0xf  }
0x28e: {  	s31 =	sshll.u32 @!p4 s18, $0x6;
	p6 =	por @p2 p1, !p5;
	p1 =	por @p2 !p1, !p5  }
0x28f: {  	s5 =	simm.s32 @!p4 $0x0;
	s31 =	sshra.s32 @!p4 s31, $0x2;
	p1 =	por !p1, !p2  }
0x290: {  	p5 =	por p5, !p2;
	s5 =	simm.s32 @!p1 $0x10;
	p1 =	por p6, !p2  }
0x291: {  	s30 =	sadd.s32 @!p4 $0x28, s31;
	s6 =	sshll.u32 @!p5 s18, $0x6;
	s10 =	sand.u32 @!p1 $0x7F8, s0  }
0x292: {  	s6 =	sshra.s32 @!p5 s6, $0x2;
	s0 =	sand.u32 @!p1 $0x7, s0;
	s10 =	sadd.s32 @!p1 s1, s10;
	[tilespmem:s31+$0x28] =	vst.add.f32.msk @!p4 $0xf, v1  }
0x293: {  	[hbm4b:s10+s0] =	stream.linear.scatter @!p1 [tilespmem:s30], [sflag:$0xA], $0x4, $0x38;
	[tilespmem:$0x1F0E8] =	vst v63  }
0x294: {  	s2 =	rddreg [dreg:$0x2];
	s0 =	sadd.s32 @!p5 $0x28, s6;
	s6 =	simm.s32 @!p5 $0x1  }
0x295: {  	[spmem:s2] =	stream.linear.scatter @!p5 [tilespmem:s0], [sflag:$0x1], $0x4, $0x38;
	[tilespmem:$0x1F0E8] =	vst v63  }
0x296: {  	s28 =	sadd.s32 @p2 $0x1, s18;
	_ =	swait.ge @!p5 [sflag:s6], $0x4  }
0x297: {  	s29 =	sshrl.u32 @p2 s28, $0x4;
	[sflag:s6] =	ssyncset.done @!p5 $0x0  }
0x298: {  	s21 =	sadd.s32 $0x80, s21;
	s29 =	smulhi.u32 @p2 $0x97B425F, s29;
	[sflag:s6] =	ssyncadd.s32 @!p5 $0xFFFFFFFC  }
0x299: {  	s24 =	sadd.s32 $0x1, s24;
	v1 =	vld.msk @p2 [tilespmem:s21+$0x0], $0xf  }
0x29a: {  	p3 =	seq.s32 s24, $0x0;
	s29 =	smul.u32 @p2 $0x1B0, s29  }
.Ltmp16:
0x29b: {  	_ = 	snop;
	(pc) =	sbr.rel @!p3 .LBB2_16-.Ltmp16, $4  }
0x29c: {  	s28 =	ssub.s32 @p2 s28, s29  }
0x29d: {  	s26 =	sshll.u32 @!p2 s18, $0x6;
	s5 =	sadd.s32 @!p4 s5, s25;
	s10 =	sshll.u32 @p2 s28, $0x4  }
0x29e: {  	s9 =	sadd.s32 @p2 $0x1, s22;
	s26 =	sshra.s32 @!p2 s26, $0x2;
	s5 =	smov.u32 @p4 s25;
	[tilespmem:s10+$0x28] =	vst.msk @p2 $0xf, v1  }
0x29f: {  	s22 =	smov.u32 @p2 s9;
	s18 =	smov.u32 @p2 s28;
	s25 =	smov.u32 @p2 s5;
	v1 =	vld.msk @!p2 [tilespmem:s21+$0x0], $0xf  }
.LBB2_17:
.Ltmp17:
0x2a0: {  	_ = 	snop;
	(pc) =	sbr.rel .LBB2_19-.Ltmp17, $4  }
0x2a1: {  	s2 =	sld [smem:$0x7FD]  }
0x2a2: {  	s0 =	sshrl.u32 s25, $0x2  }
0x2a3: {  	s24 =	smov.u32 s23;
	s6 =	smov.u32 s8;
	s5 =	smov.u32 s12  }
0x2a4: {  	s8 =	smov.u32 s3;
	s3 =	rddreg [dreg:$0x3];
	p4 =	seq.s32 s2, $0x1;
	[tilespmem:s26+$0x28] =	vst.add.f32.msk @!p2 $0xf, v1  }
.LBB2_21:
0x2a5: {  	_ =	sfence.sel $0x180000  }
0x2a6: {  	s0 =	simm.s32 $0x7;
	[bflag:$0x0] =	sbarrier.arrive $0xFFFF  }
0x2a7: {  	s25 =	simm.s32 $0x8;
	[sflag:s0] =	ssyncpa.u1 $0x1  }
0x2a8: {  	s26 =	simm.s32 $0x9;
	[sflag:s25] =	ssyncpa.u1 $0x1  }
0x2a9: {  	s28 =	simm.s32 $0x2;
	[sflag:s26] =	ssyncpa.u1 $0x1  }
0x2aa: {  	[sflag:s28] =	ssyncpa.u1 $0x1  }
0x2ab: {  	v0 =	vld [tilespmem:$0x3648];
	_ =	sdelay $0x4  }
0x2ac: {  	(v2sf) =	vpush v0, $0x0  }
0x2ad: {  	(v2sf) =	vpush v0, $0x1;
	_ =	sdelay $0x1  }
0x2ae: {  	(v2sf) =	vpush v0, $0x2;
	_ =	sdelay $0xb  }
0x2af: {  	s0 =	spop (v2sf)  }
0x2b0: {  	s2 =	spop (v2sf)  }
0x2b1: {  	s3 =	smov.u32 s0;
	p0 =	sne.s32 s0, s2  }
0x2b2: {  	s4 =	spop (v2sf);
	s3 =	simm.s32 @!p0 $0xFFFFFFFF  }
0x2b3: {  	v2 =	vimm.s32 $0x1;
	v3 =	vlaneseq.u32;
	p0 =	seq.s32 s4, $0xFFFFFFFF;
	v1 =	vmov s3  }
0x2b4: {  	s7 =	stileid.u32;
	v0 =	vperm.xlane v0, v2;
	p1 =	sne.s32 @!p0 s0, s2;
	v1 =	vperm.xlane v1, v3  }
0x2b5: {  	vm0 =	vcmask $0x3F04;
	s6 =	simm.s32 $0x3648;
	s0 =	simm.s32 @!p0 $0x1;
	p1 =	por !p1, p0  }
0x2b6: {  	s3 =	sshll.u32 s7, $0x1;
	s2 =	sshll.u32 @!p0 s4, $0x6;
	s0 =	simm.s32 @p1 $0x0;
	v0 =	vsel vm0, v1, v0  }
0x2b7: {  	s5 =	sor.u32 $0x200, s3;
	s2 =	sshra.s32 @!p0 s2, $0x2;
	s0 =	sor.u32 @!p0 s0, s3;
	[tilespmem:$0x3648] =	vst v0  }
0x2b8: {  	[spmem:s5] =	stream.linear.scatter [tilespmem:s6], [sflag:$0x1], $0x2, $0x38;
	[tilespmem:$0x1F0E8] =	vst v63  }
0x2b9: {  	s2 =	sadd.s32 @!p0 $0x28, s2;
	s0 =	sshll.u32 @!p0 s0, $0x4  }
0x2ba: {  	[spmem:s0] =	stream.linear.scatter @!p0 [tilespmem:s2], [sflag:$0x1], $0x10, $0x38;
	[tilespmem:$0x1F0E8] =	vst v63  }
0x2bb: {  	s0 =	simm.s32 @!p0 $0x12  }
0x2bc: {  	s3 =	simm.s32 $0x1;
	s0 =	simm.s32 @p0 $0x2  }
0x2bd: {  	_ =	swait.ge [sflag:s3], s0  }
0x2be: {  	s0 =	ssub.s32 $0x0, s0;
	[sflag:s3] =	ssyncset.done $0x0  }
0x2bf: {  	[sflag:s3] =	ssyncadd.s32 s0  }
0x2c0: {  	_ =	sfence.stream.spmem  }
0x2c1: {  	s29 =	simm.s32 $0x3;
	[bflag:$0x0] =	sbarrier.arrive $0xFFFF  }
0x2c2: {  	s30 =	simm.s32 $0x4;
	[sflag:s29] =	ssyncpa.u1 $0x1  }
0x2c3: {  	s31 =	simm.s32 $0x3C;
	[sflag:s30] =	ssyncpa.u1 $0x1  }
0x2c4: {  	p0 =	sne.s32 s7, $0x0;
	[sflag:s31] =	ssyncpa.u1 $0x1  }
0x2c5: {  	_ =	sfence @p0  }
0x2c6: {  	[sflag:s3] =	ssyncpa.u1 @p0 $0x1  }
0x2c7: {  	_ =	strace @p0 $0x9000005F  }
0x2c8: {  	[bflag:$0x2] =	sbarrier.arrive @p0 $0xFFFF  }
0x2c9: {  	_ =	shalt @p0  }
.LBB2_22:
0x2ca: {  	_ =	sfence.stream.spmem;
	s0 =	simm.s32 $0x5  }
0x2cb: {  	s2 =	simm.s32 $0x200;
	s3 =	simm.s32 $0x3658;
	[sflag:s0] =	ssyncpa.u1 $0x0  }
0x2cc: {  	[tilespmem:s3], [sflag:$0x5] =	stream.linear.gather [spmem:s2], $0x20, $0x38;
	[tilespmem:$0x1F0E8] =	vst v63  }
0x2cd: {  	s30 =	simm.s32 $0x3678;
	s2 =	simm.s32 $0x0  }
0x2ce: {  	[tilespmem:s30], [sflag:$0x5] =	stream.linear.gather [spmem:s2], $0x200, $0x38;
	[tilespmem:$0x1F0E8] =	vst v63  }
.Ltmp18:
0x2cf: {  	_ = 	snop;
	(pc) =	sbr.rel .LBB2_23-.Ltmp18, $4  }
0x2d0: {  	_ =	swait.ge [sflag:s0], $0x220  }
0x2d1: {  	[sflag:s0] =	ssyncset.done $0x0  }
0x2d2: {  	s31 =	simm.s32 $0x6;
	[sflag:s0] =	ssyncadd.s32 $0xFFFFFDE0  }
0x2d3: {  	s3 =	simm.s32 $0x0;
	[sflag:s31] =	ssyncpa.u1 $0x0  }
.LBB2_28:
0x2d4: {  	p0 =	slt.u32 s4, $0x800  }
0x2d5: {  	s0 =	sand.u32 @p0 $0x7F8, s4  }
0x2d6: {  	s4 =	sand.u32 @p0 $0x7, s4;
	s5 =	simm.s32 @p0 $0x3638;
	s0 =	sadd.s32 @p0 s1, s0  }
0x2d7: {  	[tilespmem:s5], [sflag:$0x6] =	stream.linear.gather @p0 [hbm4b:s0+s4], $0x4, $0x38;
	[tilespmem:$0x1F0E8] =	vst v63  }
0x2d8: {  	s0 =	simm.s32 @p0 $0x6  }
0x2d9: {  	_ =	swait.ge @p0 [sflag:s0], $0x4  }
0x2da: {  	[sflag:s0] =	ssyncset.done @p0 $0x0  }
0x2db: {  	[sflag:s0] =	ssyncadd.s32 @p0 $0xFFFFFFFC  }
0x2dc: {  	v1 =	vld @p0 [tilespmem:$0x3638];
	_ =	sdelay $0x2  }
0x2dd: {  	s0 =	sshll.u32 @p0 s3, $0x6  }
0x2de: {  	s5 =	sshll.u32 @!p0 s3, $0x6;
	s4 =	sshrl.u32 @p0 s0, $0x2  }
0x2df: {  	s5 =	smov.u32 @p0 s0;
	[tilespmem:s4+$0x3678] =	vst.add.f32.msk @p0 $0xffff, v1  }
0x2e0: {  	s0 =	sshrl.u32 s5, $0x2;
	[tilespmem:s2+$0x3658] =	vst.msk $0x1, v0  }
0x2e1: {  	v0 =	vld [tilespmem:s0+$0x3678];
	_ =	sdelay $0x2  }
0x2e2: {  	s31 =	sshll.u32 s2, $0x6  }
0x2e3: {  	s0 =	sshra.s32 s31, $0x2  }
0x2e4: {  	s2 =	sadd.s32 $0x1, s2;
	[tilespmem:s0+$0x3678] =	vst v0  }
.LBB2_30:
0x2e5: {  	s3 =	sadd.s32 $0x1, s3  }
0x2e6: {  	p0 =	sne.s32 s3, $0x20  }
.Ltmp19:
0x2e7: {  	_ = 	snop;
	(pc) =	sbr.rel @!p0 .LBB2_31-.Ltmp19, $1  }
0x2e8: {  	_ =	sdelay $0x3  }
.LBB2_23:
0x2e9: {  	v0 =	vld.msk [tilespmem:s3+$0x3658], $0x1;
	_ =	sdelay $0x4  }
0x2ea: {  	(v2sf) =	vpush v0, $0x0;
	_ =	sdelay $0xe  }
0x2eb: {  	s4 =	spop (v2sf)  }
0x2ec: {  	p0 =	seq.s32 s4, $0xFFFFFFFF  }
.Ltmp20:
0x2ed: {  	_ = 	snop;
	(pc) =	sbr.rel @p0 .LBB2_30-.Ltmp20, $1  }
0x2ee: {  	_ =	sdelay $0x3  }
0x2ef: {  	p0 =	slt.s32 s2, $0x1  }
.Ltmp21:
0x2f0: {  	_ = 	snop;
	(pc) =	sbr.rel @p0 .LBB2_28-.Ltmp21, $1  }
0x2f1: {  	_ =	sdelay $0x3  }
0x2f2: {  	s5 =	simm.s32 $0x3658;
	p0 =	por $0x0, $0x0  }
0x2f3: {  	v1 =	vld.msk @!p0 [tilespmem:s5+$0x0], $0x1;
	_ =	sdelay $0x4  }
0x2f4: {  	(v2sf) =	vpush @!p0 v1, $0x0;
	_ =	sdelay $0xd  }
0x2f5: {  	p2 =	sne.s32 s2, $0x1  }
.Ltmp22:
0x2f6: {  	s0 =	spop @!p0 (v2sf);
	(pc) =	sbr.rel @!p2 .LBB2_27-.Ltmp22, $4  }
0x2f7: {  	p1 =	seq.s32 @!p0 s4, s0  }
0x2f8: {  	s6 =	simm.s32 $0x0;
	p1 =	por !p1, p0  }
0x2f9: {  	s0 =	simm.s32 $0xFFFFFFFF;
	s6 =	simm.s32 @p1 $0xFFFFFFFF  }
0x2fa: {  	s7 =	simm.s32 $0x1;
	s6 =	smov.u32 @p0 s0  }
.LBB2_26:
0x2fb: {  	s0 =	smov.u32 s6;
	p0 =	sne.s32 s6, $0xFFFFFFFF  }
0x2fc: {  	s5 =	sadd.s32 $0x1, s5;
	s6 =	smov.u32 s7;
	s7 =	sadd.s32 $0x1, s7  }
0x2fd: {  	p1 =	sne.s32 s2, s7;
	v1 =	vld.msk @!p0 [tilespmem:s5+$0x0], $0x1;
	_ =	sdelay $0x4  }
0x2fe: {  	(v2sf) =	vpush @!p0 v1, $0x0;
	_ =	sdelay $0xe  }
.Ltmp23:
0x2ff: {  	s8 =	spop @!p0 (v2sf);
	(pc) =	sbr.rel @p1 .LBB2_26-.Ltmp23, $4  }
0x300: {  	p2 =	seq.s32 @!p0 s4, s8  }
0x301: {  	p2 =	por !p2, p0  }
0x302: {  	s6 =	simm.s32 @p2 $0xFFFFFFFF  }
0x303: {  	s6 =	smov.u32 @p0 s0  }
.LBB2_27:
0x304: {  	p0 =	sne.s32 s6, $0xFFFFFFFF  }
.Ltmp24:
0x305: {  	_ = 	snop;
	(pc) =	sbr.rel @!p0 .LBB2_28-.Ltmp24, $1  }
0x306: {  	_ =	sdelay $0x3  }
0x307: {  	s0 =	sshll.u32 s3, $0x4  }
0x308: {  	s0 =	sand.u32 $0x3FFFFFF0, s0  }
0x309: {  	v0 =	vld [tilespmem:s0+$0x3678]  }
.Ltmp25:
0x30a: {  	_ = 	snop;
	(pc) =	sbr.rel .LBB2_30-.Ltmp25, $4  }
0x30b: {  	_ = 	snop  }
0x30c: {  	s31 =	sshll.u32 s6, $0x6  }
0x30d: {  	s0 =	sshra.s32 s31, $0x2  }
0x30e: {  	[tilespmem:s0+$0x3678] =	vst.add.f32.msk $0xffff, v0  }
.LBB2_31:
0x30f: {  	p0 =	slt.s32 s2, $0x1  }
.Ltmp26:
0x310: {  	_ = 	snop;
	(pc) =	sbr.rel @p0 .LBB2_35-.Ltmp26, $3  }
0x311: {  	_ =	sdelay $0x1  }
0x312: {  	s0 =	simm.s32 $0x6  }
0x313: {  	s3 =	simm.s32 $0x0;
	[sflag:s0] =	ssyncpa.u1 $0x1  }
0x314: {  	s0 =	simm.s32 $0x3658  }
0x315: {  	v0 =	vld.msk [tilespmem:s0+$0x0], $0x1;
	_ =	sdelay $0x4  }
0x316: {  	(v2sf) =	vpush v0, $0x0;
	_ =	sdelay $0xd  }
0x317: {  	s2 =	sadd.s32 $0xFFFFFFFF, s2  }
0x318: {  	p1 =	sne.s32 s2, $0x0;
	s0 =	spop (v2sf)  }
.Ltmp27:
0x319: {  	p0 =	sgt.u32 s0, $0x7FF;
	(pc) =	sbr.rel @!p1 .LBB2_34-.Ltmp27, $4  }
0x31a: {  	s4 =	simm.s32 $0x3678;
	s5 =	sand.u32 @!p0 $0x7F8, s0  }
0x31b: {  	s6 =	simm.s32 $0x0;
	s0 =	sand.u32 @!p0 $0x7, s0;
	s5 =	sadd.s32 @!p0 s1, s5  }
0x31c: {  	[hbm4b:s5+s0] =	stream.linear.scatter @!p0 [tilespmem:s4], [sflag:$0x5], $0x4, $0x38;
	[tilespmem:$0x1F0E8] =	vst v63  }
0x31d: {  	s6 =	simm.s32 @!p0 $0x10;
	s5 =	simm.s32 $0x3659  }
.LBB2_33:
0x31e: {  	v0 =	vld.msk [tilespmem:s5+$0x0], $0x1;
	s2 =	sadd.s32 $0xFFFFFFFF, s2;
	s3 =	sadd.s32 s3, s6  }
0x31f: {  	p0 =	sne.s32 s2, $0x0;
	_ =	sdelay $0x3  }
0x320: {  	(v2sf) =	vpush v0, $0x0;
	_ =	sdelay $0xe  }
.Ltmp28:
0x321: {  	s0 =	spop (v2sf);
	(pc) =	sbr.rel @p0 .LBB2_33-.Ltmp28, $4  }
0x322: {  	s6 =	simm.s32 $0x0;
	p1 =	sgt.u32 s0, $0x7FF  }
0x323: {  	s4 =	sadd.s32 $0x10, s4;
	s6 =	simm.s32 @!p1 $0x10;
	s7 =	sand.u32 @!p1 $0x7F8, s0  }
0x324: {  	s5 =	sadd.s32 $0x1, s5;
	s0 =	sand.u32 @!p1 $0x7, s0;
	s7 =	sadd.s32 @!p1 s1, s7  }
0x325: {  	[hbm4b:s7+s0] =	stream.linear.scatter @!p1 [tilespmem:s4], [sflag:$0x5], $0x4, $0x38;
	[tilespmem:$0x1F0E8] =	vst v63  }
.LBB2_34:
0x326: {  	s0 =	sadd.s32 s3, s6  }
0x327: {  	s3 =	sshrl.u32 s0, $0x2  }
.LBB2_35:
0x328: {  	s0 =	simm.s32 $0x5  }
0x329: {  	_ =	swait.ge [sflag:s0], s3  }
0x32a: {  	s1 =	ssub.s32 $0x0, s3;
	[sflag:s0] =	ssyncset.done $0x0  }
0x32b: {  	[sflag:s0] =	ssyncadd.s32 s1  }
0x32c: {  	[sflag:s0] =	ssyncpa.u1 $0x1  }
0x32d: {  	s30 =	simm.s32 $0x1;
	_ =	sfence  }
0x32e: {  	[sflag:s30] =	ssyncpa.u1 $0x1  }
0x32f: {  	_ =	strace $0x9000005F  }
0x330: {  	[bflag:$0x2] =	sbarrier.arrive $0xFFFF  }
0x331: {  	s31 =	rddreg [dreg:$0x1]  }
0x332: {  	s0 =	sadd.s32 $0x100000, s31  }
0x333: {  	[sflag:s0] =	ssyncadd.tile.s32 $0x1;
	_ =	shalt  }
.Lfunc_end2:
_tile_overlayer_lowered:
.L_overlay_start_2:
0x334: {  	(tag) =	ssettag $0x2  }
0x335: {  	s0 =	rddreg [dreg:$0x0];
	s2 =	stileid.u32  }
0x336: {  	s1 =	rddreg [dreg:$0x1];
	p0 =	sne.s32 s2, $0x0  }
0x337: {  	s3 =	rddreg [dreg:$0x2];
	[bflag:$0x3] =	sbarrier.arrive $0xFFFF;
	s2 =	simm.s32 @!p0 $0x1C01  }
0x338: {  	[timem:s3], [sflag:s2] =	dma.local @!p0 [hbm:s0], s1  }
0x339: {  	s0 =	simm.s32 @!p0 $0x1  }
0x33a: {  	_ =	swait.ge @!p0 [sflag:s0], s1  }
0x33b: {  	s1 =	ssub.s32 @!p0 $0x0, s1;
	[sflag:s0] =	ssyncset.done @!p0 $0x0  }
0x33c: {  	[sflag:s0] =	ssyncadd.s32 @!p0 s1  }
0x33d: {  	[bflag:$0x3] =	sbarrier.arrive $0xFFFF  }
0x33e: {  	_ =	shalt  }

// kernel: sparse-core-data-format-call.1.cloned.1.call-start
scs
called_computation.4_lowered:
.L_overlay_start_0:
0x0: {  	s1 =	sld [smem:$0x3FD9]  }
0x1: {  	s2 =	sld [smem:$0x3FFE];
	_ =	sdelay $0x1  }
0x2: {  	s3 =	srdreg.scid  }
0x3: {  	s0 =	sand.u32 $0x1, s3  }
0x4: {  	s17 =	sshll.u32 s0, $0xA;
	s1 =	sadd.s32 s2, s1  }
0x5: {  	s1 =	sadd.s32 s1, s17  }
0x6: {  	[smem:$0x3F9C] =	sst s1  }
0x7: {  	_ = 	snop  }
0x8: {  	(tm) =	ssettm $0x1  }
0x9: {  	s18 =	sld [smem:$0x3FFB];
	_ =	sdelay $0x3  }
0xa: {  	_ =	strace s18  }
0xb: {  	s1 =	sld [smem:$0x3FFC];
	_ =	sdelay $0x3  }
0xc: {  	_ =	strace s1  }
0xd: {  	s1 =	sld [smem:$0x3FFD];
	_ =	sdelay $0x3  }
0xe: {  	_ =	strace s1  }
0xf: {  	_ =	strace $0x8FFFFFFF  }
0x10: {  	s19 =	sld [smem:$0x3FDB];
	_ =	sdelay $0x1  }
0x11: {  	s20 =	simm.s32 $_scs_section_size  }
0x12: {  	s4 =	simm.s32 $_size__tile_overlayer_lowered;
	s5 =	simm.s32 $_tile_overlayer_lowered  }
0x13: {  	s23 =	simm.s32 $0x1BFF;
	s22 =	sshll.u32 s5, $0x1;
	s1 =	sadd.s32 s20, s19  }
0x14: {  	s6 =	simm.s32 $0x0;
	s21 =	sshll.u32 s4, $0x1;
	s4 =	sadd.s32 s22, s1  }
0x15: {  	[timem:s6], [sflag:s23] =	dma.local [hbm:s4], s21  }
0x16: {  	_ =	swait.ge [sflag:s23], s21  }
0x17: {  	s2 =	ssub.s32 $0x0, s21;
	[sflag:s23] =	ssyncset.done $0x0  }
0x18: {  	[sflag:s23] =	ssyncadd.s32 s2;
	_ =	sdelay $0x1  }
0x19: {  	s24 =	simm.s32 $0x1B8B  }
0x1a: {  	_ =	swait.ge [sflag:s24], $0x1  }
0x1b: {  	[sflag:s24] =	ssyncset.done $0x0  }
0x1c: {  	s26 =	simm.s32 $0x1B8E;
	s25 =	sld [smem:$0x3FFE];
	[sflag:s24] =	ssyncadd.s32 $0xFFFFFFFF  }
0x1d: {  	s27 =	simm.s32 $execute0_lowered;
	[smem:$0x3FD2] =	sst s26  }
0x1e: {  	s4 =	sshll.u32 s27, $0x1;
	_ =	strace $0x80000064;
	[dreg:$0x1] =	wrdreg $0xFFFFFFFF  }
0x1f: {  	s28 =	simm.s32 $_size_execute0_lowered;
	s1 =	sadd.s32 s1, s4;
	[dreg:$0x0] =	wrdreg $0x0  }
0x20: {  	s4 =	sshll.u32 s28, $0x1;
	[dreg:$0x2] =	wrdreg s1  }
0x21: {  	[dreg:$0x3] =	wrdreg s4  }
0x22: {  	[dreg:$0x4] =	wrdreg $0xC0  }
0x23: {  	_ =	task [dreg:s6], $0x5FFFF  }
0x24: {  	[dreg:$0x1] =	wrdreg $0xFFFFFFFF  }
0x25: {  	[dreg:$0x0] =	wrdreg $0x60  }
0x26: {  	[dreg:$0x2] =	wrdreg s25  }
0x27: {  	[dreg:$0x3] =	wrdreg $0x9  }
0x28: {  	_ =	task.clear_ibuf [dreg:s6], $0x4FFFF;
	_ =	strace $0x90000064  }
0x29: {  	s29 =	simm.s32 $0x9;
	_ =	strace $0x80000066  }
0x2a: {  	_ =	swait.ge [sflag:s29], $0x1  }
0x2b: {  	[sflag:s29] =	ssyncadd.s32 $0xFFFFFFFF  }
0x2c: {  	_ =	strace $0x90000066  }
0x2d: {  	_ =	sfence  }
0x2e: {  	s30 =	sld [smem:$0x0];
	_ =	sdelay $0x2  }
0x2f: {  	s31 =	sshll.u32 s3, $0xD;
	s3 =	sshrl.u32 s3, $0x2  }
0x30: {  	s2 =	sand.u32 $0x4000, s31;
	s1 =	sadd.s32 s3, s30  }
0x31: {  	s0 =	sor.u32 s2, s0;
	s1 =	sshll.u32 s1, $0x11  }
0x32: {  	s0 =	sor.u32 s1, s0  }
0x33: {  	s0 =	sadd.s32 $0x8F2B, s0  }
0x34: {  	[sflag:s0] =	ssyncadd.remote.s32 $0x1  }
0x35: {  	_ =	sfence.sel $0xFFFF  }
0x36: {  	[dreg:$0x0] =	wrdreg $0xFFFFFFFF;
	(pc) =	sbr.abs _section_cstart, $3  }
0x37: {  	[dreg:$0x1] =	wrdreg $0xFFFFFFFF  }
0x38: {  	_ =	task.clear_ibuf [dreg:s6], $0x2FFFF;
	_ =	strace $0x9FFFFFFF  }
0x39: {  	(tm) =	ssettm $0x7FFFFFFF  }
tec
execute0_lowered:
.L_overlay_start_1:
0x0: {  	(tag) =	ssettag $0x1  }
0x1: {  	s3 =	rddreg [dreg:$0x0];
	s1 =	stileid.u32  }
0x2: {  	s2 =	srdreg.scid;
	s0 =	rddreg [dreg:$0x1];
	_ =	strace $0x80000065  }
0x3: {  	s6 =	simm.s32 $0x1;
	s8 =	simm.s32 $0x2;
	s18 =	simm.s32 $0x0  }
0x4: {  	p0 =	por $0x0, $0x0;
	s9 =	simm.s32 $0x200;
	s17 =	simm.s32 $0x0  }
0x5: {  	s19 =	simm.s32 $0x0;
	s10 =	simm.s32 $0x0;
	s11 =	simm.s32 $0x0  }
0x6: {  	s12 =	simm.s32 $0x0;
	s4 =	sshll.u32 s1, $0x6;
	s5 =	sshll.u32 s2, $0xA  }
.Ltmp0:
0x7: {  	s14 =	simm.s32 $0x0;
	s4 =	sor.u32 s4, s5;
	(pc) =	sbr.rel .LBB1_1-.Ltmp0, $4  }
0x8: {  	s16 =	simm.s32 $0x0;
	s2 =	sadd.s32 $0x62A600, s3;
	s4 =	sand.u32 $0x700, s4  }
0x9: {  	s3 =	sadd.s32 $0xABE600, s3;
	[sflag:s6] =	ssyncpa.u1 $0x0;
	s7 =	ssub.s32 $0x24900, s4  }
0xa: {  	s5 =	sand.u32 $0x3, s1;
	[sflag:s8] =	ssyncpa.u1 $0x0;
	s7 =	sshrl.u32 s7, $0xB  }
0xb: {  	s15 =	smov.u32 s5;
	s13 =	smov.u32 s4;
	s8 =	sor.u32 $0x2, s7  }
.LBB1_5:
0xc: {  	p1 =	slt.u32 s16, $0x2;
	s21 =	smov.u32 s19  }
0xd: {  	p2 =	sgt.s32 @!p1 s18, $0x248F0;
	s20 =	sshra.s32 @!p1 s18, $0x1F;
	p3 =	sgt.s32 @!p1 s19, $0x3  }
0xe: {  	s22 =	sshra.s32 @!p1 s19, $0x1F;
	p2 =	por !p2, p1;
	s20 =	sand.u32 @!p1 s20, s18  }
0xf: {  	p3 =	por !p3, p1;
	s19 =	sand.u32 @!p1 s22, s19;
	s22 =	sshra.s32 @!p1 s17, $0x1F  }
0x10: {  	s21 =	simm.s32 @p3 $0x3;
	p3 =	sgt.s32 @!p1 s17, $0x40;
	s18 =	simm.s32 @p2 $0x248F0  }
0x11: {  	s19 =	ssub.s32 @!p1 s21, s19;
	p3 =	por !p3, p1;
	s21 =	smov.u32 s17  }
0x12: {  	s17 =	sand.u32 @!p1 s22, s17;
	s18 =	ssub.s32 @!p1 s18, s20;
	s21 =	simm.s32 @p3 $0x40  }
0x13: {  	s20 =	sadd.s32 @!p1 $0xFFFFFFFD, s19;
	s19 =	ssub.s32 @!p1 $0x4, s19;
	s17 =	ssub.s32 @!p1 s21, s17  }
0x14: {  	s21 =	sadd.s32 @!p1 $0xFFFDB710, s18;
	p2 =	sgt.s32 @!p1 s20, $0x0;
	s20 =	sadd.s32 @!p1 $0xFFFFFFC0, s17  }
0x15: {  	s18 =	ssub.s32 @!p1 $0x249F0, s18;
	p2 =	por !p2, p1;
	p3 =	sgt.s32 @!p1 s20, $0x3F  }
0x16: {  	s17 =	ssub.s32 @!p1 $0x80, s17;
	s19 =	simm.s32 @!p2 $0x0;
	p2 =	por !p3, p1  }
0x17: {  	s20 =	sadd.s32 $0x800, s13;
	p3 =	sgt.s32 @!p1 s21, $0xFF;
	s17 =	simm.s32 @!p2 $0x0  }
0x18: {  	s21 =	smov.u32 s14;
	p2 =	por !p3, p1;
	s17 =	smul.u32 @!p1 s19, s17  }
0x19: {  	s18 =	simm.s32 @!p2 $0x0;
	p2 =	sgt.s32 s20, $0x249EF;
	s19 =	sadd.s32 $0x40, s14  }
0x1a: {  	s22 =	smov.u32 s15;
	s21 =	smov.u32 @p2 s19  }
0x1b: {  	s17 =	smul.u32 @!p1 s18, s17;
	p3 =	sgt.s32 s21, $0x3F;
	s18 =	sadd.s32 $0x4, s15  }
0x1c: {  	p0 =	por !p0, !p0;
	s23 =	simm.s32 @!p1 $0x2;
	s22 =	smov.u32 @p3 s18  }
0x1d: {  	s20 =	smov.u32 @p2 s4;
	s19 =	smov.u32 s12;
	p2 =	sgt.s32 s22, $0x3  }
0x1e: {  	s12 =	smov.u32 s15;
	s22 =	smov.u32 @p2 s5;
	p2 =	sne.s32 s16, s8  }
.Ltmp1:
0x1f: {  	s21 =	simm.s32 @p3 $0x0;
	s18 =	smov.u32 s10;
	(pc) =	sbr.rel @!p2 .LBB1_6-.Ltmp1, $4  }
0x20: {  	s10 =	smov.u32 s13;
	s13 =	smov.u32 s20;
	s17 =	sand.u32 @!p1 $0x3FFFFFFF, s17  }
0x21: {  	_ =	swait.ge @!p1 [sflag:s23], s17;
	s24 =	ssub.s32 @!p1 $0x0, s17;
	s17 =	smov.u32 s11  }
0x22: {  	s16 =	sadd.s32 $0x1, s16;
	s11 =	smov.u32 s14;
	[sflag:s23] =	ssyncset.done @!p1 $0x0  }
0x23: {  	s14 =	smov.u32 s21;
	s15 =	smov.u32 s22;
	[sflag:s23] =	ssyncadd.s32 @!p1 s24  }
.LBB1_1:
0x24: {  	p1 =	sgt.u32 s16, s7  }
0x25: {  	s20 =	sshrl.u32 @!p1 s14, $0x3  }
0x26: {  	s21 =	sshll.u32 @!p1 s13, $0x3;
	s20 =	smul.u32 @!p1 $0x125000, s20  }
0x27: {  	s22 =	sshll.u32 @!p1 s14, $0x7;
	s21 =	sand.u32 @!p1 $0xFFFFFC00, s21  }
0x28: {  	s20 =	sadd.s32 @!p1 s20, s21;
	s21 =	sand.u32 @!p1 $0x380, s22  }
0x29: {  	s22 =	sand.u32 @!p1 $0x7F, s13;
	s20 =	sor.u32 @!p1 s21, s20  }
0x2a: {  	s21 =	sor.u32 @!p1 s22, s20  }
0x2b: {  	s22 =	smulhi.u32 @!p1 $0xDFAC1F75, s21  }
0x2c: {  	s20 =	smulhi.u32 @!p1 $0xDFAC1F75, s20  }
0x2d: {  	s22 =	sshrl.u32 @!p1 s22, $0x11  }
0x2e: {  	s20 =	sshrl.u32 @!p1 s20, $0x11;
	s22 =	smul.u32 @!p1 $0x24A00, s22  }
0x2f: {  	s23 =	sxor.u32 @!p1 $0xFFFFFFFF, s16;
	s24 =	smul.u32 @!p1 $0x125000, s15;
	s20 =	sand.u32 @!p1 $0x3F, s20  }
0x30: {  	s23 =	sshll.u32 @!p1 s23, $0xE;
	s20 =	smul.u32 @!p1 $0x4940, s20;
	s21 =	ssub.s32 @!p1 s21, s22  }
0x31: {  	s22 =	sand.u32 @!p1 $0x4000, s23;
	s23 =	sadd.s32 @!p1 s2, s24;
	s24 =	sand.u32 @!p1 $0x7, s21  }
0x32: {  	s21 =	sshrl.u32 @!p1 s21, $0x3;
	s20 =	sadd.s32 @!p1 s20, s23;
	s23 =	sshll.u32 @!p1 s24, $0x12  }
0x33: {  	s20 =	sadd.s32 @!p1 s21, s20;
	s21 =	sor.u32 @!p1 $0x800, s23;
	s23 =	simm.s32 @!p1 $0x125000  }
0x34: {  	[tilespmem:s22], [sflag:$0x1] =	stream.strided.gather @!p1 [hbm4b:s20+s21], $0x4000, s23, s21, $0x38;
	[tilespmem:$0x10200] =	vst v63  }
0x35: {  	p1 =	seq.s32 s16, $0x0  }
0x36: {  	p2 =	sge.u32 @!p1 s16, s8  }
0x37: {  	p1 =	por p1, p2  }
.Ltmp2:
0x38: {  	_ = 	snop;
	(pc) =	sbr.rel @p1 .LBB1_5-.Ltmp2, $1  }
0x39: {  	_ =	sdelay $0x3  }
0x3a: {  	s23 =	simm.s32 $0x0  }
0x3b: {  	s22 =	sand.u32 $0x3800, s23;
	s24 =	sand.u32 $0x380, s23  }
0x3c: {  	s20 =	sand.u32 $0x1, s16;
	s22 =	sor.u32 s24, s22  }
0x3d: {  	_ =	swait.ge [sflag:s6], $0x4000;
	s21 =	sshll.u32 s20, $0xE;
	s24 =	sand.u32 $0x3B00, s22  }
0x3e: {  	[sflag:s6] =	ssyncset.done $0x0;
	s23 =	sand.u32 $0x80, s23;
	s24 =	sadd.s32 s24, s21  }
0x3f: {  	[sflag:s6] =	ssyncadd.s32 $0xFFFFC000;
	s26 =	sadd.s32 s23, s24  }
0x40: {  	v4 =	vld [tilespmem:s26+$0x400]  }
0x41: {  	s25 =	simm.s32 $0x1;
	v5 =	vld [tilespmem:s26+$0x0]  }
0x42: {  	s25 =	simm.s32 @!p0 $0x0;
	v6 =	vld [tilespmem:s26+$0x10]  }
0x43: {  	v0 =	vmov s21;
	s31 =	smul.u32 $0x10400, s25;
	v7 =	vld [tilespmem:s26+$0x20]  }
0x44: {  	v9 =	vld [tilespmem:s26+$0x30]  }
0x45: {  	s23 =	sshrl.u32 s31, $0x2;
	v10 =	vld [tilespmem:s26+$0x40]  }
0x46: {  	s23 =	sor.u32 $0x8000, s23;
	v11 =	vld [tilespmem:s26+$0x50]  }
0x47: {  	v8 =	vld [tilespmem:s26+$0x60];
	s24 =	sadd.s32 $0x0, s23  }
0x48: {  	v1 =	vld.idx.msk [tilespmem:v0+s22+$0x410 ss:$0x1], $0xffff;
	[tilespmem:s24+$0x2080 ss:$0x41] =	vst.msk $0xffff, v4  }
0x49: {  	v2 =	vld.idx.msk [tilespmem:v0+s22+$0x420 ss:$0x1], $0xffff;
	[tilespmem:s24+$0x0 ss:$0x41] =	vst.msk $0xffff, v5  }
0x4a: {  	v3 =	vld.idx.msk [tilespmem:v0+s22+$0x430 ss:$0x1], $0xffff;
	[tilespmem:s24+$0x410 ss:$0x41] =	vst.msk $0xffff, v6  }
0x4b: {  	s20 =	smul.u32 $0x10400, s20;
	[tilespmem:s24+$0x820 ss:$0x41] =	vst.msk $0xffff, v7;
	v7 =	vld [tilespmem:s26+$0x70]  }
0x4c: {  	s27 =	simm.s32 $0x100;
	s28 =	simm.s32 $0x8;
	[tilespmem:s24+$0xC30 ss:$0x41] =	vst.msk $0xffff, v9;
	v4 =	vld.idx.msk [tilespmem:v0+s22+$0x440 ss:$0x1], $0xffff  }
0x4d: {  	s29 =	sand.u32 $0x3800, s27;
	s20 =	sshrl.u32 s20, $0x2;
	[tilespmem:s24+$0x1040 ss:$0x41] =	vst.msk $0xffff, v10;
	v5 =	vld.idx.msk [tilespmem:v0+s22+$0x450 ss:$0x1], $0xffff;
	s26 =	simm.s32 $0x80  }
0x4e: {  	s25 =	simm.s32 $0x4;
	s20 =	sor.u32 $0x8000, s20;
	[tilespmem:s24+$0x1450 ss:$0x41] =	vst.msk $0xffff, v11;
	v6 =	vld.idx.msk [tilespmem:v0+s22+$0x460 ss:$0x1], $0xffff;
	s30 =	sand.u32 $0x380, s26  }
.LBB1_3:
0x4f: {  	p1 =	sne.s32 s28, $0xFC;
	[tilespmem:s24+$0x1860 ss:$0x41] =	vst.msk $0xffff, v8;
	v8 =	vld.idx.msk [tilespmem:v0+s22+$0x470 ss:$0x1], $0xffff;
	s22 =	sor.u32 s30, s29  }
0x50: {  	s29 =	sand.u32 $0x3B00, s22;
	v9 =	vld.idx.msk [tilespmem:v0+s22+$0x410 ss:$0x1], $0xffff;
	[tilespmem:s24+$0x1C70 ss:$0x41] =	vst.msk $0xffff, v7  }
0x51: {  	s30 =	sand.u32 $0x80, s26;
	s29 =	sadd.s32 s29, s21;
	v7 =	vld.idx.msk [tilespmem:v0+s22+$0x420 ss:$0x1], $0xffff;
	[tilespmem:s24+$0x2490 ss:$0x41] =	vst.msk $0xffff, v1  }
0x52: {  	s29 =	sadd.s32 s30, s29;
	v10 =	vld.idx.msk [tilespmem:v0+s22+$0x430 ss:$0x1], $0xffff;
	[tilespmem:s24+$0x28A0 ss:$0x41] =	vst.msk $0xffff, v2  }
0x53: {  	v11 =	vld [tilespmem:s29+$0x400];
	[tilespmem:s24+$0x2CB0 ss:$0x41] =	vst.msk $0xffff, v3  }
0x54: {  	v12 =	vld [tilespmem:s29+$0x0];
	[tilespmem:s24+$0x30C0 ss:$0x41] =	vst.msk $0xffff, v4  }
0x55: {  	v4 =	vld [tilespmem:s29+$0x10];
	[tilespmem:s24+$0x34D0 ss:$0x41] =	vst.msk $0xffff, v5  }
0x56: {  	s30 =	sshra.s32 s25, $0x2;
	s25 =	smov.u32 s28;
	v1 =	vmov v9;
	v5 =	vld [tilespmem:s29+$0x20];
	[tilespmem:s24+$0x38E0 ss:$0x41] =	vst.msk $0xffff, v6  }
0x57: {  	v2 =	vmov v7;
	v6 =	vld [tilespmem:s29+$0x30];
	[tilespmem:s24+$0x3CF0 ss:$0x41] =	vst.msk $0xffff, v8;
	s24 =	sadd.s32 s30, s23  }
0x58: {  	v3 =	vmov v10;
	v9 =	vld [tilespmem:s29+$0x40];
	[tilespmem:s24+$0x2080 ss:$0x41] =	vst.msk $0xffff, v11  }
0x59: {  	[tilespmem:s24+$0x0 ss:$0x41] =	vst.msk $0xffff, v12;
	v10 =	vld [tilespmem:s29+$0x50]  }
.Ltmp3:
0x5a: {  	[tilespmem:s24+$0x410 ss:$0x41] =	vst.msk $0xffff, v4;
	v8 =	vld [tilespmem:s29+$0x60];
	(pc) =	sbr.rel @p1 .LBB1_3-.Ltmp3, $4  }
0x5b: {  	[tilespmem:s24+$0x820 ss:$0x41] =	vst.msk $0xffff, v5;
	v7 =	vld [tilespmem:s29+$0x70]  }
0x5c: {  	[tilespmem:s24+$0xC30 ss:$0x41] =	vst.msk $0xffff, v6;
	v4 =	vld.idx.msk [tilespmem:v0+s22+$0x440 ss:$0x1], $0xffff  }
0x5d: {  	s26 =	sadd.s32 $0x80, s26;
	s27 =	sadd.s32 $0x100, s27;
	[tilespmem:s24+$0x1040 ss:$0x41] =	vst.msk $0xffff, v9;
	v5 =	vld.idx.msk [tilespmem:v0+s22+$0x450 ss:$0x1], $0xffff  }
0x5e: {  	s28 =	sadd.s32 $0x4, s28;
	s30 =	sand.u32 $0x380, s26;
	s29 =	sand.u32 $0x3800, s27;
	[tilespmem:s24+$0x1450 ss:$0x41] =	vst.msk $0xffff, v10;
	v6 =	vld.idx.msk [tilespmem:v0+s22+$0x460 ss:$0x1], $0xffff  }
0x5f: {  	_ =	sdelay $0x3  }
0x60: {  	s27 =	sor.u32 s30, s29;
	v47 =	vld.idx.msk [tilespmem:v0+s22+$0x470 ss:$0x1], $0xffff  }
0x61: {  	v57 =	vld.idx.msk [tilespmem:v0+s27+$0x410 ss:$0x1], $0xffff  }
0x62: {  	v58 =	vld.idx.msk [tilespmem:v0+s27+$0x420 ss:$0x1], $0xffff  }
0x63: {  	[tilespmem:s24+$0x1860 ss:$0x41] =	vst.msk $0xffff, v8;
	v59 =	vld.idx.msk [tilespmem:v0+s27+$0x430 ss:$0x1], $0xffff  }
0x64: {  	[tilespmem:s24+$0x2490 ss:$0x41] =	vst.msk $0xffff, v1;
	v60 =	vld.idx.msk [tilespmem:v0+s27+$0x440 ss:$0x1], $0xffff  }
0x65: {  	[tilespmem:s24+$0x28A0 ss:$0x41] =	vst.msk $0xffff, v2;
	s28 =	sand.u32 $0x3B00, s27;
	v61 =	vld.idx.msk [tilespmem:v0+s27+$0x450 ss:$0x1], $0xffff  }
0x66: {  	s26 =	sand.u32 $0x80, s26;
	[tilespmem:s24+$0x2CB0 ss:$0x41] =	vst.msk $0xffff, v3;
	v62 =	vld.idx.msk [tilespmem:v0+s27+$0x460 ss:$0x1], $0xffff;
	s21 =	sadd.s32 s28, s21  }
0x67: {  	[tilespmem:s24+$0x1C70 ss:$0x41] =	vst.msk $0xffff, v7;
	v63 =	vld.idx.msk [tilespmem:v0+s27+$0x470 ss:$0x1], $0xffff;
	s29 =	sadd.s32 s26, s21  }
0x68: {  	[tilespmem:s24+$0x30C0 ss:$0x41] =	vst.msk $0xffff, v4;
	v48 =	vld [tilespmem:s29+$0x400]  }
0x69: {  	[tilespmem:s24+$0x34D0 ss:$0x41] =	vst.msk $0xffff, v5;
	v49 =	vld [tilespmem:s29+$0x0]  }
0x6a: {  	s30 =	sshra.s32 s25, $0x2;
	v50 =	vld [tilespmem:s29+$0x10];
	[tilespmem:s24+$0x38E0 ss:$0x41] =	vst.msk $0xffff, v6  }
0x6b: {  	s21 =	sadd.s32 s30, s23;
	v51 =	vld [tilespmem:s29+$0x20];
	[tilespmem:s24+$0x3CF0 ss:$0x41] =	vst.msk $0xffff, v47  }
0x6c: {  	s31 =	sshra.s32 s10, $0x1F;
	v52 =	vld [tilespmem:s29+$0x30];
	[tilespmem:s21+$0x2490 ss:$0x41] =	vst.msk $0xffff, v57  }
0x6d: {  	p1 =	sgt.s32 s10, $0x248F0;
	s22 =	sand.u32 s31, s10;
	v53 =	vld [tilespmem:s29+$0x40];
	[tilespmem:s21+$0x28A0 ss:$0x41] =	vst.msk $0xffff, v58  }
0x6e: {  	s27 =	sand.u32 $0x7, s11;
	s28 =	sshra.s32 s12, $0x1F;
	s23 =	smov.u32 s10;
	v54 =	vld [tilespmem:s29+$0x50];
	[tilespmem:s21+$0x2CB0 ss:$0x41] =	vst.msk $0xffff, v59  }
0x6f: {  	s25 =	sand.u32 s28, s12;
	s26 =	smov.u32 s11;
	v55 =	vld [tilespmem:s29+$0x60];
	s23 =	simm.s32 @!p1 $0x248F0;
	[tilespmem:s21+$0x30C0 ss:$0x41] =	vst.msk $0xffff, v60  }
0x70: {  	p1 =	sgt.s32 s12, $0x3;
	v56 =	vld [tilespmem:s29+$0x70];
	s29 =	sshra.s32 s11, $0x1F;
	s24 =	smov.u32 s12;
	[tilespmem:s21+$0x34D0 ss:$0x41] =	vst.msk $0xffff, v61  }
0x71: {  	s22 =	ssub.s32 s23, s22;
	s24 =	simm.s32 @!p1 $0x3;
	p1 =	sgt.s32 s11, $0x40;
	[tilespmem:s21+$0x38E0 ss:$0x41] =	vst.msk $0xffff, v62  }
0x72: {  	s30 =	sand.u32 s29, s11;
	s29 =	sadd.s32 $0xFFFDB710, s22;
	[tilespmem:s21+$0x3CF0 ss:$0x41] =	vst.msk $0xffff, v63;
	s26 =	simm.s32 @!p1 $0x40  }
0x73: {  	s22 =	ssub.s32 $0x249F0, s22;
	s24 =	ssub.s32 s24, s25;
	s25 =	ssub.s32 s26, s30;
	[tilespmem:s21+$0x2080 ss:$0x41] =	vst.msk $0xffff, v48  }
0x74: {  	s31 =	sadd.s32 $0xFFFFFFFD, s24;
	s24 =	ssub.s32 $0x4, s24;
	[tilespmem:s21+$0x0 ss:$0x41] =	vst.msk $0xffff, v49;
	s28 =	sadd.s32 $0xFFFFFFC0, s25  }
0x75: {  	[tilespmem:s21+$0x410 ss:$0x41] =	vst.msk $0xffff, v50;
	p1 =	sgt.s32 s31, $0x0;
	s23 =	ssub.s32 $0x80, s25;
	p2 =	sgt.s32 s28, $0x3F  }
0x76: {  	s30 =	sshll.u32 s12, $0x4;
	[tilespmem:s21+$0x820 ss:$0x41] =	vst.msk $0xffff, v51;
	s24 =	simm.s32 @p1 $0x0;
	s23 =	simm.s32 @p2 $0x0  }
0x77: {  	s26 =	sshrl.u32 s11, $0x3;
	[tilespmem:s21+$0xC30 ss:$0x41] =	vst.msk $0xffff, v52;
	p1 =	sgt.s32 s29, $0xFF;
	s23 =	smul.u32 s24, s23  }
.Ltmp4:
0x78: {  	[tilespmem:s21+$0x1040 ss:$0x41] =	vst.msk $0xffff, v53;
	s22 =	simm.s32 @p1 $0x0;
	s24 =	sand.u32 $0x30, s30;
	(pc) =	sbr.rel .LBB1_5-.Ltmp4, $4  }
0x79: {  	[tilespmem:s21+$0x1450 ss:$0x41] =	vst.msk $0xffff, v54;
	s31 =	sshll.u32 s10, $0x6;
	s24 =	sadd.s32 s3, s24;
	s22 =	smul.u32 s22, s23  }
0x7a: {  	[tilespmem:s21+$0x1860 ss:$0x41] =	vst.msk $0xffff, v55;
	s25 =	sand.u32 $0xF, s26;
	s28 =	sshll.u32 s27, $0x12;
	s23 =	sadd.s32 s31, s24  }
0x7b: {  	[tilespmem:s21+$0x1C70 ss:$0x41] =	vst.msk $0xffff, v56;
	s31 =	sor.u32 $0x40, s28;
	s30 =	sadd.s32 s25, s23;
	s29 =	sand.u32 $0x3FFFFFFF, s22  }
0x7c: {  	[hbm4b:s30+s31] =	stream.strided.scatter [tilespmem:s20], [sflag:$0x2], s29, s9, s31, $0x18;
	[tilespmem:$0x10200] =	vst v63  }
.LBB1_6:
0x7d: {  	_ =	sfence.sel $0x180000  }
0x7e: {  	s2 =	simm.s32 $0x1;
	[bflag:$0x0] =	sbarrier.arrive $0xFFFF  }
0x7f: {  	s31 =	simm.s32 $0x2;
	[sflag:s2] =	ssyncpa.u1 $0x1  }
0x80: {  	[sflag:s31] =	ssyncpa.u1 $0x1  }
0x81: {  	p0 =	sne.s32 s1, $0x0;
	_ =	strace $0x90000065  }
0x82: {  	s0 =	sadd.s32 @!p0 $0x100000, s0;
	[bflag:$0x2] =	sbarrier.arrive $0xFFFF  }
0x83: {  	[sflag:s0] =	ssyncadd.tile.s32 @!p0 $0x1;
	_ =	shalt  }
.Lfunc_end1:
_tile_overlayer_lowered:
.L_overlay_start_2:
0x84: {  	(tag) =	ssettag $0x2  }
0x85: {  	s0 =	rddreg [dreg:$0x0];
	s2 =	stileid.u32  }
0x86: {  	s1 =	rddreg [dreg:$0x1];
	p0 =	sne.s32 s2, $0x0  }
0x87: {  	s3 =	rddreg [dreg:$0x2];
	[bflag:$0x3] =	sbarrier.arrive $0xFFFF;
	s2 =	simm.s32 @!p0 $0x1C01  }
0x88: {  	[timem:s3], [sflag:s2] =	dma.local @!p0 [hbm:s0], s1  }
0x89: {  	s0 =	simm.s32 @!p0 $0x1  }
0x8a: {  	_ =	swait.ge @!p0 [sflag:s0], s1  }
0x8b: {  	s1 =	ssub.s32 @!p0 $0x0, s1;
	[sflag:s0] =	ssyncset.done @!p0 $0x0  }
0x8c: {  	[sflag:s0] =	ssyncadd.s32 @!p0 s1  }
0x8d: {  	[bflag:$0x3] =	sbarrier.arrive $0xFFFF  }
0x8e: {  	_ =	shalt  }

// kernel: sparse-core-data-format-call.2.cloned.1.call-start
scs
called_computation.5_lowered:
.L_overlay_start_0:
0x0: {  	s1 =	sld [smem:$0x3FD9]  }
0x1: {  	s2 =	sld [smem:$0x3FFE];
	_ =	sdelay $0x1  }
0x2: {  	s3 =	srdreg.scid  }
0x3: {  	s0 =	sand.u32 $0x1, s3  }
0x4: {  	s17 =	sshll.u32 s0, $0xA;
	s1 =	sadd.s32 s2, s1  }
0x5: {  	s1 =	sadd.s32 s1, s17  }
0x6: {  	[smem:$0x3F9C] =	sst s1  }
0x7: {  	_ = 	snop  }
0x8: {  	(tm) =	ssettm $0x1  }
0x9: {  	s18 =	sld [smem:$0x3FFB];
	_ =	sdelay $0x3  }
0xa: {  	_ =	strace s18  }
0xb: {  	s1 =	sld [smem:$0x3FFC];
	_ =	sdelay $0x3  }
0xc: {  	_ =	strace s1  }
0xd: {  	s1 =	sld [smem:$0x3FFD];
	_ =	sdelay $0x3  }
0xe: {  	_ =	strace s1  }
0xf: {  	_ =	strace $0x8FFFFFFF  }
0x10: {  	s19 =	sld [smem:$0x3FDB];
	_ =	sdelay $0x1  }
0x11: {  	s20 =	simm.s32 $_scs_section_size  }
0x12: {  	s4 =	simm.s32 $_size__tile_overlayer_lowered;
	s5 =	simm.s32 $_tile_overlayer_lowered  }
0x13: {  	s23 =	simm.s32 $0x1BFF;
	s22 =	sshll.u32 s5, $0x1;
	s1 =	sadd.s32 s20, s19  }
0x14: {  	s6 =	simm.s32 $0x0;
	s21 =	sshll.u32 s4, $0x1;
	s4 =	sadd.s32 s22, s1  }
0x15: {  	[timem:s6], [sflag:s23] =	dma.local [hbm:s4], s21  }
0x16: {  	_ =	swait.ge [sflag:s23], s21  }
0x17: {  	s2 =	ssub.s32 $0x0, s21;
	[sflag:s23] =	ssyncset.done $0x0  }
0x18: {  	[sflag:s23] =	ssyncadd.s32 s2;
	_ =	sdelay $0x1  }
0x19: {  	s24 =	simm.s32 $0x1B8B  }
0x1a: {  	_ =	swait.ge [sflag:s24], $0x1  }
0x1b: {  	[sflag:s24] =	ssyncset.done $0x0  }
0x1c: {  	s26 =	simm.s32 $0x1B8E;
	s25 =	sld [smem:$0x3FFE];
	[sflag:s24] =	ssyncadd.s32 $0xFFFFFFFF  }
0x1d: {  	s27 =	simm.s32 $execute0_lowered;
	[smem:$0x3FD2] =	sst s26  }
0x1e: {  	s4 =	sshll.u32 s27, $0x1;
	_ =	strace $0x80000061;
	[dreg:$0x1] =	wrdreg $0xFFFFFFFF  }
0x1f: {  	s28 =	simm.s32 $_size_execute0_lowered;
	s1 =	sadd.s32 s1, s4;
	[dreg:$0x0] =	wrdreg $0x0  }
0x20: {  	s4 =	sshll.u32 s28, $0x1;
	[dreg:$0x2] =	wrdreg s1  }
0x21: {  	[dreg:$0x3] =	wrdreg s4  }
0x22: {  	[dreg:$0x4] =	wrdreg $0xC0  }
0x23: {  	_ =	task [dreg:s6], $0x5FFFF  }
0x24: {  	[dreg:$0x1] =	wrdreg $0xFFFFFFFF  }
0x25: {  	[dreg:$0x0] =	wrdreg $0x60  }
0x26: {  	[dreg:$0x2] =	wrdreg s25  }
0x27: {  	[dreg:$0x3] =	wrdreg $0x9  }
0x28: {  	_ =	task.clear_ibuf [dreg:s6], $0x4FFFF;
	_ =	strace $0x90000061  }
0x29: {  	s29 =	simm.s32 $0x9;
	_ =	strace $0x80000063  }
0x2a: {  	_ =	swait.ge [sflag:s29], $0x1  }
0x2b: {  	[sflag:s29] =	ssyncadd.s32 $0xFFFFFFFF  }
0x2c: {  	_ =	strace $0x90000063  }
0x2d: {  	_ =	sfence  }
0x2e: {  	s30 =	sld [smem:$0x0];
	_ =	sdelay $0x2  }
0x2f: {  	s31 =	sshll.u32 s3, $0xD;
	s3 =	sshrl.u32 s3, $0x2  }
0x30: {  	s2 =	sand.u32 $0x4000, s31;
	s1 =	sadd.s32 s3, s30  }
0x31: {  	s0 =	sor.u32 s2, s0;
	s1 =	sshll.u32 s1, $0x11  }
0x32: {  	s0 =	sor.u32 s1, s0  }
0x33: {  	s0 =	sadd.s32 $0x8F2B, s0  }
0x34: {  	[sflag:s0] =	ssyncadd.remote.s32 $0x1  }
0x35: {  	_ =	sfence.sel $0xFFFF  }
0x36: {  	[dreg:$0x0] =	wrdreg $0xFFFFFFFF;
	(pc) =	sbr.abs _section_cstart, $3  }
0x37: {  	[dreg:$0x1] =	wrdreg $0xFFFFFFFF  }
0x38: {  	_ =	task.clear_ibuf [dreg:s6], $0x2FFFF;
	_ =	strace $0x9FFFFFFF  }
0x39: {  	(tm) =	ssettm $0x7FFFFFFF  }
tec
execute0_lowered:
.L_overlay_start_1:
0x0: {  	(tag) =	ssettag $0x1  }
0x1: {  	s0 =	srdreg.scid;
	s7 =	rddreg [dreg:$0x0]  }
0x2: {  	s1 =	stileid.u32;
	s31 =	simm.s32 $0x2;
	s14 =	simm.s32 $0x0  }
0x3: {  	p0 =	por $0x0, $0x0;
	s10 =	simm.s32 $0x125000;
	s2 =	sshll.u32 s0, $0x7  }
0x4: {  	s13 =	simm.s32 $0x0;
	s3 =	sshll.u32 s1, $0x7;
	s2 =	sand.u32 $0x80, s2  }
0x5: {  	s12 =	simm.s32 $0x0;
	s6 =	ssub.s32 $0x24980, s3;
	s5 =	ssub.s32 $0x100, s2  }
0x6: {  	s0 =	rddreg [dreg:$0x1];
	s6 =	sshrl.u32 s6, $0xB;
	s8 =	sshrl.u32 s5, $0x7  }
.Ltmp0:
0x7: {  	s9 =	sshrl.u32 s5, $0x8;
	s8 =	sand.u32 $0x1, s8;
	(pc) =	sbr.rel .LBB1_1-.Ltmp0, $4  }
0x8: {  	_ =	strace $0x80000062;
	s6 =	sadd.s32 $0x1, s6;
	s8 =	sadd.s32 s9, s8  }
0x9: {  	s4 =	sadd.s32 $0xABE600, s7;
	s5 =	simm.s32 $0x1;
	s6 =	smul.u32 s6, s8  }
0xa: {  	s7 =	sadd.s32 $0xF52400, s7;
	s11 =	smov.u32 s3;
	[sflag:s5] =	ssyncpa.u1 $0x0  }
0xb: {  	[sflag:s31] =	ssyncpa.u1 $0x0;
	s8 =	sshll.u32 s2, $0x3;
	s9 =	sadd.s32 $0x1, s6  }
.LBB1_4:
0xc: {  	s14 =	sshrl.u32 s14, $0x3  }
0xd: {  	s20 =	sshll.u32 s13, $0x3;
	s14 =	smul.u32 $0x125000, s14  }
0xe: {  	v5 =	vld [tilespmem:s18+$0xFFFFFFD0];
	[tilespmem:s17+$0x2040 ss:$0x81] =	vst.msk $0xffff, v4;
	s20 =	sand.u32 $0xFFFFFC00, s20  }
0xf: {  	v58 =	vld [tilespmem:s18+$0xFFFFFFE0];
	[tilespmem:s17+$0x2850 ss:$0x81] =	vst.msk $0xffff, v3;
	s30 =	sand.u32 $0x7F, s13;
	s14 =	sadd.s32 s20, s14  }
0x10: {  	s19 =	sshra.s32 s19, $0x2;
	v59 =	vld [tilespmem:s18+$0xFFFFFFF0];
	[tilespmem:s17+$0x3060 ss:$0x81] =	vst.msk $0xffff, v2;
	s13 =	sor.u32 s30, s14  }
0x11: {  	v60 =	vld [tilespmem:s18+$0x0];
	[tilespmem:s17+$0x0 ss:$0x81] =	vst.msk $0xffff, v0;
	s16 =	sadd.s32 s19, s16;
	s31 =	smulhi.u32 $0xDFAC1F75, s13  }
0x12: {  	v61 =	vld [tilespmem:s18+$0x10];
	[tilespmem:s16+$0x3870 ss:$0x81] =	vst.msk $0xffff, v1  }
0x13: {  	v62 =	vld [tilespmem:s18+$0x20];
	s14 =	smulhi.u32 $0xDFAC1F75, s14;
	[tilespmem:s16+$0x810 ss:$0x81] =	vst.msk $0xffff, v5;
	s17 =	sshrl.u32 s31, $0x11  }
0x14: {  	v63 =	vld [tilespmem:s18+$0xFFFFFFC0];
	[tilespmem:s16+$0x1020 ss:$0x81] =	vst.msk $0xffff, v58;
	s17 =	smul.u32 $0x24A00, s17  }
0x15: {  	[tilespmem:s16+$0x1830 ss:$0x81] =	vst.msk $0xffff, v59;
	s14 =	sshrl.u32 s14, $0x11  }
0x16: {  	[tilespmem:s16+$0x2040 ss:$0x81] =	vst.msk $0xffff, v60;
	s14 =	sand.u32 $0xFF, s14;
	s13 =	ssub.s32 s13, s17  }
0x17: {  	[tilespmem:s16+$0x2850 ss:$0x81] =	vst.msk $0xffff, v61;
	s14 =	smul.u32 $0x4940, s14;
	s17 =	sshrl.u32 s13, $0x3;
	s13 =	sand.u32 $0x7, s13  }
0x18: {  	[tilespmem:s16+$0x3060 ss:$0x81] =	vst.msk $0xffff, v62;
	s17 =	sadd.s32 s7, s17;
	s13 =	sshll.u32 s13, $0x12  }
0x19: {  	[tilespmem:s16+$0x0 ss:$0x81] =	vst.msk $0xffff, v63;
	s14 =	sadd.s32 s14, s17;
	s13 =	sor.u32 $0x400, s13  }
0x1a: {  	[hbm4b:s14+s13] =	stream.strided.scatter [tilespmem:s15], [sflag:$0x2], $0x4000, s10, s13, $0x20;
	[tilespmem:$0x10100] =	vst v63  }
.LBB1_5:
0x1b: {  	s15 =	sadd.s32 $0x800, s11  }
0x1c: {  	p2 =	sgt.s32 s15, $0x249EF  }
0x1d: {  	s15 =	smov.u32 @p2 s3;
	p2 =	sne.s32 s12, s9  }
.Ltmp1:
0x1e: {  	p1 =	slt.u32 s12, $0x2;
	(pc) =	sbr.rel @!p2 .LBB1_6-.Ltmp1, $4  }
0x1f: {  	s14 =	simm.s32 @!p1 $0x2  }
0x20: {  	s16 =	sadd.s32 $0x1, s12;
	s13 =	smov.u32 s11;
	_ =	swait.ge @!p1 [sflag:s14], $0x4000  }
0x21: {  	p0 =	por !p0, !p0;
	s12 =	smov.u32 s16;
	[sflag:s14] =	ssyncset.done @!p1 $0x0  }
0x22: {  	s11 =	smov.u32 s15;
	[sflag:s14] =	ssyncadd.s32 @!p1 $0xFFFFC000;
	s14 =	smov.u32 s2  }
.LBB1_1:
0x23: {  	p1 =	sge.u32 s12, s6  }
0x24: {  	s15 =	sshll.u32 @!p1 s11, $0x8  }
0x25: {  	s16 =	sshll.u32 @!p1 s11, $0x7;
	s15 =	sand.u32 @!p1 $0xFFFFF800, s15  }
0x26: {  	s16 =	sand.u32 @!p1 $0x300, s16;
	s15 =	sor.u32 @!p1 s8, s15  }
0x27: {  	s15 =	sor.u32 @!p1 s16, s15  }
0x28: {  	s17 =	smov.u32 s11;
	p2 =	sgt.s32 @!p1 s11, $0x24970;
	s15 =	sshrl.u32 @!p1 s15, $0x8  }
0x29: {  	s18 =	sshra.s32 @!p1 s11, $0x1F;
	p2 =	por !p2, p1;
	s16 =	smulhi.u32 @!p1 $0x1BF6477, s15  }
0x2a: {  	s31 =	sadd.s32 $0xFFFFFFFF, s12;
	s18 =	sand.u32 @!p1 s18, s11;
	s17 =	simm.s32 @p2 $0x24970  }
0x2b: {  	s19 =	sxor.u32 @!p1 $0xFFFFFFFF, s12;
	s17 =	ssub.s32 @!p1 s17, s18;
	s16 =	sshrl.u32 @!p1 s16, $0xA  }
0x2c: {  	s18 =	sshll.u32 @!p1 s19, $0xE;
	s17 =	sadd.s32 @!p1 $0xFFFDB690, s17;
	s16 =	smul.u32 @!p1 $0x249F0, s16  }
0x2d: {  	s19 =	simm.s32 @!p1 $0x800;
	s18 =	sand.u32 @!p1 $0x4000, s18;
	p2 =	sgt.s32 @!p1 s17, $0x7F  }
0x2e: {  	s15 =	ssub.s32 @!p1 s15, s16;
	s16 =	sshll.u32 @!p1 s17, $0x7;
	s17 =	sshll.u32 @!p1 s11, $0x4  }
0x2f: {  	p2 =	por !p2, p1;
	s16 =	ssub.s32 @!p1 $0x4000, s16;
	s17 =	sand.u32 @!p1 $0x10, s17  }
0x30: {  	s15 =	sshll.u32 @!p1 s15, $0x5;
	s16 =	sand.u32 @!p1 $0x3FFFFF80, s16;
	s17 =	sadd.s32 @!p1 s4, s17  }
0x31: {  	s16 =	simm.s32 @!p2 $0x0;
	s15 =	sadd.s32 @!p1 s15, s17;
	s17 =	simm.s32 @!p1 $0x400  }
0x32: {  	[tilespmem:s18], [sflag:$0x1] =	stream.strided.gather @!p1 [hbm4b:s15+s17], s16, s19, s17, $0x38;
	[tilespmem:$0x10100] =	vst v63  }
0x33: {  	p1 =	sge.u32 s31, s6  }
.Ltmp2:
0x34: {  	_ = 	snop;
	(pc) =	sbr.rel @p1 .LBB1_5-.Ltmp2, $1  }
0x35: {  	_ =	sdelay $0x3  }
0x36: {  	p1 =	sgt.s32 s13, $0x24970;
	s15 =	smov.u32 s13;
	s16 =	sshra.s32 s13, $0x1F  }
0x37: {  	s15 =	simm.s32 @!p1 $0x24970;
	s16 =	sand.u32 s16, s13  }
0x38: {  	s15 =	ssub.s32 s15, s16  }
0x39: {  	s15 =	sadd.s32 $0xFFFDB690, s15  }
0x3a: {  	s29 =	sshll.u32 s15, $0x7  }
0x3b: {  	s16 =	ssub.s32 $0x4000, s29  }
0x3c: {  	p1 =	sgt.s32 s15, $0x7F;
	s15 =	sand.u32 $0x3FFFFF80, s16  }
0x3d: {  	s16 =	simm.s32 $0x1;
	s15 =	simm.s32 @p1 $0x0  }
0x3e: {  	s16 =	simm.s32 @!p0 $0x0;
	_ =	swait.ge [sflag:s5], s15  }
0x3f: {  	s17 =	sshll.u32 s16, $0xE;
	s15 =	ssub.s32 $0x0, s15;
	[sflag:s5] =	ssyncset.done $0x0  }
0x40: {  	s18 =	sor.u32 $0x40, s17;
	[sflag:s5] =	ssyncadd.s32 s15  }
0x41: {  	s30 =	smul.u32 $0x10200, s16;
	v0 =	vld [tilespmem:s18+$0x30]  }
0x42: {  	v1 =	vld [tilespmem:s18+$0xFFFFFFD0]  }
0x43: {  	s15 =	sshrl.u32 s30, $0x2;
	v5 =	vld [tilespmem:s18+$0xFFFFFFE0]  }
0x44: {  	s16 =	sor.u32 $0x8000, s15;
	v6 =	vld [tilespmem:s18+$0xFFFFFFF0]  }
0x45: {  	s31 =	sand.u32 $0x1, s12;
	v4 =	vld [tilespmem:s18+$0x0];
	s17 =	sadd.s32 $0x0, s16  }
0x46: {  	s15 =	smul.u32 $0x10200, s31;
	v3 =	vld [tilespmem:s18+$0x10];
	[tilespmem:s17+$0x3870 ss:$0x81] =	vst.msk $0xffff, v0  }
0x47: {  	v2 =	vld [tilespmem:s18+$0x20];
	[tilespmem:s17+$0x810 ss:$0x81] =	vst.msk $0xffff, v1  }
0x48: {  	s15 =	sshrl.u32 s15, $0x2;
	v0 =	vld [tilespmem:s18+$0xFFFFFFC0];
	[tilespmem:s17+$0x1020 ss:$0x81] =	vst.msk $0xffff, v5;
	s18 =	sadd.s32 $0x80, s18  }
0x49: {  	s19 =	simm.s32 $0x4;
	s20 =	simm.s32 $0x8;
	s15 =	sor.u32 $0x8000, s15;
	[tilespmem:s17+$0x1830 ss:$0x81] =	vst.msk $0xffff, v6;
	v1 =	vld [tilespmem:s18+$0x30]  }
.LBB1_3:
0x4a: {  	p1 =	sne.s32 s20, $0x1FC;
	v5 =	vld [tilespmem:s18+$0xFFFFFFD0];
	[tilespmem:s17+$0x2040 ss:$0x81] =	vst.msk $0xffff, v4  }
0x4b: {  	v6 =	vld [tilespmem:s18+$0xFFFFFFE0];
	[tilespmem:s17+$0x2850 ss:$0x81] =	vst.msk $0xffff, v3  }
0x4c: {  	s21 =	sshra.s32 s19, $0x2;
	s19 =	smov.u32 s20;
	v7 =	vld [tilespmem:s18+$0xFFFFFFF0];
	[tilespmem:s17+$0x3060 ss:$0x81] =	vst.msk $0xffff, v2  }
.Ltmp3:
0x4d: {  	v4 =	vld [tilespmem:s18+$0x0];
	[tilespmem:s17+$0x0 ss:$0x81] =	vst.msk $0xffff, v0;
	s17 =	sadd.s32 s21, s16;
	(pc) =	sbr.rel @p1 .LBB1_3-.Ltmp3, $4  }
0x4e: {  	v3 =	vld [tilespmem:s18+$0x10];
	[tilespmem:s17+$0x3870 ss:$0x81] =	vst.msk $0xffff, v1  }
0x4f: {  	[tilespmem:s17+$0x810 ss:$0x81] =	vst.msk $0xffff, v5;
	v2 =	vld [tilespmem:s18+$0x20]  }
0x50: {  	v0 =	vld [tilespmem:s18+$0xFFFFFFC0];
	[tilespmem:s17+$0x1020 ss:$0x81] =	vst.msk $0xffff, v6;
	s18 =	sadd.s32 $0x80, s18  }
0x51: {  	s20 =	sadd.s32 $0x4, s20;
	v1 =	vld [tilespmem:s18+$0x30];
	[tilespmem:s17+$0x1830 ss:$0x81] =	vst.msk $0xffff, v7  }
.Ltmp4:
0x52: {  	_ = 	snop;
	(pc) =	sbr.rel .LBB1_4-.Ltmp4, $1  }
0x53: {  	_ =	sdelay $0x3  }
.LBB1_6:
0x54: {  	_ =	sfence.sel $0x180000  }
0x55: {  	s2 =	simm.s32 $0x1;
	[bflag:$0x0] =	sbarrier.arrive $0xFFFF  }
0x56: {  	s31 =	simm.s32 $0x2;
	[sflag:s2] =	ssyncpa.u1 $0x1  }
0x57: {  	[sflag:s31] =	ssyncpa.u1 $0x1  }
0x58: {  	p0 =	sne.s32 s1, $0x0;
	_ =	strace $0x90000062  }
0x59: {  	s0 =	sadd.s32 @!p0 $0x100000, s0;
	[bflag:$0x2] =	sbarrier.arrive $0xFFFF  }
0x5a: {  	[sflag:s0] =	ssyncadd.tile.s32 @!p0 $0x1;
	_ =	shalt  }
.Lfunc_end1:
_tile_overlayer_lowered:
.L_overlay_start_2:
0x5b: {  	(tag) =	ssettag $0x2  }
0x5c: {  	s0 =	rddreg [dreg:$0x0];
	s2 =	stileid.u32  }
0x5d: {  	s1 =	rddreg [dreg:$0x1];
	p0 =	sne.s32 s2, $0x0  }
0x5e: {  	s3 =	rddreg [dreg:$0x2];
	[bflag:$0x3] =	sbarrier.arrive $0xFFFF;
	s2 =	simm.s32 @!p0 $0x1C01  }
0x5f: {  	[timem:s3], [sflag:s2] =	dma.local @!p0 [hbm:s0], s1  }
0x60: {  	s0 =	simm.s32 @!p0 $0x1  }
0x61: {  	_ =	swait.ge @!p0 [sflag:s0], s1  }
0x62: {  	s1 =	ssub.s32 @!p0 $0x0, s1;
	[sflag:s0] =	ssyncset.done @!p0 $0x0  }
0x63: {  	[sflag:s0] =	ssyncadd.s32 @!p0 s1  }
0x64: {  	[bflag:$0x3] =	sbarrier.arrive $0xFFFF  }
0x65: {  	_ =	shalt  }

// kernel: sparse-core-data-format-call.3.cloned.1.call-start
scs
called_computation.6_lowered:
.L_overlay_start_0:
0x0: {  	s2 =	sld [smem:$0x3FD9]  }
0x1: {  	s3 =	sld [smem:$0x3FFE];
	_ =	sdelay $0x1  }
0x2: {  	s1 =	srdreg.scid  }
0x3: {  	s0 =	sand.u32 $0x1, s1  }
0x4: {  	s18 =	sshll.u32 s0, $0xA;
	s2 =	sadd.s32 s3, s2  }
0x5: {  	s2 =	sadd.s32 s2, s18  }
0x6: {  	[smem:$0x3F9C] =	sst s2  }
0x7: {  	_ = 	snop  }
0x8: {  	(tm) =	ssettm $0x1  }
0x9: {  	s19 =	sld [smem:$0x3FFB];
	_ =	sdelay $0x3  }
0xa: {  	_ =	strace s19  }
0xb: {  	s2 =	sld [smem:$0x3FFC];
	_ =	sdelay $0x3  }
0xc: {  	_ =	strace s2  }
0xd: {  	s2 =	sld [smem:$0x3FFD];
	_ =	sdelay $0x3  }
0xe: {  	_ =	strace s2  }
0xf: {  	_ =	strace $0x8FFFFFFF  }
0x10: {  	s20 =	sld [smem:$0x3FDB];
	_ =	sdelay $0x1  }
0x11: {  	s21 =	simm.s32 $_scs_section_size  }
0x12: {  	s4 =	simm.s32 $_size__tile_overlayer_lowered;
	s5 =	simm.s32 $_tile_overlayer_lowered  }
0x13: {  	s6 =	simm.s32 $0x1BFF;
	s22 =	sshll.u32 s5, $0x1;
	s3 =	sadd.s32 s21, s20  }
0x14: {  	s23 =	simm.s32 $0x0;
	s4 =	sshll.u32 s4, $0x1;
	s5 =	sadd.s32 s22, s3  }
0x15: {  	[timem:s23], [sflag:s6] =	dma.local [hbm:s5], s4  }
0x16: {  	_ =	swait.ge [sflag:s6], s4  }
0x17: {  	s4 =	ssub.s32 $0x0, s4;
	[sflag:s6] =	ssyncset.done $0x0  }
0x18: {  	[sflag:s6] =	ssyncadd.s32 s4;
	_ =	sdelay $0x1  }
0x19: {  	s24 =	simm.s32 $0x1B8B  }
0x1a: {  	_ =	swait.ge [sflag:s24], $0x1  }
0x1b: {  	[sflag:s24] =	ssyncset.done $0x0  }
0x1c: {  	[sflag:s24] =	ssyncadd.s32 $0xFFFFFFFF  }
0x1d: {  	s4 =	sld [smem:$0x0]  }
0x1e: {  	s5 =	sand.u32 $0xFFFFFFFE, s1  }
0x1f: {  	p0 =	sne.s32 s1, s5  }
0x20: {  	s5 =	sshll.u32 @p0 s5, $0xE  }
0x21: {  	s5 =	sadd.s32 @p0 $0x11B8D, s5;
	s6 =	sshll.u32 @p0 s4, $0x11  }
0x22: {  	s5 =	sor.u32 @p0 s6, s5  }
0x23: {  	[sflag:s5] =	ssyncadd.remote.s32 @p0 $0x1;
	_ =	sdelay $0x1  }
0x24: {  	s5 =	simm.s32 @p0 $0x1B8D  }
0x25: {  	_ =	swait.eq @p0 [sflag:s5], $0x1  }
0x26: {  	[sflag:s5] =	ssyncadd.s32 @p0 $0xFFFFFFFF  }
0x27: {  	s6 =	sshll.u32 @!p0 s1, $0xE  }
0x28: {  	s6 =	sor.u32 @!p0 $0x4000, s6;
	s5 =	simm.s32 @!p0 $0x1B8D  }
0x29: {  	s4 =	sshll.u32 @!p0 s4, $0x11;
	s6 =	sadd.s32 @!p0 $0x11B8D, s6;
	_ =	swait.eq @!p0 [sflag:s5], $0x1  }
0x2a: {  	s4 =	sor.u32 @!p0 s4, s6;
	[sflag:s5] =	ssyncadd.s32 @!p0 $0xFFFFFFFF  }
0x2b: {  	s26 =	simm.s32 $0x1B8E;
	s25 =	sld [smem:$0x3FFE];
	[sflag:s4] =	ssyncadd.remote.s32 @!p0 $0x1  }
0x2c: {  	s27 =	simm.s32 $execute0_lowered;
	[smem:$0x3FD2] =	sst s26  }
0x2d: {  	s5 =	sshll.u32 s27, $0x1;
	_ =	strace $0x80000052;
	[dreg:$0x1] =	wrdreg $0xFFFFFFFF  }
0x2e: {  	s28 =	simm.s32 $_size_execute0_lowered;
	s3 =	sadd.s32 s3, s5;
	[dreg:$0x0] =	wrdreg $0x0  }
0x2f: {  	s5 =	sshll.u32 s28, $0x1;
	[dreg:$0x2] =	wrdreg s3  }
0x30: {  	[dreg:$0x3] =	wrdreg s5  }
0x31: {  	[dreg:$0x4] =	wrdreg $0xC0  }
0x32: {  	_ =	task [dreg:s23], $0x5FFFF  }
0x33: {  	[dreg:$0x1] =	wrdreg $0xFFFFFFFF  }
0x34: {  	[dreg:$0x0] =	wrdreg $0x60  }
0x35: {  	[dreg:$0x2] =	wrdreg s25  }
0x36: {  	[dreg:$0x3] =	wrdreg $0xB  }
0x37: {  	_ =	task.clear_ibuf [dreg:s23], $0x4FFFF;
	_ =	strace $0x90000052  }
0x38: {  	s29 =	simm.s32 $0xB;
	_ =	strace $0x80000054  }
0x39: {  	_ =	swait.ge [sflag:s29], $0x1  }
0x3a: {  	[sflag:s29] =	ssyncadd.s32 $0xFFFFFFFF  }
0x3b: {  	_ =	strace $0x90000054  }
0x3c: {  	_ =	sfence  }
0x3d: {  	s30 =	sld [smem:$0x0];
	_ =	sdelay $0x2  }
0x3e: {  	s31 =	sshll.u32 s1, $0xD;
	s1 =	sshrl.u32 s1, $0x2  }
0x3f: {  	s4 =	sand.u32 $0x4000, s31;
	s1 =	sadd.s32 s1, s30  }
0x40: {  	s0 =	sor.u32 s4, s0;
	s1 =	sshll.u32 s1, $0x11  }
0x41: {  	s0 =	sor.u32 s1, s0  }
0x42: {  	s0 =	sadd.s32 $0x8F2B, s0  }
0x43: {  	[sflag:s0] =	ssyncadd.remote.s32 $0x1  }
0x44: {  	_ =	sfence.sel $0xFFFF  }
0x45: {  	[dreg:$0x0] =	wrdreg $0xFFFFFFFF;
	(pc) =	sbr.abs _section_cstart, $3  }
0x46: {  	[dreg:$0x1] =	wrdreg $0xFFFFFFFF  }
0x47: {  	_ =	task.clear_ibuf [dreg:s23], $0x2FFFF;
	_ =	strace $0x9FFFFFFF  }
0x48: {  	(tm) =	ssettm $0x7FFFFFFF  }
0x49: {  	_ =	shalt  }
tec
execute0_lowered:
.L_overlay_start_1:
0x0: {  	(tag) =	ssettag $0x1  }
0x1: {  	s0 =	srdreg.scid;
	s3 =	rddreg [dreg:$0x0]  }
0x2: {  	s5 =	simm.s32 $0x1;
	s6 =	simm.s32 $0x2;
	s1 =	sshll.u32 s0, $0x4  }
0x3: {  	s12 =	simm.s32 $0x0;
	s0 =	stileid.u32;
	s1 =	sand.u32 $0x10, s1  }
0x4: {  	p0 =	por $0x0, $0x0;
	s9 =	simm.s32 $0x61C00;
	s1 =	sor.u32 s0, s1  }
0x5: {  	s13 =	simm.s32 $0x0;
	s31 =	sshll.u32 s0, $0x7;
	s2 =	sshrl.u32 s1, $0x3  }
.Ltmp0:
0x6: {  	s1 =	rddreg [dreg:$0x1];
	s4 =	sshll.u32 s2, $0x4;
	(pc) =	sbr.rel .LBB1_1-.Ltmp0, $4  }
0x7: {  	_ =	strace $0x80000053;
	s7 =	sadd.s32 s4, s3;
	s4 =	sand.u32 $0x380, s31  }
0x8: {  	s11 =	simm.s32 $0x0;
	[sflag:s5] =	ssyncpa.u1 $0x0;
	s8 =	ssub.s32 $0xC300, s4  }
0x9: {  	s3 =	sadd.s32 $0x4A3C00, s3;
	[sflag:s6] =	ssyncpa.u1 $0x0;
	s6 =	sshrl.u32 s8, $0xA  }
0xa: {  	s7 =	sadd.s32 $0x14A9A00, s7;
	s10 =	smov.u32 s4;
	s8 =	sadd.s32 $0x2, s6  }
.LBB1_5:
0xb: {  	s14 =	sadd.s32 $0x400, s10  }
0xc: {  	p2 =	sgt.s32 s14, $0xC34F  }
0xd: {  	s14 =	smov.u32 @p2 s4;
	p2 =	sne.s32 s11, s8  }
.Ltmp1:
0xe: {  	p1 =	slt.u32 s11, $0x2;
	(pc) =	sbr.rel @!p2 .LBB1_6-.Ltmp1, $4  }
0xf: {  	s12 =	simm.s32 @!p1 $0x2  }
0x10: {  	s15 =	sadd.s32 $0x1, s11;
	s13 =	smov.u32 s10;
	_ =	swait.ge @!p1 [sflag:s12], $0x2000  }
0x11: {  	p0 =	por !p0, !p0;
	s11 =	smov.u32 s15;
	[sflag:s12] =	ssyncset.done @!p1 $0x0  }
0x12: {  	s10 =	smov.u32 s14;
	[sflag:s12] =	ssyncadd.s32 @!p1 $0xFFFFE000;
	s12 =	smov.u32 s2  }
.LBB1_1:
0x13: {  	p1 =	sgt.u32 s11, s6  }
0x14: {  	p2 =	sgt.s32 @!p1 s10, $0xC2D0  }
0x15: {  	s14 =	smov.u32 s10;
	s15 =	sshra.s32 @!p1 s10, $0x1F;
	p2 =	por !p2, p1  }
0x16: {  	s15 =	sand.u32 @!p1 s15, s10;
	s14 =	simm.s32 @p2 $0xC2D0  }
0x17: {  	s14 =	ssub.s32 @!p1 s14, s15  }
0x18: {  	s16 =	sxor.u32 @!p1 $0xFFFFFFFF, s11;
	s14 =	sadd.s32 @!p1 $0xFFFF3D30, s14  }
0x19: {  	s17 =	simm.s32 @!p1 $0x40;
	s18 =	simm.s32 @!p1 $0x200;
	s15 =	sshll.u32 @!p1 s14, $0x6  }
0x1a: {  	p2 =	sgt.s32 @!p1 s14, $0x7F;
	s14 =	ssub.s32 @!p1 $0x2000, s15;
	s15 =	sshll.u32 @!p1 s16, $0xD  }
0x1b: {  	p2 =	por !p2, p1;
	s16 =	sshll.u32 @!p1 s10, $0x6;
	s14 =	sand.u32 @!p1 $0x3FFFFFC0, s14  }
0x1c: {  	s15 =	sand.u32 @!p1 $0x2000, s15;
	s16 =	sadd.s32 @!p1 s16, s7;
	s14 =	simm.s32 @!p2 $0x0  }
0x1d: {  	[tilespmem:s15], [sflag:$0x1] =	stream.strided.gather @!p1 [hbm4b:s16+s17], s14, s18, s17, $0x38;
	[tilespmem:$0x8080] =	vst v63  }
0x1e: {  	p1 =	seq.s32 s11, $0x0  }
0x1f: {  	p2 =	sge.u32 @!p1 s11, s8  }
0x20: {  	p1 =	por p1, p2  }
.Ltmp2:
0x21: {  	_ = 	snop;
	(pc) =	sbr.rel @p1 .LBB1_5-.Ltmp2, $1  }
0x22: {  	_ =	sdelay $0x3  }
0x23: {  	p1 =	sgt.s32 s13, $0xC2D0;
	s14 =	smov.u32 s13;
	s15 =	sshra.s32 s13, $0x1F  }
0x24: {  	s14 =	simm.s32 @!p1 $0xC2D0;
	s15 =	sand.u32 s15, s13  }
0x25: {  	s14 =	ssub.s32 s14, s15  }
0x26: {  	s14 =	sadd.s32 $0xFFFF3D30, s14  }
0x27: {  	s28 =	sshll.u32 s14, $0x6  }
0x28: {  	s15 =	ssub.s32 $0x2000, s28  }
0x29: {  	p1 =	sgt.s32 s14, $0x7F;
	s14 =	sand.u32 $0x3FFFFFC0, s15  }
0x2a: {  	s15 =	simm.s32 $0x1;
	s14 =	simm.s32 @p1 $0x0  }
0x2b: {  	s15 =	simm.s32 @!p0 $0x0;
	_ =	swait.ge [sflag:s5], s14  }
0x2c: {  	s16 =	sshll.u32 s15, $0xD;
	s14 =	ssub.s32 $0x0, s14;
	[sflag:s5] =	ssyncset.done $0x0  }
0x2d: {  	s18 =	sor.u32 $0x20, s16;
	[sflag:s5] =	ssyncadd.s32 s14  }
0x2e: {  	s29 =	smul.u32 $0x8100, s15;
	v3 =	vld [tilespmem:s18+$0x10]  }
0x2f: {  	s30 =	sand.u32 $0x1, s11;
	v2 =	vld [tilespmem:s18+$0xFFFFFFF0]  }
0x30: {  	s15 =	smul.u32 $0x8100, s30;
	s14 =	sshrl.u32 s29, $0x2;
	v0 =	vld [tilespmem:s18+$0x0]  }
0x31: {  	s16 =	sor.u32 $0x4000, s14;
	v1 =	vld [tilespmem:s18+$0xFFFFFFE0]  }
0x32: {  	s31 =	sshrl.u32 s15, $0x2;
	s15 =	sadd.s32 $0x0, s16  }
0x33: {  	s17 =	simm.s32 $0x4;
	s14 =	sor.u32 $0x4000, s31;
	s18 =	sadd.s32 $0x40, s18;
	[tilespmem:s15+$0x1830 ss:$0x81] =	vst.msk $0xffff, v3  }
.LBB1_3:
0x34: {  	v3 =	vld [tilespmem:s18+$0x10];
	p1 =	sne.s32 s17, $0x1FC;
	[tilespmem:s15+$0x810 ss:$0x81] =	vst.msk $0xffff, v2;
	s19 =	smov.u32 s17;
	s17 =	sadd.s32 $0x4, s17  }
.Ltmp3:
0x35: {  	v2 =	vld [tilespmem:s18+$0xFFFFFFF0];
	[tilespmem:s15+$0x1020 ss:$0x81] =	vst.msk $0xffff, v0;
	(pc) =	sbr.rel @p1 .LBB1_3-.Ltmp3, $4  }
0x36: {  	v0 =	vld [tilespmem:s18+$0x0];
	[tilespmem:s15+$0x0 ss:$0x81] =	vst.msk $0xffff, v1  }
0x37: {  	s15 =	sshra.s32 s19, $0x2;
	v1 =	vld [tilespmem:s18+$0xFFFFFFE0]  }
0x38: {  	s15 =	sadd.s32 s15, s16  }
0x39: {  	s18 =	sadd.s32 $0x40, s18;
	[tilespmem:s15+$0x1830 ss:$0x81] =	vst.msk $0xffff, v3  }
0x3a: {  	s16 =	sshll.u32 s13, $0x3  }
0x3b: {  	s29 =	sand.u32 $0x7F, s13;
	s16 =	sand.u32 $0xFFFFFC00, s16  }
0x3c: {  	s13 =	sor.u32 s29, s16;
	s16 =	smulhi.u32 $0xA79C7B17, s16  }
0x3d: {  	s17 =	smulhi.u32 $0xA79C7B17, s13;
	_ =	sdelay $0x1  }
0x3e: {  	s12 =	smul.u32 $0x61C00, s12;
	s16 =	sshrl.u32 s16, $0xF;
	s17 =	sshrl.u32 s17, $0xF  }
0x3f: {  	s16 =	sand.u32 $0x3F, s16;
	s17 =	smul.u32 $0xC380, s17  }
0x40: {  	s16 =	smul.u32 $0x1870, s16  }
.Ltmp4:
0x41: {  	s13 =	ssub.s32 s13, s17;
	(pc) =	sbr.rel .LBB1_5-.Ltmp4, $4  }
0x42: {  	[tilespmem:s15+$0x810 ss:$0x81] =	vst.msk $0xffff, v2;
	s12 =	sadd.s32 s3, s12;
	s17 =	sand.u32 $0x7, s13  }
0x43: {  	[tilespmem:s15+$0x1020 ss:$0x81] =	vst.msk $0xffff, v0;
	s12 =	sadd.s32 s16, s12;
	s13 =	sshrl.u32 s13, $0x3;
	s30 =	sshll.u32 s17, $0x12  }
0x44: {  	[tilespmem:s15+$0x0 ss:$0x81] =	vst.msk $0xffff, v1;
	s12 =	sadd.s32 s13, s12;
	s31 =	sor.u32 $0x400, s30  }
0x45: {  	[hbm4b:s12+s31] =	stream.strided.scatter [tilespmem:s14], [sflag:$0x2], $0x2000, s9, s31, $0x20;
	[tilespmem:$0x8080] =	vst v63  }
.LBB1_6:
0x46: {  	_ =	sfence.sel $0x180000  }
0x47: {  	s2 =	simm.s32 $0x1;
	[bflag:$0x0] =	sbarrier.arrive $0xFFFF  }
0x48: {  	s31 =	simm.s32 $0x2;
	[sflag:s2] =	ssyncpa.u1 $0x1  }
0x49: {  	[sflag:s31] =	ssyncpa.u1 $0x1  }
0x4a: {  	p0 =	sne.s32 s0, $0x0;
	_ =	strace $0x90000053  }
0x4b: {  	s0 =	sadd.s32 @!p0 $0x100000, s1;
	[bflag:$0x2] =	sbarrier.arrive $0xFFFF  }
0x4c: {  	[sflag:s0] =	ssyncadd.tile.s32 @!p0 $0x1;
	_ =	shalt  }
.Lfunc_end1:
_tile_overlayer_lowered:
.L_overlay_start_2:
0x4d: {  	(tag) =	ssettag $0x2  }
0x4e: {  	s0 =	rddreg [dreg:$0x0];
	s2 =	stileid.u32  }
0x4f: {  	s1 =	rddreg [dreg:$0x1];
	p0 =	sne.s32 s2, $0x0  }
0x50: {  	s3 =	rddreg [dreg:$0x2];
	[bflag:$0x3] =	sbarrier.arrive $0xFFFF;
	s2 =	simm.s32 @!p0 $0x1C01  }
0x51: {  	[timem:s3], [sflag:s2] =	dma.local @!p0 [hbm:s0], s1  }
0x52: {  	s0 =	simm.s32 @!p0 $0x1  }
0x53: {  	_ =	swait.ge @!p0 [sflag:s0], s1  }
0x54: {  	s1 =	ssub.s32 @!p0 $0x0, s1;
	[sflag:s0] =	ssyncset.done @!p0 $0x0  }
0x55: {  	[sflag:s0] =	ssyncadd.s32 @!p0 s1  }
0x56: {  	[bflag:$0x3] =	sbarrier.arrive $0xFFFF  }
0x57: {  	_ =	shalt  }

// kernel: sparse-core-data-format-call.4.cloned.1.call-start
scs
called_computation.7_lowered:
.L_overlay_start_0:
0x0: {  	s2 =	sld [smem:$0x3FD9]  }
0x1: {  	s3 =	sld [smem:$0x3FFE];
	_ =	sdelay $0x1  }
0x2: {  	s1 =	srdreg.scid  }
0x3: {  	s0 =	sand.u32 $0x1, s1  }
0x4: {  	s18 =	sshll.u32 s0, $0xA;
	s2 =	sadd.s32 s3, s2  }
0x5: {  	s2 =	sadd.s32 s2, s18  }
0x6: {  	[smem:$0x3F9C] =	sst s2  }
0x7: {  	_ = 	snop  }
0x8: {  	(tm) =	ssettm $0x1  }
0x9: {  	s19 =	sld [smem:$0x3FFB];
	_ =	sdelay $0x3  }
0xa: {  	_ =	strace s19  }
0xb: {  	s2 =	sld [smem:$0x3FFC];
	_ =	sdelay $0x3  }
0xc: {  	_ =	strace s2  }
0xd: {  	s2 =	sld [smem:$0x3FFD];
	_ =	sdelay $0x3  }
0xe: {  	_ =	strace s2  }
0xf: {  	_ =	strace $0x8FFFFFFF  }
0x10: {  	s20 =	sld [smem:$0x3FDB];
	_ =	sdelay $0x1  }
0x11: {  	s21 =	simm.s32 $_scs_section_size  }
0x12: {  	s4 =	simm.s32 $_size__tile_overlayer_lowered;
	s5 =	simm.s32 $_tile_overlayer_lowered  }
0x13: {  	s6 =	simm.s32 $0x1BFF;
	s22 =	sshll.u32 s5, $0x1;
	s3 =	sadd.s32 s21, s20  }
0x14: {  	s23 =	simm.s32 $0x0;
	s4 =	sshll.u32 s4, $0x1;
	s5 =	sadd.s32 s22, s3  }
0x15: {  	[timem:s23], [sflag:s6] =	dma.local [hbm:s5], s4  }
0x16: {  	_ =	swait.ge [sflag:s6], s4  }
0x17: {  	s4 =	ssub.s32 $0x0, s4;
	[sflag:s6] =	ssyncset.done $0x0  }
0x18: {  	[sflag:s6] =	ssyncadd.s32 s4;
	_ =	sdelay $0x1  }
0x19: {  	s24 =	simm.s32 $0x1B8B  }
0x1a: {  	_ =	swait.ge [sflag:s24], $0x1  }
0x1b: {  	[sflag:s24] =	ssyncset.done $0x0  }
0x1c: {  	[sflag:s24] =	ssyncadd.s32 $0xFFFFFFFF  }
0x1d: {  	s4 =	sld [smem:$0x0]  }
0x1e: {  	s5 =	sand.u32 $0xFFFFFFFE, s1  }
0x1f: {  	p0 =	sne.s32 s1, s5  }
0x20: {  	s5 =	sshll.u32 @p0 s5, $0xE  }
0x21: {  	s5 =	sadd.s32 @p0 $0x11B8D, s5;
	s6 =	sshll.u32 @p0 s4, $0x11  }
0x22: {  	s5 =	sor.u32 @p0 s6, s5  }
0x23: {  	[sflag:s5] =	ssyncadd.remote.s32 @p0 $0x1;
	_ =	sdelay $0x1  }
0x24: {  	s5 =	simm.s32 @p0 $0x1B8D  }
0x25: {  	_ =	swait.eq @p0 [sflag:s5], $0x1  }
0x26: {  	[sflag:s5] =	ssyncadd.s32 @p0 $0xFFFFFFFF  }
0x27: {  	s6 =	sshll.u32 @!p0 s1, $0xE  }
0x28: {  	s6 =	sor.u32 @!p0 $0x4000, s6;
	s5 =	simm.s32 @!p0 $0x1B8D  }
0x29: {  	s4 =	sshll.u32 @!p0 s4, $0x11;
	s6 =	sadd.s32 @!p0 $0x11B8D, s6;
	_ =	swait.eq @!p0 [sflag:s5], $0x1  }
0x2a: {  	s4 =	sor.u32 @!p0 s4, s6;
	[sflag:s5] =	ssyncadd.s32 @!p0 $0xFFFFFFFF  }
0x2b: {  	s26 =	simm.s32 $0x1B8E;
	s25 =	sld [smem:$0x3FFE];
	[sflag:s4] =	ssyncadd.remote.s32 @!p0 $0x1  }
0x2c: {  	s27 =	simm.s32 $execute0_lowered;
	[smem:$0x3FD2] =	sst s26  }
0x2d: {  	s5 =	sshll.u32 s27, $0x1;
	_ =	strace $0x8000004C;
	[dreg:$0x1] =	wrdreg $0xFFFFFFFF  }
0x2e: {  	s28 =	simm.s32 $_size_execute0_lowered;
	s3 =	sadd.s32 s3, s5;
	[dreg:$0x0] =	wrdreg $0x0  }
0x2f: {  	s5 =	sshll.u32 s28, $0x1;
	[dreg:$0x2] =	wrdreg s3  }
0x30: {  	[dreg:$0x3] =	wrdreg s5  }
0x31: {  	[dreg:$0x4] =	wrdreg $0xC0  }
0x32: {  	_ =	task [dreg:s23], $0x5FFFF  }
0x33: {  	[dreg:$0x1] =	wrdreg $0xFFFFFFFF  }
0x34: {  	[dreg:$0x0] =	wrdreg $0x60  }
0x35: {  	[dreg:$0x2] =	wrdreg s25  }
0x36: {  	[dreg:$0x3] =	wrdreg $0x9  }
0x37: {  	_ =	task.clear_ibuf [dreg:s23], $0x4FFFF;
	_ =	strace $0x9000004C  }
0x38: {  	s29 =	simm.s32 $0x9;
	_ =	strace $0x8000004E  }
0x39: {  	_ =	swait.ge [sflag:s29], $0x1  }
0x3a: {  	[sflag:s29] =	ssyncadd.s32 $0xFFFFFFFF  }
0x3b: {  	_ =	strace $0x9000004E  }
0x3c: {  	_ =	sfence  }
0x3d: {  	s30 =	sld [smem:$0x0];
	_ =	sdelay $0x2  }
0x3e: {  	s31 =	sshll.u32 s1, $0xD;
	s1 =	sshrl.u32 s1, $0x2  }
0x3f: {  	s4 =	sand.u32 $0x4000, s31;
	s1 =	sadd.s32 s1, s30  }
0x40: {  	s0 =	sor.u32 s4, s0;
	s1 =	sshll.u32 s1, $0x11  }
0x41: {  	s0 =	sor.u32 s1, s0  }
0x42: {  	s0 =	sadd.s32 $0x8F2B, s0  }
0x43: {  	[sflag:s0] =	ssyncadd.remote.s32 $0x1  }
0x44: {  	_ =	sfence.sel $0xFFFF  }
0x45: {  	[dreg:$0x0] =	wrdreg $0xFFFFFFFF;
	(pc) =	sbr.abs _section_cstart, $3  }
0x46: {  	[dreg:$0x1] =	wrdreg $0xFFFFFFFF  }
0x47: {  	_ =	task.clear_ibuf [dreg:s23], $0x2FFFF;
	_ =	strace $0x9FFFFFFF  }
0x48: {  	(tm) =	ssettm $0x7FFFFFFF  }
0x49: {  	_ =	shalt  }
tec
execute0_lowered:
.L_overlay_start_1:
0x0: {  	(tag) =	ssettag $0x1  }
0x1: {  	s3 =	rddreg [dreg:$0x0];
	s1 =	stileid.u32  }
0x2: {  	s2 =	srdreg.scid;
	s0 =	rddreg [dreg:$0x1];
	_ =	strace $0x8000004D  }
0x3: {  	s6 =	simm.s32 $0x1;
	s8 =	simm.s32 $0x2;
	s18 =	simm.s32 $0x0  }
0x4: {  	p0 =	por $0x0, $0x0;
	s9 =	simm.s32 $0x200;
	s17 =	simm.s32 $0x0  }
0x5: {  	s19 =	simm.s32 $0x0;
	s10 =	simm.s32 $0x0;
	s11 =	simm.s32 $0x0  }
0x6: {  	s12 =	simm.s32 $0x0;
	s4 =	sshll.u32 s1, $0x6;
	s5 =	sshll.u32 s2, $0xA  }
.Ltmp0:
0x7: {  	s14 =	simm.s32 $0x0;
	s4 =	sor.u32 s4, s5;
	(pc) =	sbr.rel .LBB1_1-.Ltmp0, $4  }
0x8: {  	s16 =	simm.s32 $0x0;
	s2 =	sadd.s32 $0x14A9A00, s3;
	s4 =	sand.u32 $0x700, s4  }
0x9: {  	s3 =	sadd.s32 $0x4A3C00, s3;
	[sflag:s6] =	ssyncpa.u1 $0x0;
	s7 =	ssub.s32 $0x24900, s4  }
0xa: {  	s5 =	sand.u32 $0x3, s1;
	[sflag:s8] =	ssyncpa.u1 $0x0;
	s7 =	sshrl.u32 s7, $0xB  }
0xb: {  	s15 =	smov.u32 s5;
	s13 =	smov.u32 s4;
	s8 =	sor.u32 $0x2, s7  }
.LBB1_5:
0xc: {  	p1 =	slt.u32 s16, $0x2;
	s21 =	smov.u32 s19  }
0xd: {  	p2 =	sgt.s32 @!p1 s18, $0x248F0;
	s20 =	sshra.s32 @!p1 s18, $0x1F;
	p3 =	sgt.s32 @!p1 s19, $0x3  }
0xe: {  	s22 =	sshra.s32 @!p1 s19, $0x1F;
	p2 =	por !p2, p1;
	s20 =	sand.u32 @!p1 s20, s18  }
0xf: {  	p3 =	por !p3, p1;
	s19 =	sand.u32 @!p1 s22, s19;
	s22 =	sshra.s32 @!p1 s17, $0x1F  }
0x10: {  	s21 =	simm.s32 @p3 $0x3;
	p3 =	sgt.s32 @!p1 s17, $0x40;
	s18 =	simm.s32 @p2 $0x248F0  }
0x11: {  	s19 =	ssub.s32 @!p1 s21, s19;
	p3 =	por !p3, p1;
	s21 =	smov.u32 s17  }
0x12: {  	s17 =	sand.u32 @!p1 s22, s17;
	s18 =	ssub.s32 @!p1 s18, s20;
	s21 =	simm.s32 @p3 $0x40  }
0x13: {  	s20 =	sadd.s32 @!p1 $0xFFFFFFFD, s19;
	s19 =	ssub.s32 @!p1 $0x4, s19;
	s17 =	ssub.s32 @!p1 s21, s17  }
0x14: {  	s21 =	sadd.s32 @!p1 $0xFFFDB710, s18;
	p2 =	sgt.s32 @!p1 s20, $0x0;
	s20 =	sadd.s32 @!p1 $0xFFFFFFC0, s17  }
0x15: {  	s18 =	ssub.s32 @!p1 $0x249F0, s18;
	p2 =	por !p2, p1;
	p3 =	sgt.s32 @!p1 s20, $0x3F  }
0x16: {  	s17 =	ssub.s32 @!p1 $0x80, s17;
	s19 =	simm.s32 @!p2 $0x0;
	p2 =	por !p3, p1  }
0x17: {  	s20 =	sadd.s32 $0x800, s13;
	p3 =	sgt.s32 @!p1 s21, $0xFF;
	s17 =	simm.s32 @!p2 $0x0  }
0x18: {  	s21 =	smov.u32 s14;
	p2 =	por !p3, p1;
	s17 =	smul.u32 @!p1 s19, s17  }
0x19: {  	s18 =	simm.s32 @!p2 $0x0;
	p2 =	sgt.s32 s20, $0x249EF;
	s19 =	sadd.s32 $0x40, s14  }
0x1a: {  	s22 =	smov.u32 s15;
	s21 =	smov.u32 @p2 s19  }
0x1b: {  	s17 =	smul.u32 @!p1 s18, s17;
	p3 =	sgt.s32 s21, $0x3F;
	s18 =	sadd.s32 $0x4, s15  }
0x1c: {  	p0 =	por !p0, !p0;
	s23 =	simm.s32 @!p1 $0x2;
	s22 =	smov.u32 @p3 s18  }
0x1d: {  	s20 =	smov.u32 @p2 s4;
	s19 =	smov.u32 s12;
	p2 =	sgt.s32 s22, $0x3  }
0x1e: {  	s12 =	smov.u32 s15;
	s22 =	smov.u32 @p2 s5;
	p2 =	sne.s32 s16, s8  }
.Ltmp1:
0x1f: {  	s21 =	simm.s32 @p3 $0x0;
	s18 =	smov.u32 s10;
	(pc) =	sbr.rel @!p2 .LBB1_6-.Ltmp1, $4  }
0x20: {  	s10 =	smov.u32 s13;
	s13 =	smov.u32 s20;
	s17 =	sand.u32 @!p1 $0x3FFFFFFF, s17  }
0x21: {  	_ =	swait.ge @!p1 [sflag:s23], s17;
	s24 =	ssub.s32 @!p1 $0x0, s17;
	s17 =	smov.u32 s11  }
0x22: {  	s16 =	sadd.s32 $0x1, s16;
	s11 =	smov.u32 s14;
	[sflag:s23] =	ssyncset.done @!p1 $0x0  }
0x23: {  	s14 =	smov.u32 s21;
	s15 =	smov.u32 s22;
	[sflag:s23] =	ssyncadd.s32 @!p1 s24  }
.LBB1_1:
0x24: {  	p1 =	sgt.u32 s16, s7  }
0x25: {  	s20 =	sshrl.u32 @!p1 s14, $0x3  }
0x26: {  	s21 =	sshll.u32 @!p1 s13, $0x3;
	s20 =	smul.u32 @!p1 $0x125000, s20  }
0x27: {  	s22 =	sshll.u32 @!p1 s14, $0x7;
	s21 =	sand.u32 @!p1 $0xFFFFFC00, s21  }
0x28: {  	s20 =	sadd.s32 @!p1 s20, s21;
	s21 =	sand.u32 @!p1 $0x380, s22  }
0x29: {  	s22 =	sand.u32 @!p1 $0x7F, s13;
	s20 =	sor.u32 @!p1 s21, s20  }
0x2a: {  	s21 =	sor.u32 @!p1 s22, s20  }
0x2b: {  	s22 =	smulhi.u32 @!p1 $0xDFAC1F75, s21  }
0x2c: {  	s20 =	smulhi.u32 @!p1 $0xDFAC1F75, s20  }
0x2d: {  	s22 =	sshrl.u32 @!p1 s22, $0x11  }
0x2e: {  	s20 =	sshrl.u32 @!p1 s20, $0x11;
	s22 =	smul.u32 @!p1 $0x24A00, s22  }
0x2f: {  	s23 =	sxor.u32 @!p1 $0xFFFFFFFF, s16;
	s24 =	smul.u32 @!p1 $0x125000, s15;
	s20 =	sand.u32 @!p1 $0x3F, s20  }
0x30: {  	s23 =	sshll.u32 @!p1 s23, $0xE;
	s20 =	smul.u32 @!p1 $0x4940, s20;
	s21 =	ssub.s32 @!p1 s21, s22  }
0x31: {  	s22 =	sand.u32 @!p1 $0x4000, s23;
	s23 =	sadd.s32 @!p1 s2, s24;
	s24 =	sand.u32 @!p1 $0x7, s21  }
0x32: {  	s21 =	sshrl.u32 @!p1 s21, $0x3;
	s20 =	sadd.s32 @!p1 s20, s23;
	s23 =	sshll.u32 @!p1 s24, $0x12  }
0x33: {  	s20 =	sadd.s32 @!p1 s21, s20;
	s21 =	sor.u32 @!p1 $0x800, s23;
	s23 =	simm.s32 @!p1 $0x125000  }
0x34: {  	[tilespmem:s22], [sflag:$0x1] =	stream.strided.gather @!p1 [hbm4b:s20+s21], $0x4000, s23, s21, $0x38;
	[tilespmem:$0x10200] =	vst v63  }
0x35: {  	p1 =	seq.s32 s16, $0x0  }
0x36: {  	p2 =	sge.u32 @!p1 s16, s8  }
0x37: {  	p1 =	por p1, p2  }
.Ltmp2:
0x38: {  	_ = 	snop;
	(pc) =	sbr.rel @p1 .LBB1_5-.Ltmp2, $1  }
0x39: {  	_ =	sdelay $0x3  }
0x3a: {  	s23 =	simm.s32 $0x0  }
0x3b: {  	s22 =	sand.u32 $0x3800, s23;
	s24 =	sand.u32 $0x380, s23  }
0x3c: {  	s20 =	sand.u32 $0x1, s16;
	s22 =	sor.u32 s24, s22  }
0x3d: {  	_ =	swait.ge [sflag:s6], $0x4000;
	s21 =	sshll.u32 s20, $0xE;
	s24 =	sand.u32 $0x3B00, s22  }
0x3e: {  	[sflag:s6] =	ssyncset.done $0x0;
	s23 =	sand.u32 $0x80, s23;
	s24 =	sadd.s32 s24, s21  }
0x3f: {  	[sflag:s6] =	ssyncadd.s32 $0xFFFFC000;
	s26 =	sadd.s32 s23, s24  }
0x40: {  	v4 =	vld [tilespmem:s26+$0x400]  }
0x41: {  	s25 =	simm.s32 $0x1;
	v5 =	vld [tilespmem:s26+$0x0]  }
0x42: {  	s25 =	simm.s32 @!p0 $0x0;
	v6 =	vld [tilespmem:s26+$0x10]  }
0x43: {  	v0 =	vmov s21;
	s31 =	smul.u32 $0x10400, s25;
	v7 =	vld [tilespmem:s26+$0x20]  }
0x44: {  	v9 =	vld [tilespmem:s26+$0x30]  }
0x45: {  	s23 =	sshrl.u32 s31, $0x2;
	v10 =	vld [tilespmem:s26+$0x40]  }
0x46: {  	s23 =	sor.u32 $0x8000, s23;
	v11 =	vld [tilespmem:s26+$0x50]  }
0x47: {  	v8 =	vld [tilespmem:s26+$0x60];
	s24 =	sadd.s32 $0x0, s23  }
0x48: {  	v1 =	vld.idx.msk [tilespmem:v0+s22+$0x410 ss:$0x1], $0xffff;
	[tilespmem:s24+$0x2080 ss:$0x41] =	vst.msk $0xffff, v4  }
0x49: {  	v2 =	vld.idx.msk [tilespmem:v0+s22+$0x420 ss:$0x1], $0xffff;
	[tilespmem:s24+$0x0 ss:$0x41] =	vst.msk $0xffff, v5  }
0x4a: {  	v3 =	vld.idx.msk [tilespmem:v0+s22+$0x430 ss:$0x1], $0xffff;
	[tilespmem:s24+$0x410 ss:$0x41] =	vst.msk $0xffff, v6  }
0x4b: {  	s20 =	smul.u32 $0x10400, s20;
	[tilespmem:s24+$0x820 ss:$0x41] =	vst.msk $0xffff, v7;
	v7 =	vld [tilespmem:s26+$0x70]  }
0x4c: {  	s27 =	simm.s32 $0x100;
	s28 =	simm.s32 $0x8;
	[tilespmem:s24+$0xC30 ss:$0x41] =	vst.msk $0xffff, v9;
	v4 =	vld.idx.msk [tilespmem:v0+s22+$0x440 ss:$0x1], $0xffff  }
0x4d: {  	s29 =	sand.u32 $0x3800, s27;
	s20 =	sshrl.u32 s20, $0x2;
	[tilespmem:s24+$0x1040 ss:$0x41] =	vst.msk $0xffff, v10;
	v5 =	vld.idx.msk [tilespmem:v0+s22+$0x450 ss:$0x1], $0xffff;
	s26 =	simm.s32 $0x80  }
0x4e: {  	s25 =	simm.s32 $0x4;
	s20 =	sor.u32 $0x8000, s20;
	[tilespmem:s24+$0x1450 ss:$0x41] =	vst.msk $0xffff, v11;
	v6 =	vld.idx.msk [tilespmem:v0+s22+$0x460 ss:$0x1], $0xffff;
	s30 =	sand.u32 $0x380, s26  }
.LBB1_3:
0x4f: {  	p1 =	sne.s32 s28, $0xFC;
	[tilespmem:s24+$0x1860 ss:$0x41] =	vst.msk $0xffff, v8;
	v8 =	vld.idx.msk [tilespmem:v0+s22+$0x470 ss:$0x1], $0xffff;
	s22 =	sor.u32 s30, s29  }
0x50: {  	s29 =	sand.u32 $0x3B00, s22;
	v9 =	vld.idx.msk [tilespmem:v0+s22+$0x410 ss:$0x1], $0xffff;
	[tilespmem:s24+$0x1C70 ss:$0x41] =	vst.msk $0xffff, v7  }
0x51: {  	s30 =	sand.u32 $0x80, s26;
	s29 =	sadd.s32 s29, s21;
	v7 =	vld.idx.msk [tilespmem:v0+s22+$0x420 ss:$0x1], $0xffff;
	[tilespmem:s24+$0x2490 ss:$0x41] =	vst.msk $0xffff, v1  }
0x52: {  	s29 =	sadd.s32 s30, s29;
	v10 =	vld.idx.msk [tilespmem:v0+s22+$0x430 ss:$0x1], $0xffff;
	[tilespmem:s24+$0x28A0 ss:$0x41] =	vst.msk $0xffff, v2  }
0x53: {  	v11 =	vld [tilespmem:s29+$0x400];
	[tilespmem:s24+$0x2CB0 ss:$0x41] =	vst.msk $0xffff, v3  }
0x54: {  	v12 =	vld [tilespmem:s29+$0x0];
	[tilespmem:s24+$0x30C0 ss:$0x41] =	vst.msk $0xffff, v4  }
0x55: {  	v4 =	vld [tilespmem:s29+$0x10];
	[tilespmem:s24+$0x34D0 ss:$0x41] =	vst.msk $0xffff, v5  }
0x56: {  	s30 =	sshra.s32 s25, $0x2;
	s25 =	smov.u32 s28;
	v1 =	vmov v9;
	v5 =	vld [tilespmem:s29+$0x20];
	[tilespmem:s24+$0x38E0 ss:$0x41] =	vst.msk $0xffff, v6  }
0x57: {  	v2 =	vmov v7;
	v6 =	vld [tilespmem:s29+$0x30];
	[tilespmem:s24+$0x3CF0 ss:$0x41] =	vst.msk $0xffff, v8;
	s24 =	sadd.s32 s30, s23  }
0x58: {  	v3 =	vmov v10;
	v9 =	vld [tilespmem:s29+$0x40];
	[tilespmem:s24+$0x2080 ss:$0x41] =	vst.msk $0xffff, v11  }
0x59: {  	[tilespmem:s24+$0x0 ss:$0x41] =	vst.msk $0xffff, v12;
	v10 =	vld [tilespmem:s29+$0x50]  }
.Ltmp3:
0x5a: {  	[tilespmem:s24+$0x410 ss:$0x41] =	vst.msk $0xffff, v4;
	v8 =	vld [tilespmem:s29+$0x60];
	(pc) =	sbr.rel @p1 .LBB1_3-.Ltmp3, $4  }
0x5b: {  	[tilespmem:s24+$0x820 ss:$0x41] =	vst.msk $0xffff, v5;
	v7 =	vld [tilespmem:s29+$0x70]  }
0x5c: {  	[tilespmem:s24+$0xC30 ss:$0x41] =	vst.msk $0xffff, v6;
	v4 =	vld.idx.msk [tilespmem:v0+s22+$0x440 ss:$0x1], $0xffff  }
0x5d: {  	s26 =	sadd.s32 $0x80, s26;
	s27 =	sadd.s32 $0x100, s27;
	[tilespmem:s24+$0x1040 ss:$0x41] =	vst.msk $0xffff, v9;
	v5 =	vld.idx.msk [tilespmem:v0+s22+$0x450 ss:$0x1], $0xffff  }
0x5e: {  	s28 =	sadd.s32 $0x4, s28;
	s30 =	sand.u32 $0x380, s26;
	s29 =	sand.u32 $0x3800, s27;
	[tilespmem:s24+$0x1450 ss:$0x41] =	vst.msk $0xffff, v10;
	v6 =	vld.idx.msk [tilespmem:v0+s22+$0x460 ss:$0x1], $0xffff  }
0x5f: {  	_ =	sdelay $0x3  }
0x60: {  	s27 =	sor.u32 s30, s29;
	v47 =	vld.idx.msk [tilespmem:v0+s22+$0x470 ss:$0x1], $0xffff  }
0x61: {  	v57 =	vld.idx.msk [tilespmem:v0+s27+$0x410 ss:$0x1], $0xffff  }
0x62: {  	v58 =	vld.idx.msk [tilespmem:v0+s27+$0x420 ss:$0x1], $0xffff  }
0x63: {  	[tilespmem:s24+$0x1860 ss:$0x41] =	vst.msk $0xffff, v8;
	v59 =	vld.idx.msk [tilespmem:v0+s27+$0x430 ss:$0x1], $0xffff  }
0x64: {  	[tilespmem:s24+$0x2490 ss:$0x41] =	vst.msk $0xffff, v1;
	v60 =	vld.idx.msk [tilespmem:v0+s27+$0x440 ss:$0x1], $0xffff  }
0x65: {  	[tilespmem:s24+$0x28A0 ss:$0x41] =	vst.msk $0xffff, v2;
	s28 =	sand.u32 $0x3B00, s27;
	v61 =	vld.idx.msk [tilespmem:v0+s27+$0x450 ss:$0x1], $0xffff  }
0x66: {  	s26 =	sand.u32 $0x80, s26;
	[tilespmem:s24+$0x2CB0 ss:$0x41] =	vst.msk $0xffff, v3;
	v62 =	vld.idx.msk [tilespmem:v0+s27+$0x460 ss:$0x1], $0xffff;
	s21 =	sadd.s32 s28, s21  }
0x67: {  	[tilespmem:s24+$0x1C70 ss:$0x41] =	vst.msk $0xffff, v7;
	v63 =	vld.idx.msk [tilespmem:v0+s27+$0x470 ss:$0x1], $0xffff;
	s29 =	sadd.s32 s26, s21  }
0x68: {  	[tilespmem:s24+$0x30C0 ss:$0x41] =	vst.msk $0xffff, v4;
	v48 =	vld [tilespmem:s29+$0x400]  }
0x69: {  	[tilespmem:s24+$0x34D0 ss:$0x41] =	vst.msk $0xffff, v5;
	v49 =	vld [tilespmem:s29+$0x0]  }
0x6a: {  	s30 =	sshra.s32 s25, $0x2;
	v50 =	vld [tilespmem:s29+$0x10];
	[tilespmem:s24+$0x38E0 ss:$0x41] =	vst.msk $0xffff, v6  }
0x6b: {  	s21 =	sadd.s32 s30, s23;
	v51 =	vld [tilespmem:s29+$0x20];
	[tilespmem:s24+$0x3CF0 ss:$0x41] =	vst.msk $0xffff, v47  }
0x6c: {  	s31 =	sshra.s32 s10, $0x1F;
	v52 =	vld [tilespmem:s29+$0x30];
	[tilespmem:s21+$0x2490 ss:$0x41] =	vst.msk $0xffff, v57  }
0x6d: {  	p1 =	sgt.s32 s10, $0x248F0;
	s22 =	sand.u32 s31, s10;
	v53 =	vld [tilespmem:s29+$0x40];
	[tilespmem:s21+$0x28A0 ss:$0x41] =	vst.msk $0xffff, v58  }
0x6e: {  	s27 =	sand.u32 $0x7, s11;
	s28 =	sshra.s32 s12, $0x1F;
	s23 =	smov.u32 s10;
	v54 =	vld [tilespmem:s29+$0x50];
	[tilespmem:s21+$0x2CB0 ss:$0x41] =	vst.msk $0xffff, v59  }
0x6f: {  	s25 =	sand.u32 s28, s12;
	s26 =	smov.u32 s11;
	v55 =	vld [tilespmem:s29+$0x60];
	s23 =	simm.s32 @!p1 $0x248F0;
	[tilespmem:s21+$0x30C0 ss:$0x41] =	vst.msk $0xffff, v60  }
0x70: {  	p1 =	sgt.s32 s12, $0x3;
	v56 =	vld [tilespmem:s29+$0x70];
	s29 =	sshra.s32 s11, $0x1F;
	s24 =	smov.u32 s12;
	[tilespmem:s21+$0x34D0 ss:$0x41] =	vst.msk $0xffff, v61  }
0x71: {  	s22 =	ssub.s32 s23, s22;
	s24 =	simm.s32 @!p1 $0x3;
	p1 =	sgt.s32 s11, $0x40;
	[tilespmem:s21+$0x38E0 ss:$0x41] =	vst.msk $0xffff, v62  }
0x72: {  	s30 =	sand.u32 s29, s11;
	s29 =	sadd.s32 $0xFFFDB710, s22;
	[tilespmem:s21+$0x3CF0 ss:$0x41] =	vst.msk $0xffff, v63;
	s26 =	simm.s32 @!p1 $0x40  }
0x73: {  	s22 =	ssub.s32 $0x249F0, s22;
	s24 =	ssub.s32 s24, s25;
	s25 =	ssub.s32 s26, s30;
	[tilespmem:s21+$0x2080 ss:$0x41] =	vst.msk $0xffff, v48  }
0x74: {  	s31 =	sadd.s32 $0xFFFFFFFD, s24;
	s24 =	ssub.s32 $0x4, s24;
	[tilespmem:s21+$0x0 ss:$0x41] =	vst.msk $0xffff, v49;
	s28 =	sadd.s32 $0xFFFFFFC0, s25  }
0x75: {  	[tilespmem:s21+$0x410 ss:$0x41] =	vst.msk $0xffff, v50;
	p1 =	sgt.s32 s31, $0x0;
	s23 =	ssub.s32 $0x80, s25;
	p2 =	sgt.s32 s28, $0x3F  }
0x76: {  	s30 =	sshll.u32 s12, $0x4;
	[tilespmem:s21+$0x820 ss:$0x41] =	vst.msk $0xffff, v51;
	s24 =	simm.s32 @p1 $0x0;
	s23 =	simm.s32 @p2 $0x0  }
0x77: {  	s26 =	sshrl.u32 s11, $0x3;
	[tilespmem:s21+$0xC30 ss:$0x41] =	vst.msk $0xffff, v52;
	p1 =	sgt.s32 s29, $0xFF;
	s23 =	smul.u32 s24, s23  }
.Ltmp4:
0x78: {  	[tilespmem:s21+$0x1040 ss:$0x41] =	vst.msk $0xffff, v53;
	s22 =	simm.s32 @p1 $0x0;
	s24 =	sand.u32 $0x30, s30;
	(pc) =	sbr.rel .LBB1_5-.Ltmp4, $4  }
0x79: {  	[tilespmem:s21+$0x1450 ss:$0x41] =	vst.msk $0xffff, v54;
	s31 =	sshll.u32 s10, $0x6;
	s24 =	sadd.s32 s3, s24;
	s22 =	smul.u32 s22, s23  }
0x7a: {  	[tilespmem:s21+$0x1860 ss:$0x41] =	vst.msk $0xffff, v55;
	s25 =	sand.u32 $0xF, s26;
	s28 =	sshll.u32 s27, $0x12;
	s23 =	sadd.s32 s31, s24  }
0x7b: {  	[tilespmem:s21+$0x1C70 ss:$0x41] =	vst.msk $0xffff, v56;
	s31 =	sor.u32 $0x40, s28;
	s30 =	sadd.s32 s25, s23;
	s29 =	sand.u32 $0x3FFFFFFF, s22  }
0x7c: {  	[hbm4b:s30+s31] =	stream.strided.scatter [tilespmem:s20], [sflag:$0x2], s29, s9, s31, $0x18;
	[tilespmem:$0x10200] =	vst v63  }
.LBB1_6:
0x7d: {  	_ =	sfence.sel $0x180000  }
0x7e: {  	s2 =	simm.s32 $0x1;
	[bflag:$0x0] =	sbarrier.arrive $0xFFFF  }
0x7f: {  	s31 =	simm.s32 $0x2;
	[sflag:s2] =	ssyncpa.u1 $0x1  }
0x80: {  	[sflag:s31] =	ssyncpa.u1 $0x1  }
0x81: {  	p0 =	sne.s32 s1, $0x0;
	_ =	strace $0x9000004D  }
0x82: {  	s0 =	sadd.s32 @!p0 $0x100000, s0;
	[bflag:$0x2] =	sbarrier.arrive $0xFFFF  }
0x83: {  	[sflag:s0] =	ssyncadd.tile.s32 @!p0 $0x1;
	_ =	shalt  }
.Lfunc_end1:
_tile_overlayer_lowered:
.L_overlay_start_2:
0x84: {  	(tag) =	ssettag $0x2  }
0x85: {  	s0 =	rddreg [dreg:$0x0];
	s2 =	stileid.u32  }
0x86: {  	s1 =	rddreg [dreg:$0x1];
	p0 =	sne.s32 s2, $0x0  }
0x87: {  	s3 =	rddreg [dreg:$0x2];
	[bflag:$0x3] =	sbarrier.arrive $0xFFFF;
	s2 =	simm.s32 @!p0 $0x1C01  }
0x88: {  	[timem:s3], [sflag:s2] =	dma.local @!p0 [hbm:s0], s1  }
0x89: {  	s0 =	simm.s32 @!p0 $0x1  }
0x8a: {  	_ =	swait.ge @!p0 [sflag:s0], s1  }
0x8b: {  	s1 =	ssub.s32 @!p0 $0x0, s1;
	[sflag:s0] =	ssyncset.done @!p0 $0x0  }
0x8c: {  	[sflag:s0] =	ssyncadd.s32 @!p0 s1  }
0x8d: {  	[bflag:$0x3] =	sbarrier.arrive $0xFFFF  }
0x8e: {  	_ =	shalt  }

// kernel: sparse-core-data-format-call.5.cloned.1.call-start
scs
called_computation.8_lowered:
.L_overlay_start_0:
0x0: {  	s1 =	sld [smem:$0x3FD9]  }
0x1: {  	s2 =	sld [smem:$0x3FFE];
	_ =	sdelay $0x1  }
0x2: {  	s3 =	srdreg.scid  }
0x3: {  	s0 =	sand.u32 $0x1, s3  }
0x4: {  	s17 =	sshll.u32 s0, $0xA;
	s1 =	sadd.s32 s2, s1  }
0x5: {  	s1 =	sadd.s32 s1, s17  }
0x6: {  	[smem:$0x3F9C] =	sst s1  }
0x7: {  	_ = 	snop  }
0x8: {  	(tm) =	ssettm $0x1  }
0x9: {  	s18 =	sld [smem:$0x3FFB];
	_ =	sdelay $0x3  }
0xa: {  	_ =	strace s18  }
0xb: {  	s1 =	sld [smem:$0x3FFC];
	_ =	sdelay $0x3  }
0xc: {  	_ =	strace s1  }
0xd: {  	s1 =	sld [smem:$0x3FFD];
	_ =	sdelay $0x3  }
0xe: {  	_ =	strace s1  }
0xf: {  	_ =	strace $0x8FFFFFFF  }
0x10: {  	s19 =	sld [smem:$0x3FDB];
	_ =	sdelay $0x1  }
0x11: {  	s20 =	simm.s32 $_scs_section_size  }
0x12: {  	s4 =	simm.s32 $_size__tile_overlayer_lowered;
	s5 =	simm.s32 $_tile_overlayer_lowered  }
0x13: {  	s23 =	simm.s32 $0x1BFF;
	s22 =	sshll.u32 s5, $0x1;
	s1 =	sadd.s32 s20, s19  }
0x14: {  	s6 =	simm.s32 $0x0;
	s21 =	sshll.u32 s4, $0x1;
	s4 =	sadd.s32 s22, s1  }
0x15: {  	[timem:s6], [sflag:s23] =	dma.local [hbm:s4], s21  }
0x16: {  	_ =	swait.ge [sflag:s23], s21  }
0x17: {  	s2 =	ssub.s32 $0x0, s21;
	[sflag:s23] =	ssyncset.done $0x0  }
0x18: {  	[sflag:s23] =	ssyncadd.s32 s2;
	_ =	sdelay $0x1  }
0x19: {  	s24 =	simm.s32 $0x1B8B  }
0x1a: {  	_ =	swait.ge [sflag:s24], $0x1  }
0x1b: {  	[sflag:s24] =	ssyncset.done $0x0  }
0x1c: {  	s26 =	simm.s32 $0x1B8E;
	s25 =	sld [smem:$0x3FFE];
	[sflag:s24] =	ssyncadd.s32 $0xFFFFFFFF  }
0x1d: {  	s27 =	simm.s32 $execute0_lowered;
	[smem:$0x3FD2] =	sst s26  }
0x1e: {  	s4 =	sshll.u32 s27, $0x1;
	_ =	strace $0x80000046;
	[dreg:$0x1] =	wrdreg $0xFFFFFFFF  }
0x1f: {  	s28 =	simm.s32 $_size_execute0_lowered;
	s1 =	sadd.s32 s1, s4;
	[dreg:$0x0] =	wrdreg $0x0  }
0x20: {  	s4 =	sshll.u32 s28, $0x1;
	[dreg:$0x2] =	wrdreg s1  }
0x21: {  	[dreg:$0x3] =	wrdreg s4  }
0x22: {  	[dreg:$0x4] =	wrdreg $0xC0  }
0x23: {  	_ =	task [dreg:s6], $0x5FFFF  }
0x24: {  	[dreg:$0x1] =	wrdreg $0xFFFFFFFF  }
0x25: {  	[dreg:$0x0] =	wrdreg $0x60  }
0x26: {  	[dreg:$0x2] =	wrdreg s25  }
0x27: {  	[dreg:$0x3] =	wrdreg $0x9  }
0x28: {  	_ =	task.clear_ibuf [dreg:s6], $0x4FFFF;
	_ =	strace $0x90000046  }
0x29: {  	s29 =	simm.s32 $0x9;
	_ =	strace $0x80000048  }
0x2a: {  	_ =	swait.ge [sflag:s29], $0x1  }
0x2b: {  	[sflag:s29] =	ssyncadd.s32 $0xFFFFFFFF  }
0x2c: {  	_ =	strace $0x90000048  }
0x2d: {  	_ =	sfence  }
0x2e: {  	s30 =	sld [smem:$0x0];
	_ =	sdelay $0x2  }
0x2f: {  	s31 =	sshll.u32 s3, $0xD;
	s3 =	sshrl.u32 s3, $0x2  }
0x30: {  	s2 =	sand.u32 $0x4000, s31;
	s1 =	sadd.s32 s3, s30  }
0x31: {  	s0 =	sor.u32 s2, s0;
	s1 =	sshll.u32 s1, $0x11  }
0x32: {  	s0 =	sor.u32 s1, s0  }
0x33: {  	s0 =	sadd.s32 $0x8F2B, s0  }
0x34: {  	[sflag:s0] =	ssyncadd.remote.s32 $0x1  }
0x35: {  	_ =	sfence.sel $0xFFFF  }
0x36: {  	[dreg:$0x0] =	wrdreg $0xFFFFFFFF;
	(pc) =	sbr.abs _section_cstart, $3  }
0x37: {  	[dreg:$0x1] =	wrdreg $0xFFFFFFFF  }
0x38: {  	_ =	task.clear_ibuf [dreg:s6], $0x2FFFF;
	_ =	strace $0x9FFFFFFF  }
0x39: {  	(tm) =	ssettm $0x7FFFFFFF  }
tec
execute0_lowered:
.L_overlay_start_1:
0x0: {  	(tag) =	ssettag $0x1  }
0x1: {  	s0 =	srdreg.scid;
	s7 =	rddreg [dreg:$0x0]  }
0x2: {  	s1 =	stileid.u32;
	s31 =	simm.s32 $0x2;
	s14 =	simm.s32 $0x0  }
0x3: {  	p0 =	por $0x0, $0x0;
	s10 =	simm.s32 $0x125000;
	s2 =	sshll.u32 s0, $0x7  }
0x4: {  	s13 =	simm.s32 $0x0;
	s3 =	sshll.u32 s1, $0x7;
	s2 =	sand.u32 $0x80, s2  }
0x5: {  	s12 =	simm.s32 $0x0;
	s6 =	ssub.s32 $0x24980, s3;
	s5 =	ssub.s32 $0x100, s2  }
0x6: {  	s0 =	rddreg [dreg:$0x1];
	s6 =	sshrl.u32 s6, $0xB;
	s8 =	sshrl.u32 s5, $0x7  }
.Ltmp0:
0x7: {  	s9 =	sshrl.u32 s5, $0x8;
	s8 =	sand.u32 $0x1, s8;
	(pc) =	sbr.rel .LBB1_1-.Ltmp0, $4  }
0x8: {  	_ =	strace $0x80000047;
	s6 =	sadd.s32 $0x1, s6;
	s8 =	sadd.s32 s9, s8  }
0x9: {  	s4 =	sadd.s32 $0x4A3C00, s7;
	s5 =	simm.s32 $0x1;
	s6 =	smul.u32 s6, s8  }
0xa: {  	s7 =	sadd.s32 $0x937A00, s7;
	s11 =	smov.u32 s3;
	[sflag:s5] =	ssyncpa.u1 $0x0  }
0xb: {  	[sflag:s31] =	ssyncpa.u1 $0x0;
	s8 =	sshll.u32 s2, $0x3;
	s9 =	sadd.s32 $0x1, s6  }
.LBB1_4:
0xc: {  	s14 =	sshrl.u32 s14, $0x3  }
0xd: {  	s20 =	sshll.u32 s13, $0x3;
	s14 =	smul.u32 $0x125000, s14  }
0xe: {  	v5 =	vld [tilespmem:s18+$0xFFFFFFD0];
	[tilespmem:s17+$0x2040 ss:$0x81] =	vst.msk $0xffff, v4;
	s20 =	sand.u32 $0xFFFFFC00, s20  }
0xf: {  	v58 =	vld [tilespmem:s18+$0xFFFFFFE0];
	[tilespmem:s17+$0x2850 ss:$0x81] =	vst.msk $0xffff, v3;
	s30 =	sand.u32 $0x7F, s13;
	s14 =	sadd.s32 s20, s14  }
0x10: {  	s19 =	sshra.s32 s19, $0x2;
	v59 =	vld [tilespmem:s18+$0xFFFFFFF0];
	[tilespmem:s17+$0x3060 ss:$0x81] =	vst.msk $0xffff, v2;
	s13 =	sor.u32 s30, s14  }
0x11: {  	v60 =	vld [tilespmem:s18+$0x0];
	[tilespmem:s17+$0x0 ss:$0x81] =	vst.msk $0xffff, v0;
	s16 =	sadd.s32 s19, s16;
	s31 =	smulhi.u32 $0xDFAC1F75, s13  }
0x12: {  	v61 =	vld [tilespmem:s18+$0x10];
	[tilespmem:s16+$0x3870 ss:$0x81] =	vst.msk $0xffff, v1  }
0x13: {  	v62 =	vld [tilespmem:s18+$0x20];
	s14 =	smulhi.u32 $0xDFAC1F75, s14;
	[tilespmem:s16+$0x810 ss:$0x81] =	vst.msk $0xffff, v5;
	s17 =	sshrl.u32 s31, $0x11  }
0x14: {  	v63 =	vld [tilespmem:s18+$0xFFFFFFC0];
	[tilespmem:s16+$0x1020 ss:$0x81] =	vst.msk $0xffff, v58;
	s17 =	smul.u32 $0x24A00, s17  }
0x15: {  	[tilespmem:s16+$0x1830 ss:$0x81] =	vst.msk $0xffff, v59;
	s14 =	sshrl.u32 s14, $0x11  }
0x16: {  	[tilespmem:s16+$0x2040 ss:$0x81] =	vst.msk $0xffff, v60;
	s14 =	sand.u32 $0xFF, s14;
	s13 =	ssub.s32 s13, s17  }
0x17: {  	[tilespmem:s16+$0x2850 ss:$0x81] =	vst.msk $0xffff, v61;
	s14 =	smul.u32 $0x4940, s14;
	s17 =	sshrl.u32 s13, $0x3;
	s13 =	sand.u32 $0x7, s13  }
0x18: {  	[tilespmem:s16+$0x3060 ss:$0x81] =	vst.msk $0xffff, v62;
	s17 =	sadd.s32 s7, s17;
	s13 =	sshll.u32 s13, $0x12  }
0x19: {  	[tilespmem:s16+$0x0 ss:$0x81] =	vst.msk $0xffff, v63;
	s14 =	sadd.s32 s14, s17;
	s13 =	sor.u32 $0x400, s13  }
0x1a: {  	[hbm4b:s14+s13] =	stream.strided.scatter [tilespmem:s15], [sflag:$0x2], $0x4000, s10, s13, $0x20;
	[tilespmem:$0x10100] =	vst v63  }
.LBB1_5:
0x1b: {  	s15 =	sadd.s32 $0x800, s11  }
0x1c: {  	p2 =	sgt.s32 s15, $0x249EF  }
0x1d: {  	s15 =	smov.u32 @p2 s3;
	p2 =	sne.s32 s12, s9  }
.Ltmp1:
0x1e: {  	p1 =	slt.u32 s12, $0x2;
	(pc) =	sbr.rel @!p2 .LBB1_6-.Ltmp1, $4  }
0x1f: {  	s14 =	simm.s32 @!p1 $0x2  }
0x20: {  	s16 =	sadd.s32 $0x1, s12;
	s13 =	smov.u32 s11;
	_ =	swait.ge @!p1 [sflag:s14], $0x4000  }
0x21: {  	p0 =	por !p0, !p0;
	s12 =	smov.u32 s16;
	[sflag:s14] =	ssyncset.done @!p1 $0x0  }
0x22: {  	s11 =	smov.u32 s15;
	[sflag:s14] =	ssyncadd.s32 @!p1 $0xFFFFC000;
	s14 =	smov.u32 s2  }
.LBB1_1:
0x23: {  	p1 =	sge.u32 s12, s6  }
0x24: {  	s15 =	sshll.u32 @!p1 s11, $0x8  }
0x25: {  	s16 =	sshll.u32 @!p1 s11, $0x7;
	s15 =	sand.u32 @!p1 $0xFFFFF800, s15  }
0x26: {  	s16 =	sand.u32 @!p1 $0x300, s16;
	s15 =	sor.u32 @!p1 s8, s15  }
0x27: {  	s15 =	sor.u32 @!p1 s16, s15  }
0x28: {  	s17 =	smov.u32 s11;
	p2 =	sgt.s32 @!p1 s11, $0x24970;
	s15 =	sshrl.u32 @!p1 s15, $0x8  }
0x29: {  	s18 =	sshra.s32 @!p1 s11, $0x1F;
	p2 =	por !p2, p1;
	s16 =	smulhi.u32 @!p1 $0x1BF6477, s15  }
0x2a: {  	s31 =	sadd.s32 $0xFFFFFFFF, s12;
	s18 =	sand.u32 @!p1 s18, s11;
	s17 =	simm.s32 @p2 $0x24970  }
0x2b: {  	s19 =	sxor.u32 @!p1 $0xFFFFFFFF, s12;
	s17 =	ssub.s32 @!p1 s17, s18;
	s16 =	sshrl.u32 @!p1 s16, $0xA  }
0x2c: {  	s18 =	sshll.u32 @!p1 s19, $0xE;
	s17 =	sadd.s32 @!p1 $0xFFFDB690, s17;
	s16 =	smul.u32 @!p1 $0x249F0, s16  }
0x2d: {  	s19 =	simm.s32 @!p1 $0x800;
	s18 =	sand.u32 @!p1 $0x4000, s18;
	p2 =	sgt.s32 @!p1 s17, $0x7F  }
0x2e: {  	s15 =	ssub.s32 @!p1 s15, s16;
	s16 =	sshll.u32 @!p1 s17, $0x7;
	s17 =	sshll.u32 @!p1 s11, $0x4  }
0x2f: {  	p2 =	por !p2, p1;
	s16 =	ssub.s32 @!p1 $0x4000, s16;
	s17 =	sand.u32 @!p1 $0x10, s17  }
0x30: {  	s15 =	sshll.u32 @!p1 s15, $0x5;
	s16 =	sand.u32 @!p1 $0x3FFFFF80, s16;
	s17 =	sadd.s32 @!p1 s4, s17  }
0x31: {  	s16 =	simm.s32 @!p2 $0x0;
	s15 =	sadd.s32 @!p1 s15, s17;
	s17 =	simm.s32 @!p1 $0x400  }
0x32: {  	[tilespmem:s18], [sflag:$0x1] =	stream.strided.gather @!p1 [hbm4b:s15+s17], s16, s19, s17, $0x38;
	[tilespmem:$0x10100] =	vst v63  }
0x33: {  	p1 =	sge.u32 s31, s6  }
.Ltmp2:
0x34: {  	_ = 	snop;
	(pc) =	sbr.rel @p1 .LBB1_5-.Ltmp2, $1  }
0x35: {  	_ =	sdelay $0x3  }
0x36: {  	p1 =	sgt.s32 s13, $0x24970;
	s15 =	smov.u32 s13;
	s16 =	sshra.s32 s13, $0x1F  }
0x37: {  	s15 =	simm.s32 @!p1 $0x24970;
	s16 =	sand.u32 s16, s13  }
0x38: {  	s15 =	ssub.s32 s15, s16  }
0x39: {  	s15 =	sadd.s32 $0xFFFDB690, s15  }
0x3a: {  	s29 =	sshll.u32 s15, $0x7  }
0x3b: {  	s16 =	ssub.s32 $0x4000, s29  }
0x3c: {  	p1 =	sgt.s32 s15, $0x7F;
	s15 =	sand.u32 $0x3FFFFF80, s16  }
0x3d: {  	s16 =	simm.s32 $0x1;
	s15 =	simm.s32 @p1 $0x0  }
0x3e: {  	s16 =	simm.s32 @!p0 $0x0;
	_ =	swait.ge [sflag:s5], s15  }
0x3f: {  	s17 =	sshll.u32 s16, $0xE;
	s15 =	ssub.s32 $0x0, s15;
	[sflag:s5] =	ssyncset.done $0x0  }
0x40: {  	s18 =	sor.u32 $0x40, s17;
	[sflag:s5] =	ssyncadd.s32 s15  }
0x41: {  	s30 =	smul.u32 $0x10200, s16;
	v0 =	vld [tilespmem:s18+$0x30]  }
0x42: {  	v1 =	vld [tilespmem:s18+$0xFFFFFFD0]  }
0x43: {  	s15 =	sshrl.u32 s30, $0x2;
	v5 =	vld [tilespmem:s18+$0xFFFFFFE0]  }
0x44: {  	s16 =	sor.u32 $0x8000, s15;
	v6 =	vld [tilespmem:s18+$0xFFFFFFF0]  }
0x45: {  	s31 =	sand.u32 $0x1, s12;
	v4 =	vld [tilespmem:s18+$0x0];
	s17 =	sadd.s32 $0x0, s16  }
0x46: {  	s15 =	smul.u32 $0x10200, s31;
	v3 =	vld [tilespmem:s18+$0x10];
	[tilespmem:s17+$0x3870 ss:$0x81] =	vst.msk $0xffff, v0  }
0x47: {  	v2 =	vld [tilespmem:s18+$0x20];
	[tilespmem:s17+$0x810 ss:$0x81] =	vst.msk $0xffff, v1  }
0x48: {  	s15 =	sshrl.u32 s15, $0x2;
	v0 =	vld [tilespmem:s18+$0xFFFFFFC0];
	[tilespmem:s17+$0x1020 ss:$0x81] =	vst.msk $0xffff, v5;
	s18 =	sadd.s32 $0x80, s18  }
0x49: {  	s19 =	simm.s32 $0x4;
	s20 =	simm.s32 $0x8;
	s15 =	sor.u32 $0x8000, s15;
	[tilespmem:s17+$0x1830 ss:$0x81] =	vst.msk $0xffff, v6;
	v1 =	vld [tilespmem:s18+$0x30]  }
.LBB1_3:
0x4a: {  	p1 =	sne.s32 s20, $0x1FC;
	v5 =	vld [tilespmem:s18+$0xFFFFFFD0];
	[tilespmem:s17+$0x2040 ss:$0x81] =	vst.msk $0xffff, v4  }
0x4b: {  	v6 =	vld [tilespmem:s18+$0xFFFFFFE0];
	[tilespmem:s17+$0x2850 ss:$0x81] =	vst.msk $0xffff, v3  }
0x4c: {  	s21 =	sshra.s32 s19, $0x2;
	s19 =	smov.u32 s20;
	v7 =	vld [tilespmem:s18+$0xFFFFFFF0];
	[tilespmem:s17+$0x3060 ss:$0x81] =	vst.msk $0xffff, v2  }
.Ltmp3:
0x4d: {  	v4 =	vld [tilespmem:s18+$0x0];
	[tilespmem:s17+$0x0 ss:$0x81] =	vst.msk $0xffff, v0;
	s17 =	sadd.s32 s21, s16;
	(pc) =	sbr.rel @p1 .LBB1_3-.Ltmp3, $4  }
0x4e: {  	v3 =	vld [tilespmem:s18+$0x10];
	[tilespmem:s17+$0x3870 ss:$0x81] =	vst.msk $0xffff, v1  }
0x4f: {  	[tilespmem:s17+$0x810 ss:$0x81] =	vst.msk $0xffff, v5;
	v2 =	vld [tilespmem:s18+$0x20]  }
0x50: {  	v0 =	vld [tilespmem:s18+$0xFFFFFFC0];
	[tilespmem:s17+$0x1020 ss:$0x81] =	vst.msk $0xffff, v6;
	s18 =	sadd.s32 $0x80, s18  }
0x51: {  	s20 =	sadd.s32 $0x4, s20;
	v1 =	vld [tilespmem:s18+$0x30];
	[tilespmem:s17+$0x1830 ss:$0x81] =	vst.msk $0xffff, v7  }
.Ltmp4:
0x52: {  	_ = 	snop;
	(pc) =	sbr.rel .LBB1_4-.Ltmp4, $1  }
0x53: {  	_ =	sdelay $0x3  }
.LBB1_6:
0x54: {  	_ =	sfence.sel $0x180000  }
0x55: {  	s2 =	simm.s32 $0x1;
	[bflag:$0x0] =	sbarrier.arrive $0xFFFF  }
0x56: {  	s31 =	simm.s32 $0x2;
	[sflag:s2] =	ssyncpa.u1 $0x1  }
0x57: {  	[sflag:s31] =	ssyncpa.u1 $0x1  }
0x58: {  	p0 =	sne.s32 s1, $0x0;
	_ =	strace $0x90000047  }
0x59: {  	s0 =	sadd.s32 @!p0 $0x100000, s0;
	[bflag:$0x2] =	sbarrier.arrive $0xFFFF  }
0x5a: {  	[sflag:s0] =	ssyncadd.tile.s32 @!p0 $0x1;
	_ =	shalt  }
.Lfunc_end1:
_tile_overlayer_lowered:
.L_overlay_start_2:
0x5b: {  	(tag) =	ssettag $0x2  }
0x5c: {  	s0 =	rddreg [dreg:$0x0];
	s2 =	stileid.u32  }
0x5d: {  	s1 =	rddreg [dreg:$0x1];
	p0 =	sne.s32 s2, $0x0  }
0x5e: {  	s3 =	rddreg [dreg:$0x2];
	[bflag:$0x3] =	sbarrier.arrive $0xFFFF;
	s2 =	simm.s32 @!p0 $0x1C01  }
0x5f: {  	[timem:s3], [sflag:s2] =	dma.local @!p0 [hbm:s0], s1  }
0x60: {  	s0 =	simm.s32 @!p0 $0x1  }
0x61: {  	_ =	swait.ge @!p0 [sflag:s0], s1  }
0x62: {  	s1 =	ssub.s32 @!p0 $0x0, s1;
	[sflag:s0] =	ssyncset.done @!p0 $0x0  }
0x63: {  	[sflag:s0] =	ssyncadd.s32 @!p0 s1  }
0x64: {  	[bflag:$0x3] =	sbarrier.arrive $0xFFFF  }
0x65: {  	_ =	shalt  }

// kernel: sparse-core-data-format-call.6.cloned.1.call-start
scs
called_computation.9_lowered:
.L_overlay_start_0:
0x0: {  	s2 =	sld [smem:$0x3FD9]  }
0x1: {  	s3 =	sld [smem:$0x3FFE];
	_ =	sdelay $0x1  }
0x2: {  	s1 =	srdreg.scid  }
0x3: {  	s0 =	sand.u32 $0x1, s1  }
0x4: {  	s18 =	sshll.u32 s0, $0xA;
	s2 =	sadd.s32 s3, s2  }
0x5: {  	s2 =	sadd.s32 s2, s18  }
0x6: {  	[smem:$0x3F9C] =	sst s2  }
0x7: {  	_ = 	snop  }
0x8: {  	(tm) =	ssettm $0x1  }
0x9: {  	s19 =	sld [smem:$0x3FFB];
	_ =	sdelay $0x3  }
0xa: {  	_ =	strace s19  }
0xb: {  	s2 =	sld [smem:$0x3FFC];
	_ =	sdelay $0x3  }
0xc: {  	_ =	strace s2  }
0xd: {  	s2 =	sld [smem:$0x3FFD];
	_ =	sdelay $0x3  }
0xe: {  	_ =	strace s2  }
0xf: {  	_ =	strace $0x8FFFFFFF  }
0x10: {  	s20 =	sld [smem:$0x3FDB];
	_ =	sdelay $0x1  }
0x11: {  	s21 =	simm.s32 $_scs_section_size  }
0x12: {  	s4 =	simm.s32 $_size__tile_overlayer_lowered;
	s5 =	simm.s32 $_tile_overlayer_lowered  }
0x13: {  	s6 =	simm.s32 $0x1BFF;
	s22 =	sshll.u32 s5, $0x1;
	s3 =	sadd.s32 s21, s20  }
0x14: {  	s23 =	simm.s32 $0x0;
	s4 =	sshll.u32 s4, $0x1;
	s5 =	sadd.s32 s22, s3  }
0x15: {  	[timem:s23], [sflag:s6] =	dma.local [hbm:s5], s4  }
0x16: {  	_ =	swait.ge [sflag:s6], s4  }
0x17: {  	s4 =	ssub.s32 $0x0, s4;
	[sflag:s6] =	ssyncset.done $0x0  }
0x18: {  	[sflag:s6] =	ssyncadd.s32 s4;
	_ =	sdelay $0x1  }
0x19: {  	s24 =	simm.s32 $0x1B8B  }
0x1a: {  	_ =	swait.ge [sflag:s24], $0x1  }
0x1b: {  	[sflag:s24] =	ssyncset.done $0x0  }
0x1c: {  	[sflag:s24] =	ssyncadd.s32 $0xFFFFFFFF  }
0x1d: {  	s4 =	sld [smem:$0x0]  }
0x1e: {  	s5 =	sand.u32 $0xFFFFFFFE, s1  }
0x1f: {  	p0 =	sne.s32 s1, s5  }
0x20: {  	s5 =	sshll.u32 @p0 s5, $0xE  }
0x21: {  	s5 =	sadd.s32 @p0 $0x11B8D, s5;
	s6 =	sshll.u32 @p0 s4, $0x11  }
0x22: {  	s5 =	sor.u32 @p0 s6, s5  }
0x23: {  	[sflag:s5] =	ssyncadd.remote.s32 @p0 $0x1;
	_ =	sdelay $0x1  }
0x24: {  	s5 =	simm.s32 @p0 $0x1B8D  }
0x25: {  	_ =	swait.eq @p0 [sflag:s5], $0x1  }
0x26: {  	[sflag:s5] =	ssyncadd.s32 @p0 $0xFFFFFFFF  }
0x27: {  	s6 =	sshll.u32 @!p0 s1, $0xE  }
0x28: {  	s6 =	sor.u32 @!p0 $0x4000, s6;
	s5 =	simm.s32 @!p0 $0x1B8D  }
0x29: {  	s4 =	sshll.u32 @!p0 s4, $0x11;
	s6 =	sadd.s32 @!p0 $0x11B8D, s6;
	_ =	swait.eq @!p0 [sflag:s5], $0x1  }
0x2a: {  	s4 =	sor.u32 @!p0 s4, s6;
	[sflag:s5] =	ssyncadd.s32 @!p0 $0xFFFFFFFF  }
0x2b: {  	s26 =	simm.s32 $0x1B8E;
	s25 =	sld [smem:$0x3FFE];
	[sflag:s4] =	ssyncadd.remote.s32 @!p0 $0x1  }
0x2c: {  	s27 =	simm.s32 $execute0_lowered;
	[smem:$0x3FD2] =	sst s26  }
0x2d: {  	s5 =	sshll.u32 s27, $0x1;
	_ =	strace $0x8000005B;
	[dreg:$0x1] =	wrdreg $0xFFFFFFFF  }
0x2e: {  	s28 =	simm.s32 $_size_execute0_lowered;
	s3 =	sadd.s32 s3, s5;
	[dreg:$0x0] =	wrdreg $0x0  }
0x2f: {  	s5 =	sshll.u32 s28, $0x1;
	[dreg:$0x2] =	wrdreg s3  }
0x30: {  	[dreg:$0x3] =	wrdreg s5  }
0x31: {  	[dreg:$0x4] =	wrdreg $0xC0  }
0x32: {  	_ =	task [dreg:s23], $0x5FFFF  }
0x33: {  	[dreg:$0x1] =	wrdreg $0xFFFFFFFF  }
0x34: {  	[dreg:$0x0] =	wrdreg $0x60  }
0x35: {  	[dreg:$0x2] =	wrdreg s25  }
0x36: {  	[dreg:$0x3] =	wrdreg $0xD  }
0x37: {  	_ =	task.clear_ibuf [dreg:s23], $0x4FFFF;
	_ =	strace $0x9000005B  }
0x38: {  	s29 =	simm.s32 $0xD;
	_ =	strace $0x8000005D  }
0x39: {  	_ =	swait.ge [sflag:s29], $0x1  }
0x3a: {  	[sflag:s29] =	ssyncadd.s32 $0xFFFFFFFF  }
0x3b: {  	_ =	strace $0x9000005D  }
0x3c: {  	_ =	sfence  }
0x3d: {  	s30 =	sld [smem:$0x0];
	_ =	sdelay $0x2  }
0x3e: {  	s31 =	sshll.u32 s1, $0xD;
	s1 =	sshrl.u32 s1, $0x2  }
0x3f: {  	s4 =	sand.u32 $0x4000, s31;
	s1 =	sadd.s32 s1, s30  }
0x40: {  	s0 =	sor.u32 s4, s0;
	s1 =	sshll.u32 s1, $0x11  }
0x41: {  	s0 =	sor.u32 s1, s0  }
0x42: {  	s0 =	sadd.s32 $0x8F2B, s0  }
0x43: {  	[sflag:s0] =	ssyncadd.remote.s32 $0x1  }
0x44: {  	_ =	sfence.sel $0xFFFF  }
0x45: {  	[dreg:$0x0] =	wrdreg $0xFFFFFFFF;
	(pc) =	sbr.abs _section_cstart, $3  }
0x46: {  	[dreg:$0x1] =	wrdreg $0xFFFFFFFF  }
0x47: {  	_ =	task.clear_ibuf [dreg:s23], $0x2FFFF;
	_ =	strace $0x9FFFFFFF  }
0x48: {  	(tm) =	ssettm $0x7FFFFFFF  }
0x49: {  	_ =	shalt  }
tec
execute0_lowered:
.L_overlay_start_1:
0x0: {  	(tag) =	ssettag $0x1  }
0x1: {  	s3 =	rddreg [dreg:$0x0];
	s1 =	stileid.u32  }
0x2: {  	s2 =	srdreg.scid;
	s0 =	rddreg [dreg:$0x1];
	_ =	strace $0x8000005C  }
0x3: {  	s6 =	simm.s32 $0x1;
	s8 =	simm.s32 $0x2;
	s18 =	simm.s32 $0x0  }
0x4: {  	p0 =	por $0x0, $0x0;
	s9 =	simm.s32 $0x200;
	s17 =	simm.s32 $0x0  }
0x5: {  	s19 =	simm.s32 $0x0;
	s10 =	simm.s32 $0x0;
	s11 =	simm.s32 $0x0  }
0x6: {  	s12 =	simm.s32 $0x0;
	s4 =	sshll.u32 s1, $0x6;
	s5 =	sshll.u32 s2, $0xA  }
.Ltmp0:
0x7: {  	s14 =	simm.s32 $0x0;
	s4 =	sor.u32 s4, s5;
	(pc) =	sbr.rel .LBB1_1-.Ltmp0, $4  }
0x8: {  	s16 =	simm.s32 $0x0;
	s2 =	sadd.s32 $0x62AC00, s3;
	s4 =	sand.u32 $0x700, s4  }
0x9: {  	s3 =	sadd.s32 $0x2265A00, s3;
	[sflag:s6] =	ssyncpa.u1 $0x0;
	s7 =	ssub.s32 $0x24900, s4  }
0xa: {  	s5 =	sand.u32 $0x3, s1;
	[sflag:s8] =	ssyncpa.u1 $0x0;
	s7 =	sshrl.u32 s7, $0xB  }
0xb: {  	s15 =	smov.u32 s5;
	s13 =	smov.u32 s4;
	s8 =	sor.u32 $0x2, s7  }
.LBB1_5:
0xc: {  	p1 =	slt.u32 s16, $0x2;
	s21 =	smov.u32 s19  }
0xd: {  	p2 =	sgt.s32 @!p1 s18, $0x248F0;
	s20 =	sshra.s32 @!p1 s18, $0x1F;
	p3 =	sgt.s32 @!p1 s19, $0x3  }
0xe: {  	s22 =	sshra.s32 @!p1 s19, $0x1F;
	p2 =	por !p2, p1;
	s20 =	sand.u32 @!p1 s20, s18  }
0xf: {  	p3 =	por !p3, p1;
	s19 =	sand.u32 @!p1 s22, s19;
	s22 =	sshra.s32 @!p1 s17, $0x1F  }
0x10: {  	s21 =	simm.s32 @p3 $0x3;
	p3 =	sgt.s32 @!p1 s17, $0x40;
	s18 =	simm.s32 @p2 $0x248F0  }
0x11: {  	s19 =	ssub.s32 @!p1 s21, s19;
	p3 =	por !p3, p1;
	s21 =	smov.u32 s17  }
0x12: {  	s17 =	sand.u32 @!p1 s22, s17;
	s18 =	ssub.s32 @!p1 s18, s20;
	s21 =	simm.s32 @p3 $0x40  }
0x13: {  	s20 =	sadd.s32 @!p1 $0xFFFFFFFD, s19;
	s19 =	ssub.s32 @!p1 $0x4, s19;
	s17 =	ssub.s32 @!p1 s21, s17  }
0x14: {  	s21 =	sadd.s32 @!p1 $0xFFFDB710, s18;
	p2 =	sgt.s32 @!p1 s20, $0x0;
	s20 =	sadd.s32 @!p1 $0xFFFFFFC0, s17  }
0x15: {  	s18 =	ssub.s32 @!p1 $0x249F0, s18;
	p2 =	por !p2, p1;
	p3 =	sgt.s32 @!p1 s20, $0x3F  }
0x16: {  	s17 =	ssub.s32 @!p1 $0x80, s17;
	s19 =	simm.s32 @!p2 $0x0;
	p2 =	por !p3, p1  }
0x17: {  	s20 =	sadd.s32 $0x800, s13;
	p3 =	sgt.s32 @!p1 s21, $0xFF;
	s17 =	simm.s32 @!p2 $0x0  }
0x18: {  	s21 =	smov.u32 s14;
	p2 =	por !p3, p1;
	s17 =	smul.u32 @!p1 s19, s17  }
0x19: {  	s18 =	simm.s32 @!p2 $0x0;
	p2 =	sgt.s32 s20, $0x249EF;
	s19 =	sadd.s32 $0x40, s14  }
0x1a: {  	s22 =	smov.u32 s15;
	s21 =	smov.u32 @p2 s19  }
0x1b: {  	s17 =	smul.u32 @!p1 s18, s17;
	p3 =	sgt.s32 s21, $0x3F;
	s18 =	sadd.s32 $0x4, s15  }
0x1c: {  	p0 =	por !p0, !p0;
	s23 =	simm.s32 @!p1 $0x2;
	s22 =	smov.u32 @p3 s18  }
0x1d: {  	s20 =	smov.u32 @p2 s4;
	s19 =	smov.u32 s12;
	p2 =	sgt.s32 s22, $0x3  }
0x1e: {  	s12 =	smov.u32 s15;
	s22 =	smov.u32 @p2 s5;
	p2 =	sne.s32 s16, s8  }
.Ltmp1:
0x1f: {  	s21 =	simm.s32 @p3 $0x0;
	s18 =	smov.u32 s10;
	(pc) =	sbr.rel @!p2 .LBB1_6-.Ltmp1, $4  }
0x20: {  	s10 =	smov.u32 s13;
	s13 =	smov.u32 s20;
	s17 =	sand.u32 @!p1 $0x3FFFFFFF, s17  }
0x21: {  	_ =	swait.ge @!p1 [sflag:s23], s17;
	s24 =	ssub.s32 @!p1 $0x0, s17;
	s17 =	smov.u32 s11  }
0x22: {  	s16 =	sadd.s32 $0x1, s16;
	s11 =	smov.u32 s14;
	[sflag:s23] =	ssyncset.done @!p1 $0x0  }
0x23: {  	s14 =	smov.u32 s21;
	s15 =	smov.u32 s22;
	[sflag:s23] =	ssyncadd.s32 @!p1 s24  }
.LBB1_1:
0x24: {  	p1 =	sgt.u32 s16, s7  }
0x25: {  	s20 =	sshrl.u32 @!p1 s14, $0x3  }
0x26: {  	s21 =	sshll.u32 @!p1 s13, $0x3;
	s20 =	smul.u32 @!p1 $0x125000, s20  }
0x27: {  	s22 =	sshll.u32 @!p1 s14, $0x7;
	s21 =	sand.u32 @!p1 $0xFFFFFC00, s21  }
0x28: {  	s20 =	sadd.s32 @!p1 s20, s21;
	s21 =	sand.u32 @!p1 $0x380, s22  }
0x29: {  	s22 =	sand.u32 @!p1 $0x7F, s13;
	s20 =	sor.u32 @!p1 s21, s20  }
0x2a: {  	s21 =	sor.u32 @!p1 s22, s20  }
0x2b: {  	s22 =	smulhi.u32 @!p1 $0xDFAC1F75, s21  }
0x2c: {  	s20 =	smulhi.u32 @!p1 $0xDFAC1F75, s20  }
0x2d: {  	s22 =	sshrl.u32 @!p1 s22, $0x11  }
0x2e: {  	s20 =	sshrl.u32 @!p1 s20, $0x11;
	s22 =	smul.u32 @!p1 $0x24A00, s22  }
0x2f: {  	s23 =	sxor.u32 @!p1 $0xFFFFFFFF, s16;
	s24 =	smul.u32 @!p1 $0x125000, s15;
	s20 =	sand.u32 @!p1 $0x3F, s20  }
0x30: {  	s23 =	sshll.u32 @!p1 s23, $0xE;
	s20 =	smul.u32 @!p1 $0x4940, s20;
	s21 =	ssub.s32 @!p1 s21, s22  }
0x31: {  	s22 =	sand.u32 @!p1 $0x4000, s23;
	s23 =	sadd.s32 @!p1 s2, s24;
	s24 =	sand.u32 @!p1 $0x7, s21  }
0x32: {  	s21 =	sshrl.u32 @!p1 s21, $0x3;
	s20 =	sadd.s32 @!p1 s20, s23;
	s23 =	sshll.u32 @!p1 s24, $0x12  }
0x33: {  	s20 =	sadd.s32 @!p1 s21, s20;
	s21 =	sor.u32 @!p1 $0x800, s23;
	s23 =	simm.s32 @!p1 $0x125000  }
0x34: {  	[tilespmem:s22], [sflag:$0x1] =	stream.strided.gather @!p1 [hbm4b:s20+s21], $0x4000, s23, s21, $0x38;
	[tilespmem:$0x10200] =	vst v63  }
0x35: {  	p1 =	seq.s32 s16, $0x0  }
0x36: {  	p2 =	sge.u32 @!p1 s16, s8  }
0x37: {  	p1 =	por p1, p2  }
.Ltmp2:
0x38: {  	_ = 	snop;
	(pc) =	sbr.rel @p1 .LBB1_5-.Ltmp2, $1  }
0x39: {  	_ =	sdelay $0x3  }
0x3a: {  	s23 =	simm.s32 $0x0  }
0x3b: {  	s22 =	sand.u32 $0x3800, s23;
	s24 =	sand.u32 $0x380, s23  }
0x3c: {  	s20 =	sand.u32 $0x1, s16;
	s22 =	sor.u32 s24, s22  }
0x3d: {  	_ =	swait.ge [sflag:s6], $0x4000;
	s21 =	sshll.u32 s20, $0xE;
	s24 =	sand.u32 $0x3B00, s22  }
0x3e: {  	[sflag:s6] =	ssyncset.done $0x0;
	s23 =	sand.u32 $0x80, s23;
	s24 =	sadd.s32 s24, s21  }
0x3f: {  	[sflag:s6] =	ssyncadd.s32 $0xFFFFC000;
	s26 =	sadd.s32 s23, s24  }
0x40: {  	v4 =	vld [tilespmem:s26+$0x400]  }
0x41: {  	s25 =	simm.s32 $0x1;
	v5 =	vld [tilespmem:s26+$0x0]  }
0x42: {  	s25 =	simm.s32 @!p0 $0x0;
	v6 =	vld [tilespmem:s26+$0x10]  }
0x43: {  	v0 =	vmov s21;
	s31 =	smul.u32 $0x10400, s25;
	v7 =	vld [tilespmem:s26+$0x20]  }
0x44: {  	v9 =	vld [tilespmem:s26+$0x30]  }
0x45: {  	s23 =	sshrl.u32 s31, $0x2;
	v10 =	vld [tilespmem:s26+$0x40]  }
0x46: {  	s23 =	sor.u32 $0x8000, s23;
	v11 =	vld [tilespmem:s26+$0x50]  }
0x47: {  	v8 =	vld [tilespmem:s26+$0x60];
	s24 =	sadd.s32 $0x0, s23  }
0x48: {  	v1 =	vld.idx.msk [tilespmem:v0+s22+$0x410 ss:$0x1], $0xffff;
	[tilespmem:s24+$0x2080 ss:$0x41] =	vst.msk $0xffff, v4  }
0x49: {  	v2 =	vld.idx.msk [tilespmem:v0+s22+$0x420 ss:$0x1], $0xffff;
	[tilespmem:s24+$0x0 ss:$0x41] =	vst.msk $0xffff, v5  }
0x4a: {  	v3 =	vld.idx.msk [tilespmem:v0+s22+$0x430 ss:$0x1], $0xffff;
	[tilespmem:s24+$0x410 ss:$0x41] =	vst.msk $0xffff, v6  }
0x4b: {  	s20 =	smul.u32 $0x10400, s20;
	[tilespmem:s24+$0x820 ss:$0x41] =	vst.msk $0xffff, v7;
	v7 =	vld [tilespmem:s26+$0x70]  }
0x4c: {  	s27 =	simm.s32 $0x100;
	s28 =	simm.s32 $0x8;
	[tilespmem:s24+$0xC30 ss:$0x41] =	vst.msk $0xffff, v9;
	v4 =	vld.idx.msk [tilespmem:v0+s22+$0x440 ss:$0x1], $0xffff  }
0x4d: {  	s29 =	sand.u32 $0x3800, s27;
	s20 =	sshrl.u32 s20, $0x2;
	[tilespmem:s24+$0x1040 ss:$0x41] =	vst.msk $0xffff, v10;
	v5 =	vld.idx.msk [tilespmem:v0+s22+$0x450 ss:$0x1], $0xffff;
	s26 =	simm.s32 $0x80  }
0x4e: {  	s25 =	simm.s32 $0x4;
	s20 =	sor.u32 $0x8000, s20;
	[tilespmem:s24+$0x1450 ss:$0x41] =	vst.msk $0xffff, v11;
	v6 =	vld.idx.msk [tilespmem:v0+s22+$0x460 ss:$0x1], $0xffff;
	s30 =	sand.u32 $0x380, s26  }
.LBB1_3:
0x4f: {  	p1 =	sne.s32 s28, $0xFC;
	[tilespmem:s24+$0x1860 ss:$0x41] =	vst.msk $0xffff, v8;
	v8 =	vld.idx.msk [tilespmem:v0+s22+$0x470 ss:$0x1], $0xffff;
	s22 =	sor.u32 s30, s29  }
0x50: {  	s29 =	sand.u32 $0x3B00, s22;
	v9 =	vld.idx.msk [tilespmem:v0+s22+$0x410 ss:$0x1], $0xffff;
	[tilespmem:s24+$0x1C70 ss:$0x41] =	vst.msk $0xffff, v7  }
0x51: {  	s30 =	sand.u32 $0x80, s26;
	s29 =	sadd.s32 s29, s21;
	v7 =	vld.idx.msk [tilespmem:v0+s22+$0x420 ss:$0x1], $0xffff;
	[tilespmem:s24+$0x2490 ss:$0x41] =	vst.msk $0xffff, v1  }
0x52: {  	s29 =	sadd.s32 s30, s29;
	v10 =	vld.idx.msk [tilespmem:v0+s22+$0x430 ss:$0x1], $0xffff;
	[tilespmem:s24+$0x28A0 ss:$0x41] =	vst.msk $0xffff, v2  }
0x53: {  	v11 =	vld [tilespmem:s29+$0x400];
	[tilespmem:s24+$0x2CB0 ss:$0x41] =	vst.msk $0xffff, v3  }
0x54: {  	v12 =	vld [tilespmem:s29+$0x0];
	[tilespmem:s24+$0x30C0 ss:$0x41] =	vst.msk $0xffff, v4  }
0x55: {  	v4 =	vld [tilespmem:s29+$0x10];
	[tilespmem:s24+$0x34D0 ss:$0x41] =	vst.msk $0xffff, v5  }
0x56: {  	s30 =	sshra.s32 s25, $0x2;
	s25 =	smov.u32 s28;
	v1 =	vmov v9;
	v5 =	vld [tilespmem:s29+$0x20];
	[tilespmem:s24+$0x38E0 ss:$0x41] =	vst.msk $0xffff, v6  }
0x57: {  	v2 =	vmov v7;
	v6 =	vld [tilespmem:s29+$0x30];
	[tilespmem:s24+$0x3CF0 ss:$0x41] =	vst.msk $0xffff, v8;
	s24 =	sadd.s32 s30, s23  }
0x58: {  	v3 =	vmov v10;
	v9 =	vld [tilespmem:s29+$0x40];
	[tilespmem:s24+$0x2080 ss:$0x41] =	vst.msk $0xffff, v11  }
0x59: {  	[tilespmem:s24+$0x0 ss:$0x41] =	vst.msk $0xffff, v12;
	v10 =	vld [tilespmem:s29+$0x50]  }
.Ltmp3:
0x5a: {  	[tilespmem:s24+$0x410 ss:$0x41] =	vst.msk $0xffff, v4;
	v8 =	vld [tilespmem:s29+$0x60];
	(pc) =	sbr.rel @p1 .LBB1_3-.Ltmp3, $4  }
0x5b: {  	[tilespmem:s24+$0x820 ss:$0x41] =	vst.msk $0xffff, v5;
	v7 =	vld [tilespmem:s29+$0x70]  }
0x5c: {  	[tilespmem:s24+$0xC30 ss:$0x41] =	vst.msk $0xffff, v6;
	v4 =	vld.idx.msk [tilespmem:v0+s22+$0x440 ss:$0x1], $0xffff  }
0x5d: {  	s26 =	sadd.s32 $0x80, s26;
	s27 =	sadd.s32 $0x100, s27;
	[tilespmem:s24+$0x1040 ss:$0x41] =	vst.msk $0xffff, v9;
	v5 =	vld.idx.msk [tilespmem:v0+s22+$0x450 ss:$0x1], $0xffff  }
0x5e: {  	s28 =	sadd.s32 $0x4, s28;
	s30 =	sand.u32 $0x380, s26;
	s29 =	sand.u32 $0x3800, s27;
	[tilespmem:s24+$0x1450 ss:$0x41] =	vst.msk $0xffff, v10;
	v6 =	vld.idx.msk [tilespmem:v0+s22+$0x460 ss:$0x1], $0xffff  }
0x5f: {  	_ =	sdelay $0x3  }
0x60: {  	s27 =	sor.u32 s30, s29;
	v47 =	vld.idx.msk [tilespmem:v0+s22+$0x470 ss:$0x1], $0xffff  }
0x61: {  	v57 =	vld.idx.msk [tilespmem:v0+s27+$0x410 ss:$0x1], $0xffff  }
0x62: {  	v58 =	vld.idx.msk [tilespmem:v0+s27+$0x420 ss:$0x1], $0xffff  }
0x63: {  	[tilespmem:s24+$0x1860 ss:$0x41] =	vst.msk $0xffff, v8;
	v59 =	vld.idx.msk [tilespmem:v0+s27+$0x430 ss:$0x1], $0xffff  }
0x64: {  	[tilespmem:s24+$0x2490 ss:$0x41] =	vst.msk $0xffff, v1;
	v60 =	vld.idx.msk [tilespmem:v0+s27+$0x440 ss:$0x1], $0xffff  }
0x65: {  	[tilespmem:s24+$0x28A0 ss:$0x41] =	vst.msk $0xffff, v2;
	s28 =	sand.u32 $0x3B00, s27;
	v61 =	vld.idx.msk [tilespmem:v0+s27+$0x450 ss:$0x1], $0xffff  }
0x66: {  	s26 =	sand.u32 $0x80, s26;
	[tilespmem:s24+$0x2CB0 ss:$0x41] =	vst.msk $0xffff, v3;
	v62 =	vld.idx.msk [tilespmem:v0+s27+$0x460 ss:$0x1], $0xffff;
	s21 =	sadd.s32 s28, s21  }
0x67: {  	[tilespmem:s24+$0x1C70 ss:$0x41] =	vst.msk $0xffff, v7;
	v63 =	vld.idx.msk [tilespmem:v0+s27+$0x470 ss:$0x1], $0xffff;
	s29 =	sadd.s32 s26, s21  }
0x68: {  	[tilespmem:s24+$0x30C0 ss:$0x41] =	vst.msk $0xffff, v4;
	v48 =	vld [tilespmem:s29+$0x400]  }
0x69: {  	[tilespmem:s24+$0x34D0 ss:$0x41] =	vst.msk $0xffff, v5;
	v49 =	vld [tilespmem:s29+$0x0]  }
0x6a: {  	s30 =	sshra.s32 s25, $0x2;
	v50 =	vld [tilespmem:s29+$0x10];
	[tilespmem:s24+$0x38E0 ss:$0x41] =	vst.msk $0xffff, v6  }
0x6b: {  	s21 =	sadd.s32 s30, s23;
	v51 =	vld [tilespmem:s29+$0x20];
	[tilespmem:s24+$0x3CF0 ss:$0x41] =	vst.msk $0xffff, v47  }
0x6c: {  	s31 =	sshra.s32 s10, $0x1F;
	v52 =	vld [tilespmem:s29+$0x30];
	[tilespmem:s21+$0x2490 ss:$0x41] =	vst.msk $0xffff, v57  }
0x6d: {  	p1 =	sgt.s32 s10, $0x248F0;
	s22 =	sand.u32 s31, s10;
	v53 =	vld [tilespmem:s29+$0x40];
	[tilespmem:s21+$0x28A0 ss:$0x41] =	vst.msk $0xffff, v58  }
0x6e: {  	s27 =	sand.u32 $0x7, s11;
	s28 =	sshra.s32 s12, $0x1F;
	s23 =	smov.u32 s10;
	v54 =	vld [tilespmem:s29+$0x50];
	[tilespmem:s21+$0x2CB0 ss:$0x41] =	vst.msk $0xffff, v59  }
0x6f: {  	s25 =	sand.u32 s28, s12;
	s26 =	smov.u32 s11;
	v55 =	vld [tilespmem:s29+$0x60];
	s23 =	simm.s32 @!p1 $0x248F0;
	[tilespmem:s21+$0x30C0 ss:$0x41] =	vst.msk $0xffff, v60  }
0x70: {  	p1 =	sgt.s32 s12, $0x3;
	v56 =	vld [tilespmem:s29+$0x70];
	s29 =	sshra.s32 s11, $0x1F;
	s24 =	smov.u32 s12;
	[tilespmem:s21+$0x34D0 ss:$0x41] =	vst.msk $0xffff, v61  }
0x71: {  	s22 =	ssub.s32 s23, s22;
	s24 =	simm.s32 @!p1 $0x3;
	p1 =	sgt.s32 s11, $0x40;
	[tilespmem:s21+$0x38E0 ss:$0x41] =	vst.msk $0xffff, v62  }
0x72: {  	s30 =	sand.u32 s29, s11;
	s29 =	sadd.s32 $0xFFFDB710, s22;
	[tilespmem:s21+$0x3CF0 ss:$0x41] =	vst.msk $0xffff, v63;
	s26 =	simm.s32 @!p1 $0x40  }
0x73: {  	s22 =	ssub.s32 $0x249F0, s22;
	s24 =	ssub.s32 s24, s25;
	s25 =	ssub.s32 s26, s30;
	[tilespmem:s21+$0x2080 ss:$0x41] =	vst.msk $0xffff, v48  }
0x74: {  	s31 =	sadd.s32 $0xFFFFFFFD, s24;
	s24 =	ssub.s32 $0x4, s24;
	[tilespmem:s21+$0x0 ss:$0x41] =	vst.msk $0xffff, v49;
	s28 =	sadd.s32 $0xFFFFFFC0, s25  }
0x75: {  	[tilespmem:s21+$0x410 ss:$0x41] =	vst.msk $0xffff, v50;
	p1 =	sgt.s32 s31, $0x0;
	s23 =	ssub.s32 $0x80, s25;
	p2 =	sgt.s32 s28, $0x3F  }
0x76: {  	s30 =	sshll.u32 s12, $0x4;
	[tilespmem:s21+$0x820 ss:$0x41] =	vst.msk $0xffff, v51;
	s24 =	simm.s32 @p1 $0x0;
	s23 =	simm.s32 @p2 $0x0  }
0x77: {  	s26 =	sshrl.u32 s11, $0x3;
	[tilespmem:s21+$0xC30 ss:$0x41] =	vst.msk $0xffff, v52;
	p1 =	sgt.s32 s29, $0xFF;
	s23 =	smul.u32 s24, s23  }
.Ltmp4:
0x78: {  	[tilespmem:s21+$0x1040 ss:$0x41] =	vst.msk $0xffff, v53;
	s22 =	simm.s32 @p1 $0x0;
	s24 =	sand.u32 $0x30, s30;
	(pc) =	sbr.rel .LBB1_5-.Ltmp4, $4  }
0x79: {  	[tilespmem:s21+$0x1450 ss:$0x41] =	vst.msk $0xffff, v54;
	s31 =	sshll.u32 s10, $0x6;
	s24 =	sadd.s32 s3, s24;
	s22 =	smul.u32 s22, s23  }
0x7a: {  	[tilespmem:s21+$0x1860 ss:$0x41] =	vst.msk $0xffff, v55;
	s25 =	sand.u32 $0xF, s26;
	s28 =	sshll.u32 s27, $0x12;
	s23 =	sadd.s32 s31, s24  }
0x7b: {  	[tilespmem:s21+$0x1C70 ss:$0x41] =	vst.msk $0xffff, v56;
	s31 =	sor.u32 $0x40, s28;
	s30 =	sadd.s32 s25, s23;
	s29 =	sand.u32 $0x3FFFFFFF, s22  }
0x7c: {  	[hbm4b:s30+s31] =	stream.strided.scatter [tilespmem:s20], [sflag:$0x2], s29, s9, s31, $0x18;
	[tilespmem:$0x10200] =	vst v63  }
.LBB1_6:
0x7d: {  	_ =	sfence.sel $0x180000  }
0x7e: {  	s2 =	simm.s32 $0x1;
	[bflag:$0x0] =	sbarrier.arrive $0xFFFF  }
0x7f: {  	s31 =	simm.s32 $0x2;
	[sflag:s2] =	ssyncpa.u1 $0x1  }
0x80: {  	[sflag:s31] =	ssyncpa.u1 $0x1  }
0x81: {  	p0 =	sne.s32 s1, $0x0;
	_ =	strace $0x9000005C  }
0x82: {  	s0 =	sadd.s32 @!p0 $0x100000, s0;
	[bflag:$0x2] =	sbarrier.arrive $0xFFFF  }
0x83: {  	[sflag:s0] =	ssyncadd.tile.s32 @!p0 $0x1;
	_ =	shalt  }
.Lfunc_end1:
_tile_overlayer_lowered:
.L_overlay_start_2:
0x84: {  	(tag) =	ssettag $0x2  }
0x85: {  	s0 =	rddreg [dreg:$0x0];
	s2 =	stileid.u32  }
0x86: {  	s1 =	rddreg [dreg:$0x1];
	p0 =	sne.s32 s2, $0x0  }
0x87: {  	s3 =	rddreg [dreg:$0x2];
	[bflag:$0x3] =	sbarrier.arrive $0xFFFF;
	s2 =	simm.s32 @!p0 $0x1C01  }
0x88: {  	[timem:s3], [sflag:s2] =	dma.local @!p0 [hbm:s0], s1  }
0x89: {  	s0 =	simm.s32 @!p0 $0x1  }
0x8a: {  	_ =	swait.ge @!p0 [sflag:s0], s1  }
0x8b: {  	s1 =	ssub.s32 @!p0 $0x0, s1;
	[sflag:s0] =	ssyncset.done @!p0 $0x0  }
0x8c: {  	[sflag:s0] =	ssyncadd.s32 @!p0 s1  }
0x8d: {  	[bflag:$0x3] =	sbarrier.arrive $0xFFFF  }
0x8e: {  	_ =	shalt  }

// kernel: sparse-core-data-format-call.7.cloned.1.call-start
scs
called_computation.10_lowered:
.L_overlay_start_0:
0x0: {  	s2 =	sld [smem:$0x3FD9]  }
0x1: {  	s3 =	sld [smem:$0x3FFE];
	_ =	sdelay $0x1  }
0x2: {  	s1 =	srdreg.scid  }
0x3: {  	s0 =	sand.u32 $0x1, s1  }
0x4: {  	s18 =	sshll.u32 s0, $0xA;
	s2 =	sadd.s32 s3, s2  }
0x5: {  	s2 =	sadd.s32 s2, s18  }
0x6: {  	[smem:$0x3F9C] =	sst s2  }
0x7: {  	_ = 	snop  }
0x8: {  	(tm) =	ssettm $0x1  }
0x9: {  	s19 =	sld [smem:$0x3FFB];
	_ =	sdelay $0x3  }
0xa: {  	_ =	strace s19  }
0xb: {  	s2 =	sld [smem:$0x3FFC];
	_ =	sdelay $0x3  }
0xc: {  	_ =	strace s2  }
0xd: {  	s2 =	sld [smem:$0x3FFD];
	_ =	sdelay $0x3  }
0xe: {  	_ =	strace s2  }
0xf: {  	_ =	strace $0x8FFFFFFF  }
0x10: {  	s20 =	sld [smem:$0x3FDB];
	_ =	sdelay $0x1  }
0x11: {  	s21 =	simm.s32 $_scs_section_size  }
0x12: {  	s4 =	simm.s32 $_size__tile_overlayer_lowered;
	s5 =	simm.s32 $_tile_overlayer_lowered  }
0x13: {  	s6 =	simm.s32 $0x1BFF;
	s22 =	sshll.u32 s5, $0x1;
	s3 =	sadd.s32 s21, s20  }
0x14: {  	s23 =	simm.s32 $0x0;
	s4 =	sshll.u32 s4, $0x1;
	s5 =	sadd.s32 s22, s3  }
0x15: {  	[timem:s23], [sflag:s6] =	dma.local [hbm:s5], s4  }
0x16: {  	_ =	swait.ge [sflag:s6], s4  }
0x17: {  	s4 =	ssub.s32 $0x0, s4;
	[sflag:s6] =	ssyncset.done $0x0  }
0x18: {  	[sflag:s6] =	ssyncadd.s32 s4;
	_ =	sdelay $0x1  }
0x19: {  	s24 =	simm.s32 $0x1B8B  }
0x1a: {  	_ =	swait.ge [sflag:s24], $0x1  }
0x1b: {  	[sflag:s24] =	ssyncset.done $0x0  }
0x1c: {  	[sflag:s24] =	ssyncadd.s32 $0xFFFFFFFF  }
0x1d: {  	s4 =	sld [smem:$0x0]  }
0x1e: {  	s5 =	sand.u32 $0xFFFFFFFE, s1  }
0x1f: {  	p0 =	sne.s32 s1, s5  }
0x20: {  	s5 =	sshll.u32 @p0 s5, $0xE  }
0x21: {  	s5 =	sadd.s32 @p0 $0x11B8D, s5;
	s6 =	sshll.u32 @p0 s4, $0x11  }
0x22: {  	s5 =	sor.u32 @p0 s6, s5  }
0x23: {  	[sflag:s5] =	ssyncadd.remote.s32 @p0 $0x1;
	_ =	sdelay $0x1  }
0x24: {  	s5 =	simm.s32 @p0 $0x1B8D  }
0x25: {  	_ =	swait.eq @p0 [sflag:s5], $0x1  }
0x26: {  	[sflag:s5] =	ssyncadd.s32 @p0 $0xFFFFFFFF  }
0x27: {  	s6 =	sshll.u32 @!p0 s1, $0xE  }
0x28: {  	s6 =	sor.u32 @!p0 $0x4000, s6;
	s5 =	simm.s32 @!p0 $0x1B8D  }
0x29: {  	s4 =	sshll.u32 @!p0 s4, $0x11;
	s6 =	sadd.s32 @!p0 $0x11B8D, s6;
	_ =	swait.eq @!p0 [sflag:s5], $0x1  }
0x2a: {  	s4 =	sor.u32 @!p0 s4, s6;
	[sflag:s5] =	ssyncadd.s32 @!p0 $0xFFFFFFFF  }
0x2b: {  	s26 =	simm.s32 $0x1B8E;
	s25 =	sld [smem:$0x3FFE];
	[sflag:s4] =	ssyncadd.remote.s32 @!p0 $0x1  }
0x2c: {  	s27 =	simm.s32 $execute0_lowered;
	[smem:$0x3FD2] =	sst s26  }
0x2d: {  	s5 =	sshll.u32 s27, $0x1;
	_ =	strace $0x8000004F;
	[dreg:$0x1] =	wrdreg $0xFFFFFFFF  }
0x2e: {  	s28 =	simm.s32 $_size_execute0_lowered;
	s3 =	sadd.s32 s3, s5;
	[dreg:$0x0] =	wrdreg $0x0  }
0x2f: {  	s5 =	sshll.u32 s28, $0x1;
	[dreg:$0x2] =	wrdreg s3  }
0x30: {  	[dreg:$0x3] =	wrdreg s5  }
0x31: {  	[dreg:$0x4] =	wrdreg $0xC0  }
0x32: {  	_ =	task [dreg:s23], $0x5FFFF  }
0x33: {  	[dreg:$0x1] =	wrdreg $0xFFFFFFFF  }
0x34: {  	[dreg:$0x0] =	wrdreg $0x60  }
0x35: {  	[dreg:$0x2] =	wrdreg s25  }
0x36: {  	[dreg:$0x3] =	wrdreg $0xC  }
0x37: {  	_ =	task.clear_ibuf [dreg:s23], $0x4FFFF;
	_ =	strace $0x9000004F  }
0x38: {  	s29 =	simm.s32 $0xC;
	_ =	strace $0x80000051  }
0x39: {  	_ =	swait.ge [sflag:s29], $0x1  }
0x3a: {  	[sflag:s29] =	ssyncadd.s32 $0xFFFFFFFF  }
0x3b: {  	_ =	strace $0x90000051  }
0x3c: {  	_ =	sfence  }
0x3d: {  	s30 =	sld [smem:$0x0];
	_ =	sdelay $0x2  }
0x3e: {  	s31 =	sshll.u32 s1, $0xD;
	s1 =	sshrl.u32 s1, $0x2  }
0x3f: {  	s4 =	sand.u32 $0x4000, s31;
	s1 =	sadd.s32 s1, s30  }
0x40: {  	s0 =	sor.u32 s4, s0;
	s1 =	sshll.u32 s1, $0x11  }
0x41: {  	s0 =	sor.u32 s1, s0  }
0x42: {  	s0 =	sadd.s32 $0x8F2B, s0  }
0x43: {  	[sflag:s0] =	ssyncadd.remote.s32 $0x1  }
0x44: {  	_ =	sfence.sel $0xFFFF  }
0x45: {  	[dreg:$0x0] =	wrdreg $0xFFFFFFFF;
	(pc) =	sbr.abs _section_cstart, $3  }
0x46: {  	[dreg:$0x1] =	wrdreg $0xFFFFFFFF  }
0x47: {  	_ =	task.clear_ibuf [dreg:s23], $0x2FFFF;
	_ =	strace $0x9FFFFFFF  }
0x48: {  	(tm) =	ssettm $0x7FFFFFFF  }
0x49: {  	_ =	shalt  }
tec
execute0_lowered:
.L_overlay_start_1:
0x0: {  	(tag) =	ssettag $0x1  }
0x1: {  	s0 =	srdreg.scid;
	s7 =	rddreg [dreg:$0x0]  }
0x2: {  	s1 =	stileid.u32;
	s31 =	simm.s32 $0x2;
	s14 =	simm.s32 $0x0  }
0x3: {  	p0 =	por $0x0, $0x0;
	s10 =	simm.s32 $0x125000;
	s2 =	sshll.u32 s0, $0x7  }
0x4: {  	s13 =	simm.s32 $0x0;
	s3 =	sshll.u32 s1, $0x7;
	s2 =	sand.u32 $0x80, s2  }
0x5: {  	s12 =	simm.s32 $0x0;
	s6 =	ssub.s32 $0x24980, s3;
	s5 =	ssub.s32 $0x100, s2  }
0x6: {  	s0 =	rddreg [dreg:$0x1];
	s6 =	sshrl.u32 s6, $0xB;
	s8 =	sshrl.u32 s5, $0x7  }
.Ltmp0:
0x7: {  	s9 =	sshrl.u32 s5, $0x8;
	s8 =	sand.u32 $0x1, s8;
	(pc) =	sbr.rel .LBB1_1-.Ltmp0, $4  }
0x8: {  	_ =	strace $0x80000050;
	s6 =	sadd.s32 $0x1, s6;
	s8 =	sadd.s32 s9, s8  }
0x9: {  	s4 =	sadd.s32 $0xDCBA00, s7;
	s5 =	simm.s32 $0x1;
	s6 =	smul.u32 s6, s8  }
0xa: {  	s7 =	sadd.s32 $0x193DA00, s7;
	s11 =	smov.u32 s3;
	[sflag:s5] =	ssyncpa.u1 $0x0  }
0xb: {  	[sflag:s31] =	ssyncpa.u1 $0x0;
	s8 =	sshll.u32 s2, $0x3;
	s9 =	sadd.s32 $0x1, s6  }
.LBB1_4:
0xc: {  	s14 =	sshrl.u32 s14, $0x3  }
0xd: {  	s20 =	sshll.u32 s13, $0x3;
	s14 =	smul.u32 $0x125000, s14  }
0xe: {  	v5 =	vld [tilespmem:s18+$0xFFFFFFD0];
	[tilespmem:s17+$0x2040 ss:$0x81] =	vst.msk $0xffff, v4;
	s20 =	sand.u32 $0xFFFFFC00, s20  }
0xf: {  	v58 =	vld [tilespmem:s18+$0xFFFFFFE0];
	[tilespmem:s17+$0x2850 ss:$0x81] =	vst.msk $0xffff, v3;
	s30 =	sand.u32 $0x7F, s13;
	s14 =	sadd.s32 s20, s14  }
0x10: {  	s19 =	sshra.s32 s19, $0x2;
	v59 =	vld [tilespmem:s18+$0xFFFFFFF0];
	[tilespmem:s17+$0x3060 ss:$0x81] =	vst.msk $0xffff, v2;
	s13 =	sor.u32 s30, s14  }
0x11: {  	v60 =	vld [tilespmem:s18+$0x0];
	[tilespmem:s17+$0x0 ss:$0x81] =	vst.msk $0xffff, v0;
	s16 =	sadd.s32 s19, s16;
	s31 =	smulhi.u32 $0xDFAC1F75, s13  }
0x12: {  	v61 =	vld [tilespmem:s18+$0x10];
	[tilespmem:s16+$0x3870 ss:$0x81] =	vst.msk $0xffff, v1  }
0x13: {  	v62 =	vld [tilespmem:s18+$0x20];
	s14 =	smulhi.u32 $0xDFAC1F75, s14;
	[tilespmem:s16+$0x810 ss:$0x81] =	vst.msk $0xffff, v5;
	s17 =	sshrl.u32 s31, $0x11  }
0x14: {  	v63 =	vld [tilespmem:s18+$0xFFFFFFC0];
	[tilespmem:s16+$0x1020 ss:$0x81] =	vst.msk $0xffff, v58;
	s17 =	smul.u32 $0x24A00, s17  }
0x15: {  	[tilespmem:s16+$0x1830 ss:$0x81] =	vst.msk $0xffff, v59;
	s14 =	sshrl.u32 s14, $0x11  }
0x16: {  	[tilespmem:s16+$0x2040 ss:$0x81] =	vst.msk $0xffff, v60;
	s14 =	sand.u32 $0xFF, s14;
	s13 =	ssub.s32 s13, s17  }
0x17: {  	[tilespmem:s16+$0x2850 ss:$0x81] =	vst.msk $0xffff, v61;
	s14 =	smul.u32 $0x4940, s14;
	s17 =	sshrl.u32 s13, $0x3;
	s13 =	sand.u32 $0x7, s13  }
0x18: {  	[tilespmem:s16+$0x3060 ss:$0x81] =	vst.msk $0xffff, v62;
	s17 =	sadd.s32 s7, s17;
	s13 =	sshll.u32 s13, $0x12  }
0x19: {  	[tilespmem:s16+$0x0 ss:$0x81] =	vst.msk $0xffff, v63;
	s14 =	sadd.s32 s14, s17;
	s13 =	sor.u32 $0x400, s13  }
0x1a: {  	[hbm4b:s14+s13] =	stream.strided.scatter [tilespmem:s15], [sflag:$0x2], $0x4000, s10, s13, $0x20;
	[tilespmem:$0x10100] =	vst v63  }
.LBB1_5:
0x1b: {  	s15 =	sadd.s32 $0x800, s11  }
0x1c: {  	p2 =	sgt.s32 s15, $0x249EF  }
0x1d: {  	s15 =	smov.u32 @p2 s3;
	p2 =	sne.s32 s12, s9  }
.Ltmp1:
0x1e: {  	p1 =	slt.u32 s12, $0x2;
	(pc) =	sbr.rel @!p2 .LBB1_6-.Ltmp1, $4  }
0x1f: {  	s14 =	simm.s32 @!p1 $0x2  }
0x20: {  	s16 =	sadd.s32 $0x1, s12;
	s13 =	smov.u32 s11;
	_ =	swait.ge @!p1 [sflag:s14], $0x4000  }
0x21: {  	p0 =	por !p0, !p0;
	s12 =	smov.u32 s16;
	[sflag:s14] =	ssyncset.done @!p1 $0x0  }
0x22: {  	s11 =	smov.u32 s15;
	[sflag:s14] =	ssyncadd.s32 @!p1 $0xFFFFC000;
	s14 =	smov.u32 s2  }
.LBB1_1:
0x23: {  	p1 =	sge.u32 s12, s6  }
0x24: {  	s15 =	sshll.u32 @!p1 s11, $0x8  }
0x25: {  	s16 =	sshll.u32 @!p1 s11, $0x7;
	s15 =	sand.u32 @!p1 $0xFFFFF800, s15  }
0x26: {  	s16 =	sand.u32 @!p1 $0x300, s16;
	s15 =	sor.u32 @!p1 s8, s15  }
0x27: {  	s15 =	sor.u32 @!p1 s16, s15  }
0x28: {  	s17 =	smov.u32 s11;
	p2 =	sgt.s32 @!p1 s11, $0x24970;
	s15 =	sshrl.u32 @!p1 s15, $0x8  }
0x29: {  	s18 =	sshra.s32 @!p1 s11, $0x1F;
	p2 =	por !p2, p1;
	s16 =	smulhi.u32 @!p1 $0x1BF6477, s15  }
0x2a: {  	s31 =	sadd.s32 $0xFFFFFFFF, s12;
	s18 =	sand.u32 @!p1 s18, s11;
	s17 =	simm.s32 @p2 $0x24970  }
0x2b: {  	s19 =	sxor.u32 @!p1 $0xFFFFFFFF, s12;
	s17 =	ssub.s32 @!p1 s17, s18;
	s16 =	sshrl.u32 @!p1 s16, $0xA  }
0x2c: {  	s18 =	sshll.u32 @!p1 s19, $0xE;
	s17 =	sadd.s32 @!p1 $0xFFFDB690, s17;
	s16 =	smul.u32 @!p1 $0x249F0, s16  }
0x2d: {  	s19 =	simm.s32 @!p1 $0x800;
	s18 =	sand.u32 @!p1 $0x4000, s18;
	p2 =	sgt.s32 @!p1 s17, $0x7F  }
0x2e: {  	s15 =	ssub.s32 @!p1 s15, s16;
	s16 =	sshll.u32 @!p1 s17, $0x7;
	s17 =	sshll.u32 @!p1 s11, $0x4  }
0x2f: {  	p2 =	por !p2, p1;
	s16 =	ssub.s32 @!p1 $0x4000, s16;
	s17 =	sand.u32 @!p1 $0x10, s17  }
0x30: {  	s15 =	sshll.u32 @!p1 s15, $0x5;
	s16 =	sand.u32 @!p1 $0x3FFFFF80, s16;
	s17 =	sadd.s32 @!p1 s4, s17  }
0x31: {  	s16 =	simm.s32 @!p2 $0x0;
	s15 =	sadd.s32 @!p1 s15, s17;
	s17 =	simm.s32 @!p1 $0x400  }
0x32: {  	[tilespmem:s18], [sflag:$0x1] =	stream.strided.gather @!p1 [hbm4b:s15+s17], s16, s19, s17, $0x38;
	[tilespmem:$0x10100] =	vst v63  }
0x33: {  	p1 =	sge.u32 s31, s6  }
.Ltmp2:
0x34: {  	_ = 	snop;
	(pc) =	sbr.rel @p1 .LBB1_5-.Ltmp2, $1  }
0x35: {  	_ =	sdelay $0x3  }
0x36: {  	p1 =	sgt.s32 s13, $0x24970;
	s15 =	smov.u32 s13;
	s16 =	sshra.s32 s13, $0x1F  }
0x37: {  	s15 =	simm.s32 @!p1 $0x24970;
	s16 =	sand.u32 s16, s13  }
0x38: {  	s15 =	ssub.s32 s15, s16  }
0x39: {  	s15 =	sadd.s32 $0xFFFDB690, s15  }
0x3a: {  	s29 =	sshll.u32 s15, $0x7  }
0x3b: {  	s16 =	ssub.s32 $0x4000, s29  }
0x3c: {  	p1 =	sgt.s32 s15, $0x7F;
	s15 =	sand.u32 $0x3FFFFF80, s16  }
0x3d: {  	s16 =	simm.s32 $0x1;
	s15 =	simm.s32 @p1 $0x0  }
0x3e: {  	s16 =	simm.s32 @!p0 $0x0;
	_ =	swait.ge [sflag:s5], s15  }
0x3f: {  	s17 =	sshll.u32 s16, $0xE;
	s15 =	ssub.s32 $0x0, s15;
	[sflag:s5] =	ssyncset.done $0x0  }
0x40: {  	s18 =	sor.u32 $0x40, s17;
	[sflag:s5] =	ssyncadd.s32 s15  }
0x41: {  	s30 =	smul.u32 $0x10200, s16;
	v0 =	vld [tilespmem:s18+$0x30]  }
0x42: {  	v1 =	vld [tilespmem:s18+$0xFFFFFFD0]  }
0x43: {  	s15 =	sshrl.u32 s30, $0x2;
	v5 =	vld [tilespmem:s18+$0xFFFFFFE0]  }
0x44: {  	s16 =	sor.u32 $0x8000, s15;
	v6 =	vld [tilespmem:s18+$0xFFFFFFF0]  }
0x45: {  	s31 =	sand.u32 $0x1, s12;
	v4 =	vld [tilespmem:s18+$0x0];
	s17 =	sadd.s32 $0x0, s16  }
0x46: {  	s15 =	smul.u32 $0x10200, s31;
	v3 =	vld [tilespmem:s18+$0x10];
	[tilespmem:s17+$0x3870 ss:$0x81] =	vst.msk $0xffff, v0  }
0x47: {  	v2 =	vld [tilespmem:s18+$0x20];
	[tilespmem:s17+$0x810 ss:$0x81] =	vst.msk $0xffff, v1  }
0x48: {  	s15 =	sshrl.u32 s15, $0x2;
	v0 =	vld [tilespmem:s18+$0xFFFFFFC0];
	[tilespmem:s17+$0x1020 ss:$0x81] =	vst.msk $0xffff, v5;
	s18 =	sadd.s32 $0x80, s18  }
0x49: {  	s19 =	simm.s32 $0x4;
	s20 =	simm.s32 $0x8;
	s15 =	sor.u32 $0x8000, s15;
	[tilespmem:s17+$0x1830 ss:$0x81] =	vst.msk $0xffff, v6;
	v1 =	vld [tilespmem:s18+$0x30]  }
.LBB1_3:
0x4a: {  	p1 =	sne.s32 s20, $0x1FC;
	v5 =	vld [tilespmem:s18+$0xFFFFFFD0];
	[tilespmem:s17+$0x2040 ss:$0x81] =	vst.msk $0xffff, v4  }
0x4b: {  	v6 =	vld [tilespmem:s18+$0xFFFFFFE0];
	[tilespmem:s17+$0x2850 ss:$0x81] =	vst.msk $0xffff, v3  }
0x4c: {  	s21 =	sshra.s32 s19, $0x2;
	s19 =	smov.u32 s20;
	v7 =	vld [tilespmem:s18+$0xFFFFFFF0];
	[tilespmem:s17+$0x3060 ss:$0x81] =	vst.msk $0xffff, v2  }
.Ltmp3:
0x4d: {  	v4 =	vld [tilespmem:s18+$0x0];
	[tilespmem:s17+$0x0 ss:$0x81] =	vst.msk $0xffff, v0;
	s17 =	sadd.s32 s21, s16;
	(pc) =	sbr.rel @p1 .LBB1_3-.Ltmp3, $4  }
0x4e: {  	v3 =	vld [tilespmem:s18+$0x10];
	[tilespmem:s17+$0x3870 ss:$0x81] =	vst.msk $0xffff, v1  }
0x4f: {  	[tilespmem:s17+$0x810 ss:$0x81] =	vst.msk $0xffff, v5;
	v2 =	vld [tilespmem:s18+$0x20]  }
0x50: {  	v0 =	vld [tilespmem:s18+$0xFFFFFFC0];
	[tilespmem:s17+$0x1020 ss:$0x81] =	vst.msk $0xffff, v6;
	s18 =	sadd.s32 $0x80, s18  }
0x51: {  	s20 =	sadd.s32 $0x4, s20;
	v1 =	vld [tilespmem:s18+$0x30];
	[tilespmem:s17+$0x1830 ss:$0x81] =	vst.msk $0xffff, v7  }
.Ltmp4:
0x52: {  	_ = 	snop;
	(pc) =	sbr.rel .LBB1_4-.Ltmp4, $1  }
0x53: {  	_ =	sdelay $0x3  }
.LBB1_6:
0x54: {  	_ =	sfence.sel $0x180000  }
0x55: {  	s2 =	simm.s32 $0x1;
	[bflag:$0x0] =	sbarrier.arrive $0xFFFF  }
0x56: {  	s31 =	simm.s32 $0x2;
	[sflag:s2] =	ssyncpa.u1 $0x1  }
0x57: {  	[sflag:s31] =	ssyncpa.u1 $0x1  }
0x58: {  	p0 =	sne.s32 s1, $0x0;
	_ =	strace $0x90000050  }
0x59: {  	s0 =	sadd.s32 @!p0 $0x100000, s0;
	[bflag:$0x2] =	sbarrier.arrive $0xFFFF  }
0x5a: {  	[sflag:s0] =	ssyncadd.tile.s32 @!p0 $0x1;
	_ =	shalt  }
.Lfunc_end1:
_tile_overlayer_lowered:
.L_overlay_start_2:
0x5b: {  	(tag) =	ssettag $0x2  }
0x5c: {  	s0 =	rddreg [dreg:$0x0];
	s2 =	stileid.u32  }
0x5d: {  	s1 =	rddreg [dreg:$0x1];
	p0 =	sne.s32 s2, $0x0  }
0x5e: {  	s3 =	rddreg [dreg:$0x2];
	[bflag:$0x3] =	sbarrier.arrive $0xFFFF;
	s2 =	simm.s32 @!p0 $0x1C01  }
0x5f: {  	[timem:s3], [sflag:s2] =	dma.local @!p0 [hbm:s0], s1  }
0x60: {  	s0 =	simm.s32 @!p0 $0x1  }
0x61: {  	_ =	swait.ge @!p0 [sflag:s0], s1  }
0x62: {  	s1 =	ssub.s32 @!p0 $0x0, s1;
	[sflag:s0] =	ssyncset.done @!p0 $0x0  }
0x63: {  	[sflag:s0] =	ssyncadd.s32 @!p0 s1  }
0x64: {  	[bflag:$0x3] =	sbarrier.arrive $0xFFFF  }
0x65: {  	_ =	shalt  }

// kernel: sparse-core-data-format-call.cloned.1.call-start
scs
called_computation.3_lowered:
.L_overlay_start_0:
0x0: {  	s1 =	sld [smem:$0x3FD9]  }
0x1: {  	s2 =	sld [smem:$0x3FFE];
	_ =	sdelay $0x1  }
0x2: {  	s3 =	srdreg.scid  }
0x3: {  	s0 =	sand.u32 $0x1, s3  }
0x4: {  	s17 =	sshll.u32 s0, $0xA;
	s1 =	sadd.s32 s2, s1  }
0x5: {  	s1 =	sadd.s32 s1, s17  }
0x6: {  	[smem:$0x3F9C] =	sst s1  }
0x7: {  	_ = 	snop  }
0x8: {  	(tm) =	ssettm $0x1  }
0x9: {  	s18 =	sld [smem:$0x3FFB];
	_ =	sdelay $0x3  }
0xa: {  	_ =	strace s18  }
0xb: {  	s1 =	sld [smem:$0x3FFC];
	_ =	sdelay $0x3  }
0xc: {  	_ =	strace s1  }
0xd: {  	s1 =	sld [smem:$0x3FFD];
	_ =	sdelay $0x3  }
0xe: {  	_ =	strace s1  }
0xf: {  	_ =	strace $0x8FFFFFFF  }
0x10: {  	s19 =	sld [smem:$0x3FDB];
	_ =	sdelay $0x1  }
0x11: {  	s20 =	simm.s32 $_scs_section_size  }
0x12: {  	s4 =	simm.s32 $_size__tile_overlayer_lowered;
	s5 =	simm.s32 $_tile_overlayer_lowered  }
0x13: {  	s23 =	simm.s32 $0x1BFF;
	s22 =	sshll.u32 s5, $0x1;
	s1 =	sadd.s32 s20, s19  }
0x14: {  	s6 =	simm.s32 $0x0;
	s21 =	sshll.u32 s4, $0x1;
	s4 =	sadd.s32 s22, s1  }
0x15: {  	[timem:s6], [sflag:s23] =	dma.local [hbm:s4], s21  }
0x16: {  	_ =	swait.ge [sflag:s23], s21  }
0x17: {  	s2 =	ssub.s32 $0x0, s21;
	[sflag:s23] =	ssyncset.done $0x0  }
0x18: {  	[sflag:s23] =	ssyncadd.s32 s2;
	_ =	sdelay $0x1  }
0x19: {  	s24 =	simm.s32 $0x1B8B  }
0x1a: {  	_ =	swait.ge [sflag:s24], $0x1  }
0x1b: {  	[sflag:s24] =	ssyncset.done $0x0  }
0x1c: {  	s26 =	simm.s32 $0x1B8E;
	s25 =	sld [smem:$0x3FFE];
	[sflag:s24] =	ssyncadd.s32 $0xFFFFFFFF  }
0x1d: {  	s27 =	simm.s32 $execute0_lowered;
	[smem:$0x3FD2] =	sst s26  }
0x1e: {  	s4 =	sshll.u32 s27, $0x1;
	_ =	strace $0x80000067;
	[dreg:$0x1] =	wrdreg $0xFFFFFFFF  }
0x1f: {  	s28 =	simm.s32 $_size_execute0_lowered;
	s1 =	sadd.s32 s1, s4;
	[dreg:$0x0] =	wrdreg $0x0  }
0x20: {  	s4 =	sshll.u32 s28, $0x1;
	[dreg:$0x2] =	wrdreg s1  }
0x21: {  	[dreg:$0x3] =	wrdreg s4  }
0x22: {  	[dreg:$0x4] =	wrdreg $0xC0  }
0x23: {  	_ =	task [dreg:s6], $0x5FFFF  }
0x24: {  	[dreg:$0x1] =	wrdreg $0xFFFFFFFF  }
0x25: {  	[dreg:$0x0] =	wrdreg $0x60  }
0x26: {  	[dreg:$0x2] =	wrdreg s25  }
0x27: {  	[dreg:$0x3] =	wrdreg $0xA  }
0x28: {  	_ =	task.clear_ibuf [dreg:s6], $0x4FFFF;
	_ =	strace $0x90000067  }
0x29: {  	s29 =	simm.s32 $0xA;
	_ =	strace $0x80000069  }
0x2a: {  	_ =	swait.ge [sflag:s29], $0x1  }
0x2b: {  	[sflag:s29] =	ssyncadd.s32 $0xFFFFFFFF  }
0x2c: {  	_ =	strace $0x90000069  }
0x2d: {  	_ =	sfence  }
0x2e: {  	s30 =	sld [smem:$0x0];
	_ =	sdelay $0x2  }
0x2f: {  	s31 =	sshll.u32 s3, $0xD;
	s3 =	sshrl.u32 s3, $0x2  }
0x30: {  	s2 =	sand.u32 $0x4000, s31;
	s1 =	sadd.s32 s3, s30  }
0x31: {  	s0 =	sor.u32 s2, s0;
	s1 =	sshll.u32 s1, $0x11  }
0x32: {  	s0 =	sor.u32 s1, s0  }
0x33: {  	s0 =	sadd.s32 $0x8F2B, s0  }
0x34: {  	[sflag:s0] =	ssyncadd.remote.s32 $0x1  }
0x35: {  	_ =	sfence.sel $0xFFFF  }
0x36: {  	[dreg:$0x0] =	wrdreg $0xFFFFFFFF;
	(pc) =	sbr.abs _section_cstart, $3  }
0x37: {  	[dreg:$0x1] =	wrdreg $0xFFFFFFFF  }
0x38: {  	_ =	task.clear_ibuf [dreg:s6], $0x2FFFF;
	_ =	strace $0x9FFFFFFF  }
0x39: {  	(tm) =	ssettm $0x7FFFFFFF  }
tec
execute0_lowered:
.L_overlay_start_1:
0x0: {  	(tag) =	ssettag $0x1  }
0x1: {  	s0 =	srdreg.scid;
	s3 =	rddreg [dreg:$0x0]  }
0x2: {  	s5 =	simm.s32 $0x1;
	s6 =	simm.s32 $0x2;
	s1 =	sshll.u32 s0, $0x4  }
0x3: {  	s12 =	simm.s32 $0x0;
	s0 =	stileid.u32;
	s1 =	sand.u32 $0x10, s1  }
0x4: {  	p0 =	por $0x0, $0x0;
	s9 =	simm.s32 $0x61C00;
	s1 =	sor.u32 s0, s1  }
0x5: {  	s13 =	simm.s32 $0x0;
	s31 =	sshll.u32 s0, $0x7;
	s2 =	sshrl.u32 s1, $0x3  }
.Ltmp0:
0x6: {  	s1 =	rddreg [dreg:$0x1];
	s4 =	sshll.u32 s2, $0x4;
	(pc) =	sbr.rel .LBB1_1-.Ltmp0, $4  }
0x7: {  	_ =	strace $0x80000068;
	s7 =	sadd.s32 s4, s3;
	s4 =	sand.u32 $0x380, s31  }
0x8: {  	s11 =	simm.s32 $0x0;
	[sflag:s5] =	ssyncpa.u1 $0x0;
	s8 =	ssub.s32 $0xC300, s4  }
0x9: {  	s3 =	sadd.s32 $0x26CE00, s3;
	[sflag:s6] =	ssyncpa.u1 $0x0;
	s6 =	sshrl.u32 s8, $0xA  }
0xa: {  	s7 =	sadd.s32 $0x62A600, s7;
	s10 =	smov.u32 s4;
	s8 =	sadd.s32 $0x2, s6  }
.LBB1_5:
0xb: {  	s14 =	sadd.s32 $0x400, s10  }
0xc: {  	p2 =	sgt.s32 s14, $0xC34F  }
0xd: {  	s14 =	smov.u32 @p2 s4;
	p2 =	sne.s32 s11, s8  }
.Ltmp1:
0xe: {  	p1 =	slt.u32 s11, $0x2;
	(pc) =	sbr.rel @!p2 .LBB1_6-.Ltmp1, $4  }
0xf: {  	s12 =	simm.s32 @!p1 $0x2  }
0x10: {  	s15 =	sadd.s32 $0x1, s11;
	s13 =	smov.u32 s10;
	_ =	swait.ge @!p1 [sflag:s12], $0x2000  }
0x11: {  	p0 =	por !p0, !p0;
	s11 =	smov.u32 s15;
	[sflag:s12] =	ssyncset.done @!p1 $0x0  }
0x12: {  	s10 =	smov.u32 s14;
	[sflag:s12] =	ssyncadd.s32 @!p1 $0xFFFFE000;
	s12 =	smov.u32 s2  }
.LBB1_1:
0x13: {  	p1 =	sgt.u32 s11, s6  }
0x14: {  	p2 =	sgt.s32 @!p1 s10, $0xC2D0  }
0x15: {  	s14 =	smov.u32 s10;
	s15 =	sshra.s32 @!p1 s10, $0x1F;
	p2 =	por !p2, p1  }
0x16: {  	s15 =	sand.u32 @!p1 s15, s10;
	s14 =	simm.s32 @p2 $0xC2D0  }
0x17: {  	s14 =	ssub.s32 @!p1 s14, s15  }
0x18: {  	s16 =	sxor.u32 @!p1 $0xFFFFFFFF, s11;
	s14 =	sadd.s32 @!p1 $0xFFFF3D30, s14  }
0x19: {  	s17 =	simm.s32 @!p1 $0x40;
	s18 =	simm.s32 @!p1 $0x200;
	s15 =	sshll.u32 @!p1 s14, $0x6  }
0x1a: {  	p2 =	sgt.s32 @!p1 s14, $0x7F;
	s14 =	ssub.s32 @!p1 $0x2000, s15;
	s15 =	sshll.u32 @!p1 s16, $0xD  }
0x1b: {  	p2 =	por !p2, p1;
	s16 =	sshll.u32 @!p1 s10, $0x6;
	s14 =	sand.u32 @!p1 $0x3FFFFFC0, s14  }
0x1c: {  	s15 =	sand.u32 @!p1 $0x2000, s15;
	s16 =	sadd.s32 @!p1 s16, s7;
	s14 =	simm.s32 @!p2 $0x0  }
0x1d: {  	[tilespmem:s15], [sflag:$0x1] =	stream.strided.gather @!p1 [hbm4b:s16+s17], s14, s18, s17, $0x38;
	[tilespmem:$0x8080] =	vst v63  }
0x1e: {  	p1 =	seq.s32 s11, $0x0  }
0x1f: {  	p2 =	sge.u32 @!p1 s11, s8  }
0x20: {  	p1 =	por p1, p2  }
.Ltmp2:
0x21: {  	_ = 	snop;
	(pc) =	sbr.rel @p1 .LBB1_5-.Ltmp2, $1  }
0x22: {  	_ =	sdelay $0x3  }
0x23: {  	p1 =	sgt.s32 s13, $0xC2D0;
	s14 =	smov.u32 s13;
	s15 =	sshra.s32 s13, $0x1F  }
0x24: {  	s14 =	simm.s32 @!p1 $0xC2D0;
	s15 =	sand.u32 s15, s13  }
0x25: {  	s14 =	ssub.s32 s14, s15  }
0x26: {  	s14 =	sadd.s32 $0xFFFF3D30, s14  }
0x27: {  	s28 =	sshll.u32 s14, $0x6  }
0x28: {  	s15 =	ssub.s32 $0x2000, s28  }
0x29: {  	p1 =	sgt.s32 s14, $0x7F;
	s14 =	sand.u32 $0x3FFFFFC0, s15  }
0x2a: {  	s15 =	simm.s32 $0x1;
	s14 =	simm.s32 @p1 $0x0  }
0x2b: {  	s15 =	simm.s32 @!p0 $0x0;
	_ =	swait.ge [sflag:s5], s14  }
0x2c: {  	s16 =	sshll.u32 s15, $0xD;
	s14 =	ssub.s32 $0x0, s14;
	[sflag:s5] =	ssyncset.done $0x0  }
0x2d: {  	s18 =	sor.u32 $0x20, s16;
	[sflag:s5] =	ssyncadd.s32 s14  }
0x2e: {  	s29 =	smul.u32 $0x8100, s15;
	v3 =	vld [tilespmem:s18+$0x10]  }
0x2f: {  	s30 =	sand.u32 $0x1, s11;
	v2 =	vld [tilespmem:s18+$0xFFFFFFF0]  }
0x30: {  	s15 =	smul.u32 $0x8100, s30;
	s14 =	sshrl.u32 s29, $0x2;
	v0 =	vld [tilespmem:s18+$0x0]  }
0x31: {  	s16 =	sor.u32 $0x4000, s14;
	v1 =	vld [tilespmem:s18+$0xFFFFFFE0]  }
0x32: {  	s31 =	sshrl.u32 s15, $0x2;
	s15 =	sadd.s32 $0x0, s16  }
0x33: {  	s17 =	simm.s32 $0x4;
	s14 =	sor.u32 $0x4000, s31;
	s18 =	sadd.s32 $0x40, s18;
	[tilespmem:s15+$0x1830 ss:$0x81] =	vst.msk $0xffff, v3  }
.LBB1_3:
0x34: {  	v3 =	vld [tilespmem:s18+$0x10];
	p1 =	sne.s32 s17, $0x1FC;
	[tilespmem:s15+$0x810 ss:$0x81] =	vst.msk $0xffff, v2;
	s19 =	smov.u32 s17;
	s17 =	sadd.s32 $0x4, s17  }
.Ltmp3:
0x35: {  	v2 =	vld [tilespmem:s18+$0xFFFFFFF0];
	[tilespmem:s15+$0x1020 ss:$0x81] =	vst.msk $0xffff, v0;
	(pc) =	sbr.rel @p1 .LBB1_3-.Ltmp3, $4  }
0x36: {  	v0 =	vld [tilespmem:s18+$0x0];
	[tilespmem:s15+$0x0 ss:$0x81] =	vst.msk $0xffff, v1  }
0x37: {  	s15 =	sshra.s32 s19, $0x2;
	v1 =	vld [tilespmem:s18+$0xFFFFFFE0]  }
0x38: {  	s15 =	sadd.s32 s15, s16  }
0x39: {  	s18 =	sadd.s32 $0x40, s18;
	[tilespmem:s15+$0x1830 ss:$0x81] =	vst.msk $0xffff, v3  }
0x3a: {  	s16 =	sshll.u32 s13, $0x3  }
0x3b: {  	s29 =	sand.u32 $0x7F, s13;
	s16 =	sand.u32 $0xFFFFFC00, s16  }
0x3c: {  	s13 =	sor.u32 s29, s16;
	s16 =	smulhi.u32 $0xA79C7B17, s16  }
0x3d: {  	s17 =	smulhi.u32 $0xA79C7B17, s13;
	_ =	sdelay $0x1  }
0x3e: {  	s12 =	smul.u32 $0x61C00, s12;
	s16 =	sshrl.u32 s16, $0xF;
	s17 =	sshrl.u32 s17, $0xF  }
0x3f: {  	s16 =	sand.u32 $0x3F, s16;
	s17 =	smul.u32 $0xC380, s17  }
0x40: {  	s16 =	smul.u32 $0x1870, s16  }
.Ltmp4:
0x41: {  	s13 =	ssub.s32 s13, s17;
	(pc) =	sbr.rel .LBB1_5-.Ltmp4, $4  }
0x42: {  	[tilespmem:s15+$0x810 ss:$0x81] =	vst.msk $0xffff, v2;
	s12 =	sadd.s32 s3, s12;
	s17 =	sand.u32 $0x7, s13  }
0x43: {  	[tilespmem:s15+$0x1020 ss:$0x81] =	vst.msk $0xffff, v0;
	s12 =	sadd.s32 s16, s12;
	s13 =	sshrl.u32 s13, $0x3;
	s30 =	sshll.u32 s17, $0x12  }
0x44: {  	[tilespmem:s15+$0x0 ss:$0x81] =	vst.msk $0xffff, v1;
	s12 =	sadd.s32 s13, s12;
	s31 =	sor.u32 $0x400, s30  }
0x45: {  	[hbm4b:s12+s31] =	stream.strided.scatter [tilespmem:s14], [sflag:$0x2], $0x2000, s9, s31, $0x20;
	[tilespmem:$0x8080] =	vst v63  }
.LBB1_6:
0x46: {  	_ =	sfence.sel $0x180000  }
0x47: {  	s2 =	simm.s32 $0x1;
	[bflag:$0x0] =	sbarrier.arrive $0xFFFF  }
0x48: {  	s31 =	simm.s32 $0x2;
	[sflag:s2] =	ssyncpa.u1 $0x1  }
0x49: {  	[sflag:s31] =	ssyncpa.u1 $0x1  }
0x4a: {  	p0 =	sne.s32 s0, $0x0;
	_ =	strace $0x90000068  }
0x4b: {  	s0 =	sadd.s32 @!p0 $0x100000, s1;
	[bflag:$0x2] =	sbarrier.arrive $0xFFFF  }
0x4c: {  	[sflag:s0] =	ssyncadd.tile.s32 @!p0 $0x1;
	_ =	shalt  }
.Lfunc_end1:
_tile_overlayer_lowered:
.L_overlay_start_2:
0x4d: {  	(tag) =	ssettag $0x2  }
0x4e: {  	s0 =	rddreg [dreg:$0x0];
	s2 =	stileid.u32  }
0x4f: {  	s1 =	rddreg [dreg:$0x1];
	p0 =	sne.s32 s2, $0x0  }
0x50: {  	s3 =	rddreg [dreg:$0x2];
	[bflag:$0x3] =	sbarrier.arrive $0xFFFF;
	s2 =	simm.s32 @!p0 $0x1C01  }
0x51: {  	[timem:s3], [sflag:s2] =	dma.local @!p0 [hbm:s0], s1  }
0x52: {  	s0 =	simm.s32 @!p0 $0x1  }
0x53: {  	_ =	swait.ge @!p0 [sflag:s0], s1  }
0x54: {  	s1 =	ssub.s32 @!p0 $0x0, s1;
	[sflag:s0] =	ssyncset.done @!p0 $0x0  }
0x55: {  	[sflag:s0] =	ssyncadd.s32 @!p0 s1  }
0x56: {  	[bflag:$0x3] =	sbarrier.arrive $0xFFFF  }
0x57: {  	_ =	shalt  }

</sc_bundles>
